<compile_context>
chip_gen: v7x
topology: tpu7x:2x2x1
jax: 0.10.2.dev20260603
libtpu: 0.0.44.dev20260713+nightly
codegen_flags: <defaults>
</compile_context>

<pallas_src>
import functools

import jax
import jax.numpy as jnp
from jax import lax
from jax.experimental import pallas as pl
from jax.experimental.pallas import tpu as pltpu
from jax.experimental.pallas import tpu_sc as plsc

EMBED_DIM = 64
SEQ = 50
LANES = 128


@functools.cache
def _build(T: int, V: int):
    info = plsc.get_sparse_core_info()
    nw = info.num_cores * info.num_subcores
    assert T == nw * LANES
    n_planes = SEQ

    mesh = plsc.VectorSubcoreMesh(core_axis_name="c", subcore_axis_name="s")

    @functools.partial(
        pl.kernel,
        mesh=mesh,
        compiler_params=pltpu.CompilerParams(
            use_tc_tiling_on_sc=False, needs_layout_passes=False),
        out_type=jax.ShapeDtypeStruct(
            (SEQ, EMBED_DIM // 8, nw, 8, LANES), jnp.float32),
        scratch_types=[
            pltpu.VMEM((1, n_planes, LANES), jnp.int32),
            pltpu.VMEM((LANES, EMBED_DIM), jnp.float32),
            pltpu.VMEM((LANES, EMBED_DIM), jnp.float32),
            pltpu.VMEM((EMBED_DIM // 8, 8, LANES), jnp.float32),
            pltpu.VMEM((EMBED_DIM // 8, 8, LANES), jnp.float32),
        ]
        + [pltpu.SemaphoreType.DMA] * 4,
    )
    def gather_kernel(table_hbm, idx_hbm, out_hbm, idx_v, g0, g1, t0, t1,
                      gs0, gs1, ws0, ws1):
        gbufs = (g0, g1)
        tbufs = (t0, t1)
        gsems = (gs0, gs1)
        wsems = (ws0, ws1)
        wid = lax.axis_index("s") * info.num_cores + lax.axis_index("c")
        pltpu.sync_copy(idx_hbm.at[pl.ds(wid, 1)], idx_v)
        idx_rows = idx_v.at[0]

        def start_gather(j, b):
            pltpu.async_copy(
                table_hbm.at[idx_rows.at[j]], gbufs[b], gsems[b])

        def transpose_plane(b):
            gbuf, tbuf = gbufs[b], tbufs[b]
            iota = lax.iota(jnp.int32, 16)
            for k in range(16):
                rot = lax.bitwise_and(iota + k, 15)

                @plsc.parallel_loop(0, 32, unroll=4)
                def _(bl):
                    l0 = (bl % 8) * 16
                    c0 = (bl // 8) * 16
                    row = l0 + iota
                    d = c0 + rot
                    v = plsc.load_gather(gbuf, [row, d])
                    plsc.store_scatter(
                        tbuf,
                        [lax.shift_right_logical(d, 3),
                         lax.bitwise_and(d, 7), row],
                        v)

        start_gather(0, 0)
        start_gather(1, 1)

        def step(t, _):
            for b in range(2):
                j = t * 2 + b
                pltpu.make_async_copy(
                    table_hbm.at[idx_rows.at[j]], gbufs[b], gsems[b]).wait()
                @pl.when(j >= 2)
                def _():
                    pltpu.make_async_copy(
                        tbufs[b], out_hbm.at[j - 2, :, wid], wsems[b]).wait()

                transpose_plane(b)
                pltpu.async_copy(tbufs[b], out_hbm.at[j, :, wid], wsems[b])

                @pl.when(j + 2 < n_planes)
                def _():
                    start_gather(j + 2, b)
            return 0

        lax.fori_loop(0, n_planes // 2, step, 0)

        for j in (n_planes - 2, n_planes - 1):
            b = j % 2
            pltpu.make_async_copy(
                tbufs[b], out_hbm.at[j, :, wid], wsems[b]).wait()

    return gather_kernel


def kernel(token_ids, emb_matrix):
    T, S = token_ids.shape
    nw = 32
    idx3d = jnp.transpose(
        token_ids.astype(jnp.int32).T.reshape(S, nw, LANES), (1, 0, 2))
    x5 = _build(T, emb_matrix.shape[0])(emb_matrix, idx3d)
    return jnp.transpose(x5, (2, 4, 0, 1, 3)).reshape(T, S, EMBED_DIM)

# --- scband reference (transcript-rebuilt; emitter-appended) ---
"""Pipeline reference for scband-embedding-8632884265135 (READ-ONLY COPY).

The authoritative reference and input builder live on the scoring server;
editing this copy changes nothing except your own understanding.
"""

import jax, jax.numpy as jnp
import numpy as np

NUM_EMBEDDINGS = 100000
EMBEDDING_DIM = 64


def _trunc_normal(key, shape, lower=-2.0, upper=2.0):
    # approximates torch.nn.init.trunc_normal_(std=1, a=-2, b=2)
    return jax.random.truncated_normal(key, lower, upper, shape, dtype=jnp.float32)


def setup_inputs(seed: int = 0) -> dict:
    key = jax.random.key(seed)
    k_ids, k_w = jax.random.split(key)
    token_ids = jax.random.randint(k_ids, (4096, 50), 0, NUM_EMBEDDINGS, dtype=jnp.int64 if jax.config.jax_enable_x64 else jnp.int32)
    emb_matrix = _trunc_normal(k_w, (NUM_EMBEDDINGS, EMBEDDING_DIM))
    return {"token_ids": token_ids, "emb_matrix": emb_matrix}


def reference(token_ids, emb_matrix):
    # Faithful translation of: self.emb_matrix[token_ids]
    return jnp.take(emb_matrix, token_ids, axis=0)

if __name__ == "__main__":
    import jax
    _d = setup_inputs()
    print(jax.jit(kernel)(*tuple(_d.values())))

</pallas_src>

<mosaic_0001>
#map = affine_map<(d0, d1) -> (0, 0)>
#map1 = affine_map<(d0, d1) -> (0, 0, 0)>
#map2 = affine_map<(d0, d1) -> (0, 0, 0, 0, 0)>
module attributes {stable_mosaic.version = 14 : i64} {
  func.func @gather_kernel(%arg0: i32, %arg1: i32, %arg2: memref<100000x64xf32, #tpu.memory_space<hbm>>, %arg3: memref<32x50x128xi32, #tpu.memory_space<hbm>>, %arg4: memref<50x8x32x8x128xf32, #tpu.memory_space<hbm>>, %arg5: memref<1x50x128xi32, #tpu.memory_space<vmem>>, %arg6: memref<128x64xf32, #tpu.memory_space<vmem>>, %arg7: memref<128x64xf32, #tpu.memory_space<vmem>>, %arg8: memref<8x8x128xf32, #tpu.memory_space<vmem>>, %arg9: memref<8x8x128xf32, #tpu.memory_space<vmem>>, %arg10: memref<!tpu.dma_semaphore, #tpu.memory_space<semaphore_mem>>, %arg11: memref<!tpu.dma_semaphore, #tpu.memory_space<semaphore_mem>>, %arg12: memref<!tpu.dma_semaphore, #tpu.memory_space<semaphore_mem>>, %arg13: memref<!tpu.dma_semaphore, #tpu.memory_space<semaphore_mem>>) attributes {dimension_semantics = [#tpu.dimension_semantics<core_parallel>, #tpu.dimension_semantics<subcore_parallel>], iteration_bounds = array<i64: 2, 16>, scalar_prefetch = 0 : i64, scratch_operands = 9 : i64, tpu.core_type = #tpu.core_type<sc_vector_subcore>, window_params = [{transform_indices = #map}, {transform_indices = #map1}, {transform_indices = #map2}]} {
    %mul3A = arith.constant 2 : i32
    %mul3A_0 = arith.muli %arg1, %mul3A : i32
    %add3A = arith.addi %mul3A_0, %arg0 : i32
    "tpu.region"() ({
      %run_scoped3A = tpu.sem_alloc : memref<!tpu.dma_semaphore, #tpu.memory_space<semaphore_mem>>
      %dma_start3A_52 = arith.constant 0 : i32
      %dma_start3A_53 = arith.constant 0 : i32
      %dma_start3A_54 = tpu.memref_slice %arg3[%add3A, %dma_start3A_52, %dma_start3A_53] : memref<32x50x128xi32, #tpu.memory_space<hbm>> -> memref<1x50x128xi32, #tpu.memory_space<hbm>>
      %dma_start3A_55 = arith.constant 0 : i32
      %dma_start3A_56 = arith.constant 0 : i32
      %dma_start3A_57 = tpu.memref_slice %arg3[%add3A, %dma_start3A_55, %dma_start3A_56] : memref<32x50x128xi32, #tpu.memory_space<hbm>> -> memref<1x50x128xi32, #tpu.memory_space<hbm>>
      tpu.enqueue_dma source(%dma_start3A_57 : memref<1x50x128xi32, #tpu.memory_space<hbm>>) target(%arg5 : memref<1x50x128xi32, #tpu.memory_space<vmem>>) target_semaphore(%run_scoped3A : memref<!tpu.dma_semaphore, #tpu.memory_space<semaphore_mem>>)
      %dma_wait3A_58 = arith.constant 0 : i32
      %dma_wait3A_59 = arith.constant 0 : i32
      %dma_wait3A_60 = tpu.memref_slice %arg3[%add3A, %dma_wait3A_58, %dma_wait3A_59] : memref<32x50x128xi32, #tpu.memory_space<hbm>> -> memref<1x50x128xi32, #tpu.memory_space<hbm>>
      %dma_wait3A_61 = arith.constant 0 : i32
      %dma_wait3A_62 = arith.constant 0 : i32
      %dma_wait3A_63 = tpu.memref_slice %arg3[%add3A, %dma_wait3A_61, %dma_wait3A_62] : memref<32x50x128xi32, #tpu.memory_space<hbm>> -> memref<1x50x128xi32, #tpu.memory_space<hbm>>
      tpu.wait_dma2 semaphore(%run_scoped3A : memref<!tpu.dma_semaphore, #tpu.memory_space<semaphore_mem>>) src(%dma_wait3A_63 : memref<1x50x128xi32, #tpu.memory_space<hbm>>) dst(%arg5 : memref<1x50x128xi32, #tpu.memory_space<vmem>>)
      tpu.yield
    }) : () -> ()
    %dma_start3A = arith.constant 0 : i32
    %dma_start3A_1 = arith.constant 0 : i32
    %dma_start3A_2 = arith.constant 0 : i32
    %dma_start3A_3 = arith.constant 0 : i32
    %dma_start3A_4 = tpu.memref_slice %arg5[%dma_start3A, %dma_start3A_2, %dma_start3A_3] : memref<1x50x128xi32, #tpu.memory_space<vmem>> -> memref<1x50x128xi32, #tpu.memory_space<vmem>>
    %dma_start3A_5 = tpu.memref_squeeze %dma_start3A_4 : memref<1x50x128xi32, #tpu.memory_space<vmem>> -> memref<50x128xi32, #tpu.memory_space<vmem>>
    %dma_start3A_6 = arith.constant 0 : i32
    %dma_start3A_7 = tpu.memref_slice %dma_start3A_5[%dma_start3A_1, %dma_start3A_6] : memref<50x128xi32, #tpu.memory_space<vmem>> -> memref<1x128xi32, #tpu.memory_space<vmem>>
    %dma_start3A_8 = tpu.memref_squeeze %dma_start3A_7 : memref<1x128xi32, #tpu.memory_space<vmem>> -> memref<128xi32, #tpu.memory_space<vmem>>
    %dma_start3A_9 = arith.constant 0 : i32
    %dma_start3A_10 = arith.constant 0 : i32
    %dma_start3A_11 = tpu.memref_slice %arg2[%dma_start3A_9, %dma_start3A_10] : memref<100000x64xf32, #tpu.memory_space<hbm>> -> memref<100000x64xf32, #tpu.memory_space<hbm>>
    tpu.enqueue_indirect_dma source(%dma_start3A_11 : memref<100000x64xf32, #tpu.memory_space<hbm>>) target(%arg6 : memref<128x64xf32, #tpu.memory_space<vmem>>) offsets(%dma_start3A_8 : memref<128xi32, #tpu.memory_space<vmem>>) semaphore(%arg10 : memref<!tpu.dma_semaphore, #tpu.memory_space<semaphore_mem>>)
    %dma_start3A_12 = arith.constant 0 : i32
    %dma_start3A_13 = arith.constant 1 : i32
    %dma_start3A_14 = arith.constant 0 : i32
    %dma_start3A_15 = arith.constant 0 : i32
    %dma_start3A_16 = tpu.memref_slice %arg5[%dma_start3A_12, %dma_start3A_14, %dma_start3A_15] : memref<1x50x128xi32, #tpu.memory_space<vmem>> -> memref<1x50x128xi32, #tpu.memory_space<vmem>>
    %dma_start3A_17 = tpu.memref_squeeze %dma_start3A_16 : memref<1x50x128xi32, #tpu.memory_space<vmem>> -> memref<50x128xi32, #tpu.memory_space<vmem>>
    %dma_start3A_18 = arith.constant 0 : i32
    %dma_start3A_19 = tpu.memref_slice %dma_start3A_17[%dma_start3A_13, %dma_start3A_18] : memref<50x128xi32, #tpu.memory_space<vmem>> -> memref<1x128xi32, #tpu.memory_space<vmem>>
    %dma_start3A_20 = tpu.memref_squeeze %dma_start3A_19 : memref<1x128xi32, #tpu.memory_space<vmem>> -> memref<128xi32, #tpu.memory_space<vmem>>
    %dma_start3A_21 = arith.constant 0 : i32
    %dma_start3A_22 = arith.constant 0 : i32
    %dma_start3A_23 = tpu.memref_slice %arg2[%dma_start3A_21, %dma_start3A_22] : memref<100000x64xf32, #tpu.memory_space<hbm>> -> memref<100000x64xf32, #tpu.memory_space<hbm>>
    tpu.enqueue_indirect_dma source(%dma_start3A_23 : memref<100000x64xf32, #tpu.memory_space<hbm>>) target(%arg7 : memref<128x64xf32, #tpu.memory_space<vmem>>) offsets(%dma_start3A_20 : memref<128xi32, #tpu.memory_space<vmem>>) semaphore(%arg11 : memref<!tpu.dma_semaphore, #tpu.memory_space<semaphore_mem>>)
    %scan3A = arith.constant 0 : i32
    %scan3A_24 = arith.constant 0 : i32
    %scan3A_25 = arith.constant 0 : i32
    %scan3A_26 = arith.constant 25 : i32
    %scan3A_27 = arith.addi %scan3A_25, %scan3A_26 : i32
    %scan3A_28 = arith.constant 1 : i32
    %scan3A_29 = scf.for %scan3A_52 = %scan3A_25 to %scan3A_27 step %scan3A_28 iter_args(%scan3A_53 = %scan3A_24) -> (i32)  : i32 {
      %mul3A_54 = arith.constant 2 : i32
      %mul3A_55 = arith.muli %scan3A_52, %mul3A_54 : i32
      %add3A_56 = arith.constant 0 : i32
      %add3A_57 = arith.addi %mul3A_55, %add3A_56 : i32
      %dma_wait3A_58 = arith.constant 0 : i32
      %dma_wait3A_59 = arith.constant 0 : i32
      %dma_wait3A_60 = tpu.memref_slice %arg5[%scan3A, %dma_wait3A_58, %dma_wait3A_59] : memref<1x50x128xi32, #tpu.memory_space<vmem>> -> memref<1x50x128xi32, #tpu.memory_space<vmem>>
      %dma_wait3A_61 = tpu.memref_squeeze %dma_wait3A_60 : memref<1x50x128xi32, #tpu.memory_space<vmem>> -> memref<50x128xi32, #tpu.memory_space<vmem>>
      %dma_wait3A_62 = arith.constant 0 : i32
      %dma_wait3A_63 = tpu.memref_slice %dma_wait3A_61[%add3A_57, %dma_wait3A_62] : memref<50x128xi32, #tpu.memory_space<vmem>> -> memref<1x128xi32, #tpu.memory_space<vmem>>
      %dma_wait3A_64 = tpu.memref_squeeze %dma_wait3A_63 : memref<1x128xi32, #tpu.memory_space<vmem>> -> memref<128xi32, #tpu.memory_space<vmem>>
      %dma_wait3A_65 = arith.constant 0 : i32
      %dma_wait3A_66 = arith.constant 0 : i32
      %dma_wait3A_67 = tpu.memref_slice %arg2[%dma_wait3A_65, %dma_wait3A_66] : memref<100000x64xf32, #tpu.memory_space<hbm>> -> memref<100000x64xf32, #tpu.memory_space<hbm>>
      tpu.wait_indirect_dma semaphore(%arg10 : memref<!tpu.dma_semaphore, #tpu.memory_space<semaphore_mem>>) src(%dma_wait3A_67 : memref<100000x64xf32, #tpu.memory_space<hbm>>) dst(%arg6 : memref<128x64xf32, #tpu.memory_space<vmem>>)
      %ge3A = arith.constant 2 : i32
      %ge3A_68 = arith.cmpi sge, %add3A_57, %ge3A : i32
      %convert_element_type3A = arith.extui %ge3A_68 : i1 to i32
      %cond3A = arith.constant 0 : i32
      %cond3A_69 = arith.cmpi ne, %convert_element_type3A, %cond3A : i32
      scf.if %cond3A_69 {
        %sub3A = arith.constant 2 : i32
        %sub3A_410 = arith.subi %add3A_57, %sub3A : i32
        %dma_wait3A_411 = arith.constant 0 : i32
        %dma_wait3A_412 = arith.constant 0 : i32
        %dma_wait3A_413 = arith.constant 0 : i32
        %dma_wait3A_414 = tpu.memref_slice %arg4[%sub3A_410, %dma_wait3A_411, %add3A, %dma_wait3A_412, %dma_wait3A_413] : memref<50x8x32x8x128xf32, #tpu.memory_space<hbm>> -> memref<1x8x1x8x128xf32, #tpu.memory_space<hbm>>
        %dma_wait3A_415 = tpu.memref_squeeze %dma_wait3A_414 : memref<1x8x1x8x128xf32, #tpu.memory_space<hbm>> -> memref<8x8x128xf32, #tpu.memory_space<hbm>>
        %dma_wait3A_416 = arith.constant 0 : i32
        %dma_wait3A_417 = arith.constant 0 : i32
        %dma_wait3A_418 = arith.constant 0 : i32
        %dma_wait3A_419 = tpu.memref_slice %arg4[%sub3A_410, %dma_wait3A_416, %add3A, %dma_wait3A_417, %dma_wait3A_418] : memref<50x8x32x8x128xf32, #tpu.memory_space<hbm>> -> memref<1x8x1x8x128xf32, #tpu.memory_space<hbm>>
        %dma_wait3A_420 = tpu.memref_squeeze %dma_wait3A_419 : memref<1x8x1x8x128xf32, #tpu.memory_space<hbm>> -> memref<8x8x128xf32, #tpu.memory_space<hbm>>
        tpu.wait_dma2 semaphore(%arg12 : memref<!tpu.dma_semaphore, #tpu.memory_space<semaphore_mem>>) src(%arg8 : memref<8x8x128xf32, #tpu.memory_space<vmem>>) dst(%dma_wait3A_420 : memref<8x8x128xf32, #tpu.memory_space<hbm>>)
      } else {
      }
      %iota3A = tpu.iota {dimensions = array<i32: 0>} : vector<16xi32>
      %add3A_70 = arith.constant 0 : i32
      %add3A_71 = vector.broadcast %add3A_70 : i32 to vector<16xi32>
      %add3A_72 = arith.addi %iota3A, %add3A_71 : vector<16xi32>
      %and3A = arith.constant 15 : i32
      %and3A_73 = vector.broadcast %and3A : i32 to vector<16xi32>
      %and3A_74 = arith.andi %add3A_72, %and3A_73 : vector<16xi32>
      %parallel_loop3A = arith.constant 0 : i32
      %parallel_loop3A_75 = arith.constant 32 : i32
      %parallel_loop3A_76 = arith.constant 1 : i32
      scf.for %parallel_loop3A_410 = %parallel_loop3A to %parallel_loop3A_75 step %parallel_loop3A_76  : i32 {
        %parallel_loop3A_411 = arith.constant 8 : i32
        %parallel_loop3A_412 = arith.constant 0 : i32
        %parallel_loop3A_413 = arith.cmpi eq, %parallel_loop3A_411, %parallel_loop3A_412 : i32
        %parallel_loop3A_414 = arith.constant 1 : i32
        %parallel_loop3A_415 = arith.select %parallel_loop3A_413, %parallel_loop3A_414, %parallel_loop3A_411 : i32
        %parallel_loop3A_416 = arith.remsi %parallel_loop3A_410, %parallel_loop3A_415 : i32
        %parallel_loop3A_417 = arith.constant 0 : i32
        %parallel_loop3A_418 = arith.cmpi ne, %parallel_loop3A_416, %parallel_loop3A_417 : i32
        %parallel_loop3A_419 = arith.constant 0 : i32
        %parallel_loop3A_420 = arith.cmpi slt, %parallel_loop3A_416, %parallel_loop3A_419 : i32
        %parallel_loop3A_421 = arith.constant 0 : i32
        %parallel_loop3A_422 = arith.cmpi slt, %parallel_loop3A_415, %parallel_loop3A_421 : i32
        %parallel_loop3A_423 = arith.xori %parallel_loop3A_420, %parallel_loop3A_422 : i1
        %parallel_loop3A_424 = arith.andi %parallel_loop3A_423, %parallel_loop3A_418 : i1
        %parallel_loop3A_425 = arith.addi %parallel_loop3A_416, %parallel_loop3A_415 : i32
        %parallel_loop3A_426 = arith.select %parallel_loop3A_424, %parallel_loop3A_425, %parallel_loop3A_416 : i32
        %parallel_loop3A_427 = arith.constant 16 : i32
        %parallel_loop3A_428 = arith.muli %parallel_loop3A_426, %parallel_loop3A_427 : i32
        %parallel_loop3A_429 = arith.constant 8 : i32
        %parallel_loop3A_430 = arith.divsi %parallel_loop3A_410, %parallel_loop3A_429 : i32
        %parallel_loop3A_431 = arith.constant 0 : i32
        %parallel_loop3A_432 = arith.cmpi sgt, %parallel_loop3A_410, %parallel_loop3A_431 : i32
        %parallel_loop3A_433 = arith.extui %parallel_loop3A_432 : i1 to i32
        %parallel_loop3A_434 = arith.constant 0 : i32
        %parallel_loop3A_435 = arith.cmpi slt, %parallel_loop3A_410, %parallel_loop3A_434 : i32
        %parallel_loop3A_436 = arith.extui %parallel_loop3A_435 : i1 to i32
        %parallel_loop3A_437 = arith.subi %parallel_loop3A_433, %parallel_loop3A_436 : i32
        %parallel_loop3A_438 = arith.constant 0 : i32
        %parallel_loop3A_439 = arith.cmpi sgt, %parallel_loop3A_429, %parallel_loop3A_438 : i32
        %parallel_loop3A_440 = arith.extui %parallel_loop3A_439 : i1 to i32
        %parallel_loop3A_441 = arith.constant 0 : i32
        %parallel_loop3A_442 = arith.cmpi slt, %parallel_loop3A_429, %parallel_loop3A_441 : i32
        %parallel_loop3A_443 = arith.extui %parallel_loop3A_442 : i1 to i32
        %parallel_loop3A_444 = arith.subi %parallel_loop3A_440, %parallel_loop3A_443 : i32
        %parallel_loop3A_445 = arith.cmpi ne, %parallel_loop3A_437, %parallel_loop3A_444 : i32
        %parallel_loop3A_446 = arith.remsi %parallel_loop3A_410, %parallel_loop3A_429 : i32
        %parallel_loop3A_447 = arith.constant 0 : i32
        %parallel_loop3A_448 = arith.cmpi ne, %parallel_loop3A_446, %parallel_loop3A_447 : i32
        %parallel_loop3A_449 = arith.andi %parallel_loop3A_445, %parallel_loop3A_448 : i1
        %parallel_loop3A_450 = arith.constant 1 : i32
        %parallel_loop3A_451 = arith.subi %parallel_loop3A_430, %parallel_loop3A_450 : i32
        %parallel_loop3A_452 = arith.select %parallel_loop3A_449, %parallel_loop3A_451, %parallel_loop3A_430 : i32
        %parallel_loop3A_453 = arith.constant 16 : i32
        %parallel_loop3A_454 = arith.muli %parallel_loop3A_452, %parallel_loop3A_453 : i32
        %parallel_loop3A_455 = vector.broadcast %parallel_loop3A_428 : i32 to vector<16xi32>
        %parallel_loop3A_456 = arith.addi %parallel_loop3A_455, %iota3A : vector<16xi32>
        %parallel_loop3A_457 = vector.broadcast %parallel_loop3A_454 : i32 to vector<16xi32>
        %parallel_loop3A_458 = arith.addi %parallel_loop3A_457, %and3A_74 : vector<16xi32>
        %parallel_loop3A_459 = tpu.vector_load_idx %arg6[%parallel_loop3A_456, %parallel_loop3A_458] : memref<128x64xf32, #tpu.memory_space<vmem>>[vector<16xi32>, vector<16xi32>], vector<16xf32>,
        %parallel_loop3A_460 = arith.constant 3 : i32
        %parallel_loop3A_461 = vector.broadcast %parallel_loop3A_460 : i32 to vector<16xi32>
        %parallel_loop3A_462 = arith.shrui %parallel_loop3A_458, %parallel_loop3A_461 : vector<16xi32>
        %parallel_loop3A_463 = arith.constant 7 : i32
        %parallel_loop3A_464 = vector.broadcast %parallel_loop3A_463 : i32 to vector<16xi32>
        %parallel_loop3A_465 = arith.andi %parallel_loop3A_458, %parallel_loop3A_464 : vector<16xi32>
        tpu.vector_store_idx %arg8[%parallel_loop3A_462, %parallel_loop3A_465, %parallel_loop3A_456], %parallel_loop3A_459 : memref<8x8x128xf32, #tpu.memory_space<vmem>>[vector<16xi32>, vector<16xi32>, vector<16xi32>], vector<16xf32>,
      } {sc.loop_unroll_factor = 4 : i64, sc.parallel_access}
      %add3A_77 = arith.constant 1 : i32
      %add3A_78 = vector.broadcast %add3A_77 : i32 to vector<16xi32>
      %add3A_79 = arith.addi %iota3A, %add3A_78 : vector<16xi32>
      %and3A_80 = arith.constant 15 : i32
      %and3A_81 = vector.broadcast %and3A_80 : i32 to vector<16xi32>
      %and3A_82 = arith.andi %add3A_79, %and3A_81 : vector<16xi32>
      %parallel_loop3A_83 = arith.constant 0 : i32
      %parallel_loop3A_84 = arith.constant 32 : i32
      %parallel_loop3A_85 = arith.constant 1 : i32
      scf.for %parallel_loop3A_410 = %parallel_loop3A_83 to %parallel_loop3A_84 step %parallel_loop3A_85  : i32 {
        %parallel_loop3A_411 = arith.constant 8 : i32
        %parallel_loop3A_412 = arith.constant 0 : i32
        %parallel_loop3A_413 = arith.cmpi eq, %parallel_loop3A_411, %parallel_loop3A_412 : i32
        %parallel_loop3A_414 = arith.constant 1 : i32
        %parallel_loop3A_415 = arith.select %parallel_loop3A_413, %parallel_loop3A_414, %parallel_loop3A_411 : i32
        %parallel_loop3A_416 = arith.remsi %parallel_loop3A_410, %parallel_loop3A_415 : i32
        %parallel_loop3A_417 = arith.constant 0 : i32
        %parallel_loop3A_418 = arith.cmpi ne, %parallel_loop3A_416, %parallel_loop3A_417 : i32
        %parallel_loop3A_419 = arith.constant 0 : i32
        %parallel_loop3A_420 = arith.cmpi slt, %parallel_loop3A_416, %parallel_loop3A_419 : i32
        %parallel_loop3A_421 = arith.constant 0 : i32
        %parallel_loop3A_422 = arith.cmpi slt, %parallel_loop3A_415, %parallel_loop3A_421 : i32
        %parallel_loop3A_423 = arith.xori %parallel_loop3A_420, %parallel_loop3A_422 : i1
        %parallel_loop3A_424 = arith.andi %parallel_loop3A_423, %parallel_loop3A_418 : i1
        %parallel_loop3A_425 = arith.addi %parallel_loop3A_416, %parallel_loop3A_415 : i32
        %parallel_loop3A_426 = arith.select %parallel_loop3A_424, %parallel_loop3A_425, %parallel_loop3A_416 : i32
        %parallel_loop3A_427 = arith.constant 16 : i32
        %parallel_loop3A_428 = arith.muli %parallel_loop3A_426, %parallel_loop3A_427 : i32
        %parallel_loop3A_429 = arith.constant 8 : i32
        %parallel_loop3A_430 = arith.divsi %parallel_loop3A_410, %parallel_loop3A_429 : i32
        %parallel_loop3A_431 = arith.constant 0 : i32
        %parallel_loop3A_432 = arith.cmpi sgt, %parallel_loop3A_410, %parallel_loop3A_431 : i32
        %parallel_loop3A_433 = arith.extui %parallel_loop3A_432 : i1 to i32
        %parallel_loop3A_434 = arith.constant 0 : i32
        %parallel_loop3A_435 = arith.cmpi slt, %parallel_loop3A_410, %parallel_loop3A_434 : i32
        %parallel_loop3A_436 = arith.extui %parallel_loop3A_435 : i1 to i32
        %parallel_loop3A_437 = arith.subi %parallel_loop3A_433, %parallel_loop3A_436 : i32
        %parallel_loop3A_438 = arith.constant 0 : i32
        %parallel_loop3A_439 = arith.cmpi sgt, %parallel_loop3A_429, %parallel_loop3A_438 : i32
        %parallel_loop3A_440 = arith.extui %parallel_loop3A_439 : i1 to i32
        %parallel_loop3A_441 = arith.constant 0 : i32
        %parallel_loop3A_442 = arith.cmpi slt, %parallel_loop3A_429, %parallel_loop3A_441 : i32
        %parallel_loop3A_443 = arith.extui %parallel_loop3A_442 : i1 to i32
        %parallel_loop3A_444 = arith.subi %parallel_loop3A_440, %parallel_loop3A_443 : i32
        %parallel_loop3A_445 = arith.cmpi ne, %parallel_loop3A_437, %parallel_loop3A_444 : i32
        %parallel_loop3A_446 = arith.remsi %parallel_loop3A_410, %parallel_loop3A_429 : i32
        %parallel_loop3A_447 = arith.constant 0 : i32
        %parallel_loop3A_448 = arith.cmpi ne, %parallel_loop3A_446, %parallel_loop3A_447 : i32
        %parallel_loop3A_449 = arith.andi %parallel_loop3A_445, %parallel_loop3A_448 : i1
        %parallel_loop3A_450 = arith.constant 1 : i32
        %parallel_loop3A_451 = arith.subi %parallel_loop3A_430, %parallel_loop3A_450 : i32
        %parallel_loop3A_452 = arith.select %parallel_loop3A_449, %parallel_loop3A_451, %parallel_loop3A_430 : i32
        %parallel_loop3A_453 = arith.constant 16 : i32
        %parallel_loop3A_454 = arith.muli %parallel_loop3A_452, %parallel_loop3A_453 : i32
        %parallel_loop3A_455 = vector.broadcast %parallel_loop3A_428 : i32 to vector<16xi32>
        %parallel_loop3A_456 = arith.addi %parallel_loop3A_455, %iota3A : vector<16xi32>
        %parallel_loop3A_457 = vector.broadcast %parallel_loop3A_454 : i32 to vector<16xi32>
        %parallel_loop3A_458 = arith.addi %parallel_loop3A_457, %and3A_82 : vector<16xi32>
        %parallel_loop3A_459 = tpu.vector_load_idx %arg6[%parallel_loop3A_456, %parallel_loop3A_458] : memref<128x64xf32, #tpu.memory_space<vmem>>[vector<16xi32>, vector<16xi32>], vector<16xf32>,
        %parallel_loop3A_460 = arith.constant 3 : i32
        %parallel_loop3A_461 = vector.broadcast %parallel_loop3A_460 : i32 to vector<16xi32>
        %parallel_loop3A_462 = arith.shrui %parallel_loop3A_458, %parallel_loop3A_461 : vector<16xi32>
        %parallel_loop3A_463 = arith.constant 7 : i32
        %parallel_loop3A_464 = vector.broadcast %parallel_loop3A_463 : i32 to vector<16xi32>
        %parallel_loop3A_465 = arith.andi %parallel_loop3A_458, %parallel_loop3A_464 : vector<16xi32>
        tpu.vector_store_idx %arg8[%parallel_loop3A_462, %parallel_loop3A_465, %parallel_loop3A_456], %parallel_loop3A_459 : memref<8x8x128xf32, #tpu.memory_space<vmem>>[vector<16xi32>, vector<16xi32>, vector<16xi32>], vector<16xf32>,
      } {sc.loop_unroll_factor = 4 : i64, sc.parallel_access}
      %add3A_86 = arith.constant 2 : i32
      %add3A_87 = vector.broadcast %add3A_86 : i32 to vector<16xi32>
      %add3A_88 = arith.addi %iota3A, %add3A_87 : vector<16xi32>
      %and3A_89 = arith.constant 15 : i32
      %and3A_90 = vector.broadcast %and3A_89 : i32 to vector<16xi32>
      %and3A_91 = arith.andi %add3A_88, %and3A_90 : vector<16xi32>
      %parallel_loop3A_92 = arith.constant 0 : i32
      %parallel_loop3A_93 = arith.constant 32 : i32
      %parallel_loop3A_94 = arith.constant 1 : i32
      scf.for %parallel_loop3A_410 = %parallel_loop3A_92 to %parallel_loop3A_93 step %parallel_loop3A_94  : i32 {
        %parallel_loop3A_411 = arith.constant 8 : i32
        %parallel_loop3A_412 = arith.constant 0 : i32
        %parallel_loop3A_413 = arith.cmpi eq, %parallel_loop3A_411, %parallel_loop3A_412 : i32
        %parallel_loop3A_414 = arith.constant 1 : i32
        %parallel_loop3A_415 = arith.select %parallel_loop3A_413, %parallel_loop3A_414, %parallel_loop3A_411 : i32
        %parallel_loop3A_416 = arith.remsi %parallel_loop3A_410, %parallel_loop3A_415 : i32
        %parallel_loop3A_417 = arith.constant 0 : i32
        %parallel_loop3A_418 = arith.cmpi ne, %parallel_loop3A_416, %parallel_loop3A_417 : i32
        %parallel_loop3A_419 = arith.constant 0 : i32
        %parallel_loop3A_420 = arith.cmpi slt, %parallel_loop3A_416, %parallel_loop3A_419 : i32
        %parallel_loop3A_421 = arith.constant 0 : i32
        %parallel_loop3A_422 = arith.cmpi slt, %parallel_loop3A_415, %parallel_loop3A_421 : i32
        %parallel_loop3A_423 = arith.xori %parallel_loop3A_420, %parallel_loop3A_422 : i1
        %parallel_loop3A_424 = arith.andi %parallel_loop3A_423, %parallel_loop3A_418 : i1
        %parallel_loop3A_425 = arith.addi %parallel_loop3A_416, %parallel_loop3A_415 : i32
        %parallel_loop3A_426 = arith.select %parallel_loop3A_424, %parallel_loop3A_425, %parallel_loop3A_416 : i32
        %parallel_loop3A_427 = arith.constant 16 : i32
        %parallel_loop3A_428 = arith.muli %parallel_loop3A_426, %parallel_loop3A_427 : i32
        %parallel_loop3A_429 = arith.constant 8 : i32
        %parallel_loop3A_430 = arith.divsi %parallel_loop3A_410, %parallel_loop3A_429 : i32
        %parallel_loop3A_431 = arith.constant 0 : i32
        %parallel_loop3A_432 = arith.cmpi sgt, %parallel_loop3A_410, %parallel_loop3A_431 : i32
        %parallel_loop3A_433 = arith.extui %parallel_loop3A_432 : i1 to i32
        %parallel_loop3A_434 = arith.constant 0 : i32
        %parallel_loop3A_435 = arith.cmpi slt, %parallel_loop3A_410, %parallel_loop3A_434 : i32
        %parallel_loop3A_436 = arith.extui %parallel_loop3A_435 : i1 to i32
        %parallel_loop3A_437 = arith.subi %parallel_loop3A_433, %parallel_loop3A_436 : i32
        %parallel_loop3A_438 = arith.constant 0 : i32
        %parallel_loop3A_439 = arith.cmpi sgt, %parallel_loop3A_429, %parallel_loop3A_438 : i32
        %parallel_loop3A_440 = arith.extui %parallel_loop3A_439 : i1 to i32
        %parallel_loop3A_441 = arith.constant 0 : i32
        %parallel_loop3A_442 = arith.cmpi slt, %parallel_loop3A_429, %parallel_loop3A_441 : i32
        %parallel_loop3A_443 = arith.extui %parallel_loop3A_442 : i1 to i32
        %parallel_loop3A_444 = arith.subi %parallel_loop3A_440, %parallel_loop3A_443 : i32
        %parallel_loop3A_445 = arith.cmpi ne, %parallel_loop3A_437, %parallel_loop3A_444 : i32
        %parallel_loop3A_446 = arith.remsi %parallel_loop3A_410, %parallel_loop3A_429 : i32
        %parallel_loop3A_447 = arith.constant 0 : i32
        %parallel_loop3A_448 = arith.cmpi ne, %parallel_loop3A_446, %parallel_loop3A_447 : i32
        %parallel_loop3A_449 = arith.andi %parallel_loop3A_445, %parallel_loop3A_448 : i1
        %parallel_loop3A_450 = arith.constant 1 : i32
        %parallel_loop3A_451 = arith.subi %parallel_loop3A_430, %parallel_loop3A_450 : i32
        %parallel_loop3A_452 = arith.select %parallel_loop3A_449, %parallel_loop3A_451, %parallel_loop3A_430 : i32
        %parallel_loop3A_453 = arith.constant 16 : i32
        %parallel_loop3A_454 = arith.muli %parallel_loop3A_452, %parallel_loop3A_453 : i32
        %parallel_loop3A_455 = vector.broadcast %parallel_loop3A_428 : i32 to vector<16xi32>
        %parallel_loop3A_456 = arith.addi %parallel_loop3A_455, %iota3A : vector<16xi32>
        %parallel_loop3A_457 = vector.broadcast %parallel_loop3A_454 : i32 to vector<16xi32>
        %parallel_loop3A_458 = arith.addi %parallel_loop3A_457, %and3A_91 : vector<16xi32>
        %parallel_loop3A_459 = tpu.vector_load_idx %arg6[%parallel_loop3A_456, %parallel_loop3A_458] : memref<128x64xf32, #tpu.memory_space<vmem>>[vector<16xi32>, vector<16xi32>], vector<16xf32>,
        %parallel_loop3A_460 = arith.constant 3 : i32
        %parallel_loop3A_461 = vector.broadcast %parallel_loop3A_460 : i32 to vector<16xi32>
        %parallel_loop3A_462 = arith.shrui %parallel_loop3A_458, %parallel_loop3A_461 : vector<16xi32>
        %parallel_loop3A_463 = arith.constant 7 : i32
        %parallel_loop3A_464 = vector.broadcast %parallel_loop3A_463 : i32 to vector<16xi32>
        %parallel_loop3A_465 = arith.andi %parallel_loop3A_458, %parallel_loop3A_464 : vector<16xi32>
        tpu.vector_store_idx %arg8[%parallel_loop3A_462, %parallel_loop3A_465, %parallel_loop3A_456], %parallel_loop3A_459 : memref<8x8x128xf32, #tpu.memory_space<vmem>>[vector<16xi32>, vector<16xi32>, vector<16xi32>], vector<16xf32>,
      } {sc.loop_unroll_factor = 4 : i64, sc.parallel_access}
      %add3A_95 = arith.constant 3 : i32
      %add3A_96 = vector.broadcast %add3A_95 : i32 to vector<16xi32>
      %add3A_97 = arith.addi %iota3A, %add3A_96 : vector<16xi32>
      %and3A_98 = arith.constant 15 : i32
      %and3A_99 = vector.broadcast %and3A_98 : i32 to vector<16xi32>
      %and3A_100 = arith.andi %add3A_97, %and3A_99 : vector<16xi32>
      %parallel_loop3A_101 = arith.constant 0 : i32
      %parallel_loop3A_102 = arith.constant 32 : i32
      %parallel_loop3A_103 = arith.constant 1 : i32
      scf.for %parallel_loop3A_410 = %parallel_loop3A_101 to %parallel_loop3A_102 step %parallel_loop3A_103  : i32 {
        %parallel_loop3A_411 = arith.constant 8 : i32
        %parallel_loop3A_412 = arith.constant 0 : i32
        %parallel_loop3A_413 = arith.cmpi eq, %parallel_loop3A_411, %parallel_loop3A_412 : i32
        %parallel_loop3A_414 = arith.constant 1 : i32
        %parallel_loop3A_415 = arith.select %parallel_loop3A_413, %parallel_loop3A_414, %parallel_loop3A_411 : i32
        %parallel_loop3A_416 = arith.remsi %parallel_loop3A_410, %parallel_loop3A_415 : i32
        %parallel_loop3A_417 = arith.constant 0 : i32
        %parallel_loop3A_418 = arith.cmpi ne, %parallel_loop3A_416, %parallel_loop3A_417 : i32
        %parallel_loop3A_419 = arith.constant 0 : i32
        %parallel_loop3A_420 = arith.cmpi slt, %parallel_loop3A_416, %parallel_loop3A_419 : i32
        %parallel_loop3A_421 = arith.constant 0 : i32
        %parallel_loop3A_422 = arith.cmpi slt, %parallel_loop3A_415, %parallel_loop3A_421 : i32
        %parallel_loop3A_423 = arith.xori %parallel_loop3A_420, %parallel_loop3A_422 : i1
        %parallel_loop3A_424 = arith.andi %parallel_loop3A_423, %parallel_loop3A_418 : i1
        %parallel_loop3A_425 = arith.addi %parallel_loop3A_416, %parallel_loop3A_415 : i32
        %parallel_loop3A_426 = arith.select %parallel_loop3A_424, %parallel_loop3A_425, %parallel_loop3A_416 : i32
        %parallel_loop3A_427 = arith.constant 16 : i32
        %parallel_loop3A_428 = arith.muli %parallel_loop3A_426, %parallel_loop3A_427 : i32
        %parallel_loop3A_429 = arith.constant 8 : i32
        %parallel_loop3A_430 = arith.divsi %parallel_loop3A_410, %parallel_loop3A_429 : i32
        %parallel_loop3A_431 = arith.constant 0 : i32
        %parallel_loop3A_432 = arith.cmpi sgt, %parallel_loop3A_410, %parallel_loop3A_431 : i32
        %parallel_loop3A_433 = arith.extui %parallel_loop3A_432 : i1 to i32
        %parallel_loop3A_434 = arith.constant 0 : i32
        %parallel_loop3A_435 = arith.cmpi slt, %parallel_loop3A_410, %parallel_loop3A_434 : i32
        %parallel_loop3A_436 = arith.extui %parallel_loop3A_435 : i1 to i32
        %parallel_loop3A_437 = arith.subi %parallel_loop3A_433, %parallel_loop3A_436 : i32
        %parallel_loop3A_438 = arith.constant 0 : i32
        %parallel_loop3A_439 = arith.cmpi sgt, %parallel_loop3A_429, %parallel_loop3A_438 : i32
        %parallel_loop3A_440 = arith.extui %parallel_loop3A_439 : i1 to i32
        %parallel_loop3A_441 = arith.constant 0 : i32
        %parallel_loop3A_442 = arith.cmpi slt, %parallel_loop3A_429, %parallel_loop3A_441 : i32
        %parallel_loop3A_443 = arith.extui %parallel_loop3A_442 : i1 to i32
        %parallel_loop3A_444 = arith.subi %parallel_loop3A_440, %parallel_loop3A_443 : i32
        %parallel_loop3A_445 = arith.cmpi ne, %parallel_loop3A_437, %parallel_loop3A_444 : i32
        %parallel_loop3A_446 = arith.remsi %parallel_loop3A_410, %parallel_loop3A_429 : i32
        %parallel_loop3A_447 = arith.constant 0 : i32
        %parallel_loop3A_448 = arith.cmpi ne, %parallel_loop3A_446, %parallel_loop3A_447 : i32
        %parallel_loop3A_449 = arith.andi %parallel_loop3A_445, %parallel_loop3A_448 : i1
        %parallel_loop3A_450 = arith.constant 1 : i32
        %parallel_loop3A_451 = arith.subi %parallel_loop3A_430, %parallel_loop3A_450 : i32
        %parallel_loop3A_452 = arith.select %parallel_loop3A_449, %parallel_loop3A_451, %parallel_loop3A_430 : i32
        %parallel_loop3A_453 = arith.constant 16 : i32
        %parallel_loop3A_454 = arith.muli %parallel_loop3A_452, %parallel_loop3A_453 : i32
        %parallel_loop3A_455 = vector.broadcast %parallel_loop3A_428 : i32 to vector<16xi32>
        %parallel_loop3A_456 = arith.addi %parallel_loop3A_455, %iota3A : vector<16xi32>
        %parallel_loop3A_457 = vector.broadcast %parallel_loop3A_454 : i32 to vector<16xi32>
        %parallel_loop3A_458 = arith.addi %parallel_loop3A_457, %and3A_100 : vector<16xi32>
        %parallel_loop3A_459 = tpu.vector_load_idx %arg6[%parallel_loop3A_456, %parallel_loop3A_458] : memref<128x64xf32, #tpu.memory_space<vmem>>[vector<16xi32>, vector<16xi32>], vector<16xf32>,
        %parallel_loop3A_460 = arith.constant 3 : i32
        %parallel_loop3A_461 = vector.broadcast %parallel_loop3A_460 : i32 to vector<16xi32>
        %parallel_loop3A_462 = arith.shrui %parallel_loop3A_458, %parallel_loop3A_461 : vector<16xi32>
        %parallel_loop3A_463 = arith.constant 7 : i32
        %parallel_loop3A_464 = vector.broadcast %parallel_loop3A_463 : i32 to vector<16xi32>
        %parallel_loop3A_465 = arith.andi %parallel_loop3A_458, %parallel_loop3A_464 : vector<16xi32>
        tpu.vector_store_idx %arg8[%parallel_loop3A_462, %parallel_loop3A_465, %parallel_loop3A_456], %parallel_loop3A_459 : memref<8x8x128xf32, #tpu.memory_space<vmem>>[vector<16xi32>, vector<16xi32>, vector<16xi32>], vector<16xf32>,
      } {sc.loop_unroll_factor = 4 : i64, sc.parallel_access}
      %add3A_104 = arith.constant 4 : i32
      %add3A_105 = vector.broadcast %add3A_104 : i32 to vector<16xi32>
      %add3A_106 = arith.addi %iota3A, %add3A_105 : vector<16xi32>
      %and3A_107 = arith.constant 15 : i32
      %and3A_108 = vector.broadcast %and3A_107 : i32 to vector<16xi32>
      %and3A_109 = arith.andi %add3A_106, %and3A_108 : vector<16xi32>
      %parallel_loop3A_110 = arith.constant 0 : i32
      %parallel_loop3A_111 = arith.constant 32 : i32
      %parallel_loop3A_112 = arith.constant 1 : i32
      scf.for %parallel_loop3A_410 = %parallel_loop3A_110 to %parallel_loop3A_111 step %parallel_loop3A_112  : i32 {
        %parallel_loop3A_411 = arith.constant 8 : i32
        %parallel_loop3A_412 = arith.constant 0 : i32
        %parallel_loop3A_413 = arith.cmpi eq, %parallel_loop3A_411, %parallel_loop3A_412 : i32
        %parallel_loop3A_414 = arith.constant 1 : i32
        %parallel_loop3A_415 = arith.select %parallel_loop3A_413, %parallel_loop3A_414, %parallel_loop3A_411 : i32
        %parallel_loop3A_416 = arith.remsi %parallel_loop3A_410, %parallel_loop3A_415 : i32
        %parallel_loop3A_417 = arith.constant 0 : i32
        %parallel_loop3A_418 = arith.cmpi ne, %parallel_loop3A_416, %parallel_loop3A_417 : i32
        %parallel_loop3A_419 = arith.constant 0 : i32
        %parallel_loop3A_420 = arith.cmpi slt, %parallel_loop3A_416, %parallel_loop3A_419 : i32
        %parallel_loop3A_421 = arith.constant 0 : i32
        %parallel_loop3A_422 = arith.cmpi slt, %parallel_loop3A_415, %parallel_loop3A_421 : i32
        %parallel_loop3A_423 = arith.xori %parallel_loop3A_420, %parallel_loop3A_422 : i1
        %parallel_loop3A_424 = arith.andi %parallel_loop3A_423, %parallel_loop3A_418 : i1
        %parallel_loop3A_425 = arith.addi %parallel_loop3A_416, %parallel_loop3A_415 : i32
        %parallel_loop3A_426 = arith.select %parallel_loop3A_424, %parallel_loop3A_425, %parallel_loop3A_416 : i32
        %parallel_loop3A_427 = arith.constant 16 : i32
        %parallel_loop3A_428 = arith.muli %parallel_loop3A_426, %parallel_loop3A_427 : i32
        %parallel_loop3A_429 = arith.constant 8 : i32
        %parallel_loop3A_430 = arith.divsi %parallel_loop3A_410, %parallel_loop3A_429 : i32
        %parallel_loop3A_431 = arith.constant 0 : i32
        %parallel_loop3A_432 = arith.cmpi sgt, %parallel_loop3A_410, %parallel_loop3A_431 : i32
        %parallel_loop3A_433 = arith.extui %parallel_loop3A_432 : i1 to i32
        %parallel_loop3A_434 = arith.constant 0 : i32
        %parallel_loop3A_435 = arith.cmpi slt, %parallel_loop3A_410, %parallel_loop3A_434 : i32
        %parallel_loop3A_436 = arith.extui %parallel_loop3A_435 : i1 to i32
        %parallel_loop3A_437 = arith.subi %parallel_loop3A_433, %parallel_loop3A_436 : i32
        %parallel_loop3A_438 = arith.constant 0 : i32
        %parallel_loop3A_439 = arith.cmpi sgt, %parallel_loop3A_429, %parallel_loop3A_438 : i32
        %parallel_loop3A_440 = arith.extui %parallel_loop3A_439 : i1 to i32
        %parallel_loop3A_441 = arith.constant 0 : i32
        %parallel_loop3A_442 = arith.cmpi slt, %parallel_loop3A_429, %parallel_loop3A_441 : i32
        %parallel_loop3A_443 = arith.extui %parallel_loop3A_442 : i1 to i32
        %parallel_loop3A_444 = arith.subi %parallel_loop3A_440, %parallel_loop3A_443 : i32
        %parallel_loop3A_445 = arith.cmpi ne, %parallel_loop3A_437, %parallel_loop3A_444 : i32
        %parallel_loop3A_446 = arith.remsi %parallel_loop3A_410, %parallel_loop3A_429 : i32
        %parallel_loop3A_447 = arith.constant 0 : i32
        %parallel_loop3A_448 = arith.cmpi ne, %parallel_loop3A_446, %parallel_loop3A_447 : i32
        %parallel_loop3A_449 = arith.andi %parallel_loop3A_445, %parallel_loop3A_448 : i1
        %parallel_loop3A_450 = arith.constant 1 : i32
        %parallel_loop3A_451 = arith.subi %parallel_loop3A_430, %parallel_loop3A_450 : i32
        %parallel_loop3A_452 = arith.select %parallel_loop3A_449, %parallel_loop3A_451, %parallel_loop3A_430 : i32
        %parallel_loop3A_453 = arith.constant 16 : i32
        %parallel_loop3A_454 = arith.muli %parallel_loop3A_452, %parallel_loop3A_453 : i32
        %parallel_loop3A_455 = vector.broadcast %parallel_loop3A_428 : i32 to vector<16xi32>
        %parallel_loop3A_456 = arith.addi %parallel_loop3A_455, %iota3A : vector<16xi32>
        %parallel_loop3A_457 = vector.broadcast %parallel_loop3A_454 : i32 to vector<16xi32>
        %parallel_loop3A_458 = arith.addi %parallel_loop3A_457, %and3A_109 : vector<16xi32>
        %parallel_loop3A_459 = tpu.vector_load_idx %arg6[%parallel_loop3A_456, %parallel_loop3A_458] : memref<128x64xf32, #tpu.memory_space<vmem>>[vector<16xi32>, vector<16xi32>], vector<16xf32>,
        %parallel_loop3A_460 = arith.constant 3 : i32
        %parallel_loop3A_461 = vector.broadcast %parallel_loop3A_460 : i32 to vector<16xi32>
        %parallel_loop3A_462 = arith.shrui %parallel_loop3A_458, %parallel_loop3A_461 : vector<16xi32>
        %parallel_loop3A_463 = arith.constant 7 : i32
        %parallel_loop3A_464 = vector.broadcast %parallel_loop3A_463 : i32 to vector<16xi32>
        %parallel_loop3A_465 = arith.andi %parallel_loop3A_458, %parallel_loop3A_464 : vector<16xi32>
        tpu.vector_store_idx %arg8[%parallel_loop3A_462, %parallel_loop3A_465, %parallel_loop3A_456], %parallel_loop3A_459 : memref<8x8x128xf32, #tpu.memory_space<vmem>>[vector<16xi32>, vector<16xi32>, vector<16xi32>], vector<16xf32>,
      } {sc.loop_unroll_factor = 4 : i64, sc.parallel_access}
      %add3A_113 = arith.constant 5 : i32
      %add3A_114 = vector.broadcast %add3A_113 : i32 to vector<16xi32>
      %add3A_115 = arith.addi %iota3A, %add3A_114 : vector<16xi32>
      %and3A_116 = arith.constant 15 : i32
      %and3A_117 = vector.broadcast %and3A_116 : i32 to vector<16xi32>
      %and3A_118 = arith.andi %add3A_115, %and3A_117 : vector<16xi32>
      %parallel_loop3A_119 = arith.constant 0 : i32
      %parallel_loop3A_120 = arith.constant 32 : i32
      %parallel_loop3A_121 = arith.constant 1 : i32
      scf.for %parallel_loop3A_410 = %parallel_loop3A_119 to %parallel_loop3A_120 step %parallel_loop3A_121  : i32 {
        %parallel_loop3A_411 = arith.constant 8 : i32
        %parallel_loop3A_412 = arith.constant 0 : i32
        %parallel_loop3A_413 = arith.cmpi eq, %parallel_loop3A_411, %parallel_loop3A_412 : i32
        %parallel_loop3A_414 = arith.constant 1 : i32
        %parallel_loop3A_415 = arith.select %parallel_loop3A_413, %parallel_loop3A_414, %parallel_loop3A_411 : i32
        %parallel_loop3A_416 = arith.remsi %parallel_loop3A_410, %parallel_loop3A_415 : i32
        %parallel_loop3A_417 = arith.constant 0 : i32
        %parallel_loop3A_418 = arith.cmpi ne, %parallel_loop3A_416, %parallel_loop3A_417 : i32
        %parallel_loop3A_419 = arith.constant 0 : i32
        %parallel_loop3A_420 = arith.cmpi slt, %parallel_loop3A_416, %parallel_loop3A_419 : i32
        %parallel_loop3A_421 = arith.constant 0 : i32
        %parallel_loop3A_422 = arith.cmpi slt, %parallel_loop3A_415, %parallel_loop3A_421 : i32
        %parallel_loop3A_423 = arith.xori %parallel_loop3A_420, %parallel_loop3A_422 : i1
        %parallel_loop3A_424 = arith.andi %parallel_loop3A_423, %parallel_loop3A_418 : i1
        %parallel_loop3A_425 = arith.addi %parallel_loop3A_416, %parallel_loop3A_415 : i32
        %parallel_loop3A_426 = arith.select %parallel_loop3A_424, %parallel_loop3A_425, %parallel_loop3A_416 : i32
        %parallel_loop3A_427 = arith.constant 16 : i32
        %parallel_loop3A_428 = arith.muli %parallel_loop3A_426, %parallel_loop3A_427 : i32
        %parallel_loop3A_429 = arith.constant 8 : i32
        %parallel_loop3A_430 = arith.divsi %parallel_loop3A_410, %parallel_loop3A_429 : i32
        %parallel_loop3A_431 = arith.constant 0 : i32
        %parallel_loop3A_432 = arith.cmpi sgt, %parallel_loop3A_410, %parallel_loop3A_431 : i32
        %parallel_loop3A_433 = arith.extui %parallel_loop3A_432 : i1 to i32
        %parallel_loop3A_434 = arith.constant 0 : i32
        %parallel_loop3A_435 = arith.cmpi slt, %parallel_loop3A_410, %parallel_loop3A_434 : i32
        %parallel_loop3A_436 = arith.extui %parallel_loop3A_435 : i1 to i32
        %parallel_loop3A_437 = arith.subi %parallel_loop3A_433, %parallel_loop3A_436 : i32
        %parallel_loop3A_438 = arith.constant 0 : i32
        %parallel_loop3A_439 = arith.cmpi sgt, %parallel_loop3A_429, %parallel_loop3A_438 : i32
        %parallel_loop3A_440 = arith.extui %parallel_loop3A_439 : i1 to i32
        %parallel_loop3A_441 = arith.constant 0 : i32
        %parallel_loop3A_442 = arith.cmpi slt, %parallel_loop3A_429, %parallel_loop3A_441 : i32
        %parallel_loop3A_443 = arith.extui %parallel_loop3A_442 : i1 to i32
        %parallel_loop3A_444 = arith.subi %parallel_loop3A_440, %parallel_loop3A_443 : i32
        %parallel_loop3A_445 = arith.cmpi ne, %parallel_loop3A_437, %parallel_loop3A_444 : i32
        %parallel_loop3A_446 = arith.remsi %parallel_loop3A_410, %parallel_loop3A_429 : i32
        %parallel_loop3A_447 = arith.constant 0 : i32
        %parallel_loop3A_448 = arith.cmpi ne, %parallel_loop3A_446, %parallel_loop3A_447 : i32
        %parallel_loop3A_449 = arith.andi %parallel_loop3A_445, %parallel_loop3A_448 : i1
        %parallel_loop3A_450 = arith.constant 1 : i32
        %parallel_loop3A_451 = arith.subi %parallel_loop3A_430, %parallel_loop3A_450 : i32
        %parallel_loop3A_452 = arith.select %parallel_loop3A_449, %parallel_loop3A_451, %parallel_loop3A_430 : i32
        %parallel_loop3A_453 = arith.constant 16 : i32
        %parallel_loop3A_454 = arith.muli %parallel_loop3A_452, %parallel_loop3A_453 : i32
        %parallel_loop3A_455 = vector.broadcast %parallel_loop3A_428 : i32 to vector<16xi32>
        %parallel_loop3A_456 = arith.addi %parallel_loop3A_455, %iota3A : vector<16xi32>
        %parallel_loop3A_457 = vector.broadcast %parallel_loop3A_454 : i32 to vector<16xi32>
        %parallel_loop3A_458 = arith.addi %parallel_loop3A_457, %and3A_118 : vector<16xi32>
        %parallel_loop3A_459 = tpu.vector_load_idx %arg6[%parallel_loop3A_456, %parallel_loop3A_458] : memref<128x64xf32, #tpu.memory_space<vmem>>[vector<16xi32>, vector<16xi32>], vector<16xf32>,
        %parallel_loop3A_460 = arith.constant 3 : i32
        %parallel_loop3A_461 = vector.broadcast %parallel_loop3A_460 : i32 to vector<16xi32>
        %parallel_loop3A_462 = arith.shrui %parallel_loop3A_458, %parallel_loop3A_461 : vector<16xi32>
        %parallel_loop3A_463 = arith.constant 7 : i32
        %parallel_loop3A_464 = vector.broadcast %parallel_loop3A_463 : i32 to vector<16xi32>
        %parallel_loop3A_465 = arith.andi %parallel_loop3A_458, %parallel_loop3A_464 : vector<16xi32>
        tpu.vector_store_idx %arg8[%parallel_loop3A_462, %parallel_loop3A_465, %parallel_loop3A_456], %parallel_loop3A_459 : memref<8x8x128xf32, #tpu.memory_space<vmem>>[vector<16xi32>, vector<16xi32>, vector<16xi32>], vector<16xf32>,
      } {sc.loop_unroll_factor = 4 : i64, sc.parallel_access}
      %add3A_122 = arith.constant 6 : i32
      %add3A_123 = vector.broadcast %add3A_122 : i32 to vector<16xi32>
      %add3A_124 = arith.addi %iota3A, %add3A_123 : vector<16xi32>
      %and3A_125 = arith.constant 15 : i32
      %and3A_126 = vector.broadcast %and3A_125 : i32 to vector<16xi32>
      %and3A_127 = arith.andi %add3A_124, %and3A_126 : vector<16xi32>
      %parallel_loop3A_128 = arith.constant 0 : i32
      %parallel_loop3A_129 = arith.constant 32 : i32
      %parallel_loop3A_130 = arith.constant 1 : i32
      scf.for %parallel_loop3A_410 = %parallel_loop3A_128 to %parallel_loop3A_129 step %parallel_loop3A_130  : i32 {
        %parallel_loop3A_411 = arith.constant 8 : i32
        %parallel_loop3A_412 = arith.constant 0 : i32
        %parallel_loop3A_413 = arith.cmpi eq, %parallel_loop3A_411, %parallel_loop3A_412 : i32
        %parallel_loop3A_414 = arith.constant 1 : i32
        %parallel_loop3A_415 = arith.select %parallel_loop3A_413, %parallel_loop3A_414, %parallel_loop3A_411 : i32
        %parallel_loop3A_416 = arith.remsi %parallel_loop3A_410, %parallel_loop3A_415 : i32
        %parallel_loop3A_417 = arith.constant 0 : i32
        %parallel_loop3A_418 = arith.cmpi ne, %parallel_loop3A_416, %parallel_loop3A_417 : i32
        %parallel_loop3A_419 = arith.constant 0 : i32
        %parallel_loop3A_420 = arith.cmpi slt, %parallel_loop3A_416, %parallel_loop3A_419 : i32
        %parallel_loop3A_421 = arith.constant 0 : i32
        %parallel_loop3A_422 = arith.cmpi slt, %parallel_loop3A_415, %parallel_loop3A_421 : i32
        %parallel_loop3A_423 = arith.xori %parallel_loop3A_420, %parallel_loop3A_422 : i1
        %parallel_loop3A_424 = arith.andi %parallel_loop3A_423, %parallel_loop3A_418 : i1
        %parallel_loop3A_425 = arith.addi %parallel_loop3A_416, %parallel_loop3A_415 : i32
        %parallel_loop3A_426 = arith.select %parallel_loop3A_424, %parallel_loop3A_425, %parallel_loop3A_416 : i32
        %parallel_loop3A_427 = arith.constant 16 : i32
        %parallel_loop3A_428 = arith.muli %parallel_loop3A_426, %parallel_loop3A_427 : i32
        %parallel_loop3A_429 = arith.constant 8 : i32
        %parallel_loop3A_430 = arith.divsi %parallel_loop3A_410, %parallel_loop3A_429 : i32
        %parallel_loop3A_431 = arith.constant 0 : i32
        %parallel_loop3A_432 = arith.cmpi sgt, %parallel_loop3A_410, %parallel_loop3A_431 : i32
        %parallel_loop3A_433 = arith.extui %parallel_loop3A_432 : i1 to i32
        %parallel_loop3A_434 = arith.constant 0 : i32
        %parallel_loop3A_435 = arith.cmpi slt, %parallel_loop3A_410, %parallel_loop3A_434 : i32
        %parallel_loop3A_436 = arith.extui %parallel_loop3A_435 : i1 to i32
        %parallel_loop3A_437 = arith.subi %parallel_loop3A_433, %parallel_loop3A_436 : i32
        %parallel_loop3A_438 = arith.constant 0 : i32
        %parallel_loop3A_439 = arith.cmpi sgt, %parallel_loop3A_429, %parallel_loop3A_438 : i32
        %parallel_loop3A_440 = arith.extui %parallel_loop3A_439 : i1 to i32
        %parallel_loop3A_441 = arith.constant 0 : i32
        %parallel_loop3A_442 = arith.cmpi slt, %parallel_loop3A_429, %parallel_loop3A_441 : i32
        %parallel_loop3A_443 = arith.extui %parallel_loop3A_442 : i1 to i32
        %parallel_loop3A_444 = arith.subi %parallel_loop3A_440, %parallel_loop3A_443 : i32
        %parallel_loop3A_445 = arith.cmpi ne, %parallel_loop3A_437, %parallel_loop3A_444 : i32
        %parallel_loop3A_446 = arith.remsi %parallel_loop3A_410, %parallel_loop3A_429 : i32
        %parallel_loop3A_447 = arith.constant 0 : i32
        %parallel_loop3A_448 = arith.cmpi ne, %parallel_loop3A_446, %parallel_loop3A_447 : i32
        %parallel_loop3A_449 = arith.andi %parallel_loop3A_445, %parallel_loop3A_448 : i1
        %parallel_loop3A_450 = arith.constant 1 : i32
        %parallel_loop3A_451 = arith.subi %parallel_loop3A_430, %parallel_loop3A_450 : i32
        %parallel_loop3A_452 = arith.select %parallel_loop3A_449, %parallel_loop3A_451, %parallel_loop3A_430 : i32
        %parallel_loop3A_453 = arith.constant 16 : i32
        %parallel_loop3A_454 = arith.muli %parallel_loop3A_452, %parallel_loop3A_453 : i32
        %parallel_loop3A_455 = vector.broadcast %parallel_loop3A_428 : i32 to vector<16xi32>
        %parallel_loop3A_456 = arith.addi %parallel_loop3A_455, %iota3A : vector<16xi32>
        %parallel_loop3A_457 = vector.broadcast %parallel_loop3A_454 : i32 to vector<16xi32>
        %parallel_loop3A_458 = arith.addi %parallel_loop3A_457, %and3A_127 : vector<16xi32>
        %parallel_loop3A_459 = tpu.vector_load_idx %arg6[%parallel_loop3A_456, %parallel_loop3A_458] : memref<128x64xf32, #tpu.memory_space<vmem>>[vector<16xi32>, vector<16xi32>], vector<16xf32>,
        %parallel_loop3A_460 = arith.constant 3 : i32
        %parallel_loop3A_461 = vector.broadcast %parallel_loop3A_460 : i32 to vector<16xi32>
        %parallel_loop3A_462 = arith.shrui %parallel_loop3A_458, %parallel_loop3A_461 : vector<16xi32>
        %parallel_loop3A_463 = arith.constant 7 : i32
        %parallel_loop3A_464 = vector.broadcast %parallel_loop3A_463 : i32 to vector<16xi32>
        %parallel_loop3A_465 = arith.andi %parallel_loop3A_458, %parallel_loop3A_464 : vector<16xi32>
        tpu.vector_store_idx %arg8[%parallel_loop3A_462, %parallel_loop3A_465, %parallel_loop3A_456], %parallel_loop3A_459 : memref<8x8x128xf32, #tpu.memory_space<vmem>>[vector<16xi32>, vector<16xi32>, vector<16xi32>], vector<16xf32>,
      } {sc.loop_unroll_factor = 4 : i64, sc.parallel_access}
      %add3A_131 = arith.constant 7 : i32
      %add3A_132 = vector.broadcast %add3A_131 : i32 to vector<16xi32>
      %add3A_133 = arith.addi %iota3A, %add3A_132 : vector<16xi32>
      %and3A_134 = arith.constant 15 : i32
      %and3A_135 = vector.broadcast %and3A_134 : i32 to vector<16xi32>
      %and3A_136 = arith.andi %add3A_133, %and3A_135 : vector<16xi32>
      %parallel_loop3A_137 = arith.constant 0 : i32
      %parallel_loop3A_138 = arith.constant 32 : i32
      %parallel_loop3A_139 = arith.constant 1 : i32
      scf.for %parallel_loop3A_410 = %parallel_loop3A_137 to %parallel_loop3A_138 step %parallel_loop3A_139  : i32 {
        %parallel_loop3A_411 = arith.constant 8 : i32
        %parallel_loop3A_412 = arith.constant 0 : i32
        %parallel_loop3A_413 = arith.cmpi eq, %parallel_loop3A_411, %parallel_loop3A_412 : i32
        %parallel_loop3A_414 = arith.constant 1 : i32
        %parallel_loop3A_415 = arith.select %parallel_loop3A_413, %parallel_loop3A_414, %parallel_loop3A_411 : i32
        %parallel_loop3A_416 = arith.remsi %parallel_loop3A_410, %parallel_loop3A_415 : i32
        %parallel_loop3A_417 = arith.constant 0 : i32
        %parallel_loop3A_418 = arith.cmpi ne, %parallel_loop3A_416, %parallel_loop3A_417 : i32
        %parallel_loop3A_419 = arith.constant 0 : i32
        %parallel_loop3A_420 = arith.cmpi slt, %parallel_loop3A_416, %parallel_loop3A_419 : i32
        %parallel_loop3A_421 = arith.constant 0 : i32
        %parallel_loop3A_422 = arith.cmpi slt, %parallel_loop3A_415, %parallel_loop3A_421 : i32
        %parallel_loop3A_423 = arith.xori %parallel_loop3A_420, %parallel_loop3A_422 : i1
        %parallel_loop3A_424 = arith.andi %parallel_loop3A_423, %parallel_loop3A_418 : i1
        %parallel_loop3A_425 = arith.addi %parallel_loop3A_416, %parallel_loop3A_415 : i32
        %parallel_loop3A_426 = arith.select %parallel_loop3A_424, %parallel_loop3A_425, %parallel_loop3A_416 : i32
        %parallel_loop3A_427 = arith.constant 16 : i32
        %parallel_loop3A_428 = arith.muli %parallel_loop3A_426, %parallel_loop3A_427 : i32
        %parallel_loop3A_429 = arith.constant 8 : i32
        %parallel_loop3A_430 = arith.divsi %parallel_loop3A_410, %parallel_loop3A_429 : i32
        %parallel_loop3A_431 = arith.constant 0 : i32
        %parallel_loop3A_432 = arith.cmpi sgt, %parallel_loop3A_410, %parallel_loop3A_431 : i32
        %parallel_loop3A_433 = arith.extui %parallel_loop3A_432 : i1 to i32
        %parallel_loop3A_434 = arith.constant 0 : i32
        %parallel_loop3A_435 = arith.cmpi slt, %parallel_loop3A_410, %parallel_loop3A_434 : i32
        %parallel_loop3A_436 = arith.extui %parallel_loop3A_435 : i1 to i32
        %parallel_loop3A_437 = arith.subi %parallel_loop3A_433, %parallel_loop3A_436 : i32
        %parallel_loop3A_438 = arith.constant 0 : i32
        %parallel_loop3A_439 = arith.cmpi sgt, %parallel_loop3A_429, %parallel_loop3A_438 : i32
        %parallel_loop3A_440 = arith.extui %parallel_loop3A_439 : i1 to i32
        %parallel_loop3A_441 = arith.constant 0 : i32
        %parallel_loop3A_442 = arith.cmpi slt, %parallel_loop3A_429, %parallel_loop3A_441 : i32
        %parallel_loop3A_443 = arith.extui %parallel_loop3A_442 : i1 to i32
        %parallel_loop3A_444 = arith.subi %parallel_loop3A_440, %parallel_loop3A_443 : i32
        %parallel_loop3A_445 = arith.cmpi ne, %parallel_loop3A_437, %parallel_loop3A_444 : i32
        %parallel_loop3A_446 = arith.remsi %parallel_loop3A_410, %parallel_loop3A_429 : i32
        %parallel_loop3A_447 = arith.constant 0 : i32
        %parallel_loop3A_448 = arith.cmpi ne, %parallel_loop3A_446, %parallel_loop3A_447 : i32
        %parallel_loop3A_449 = arith.andi %parallel_loop3A_445, %parallel_loop3A_448 : i1
        %parallel_loop3A_450 = arith.constant 1 : i32
        %parallel_loop3A_451 = arith.subi %parallel_loop3A_430, %parallel_loop3A_450 : i32
        %parallel_loop3A_452 = arith.select %parallel_loop3A_449, %parallel_loop3A_451, %parallel_loop3A_430 : i32
        %parallel_loop3A_453 = arith.constant 16 : i32
        %parallel_loop3A_454 = arith.muli %parallel_loop3A_452, %parallel_loop3A_453 : i32
        %parallel_loop3A_455 = vector.broadcast %parallel_loop3A_428 : i32 to vector<16xi32>
        %parallel_loop3A_456 = arith.addi %parallel_loop3A_455, %iota3A : vector<16xi32>
        %parallel_loop3A_457 = vector.broadcast %parallel_loop3A_454 : i32 to vector<16xi32>
        %parallel_loop3A_458 = arith.addi %parallel_loop3A_457, %and3A_136 : vector<16xi32>
        %parallel_loop3A_459 = tpu.vector_load_idx %arg6[%parallel_loop3A_456, %parallel_loop3A_458] : memref<128x64xf32, #tpu.memory_space<vmem>>[vector<16xi32>, vector<16xi32>], vector<16xf32>,
        %parallel_loop3A_460 = arith.constant 3 : i32
        %parallel_loop3A_461 = vector.broadcast %parallel_loop3A_460 : i32 to vector<16xi32>
        %parallel_loop3A_462 = arith.shrui %parallel_loop3A_458, %parallel_loop3A_461 : vector<16xi32>
        %parallel_loop3A_463 = arith.constant 7 : i32
        %parallel_loop3A_464 = vector.broadcast %parallel_loop3A_463 : i32 to vector<16xi32>
        %parallel_loop3A_465 = arith.andi %parallel_loop3A_458, %parallel_loop3A_464 : vector<16xi32>
        tpu.vector_store_idx %arg8[%parallel_loop3A_462, %parallel_loop3A_465, %parallel_loop3A_456], %parallel_loop3A_459 : memref<8x8x128xf32, #tpu.memory_space<vmem>>[vector<16xi32>, vector<16xi32>, vector<16xi32>], vector<16xf32>,
      } {sc.loop_unroll_factor = 4 : i64, sc.parallel_access}
      %add3A_140 = arith.constant 8 : i32
      %add3A_141 = vector.broadcast %add3A_140 : i32 to vector<16xi32>
      %add3A_142 = arith.addi %iota3A, %add3A_141 : vector<16xi32>
      %and3A_143 = arith.constant 15 : i32
      %and3A_144 = vector.broadcast %and3A_143 : i32 to vector<16xi32>
      %and3A_145 = arith.andi %add3A_142, %and3A_144 : vector<16xi32>
      %parallel_loop3A_146 = arith.constant 0 : i32
      %parallel_loop3A_147 = arith.constant 32 : i32
      %parallel_loop3A_148 = arith.constant 1 : i32
      scf.for %parallel_loop3A_410 = %parallel_loop3A_146 to %parallel_loop3A_147 step %parallel_loop3A_148  : i32 {
        %parallel_loop3A_411 = arith.constant 8 : i32
        %parallel_loop3A_412 = arith.constant 0 : i32
        %parallel_loop3A_413 = arith.cmpi eq, %parallel_loop3A_411, %parallel_loop3A_412 : i32
        %parallel_loop3A_414 = arith.constant 1 : i32
        %parallel_loop3A_415 = arith.select %parallel_loop3A_413, %parallel_loop3A_414, %parallel_loop3A_411 : i32
        %parallel_loop3A_416 = arith.remsi %parallel_loop3A_410, %parallel_loop3A_415 : i32
        %parallel_loop3A_417 = arith.constant 0 : i32
        %parallel_loop3A_418 = arith.cmpi ne, %parallel_loop3A_416, %parallel_loop3A_417 : i32
        %parallel_loop3A_419 = arith.constant 0 : i32
        %parallel_loop3A_420 = arith.cmpi slt, %parallel_loop3A_416, %parallel_loop3A_419 : i32
        %parallel_loop3A_421 = arith.constant 0 : i32
        %parallel_loop3A_422 = arith.cmpi slt, %parallel_loop3A_415, %parallel_loop3A_421 : i32
        %parallel_loop3A_423 = arith.xori %parallel_loop3A_420, %parallel_loop3A_422 : i1
        %parallel_loop3A_424 = arith.andi %parallel_loop3A_423, %parallel_loop3A_418 : i1
        %parallel_loop3A_425 = arith.addi %parallel_loop3A_416, %parallel_loop3A_415 : i32
        %parallel_loop3A_426 = arith.select %parallel_loop3A_424, %parallel_loop3A_425, %parallel_loop3A_416 : i32
        %parallel_loop3A_427 = arith.constant 16 : i32
        %parallel_loop3A_428 = arith.muli %parallel_loop3A_426, %parallel_loop3A_427 : i32
        %parallel_loop3A_429 = arith.constant 8 : i32
        %parallel_loop3A_430 = arith.divsi %parallel_loop3A_410, %parallel_loop3A_429 : i32
        %parallel_loop3A_431 = arith.constant 0 : i32
        %parallel_loop3A_432 = arith.cmpi sgt, %parallel_loop3A_410, %parallel_loop3A_431 : i32
        %parallel_loop3A_433 = arith.extui %parallel_loop3A_432 : i1 to i32
        %parallel_loop3A_434 = arith.constant 0 : i32
        %parallel_loop3A_435 = arith.cmpi slt, %parallel_loop3A_410, %parallel_loop3A_434 : i32
        %parallel_loop3A_436 = arith.extui %parallel_loop3A_435 : i1 to i32
        %parallel_loop3A_437 = arith.subi %parallel_loop3A_433, %parallel_loop3A_436 : i32
        %parallel_loop3A_438 = arith.constant 0 : i32
        %parallel_loop3A_439 = arith.cmpi sgt, %parallel_loop3A_429, %parallel_loop3A_438 : i32
        %parallel_loop3A_440 = arith.extui %parallel_loop3A_439 : i1 to i32
        %parallel_loop3A_441 = arith.constant 0 : i32
        %parallel_loop3A_442 = arith.cmpi slt, %parallel_loop3A_429, %parallel_loop3A_441 : i32
        %parallel_loop3A_443 = arith.extui %parallel_loop3A_442 : i1 to i32
        %parallel_loop3A_444 = arith.subi %parallel_loop3A_440, %parallel_loop3A_443 : i32
        %parallel_loop3A_445 = arith.cmpi ne, %parallel_loop3A_437, %parallel_loop3A_444 : i32
        %parallel_loop3A_446 = arith.remsi %parallel_loop3A_410, %parallel_loop3A_429 : i32
        %parallel_loop3A_447 = arith.constant 0 : i32
        %parallel_loop3A_448 = arith.cmpi ne, %parallel_loop3A_446, %parallel_loop3A_447 : i32
        %parallel_loop3A_449 = arith.andi %parallel_loop3A_445, %parallel_loop3A_448 : i1
        %parallel_loop3A_450 = arith.constant 1 : i32
        %parallel_loop3A_451 = arith.subi %parallel_loop3A_430, %parallel_loop3A_450 : i32
        %parallel_loop3A_452 = arith.select %parallel_loop3A_449, %parallel_loop3A_451, %parallel_loop3A_430 : i32
        %parallel_loop3A_453 = arith.constant 16 : i32
        %parallel_loop3A_454 = arith.muli %parallel_loop3A_452, %parallel_loop3A_453 : i32
        %parallel_loop3A_455 = vector.broadcast %parallel_loop3A_428 : i32 to vector<16xi32>
        %parallel_loop3A_456 = arith.addi %parallel_loop3A_455, %iota3A : vector<16xi32>
        %parallel_loop3A_457 = vector.broadcast %parallel_loop3A_454 : i32 to vector<16xi32>
        %parallel_loop3A_458 = arith.addi %parallel_loop3A_457, %and3A_145 : vector<16xi32>
        %parallel_loop3A_459 = tpu.vector_load_idx %arg6[%parallel_loop3A_456, %parallel_loop3A_458] : memref<128x64xf32, #tpu.memory_space<vmem>>[vector<16xi32>, vector<16xi32>], vector<16xf32>,
        %parallel_loop3A_460 = arith.constant 3 : i32
        %parallel_loop3A_461 = vector.broadcast %parallel_loop3A_460 : i32 to vector<16xi32>
        %parallel_loop3A_462 = arith.shrui %parallel_loop3A_458, %parallel_loop3A_461 : vector<16xi32>
        %parallel_loop3A_463 = arith.constant 7 : i32
        %parallel_loop3A_464 = vector.broadcast %parallel_loop3A_463 : i32 to vector<16xi32>
        %parallel_loop3A_465 = arith.andi %parallel_loop3A_458, %parallel_loop3A_464 : vector<16xi32>
        tpu.vector_store_idx %arg8[%parallel_loop3A_462, %parallel_loop3A_465, %parallel_loop3A_456], %parallel_loop3A_459 : memref<8x8x128xf32, #tpu.memory_space<vmem>>[vector<16xi32>, vector<16xi32>, vector<16xi32>], vector<16xf32>,
      } {sc.loop_unroll_factor = 4 : i64, sc.parallel_access}
      %add3A_149 = arith.constant 9 : i32
      %add3A_150 = vector.broadcast %add3A_149 : i32 to vector<16xi32>
      %add3A_151 = arith.addi %iota3A, %add3A_150 : vector<16xi32>
      %and3A_152 = arith.constant 15 : i32
      %and3A_153 = vector.broadcast %and3A_152 : i32 to vector<16xi32>
      %and3A_154 = arith.andi %add3A_151, %and3A_153 : vector<16xi32>
      %parallel_loop3A_155 = arith.constant 0 : i32
      %parallel_loop3A_156 = arith.constant 32 : i32
      %parallel_loop3A_157 = arith.constant 1 : i32
      scf.for %parallel_loop3A_410 = %parallel_loop3A_155 to %parallel_loop3A_156 step %parallel_loop3A_157  : i32 {
        %parallel_loop3A_411 = arith.constant 8 : i32
        %parallel_loop3A_412 = arith.constant 0 : i32
        %parallel_loop3A_413 = arith.cmpi eq, %parallel_loop3A_411, %parallel_loop3A_412 : i32
        %parallel_loop3A_414 = arith.constant 1 : i32
        %parallel_loop3A_415 = arith.select %parallel_loop3A_413, %parallel_loop3A_414, %parallel_loop3A_411 : i32
        %parallel_loop3A_416 = arith.remsi %parallel_loop3A_410, %parallel_loop3A_415 : i32
        %parallel_loop3A_417 = arith.constant 0 : i32
        %parallel_loop3A_418 = arith.cmpi ne, %parallel_loop3A_416, %parallel_loop3A_417 : i32
        %parallel_loop3A_419 = arith.constant 0 : i32
        %parallel_loop3A_420 = arith.cmpi slt, %parallel_loop3A_416, %parallel_loop3A_419 : i32
        %parallel_loop3A_421 = arith.constant 0 : i32
        %parallel_loop3A_422 = arith.cmpi slt, %parallel_loop3A_415, %parallel_loop3A_421 : i32
        %parallel_loop3A_423 = arith.xori %parallel_loop3A_420, %parallel_loop3A_422 : i1
        %parallel_loop3A_424 = arith.andi %parallel_loop3A_423, %parallel_loop3A_418 : i1
        %parallel_loop3A_425 = arith.addi %parallel_loop3A_416, %parallel_loop3A_415 : i32
        %parallel_loop3A_426 = arith.select %parallel_loop3A_424, %parallel_loop3A_425, %parallel_loop3A_416 : i32
        %parallel_loop3A_427 = arith.constant 16 : i32
        %parallel_loop3A_428 = arith.muli %parallel_loop3A_426, %parallel_loop3A_427 : i32
        %parallel_loop3A_429 = arith.constant 8 : i32
        %parallel_loop3A_430 = arith.divsi %parallel_loop3A_410, %parallel_loop3A_429 : i32
        %parallel_loop3A_431 = arith.constant 0 : i32
        %parallel_loop3A_432 = arith.cmpi sgt, %parallel_loop3A_410, %parallel_loop3A_431 : i32
        %parallel_loop3A_433 = arith.extui %parallel_loop3A_432 : i1 to i32
        %parallel_loop3A_434 = arith.constant 0 : i32
        %parallel_loop3A_435 = arith.cmpi slt, %parallel_loop3A_410, %parallel_loop3A_434 : i32
        %parallel_loop3A_436 = arith.extui %parallel_loop3A_435 : i1 to i32
        %parallel_loop3A_437 = arith.subi %parallel_loop3A_433, %parallel_loop3A_436 : i32
        %parallel_loop3A_438 = arith.constant 0 : i32
        %parallel_loop3A_439 = arith.cmpi sgt, %parallel_loop3A_429, %parallel_loop3A_438 : i32
        %parallel_loop3A_440 = arith.extui %parallel_loop3A_439 : i1 to i32
        %parallel_loop3A_441 = arith.constant 0 : i32
        %parallel_loop3A_442 = arith.cmpi slt, %parallel_loop3A_429, %parallel_loop3A_441 : i32
        %parallel_loop3A_443 = arith.extui %parallel_loop3A_442 : i1 to i32
        %parallel_loop3A_444 = arith.subi %parallel_loop3A_440, %parallel_loop3A_443 : i32
        %parallel_loop3A_445 = arith.cmpi ne, %parallel_loop3A_437, %parallel_loop3A_444 : i32
        %parallel_loop3A_446 = arith.remsi %parallel_loop3A_410, %parallel_loop3A_429 : i32
        %parallel_loop3A_447 = arith.constant 0 : i32
        %parallel_loop3A_448 = arith.cmpi ne, %parallel_loop3A_446, %parallel_loop3A_447 : i32
        %parallel_loop3A_449 = arith.andi %parallel_loop3A_445, %parallel_loop3A_448 : i1
        %parallel_loop3A_450 = arith.constant 1 : i32
        %parallel_loop3A_451 = arith.subi %parallel_loop3A_430, %parallel_loop3A_450 : i32
        %parallel_loop3A_452 = arith.select %parallel_loop3A_449, %parallel_loop3A_451, %parallel_loop3A_430 : i32
        %parallel_loop3A_453 = arith.constant 16 : i32
        %parallel_loop3A_454 = arith.muli %parallel_loop3A_452, %parallel_loop3A_453 : i32
        %parallel_loop3A_455 = vector.broadcast %parallel_loop3A_428 : i32 to vector<16xi32>
        %parallel_loop3A_456 = arith.addi %parallel_loop3A_455, %iota3A : vector<16xi32>
        %parallel_loop3A_457 = vector.broadcast %parallel_loop3A_454 : i32 to vector<16xi32>
        %parallel_loop3A_458 = arith.addi %parallel_loop3A_457, %and3A_154 : vector<16xi32>
        %parallel_loop3A_459 = tpu.vector_load_idx %arg6[%parallel_loop3A_456, %parallel_loop3A_458] : memref<128x64xf32, #tpu.memory_space<vmem>>[vector<16xi32>, vector<16xi32>], vector<16xf32>,
        %parallel_loop3A_460 = arith.constant 3 : i32
        %parallel_loop3A_461 = vector.broadcast %parallel_loop3A_460 : i32 to vector<16xi32>
        %parallel_loop3A_462 = arith.shrui %parallel_loop3A_458, %parallel_loop3A_461 : vector<16xi32>
        %parallel_loop3A_463 = arith.constant 7 : i32
        %parallel_loop3A_464 = vector.broadcast %parallel_loop3A_463 : i32 to vector<16xi32>
        %parallel_loop3A_465 = arith.andi %parallel_loop3A_458, %parallel_loop3A_464 : vector<16xi32>
        tpu.vector_store_idx %arg8[%parallel_loop3A_462, %parallel_loop3A_465, %parallel_loop3A_456], %parallel_loop3A_459 : memref<8x8x128xf32, #tpu.memory_space<vmem>>[vector<16xi32>, vector<16xi32>, vector<16xi32>], vector<16xf32>,
      } {sc.loop_unroll_factor = 4 : i64, sc.parallel_access}
      %add3A_158 = arith.constant 10 : i32
      %add3A_159 = vector.broadcast %add3A_158 : i32 to vector<16xi32>
      %add3A_160 = arith.addi %iota3A, %add3A_159 : vector<16xi32>
      %and3A_161 = arith.constant 15 : i32
      %and3A_162 = vector.broadcast %and3A_161 : i32 to vector<16xi32>
      %and3A_163 = arith.andi %add3A_160, %and3A_162 : vector<16xi32>
      %parallel_loop3A_164 = arith.constant 0 : i32
      %parallel_loop3A_165 = arith.constant 32 : i32
      %parallel_loop3A_166 = arith.constant 1 : i32
      scf.for %parallel_loop3A_410 = %parallel_loop3A_164 to %parallel_loop3A_165 step %parallel_loop3A_166  : i32 {
        %parallel_loop3A_411 = arith.constant 8 : i32
        %parallel_loop3A_412 = arith.constant 0 : i32
        %parallel_loop3A_413 = arith.cmpi eq, %parallel_loop3A_411, %parallel_loop3A_412 : i32
        %parallel_loop3A_414 = arith.constant 1 : i32
        %parallel_loop3A_415 = arith.select %parallel_loop3A_413, %parallel_loop3A_414, %parallel_loop3A_411 : i32
        %parallel_loop3A_416 = arith.remsi %parallel_loop3A_410, %parallel_loop3A_415 : i32
        %parallel_loop3A_417 = arith.constant 0 : i32
        %parallel_loop3A_418 = arith.cmpi ne, %parallel_loop3A_416, %parallel_loop3A_417 : i32
        %parallel_loop3A_419 = arith.constant 0 : i32
        %parallel_loop3A_420 = arith.cmpi slt, %parallel_loop3A_416, %parallel_loop3A_419 : i32
        %parallel_loop3A_421 = arith.constant 0 : i32
        %parallel_loop3A_422 = arith.cmpi slt, %parallel_loop3A_415, %parallel_loop3A_421 : i32
        %parallel_loop3A_423 = arith.xori %parallel_loop3A_420, %parallel_loop3A_422 : i1
        %parallel_loop3A_424 = arith.andi %parallel_loop3A_423, %parallel_loop3A_418 : i1
        %parallel_loop3A_425 = arith.addi %parallel_loop3A_416, %parallel_loop3A_415 : i32
        %parallel_loop3A_426 = arith.select %parallel_loop3A_424, %parallel_loop3A_425, %parallel_loop3A_416 : i32
        %parallel_loop3A_427 = arith.constant 16 : i32
        %parallel_loop3A_428 = arith.muli %parallel_loop3A_426, %parallel_loop3A_427 : i32
        %parallel_loop3A_429 = arith.constant 8 : i32
        %parallel_loop3A_430 = arith.divsi %parallel_loop3A_410, %parallel_loop3A_429 : i32
        %parallel_loop3A_431 = arith.constant 0 : i32
        %parallel_loop3A_432 = arith.cmpi sgt, %parallel_loop3A_410, %parallel_loop3A_431 : i32
        %parallel_loop3A_433 = arith.extui %parallel_loop3A_432 : i1 to i32
        %parallel_loop3A_434 = arith.constant 0 : i32
        %parallel_loop3A_435 = arith.cmpi slt, %parallel_loop3A_410, %parallel_loop3A_434 : i32
        %parallel_loop3A_436 = arith.extui %parallel_loop3A_435 : i1 to i32
        %parallel_loop3A_437 = arith.subi %parallel_loop3A_433, %parallel_loop3A_436 : i32
        %parallel_loop3A_438 = arith.constant 0 : i32
        %parallel_loop3A_439 = arith.cmpi sgt, %parallel_loop3A_429, %parallel_loop3A_438 : i32
        %parallel_loop3A_440 = arith.extui %parallel_loop3A_439 : i1 to i32
        %parallel_loop3A_441 = arith.constant 0 : i32
        %parallel_loop3A_442 = arith.cmpi slt, %parallel_loop3A_429, %parallel_loop3A_441 : i32
        %parallel_loop3A_443 = arith.extui %parallel_loop3A_442 : i1 to i32
        %parallel_loop3A_444 = arith.subi %parallel_loop3A_440, %parallel_loop3A_443 : i32
        %parallel_loop3A_445 = arith.cmpi ne, %parallel_loop3A_437, %parallel_loop3A_444 : i32
        %parallel_loop3A_446 = arith.remsi %parallel_loop3A_410, %parallel_loop3A_429 : i32
        %parallel_loop3A_447 = arith.constant 0 : i32
        %parallel_loop3A_448 = arith.cmpi ne, %parallel_loop3A_446, %parallel_loop3A_447 : i32
        %parallel_loop3A_449 = arith.andi %parallel_loop3A_445, %parallel_loop3A_448 : i1
        %parallel_loop3A_450 = arith.constant 1 : i32
        %parallel_loop3A_451 = arith.subi %parallel_loop3A_430, %parallel_loop3A_450 : i32
        %parallel_loop3A_452 = arith.select %parallel_loop3A_449, %parallel_loop3A_451, %parallel_loop3A_430 : i32
        %parallel_loop3A_453 = arith.constant 16 : i32
        %parallel_loop3A_454 = arith.muli %parallel_loop3A_452, %parallel_loop3A_453 : i32
        %parallel_loop3A_455 = vector.broadcast %parallel_loop3A_428 : i32 to vector<16xi32>
        %parallel_loop3A_456 = arith.addi %parallel_loop3A_455, %iota3A : vector<16xi32>
        %parallel_loop3A_457 = vector.broadcast %parallel_loop3A_454 : i32 to vector<16xi32>
        %parallel_loop3A_458 = arith.addi %parallel_loop3A_457, %and3A_163 : vector<16xi32>
        %parallel_loop3A_459 = tpu.vector_load_idx %arg6[%parallel_loop3A_456, %parallel_loop3A_458] : memref<128x64xf32, #tpu.memory_space<vmem>>[vector<16xi32>, vector<16xi32>], vector<16xf32>,
        %parallel_loop3A_460 = arith.constant 3 : i32
        %parallel_loop3A_461 = vector.broadcast %parallel_loop3A_460 : i32 to vector<16xi32>
        %parallel_loop3A_462 = arith.shrui %parallel_loop3A_458, %parallel_loop3A_461 : vector<16xi32>
        %parallel_loop3A_463 = arith.constant 7 : i32
        %parallel_loop3A_464 = vector.broadcast %parallel_loop3A_463 : i32 to vector<16xi32>
        %parallel_loop3A_465 = arith.andi %parallel_loop3A_458, %parallel_loop3A_464 : vector<16xi32>
        tpu.vector_store_idx %arg8[%parallel_loop3A_462, %parallel_loop3A_465, %parallel_loop3A_456], %parallel_loop3A_459 : memref<8x8x128xf32, #tpu.memory_space<vmem>>[vector<16xi32>, vector<16xi32>, vector<16xi32>], vector<16xf32>,
      } {sc.loop_unroll_factor = 4 : i64, sc.parallel_access}
      %add3A_167 = arith.constant 11 : i32
      %add3A_168 = vector.broadcast %add3A_167 : i32 to vector<16xi32>
      %add3A_169 = arith.addi %iota3A, %add3A_168 : vector<16xi32>
      %and3A_170 = arith.constant 15 : i32
      %and3A_171 = vector.broadcast %and3A_170 : i32 to vector<16xi32>
      %and3A_172 = arith.andi %add3A_169, %and3A_171 : vector<16xi32>
      %parallel_loop3A_173 = arith.constant 0 : i32
      %parallel_loop3A_174 = arith.constant 32 : i32
      %parallel_loop3A_175 = arith.constant 1 : i32
      scf.for %parallel_loop3A_410 = %parallel_loop3A_173 to %parallel_loop3A_174 step %parallel_loop3A_175  : i32 {
        %parallel_loop3A_411 = arith.constant 8 : i32
        %parallel_loop3A_412 = arith.constant 0 : i32
        %parallel_loop3A_413 = arith.cmpi eq, %parallel_loop3A_411, %parallel_loop3A_412 : i32
        %parallel_loop3A_414 = arith.constant 1 : i32
        %parallel_loop3A_415 = arith.select %parallel_loop3A_413, %parallel_loop3A_414, %parallel_loop3A_411 : i32
        %parallel_loop3A_416 = arith.remsi %parallel_loop3A_410, %parallel_loop3A_415 : i32
        %parallel_loop3A_417 = arith.constant 0 : i32
        %parallel_loop3A_418 = arith.cmpi ne, %parallel_loop3A_416, %parallel_loop3A_417 : i32
        %parallel_loop3A_419 = arith.constant 0 : i32
        %parallel_loop3A_420 = arith.cmpi slt, %parallel_loop3A_416, %parallel_loop3A_419 : i32
        %parallel_loop3A_421 = arith.constant 0 : i32
        %parallel_loop3A_422 = arith.cmpi slt, %parallel_loop3A_415, %parallel_loop3A_421 : i32
        %parallel_loop3A_423 = arith.xori %parallel_loop3A_420, %parallel_loop3A_422 : i1
        %parallel_loop3A_424 = arith.andi %parallel_loop3A_423, %parallel_loop3A_418 : i1
        %parallel_loop3A_425 = arith.addi %parallel_loop3A_416, %parallel_loop3A_415 : i32
        %parallel_loop3A_426 = arith.select %parallel_loop3A_424, %parallel_loop3A_425, %parallel_loop3A_416 : i32
        %parallel_loop3A_427 = arith.constant 16 : i32
        %parallel_loop3A_428 = arith.muli %parallel_loop3A_426, %parallel_loop3A_427 : i32
        %parallel_loop3A_429 = arith.constant 8 : i32
        %parallel_loop3A_430 = arith.divsi %parallel_loop3A_410, %parallel_loop3A_429 : i32
        %parallel_loop3A_431 = arith.constant 0 : i32
        %parallel_loop3A_432 = arith.cmpi sgt, %parallel_loop3A_410, %parallel_loop3A_431 : i32
        %parallel_loop3A_433 = arith.extui %parallel_loop3A_432 : i1 to i32
        %parallel_loop3A_434 = arith.constant 0 : i32
        %parallel_loop3A_435 = arith.cmpi slt, %parallel_loop3A_410, %parallel_loop3A_434 : i32
        %parallel_loop3A_436 = arith.extui %parallel_loop3A_435 : i1 to i32
        %parallel_loop3A_437 = arith.subi %parallel_loop3A_433, %parallel_loop3A_436 : i32
        %parallel_loop3A_438 = arith.constant 0 : i32
        %parallel_loop3A_439 = arith.cmpi sgt, %parallel_loop3A_429, %parallel_loop3A_438 : i32
        %parallel_loop3A_440 = arith.extui %parallel_loop3A_439 : i1 to i32
        %parallel_loop3A_441 = arith.constant 0 : i32
        %parallel_loop3A_442 = arith.cmpi slt, %parallel_loop3A_429, %parallel_loop3A_441 : i32
        %parallel_loop3A_443 = arith.extui %parallel_loop3A_442 : i1 to i32
        %parallel_loop3A_444 = arith.subi %parallel_loop3A_440, %parallel_loop3A_443 : i32
        %parallel_loop3A_445 = arith.cmpi ne, %parallel_loop3A_437, %parallel_loop3A_444 : i32
        %parallel_loop3A_446 = arith.remsi %parallel_loop3A_410, %parallel_loop3A_429 : i32
        %parallel_loop3A_447 = arith.constant 0 : i32
        %parallel_loop3A_448 = arith.cmpi ne, %parallel_loop3A_446, %parallel_loop3A_447 : i32
        %parallel_loop3A_449 = arith.andi %parallel_loop3A_445, %parallel_loop3A_448 : i1
        %parallel_loop3A_450 = arith.constant 1 : i32
        %parallel_loop3A_451 = arith.subi %parallel_loop3A_430, %parallel_loop3A_450 : i32
        %parallel_loop3A_452 = arith.select %parallel_loop3A_449, %parallel_loop3A_451, %parallel_loop3A_430 : i32
        %parallel_loop3A_453 = arith.constant 16 : i32
        %parallel_loop3A_454 = arith.muli %parallel_loop3A_452, %parallel_loop3A_453 : i32
        %parallel_loop3A_455 = vector.broadcast %parallel_loop3A_428 : i32 to vector<16xi32>
        %parallel_loop3A_456 = arith.addi %parallel_loop3A_455, %iota3A : vector<16xi32>
        %parallel_loop3A_457 = vector.broadcast %parallel_loop3A_454 : i32 to vector<16xi32>
        %parallel_loop3A_458 = arith.addi %parallel_loop3A_457, %and3A_172 : vector<16xi32>
        %parallel_loop3A_459 = tpu.vector_load_idx %arg6[%parallel_loop3A_456, %parallel_loop3A_458] : memref<128x64xf32, #tpu.memory_space<vmem>>[vector<16xi32>, vector<16xi32>], vector<16xf32>,
        %parallel_loop3A_460 = arith.constant 3 : i32
        %parallel_loop3A_461 = vector.broadcast %parallel_loop3A_460 : i32 to vector<16xi32>
        %parallel_loop3A_462 = arith.shrui %parallel_loop3A_458, %parallel_loop3A_461 : vector<16xi32>
        %parallel_loop3A_463 = arith.constant 7 : i32
        %parallel_loop3A_464 = vector.broadcast %parallel_loop3A_463 : i32 to vector<16xi32>
        %parallel_loop3A_465 = arith.andi %parallel_loop3A_458, %parallel_loop3A_464 : vector<16xi32>
        tpu.vector_store_idx %arg8[%parallel_loop3A_462, %parallel_loop3A_465, %parallel_loop3A_456], %parallel_loop3A_459 : memref<8x8x128xf32, #tpu.memory_space<vmem>>[vector<16xi32>, vector<16xi32>, vector<16xi32>], vector<16xf32>,
      } {sc.loop_unroll_factor = 4 : i64, sc.parallel_access}
      %add3A_176 = arith.constant 12 : i32
      %add3A_177 = vector.broadcast %add3A_176 : i32 to vector<16xi32>
      %add3A_178 = arith.addi %iota3A, %add3A_177 : vector<16xi32>
      %and3A_179 = arith.constant 15 : i32
      %and3A_180 = vector.broadcast %and3A_179 : i32 to vector<16xi32>
      %and3A_181 = arith.andi %add3A_178, %and3A_180 : vector<16xi32>
      %parallel_loop3A_182 = arith.constant 0 : i32
      %parallel_loop3A_183 = arith.constant 32 : i32
      %parallel_loop3A_184 = arith.constant 1 : i32
      scf.for %parallel_loop3A_410 = %parallel_loop3A_182 to %parallel_loop3A_183 step %parallel_loop3A_184  : i32 {
        %parallel_loop3A_411 = arith.constant 8 : i32
        %parallel_loop3A_412 = arith.constant 0 : i32
        %parallel_loop3A_413 = arith.cmpi eq, %parallel_loop3A_411, %parallel_loop3A_412 : i32
        %parallel_loop3A_414 = arith.constant 1 : i32
        %parallel_loop3A_415 = arith.select %parallel_loop3A_413, %parallel_loop3A_414, %parallel_loop3A_411 : i32
        %parallel_loop3A_416 = arith.remsi %parallel_loop3A_410, %parallel_loop3A_415 : i32
        %parallel_loop3A_417 = arith.constant 0 : i32
        %parallel_loop3A_418 = arith.cmpi ne, %parallel_loop3A_416, %parallel_loop3A_417 : i32
        %parallel_loop3A_419 = arith.constant 0 : i32
        %parallel_loop3A_420 = arith.cmpi slt, %parallel_loop3A_416, %parallel_loop3A_419 : i32
        %parallel_loop3A_421 = arith.constant 0 : i32
        %parallel_loop3A_422 = arith.cmpi slt, %parallel_loop3A_415, %parallel_loop3A_421 : i32
        %parallel_loop3A_423 = arith.xori %parallel_loop3A_420, %parallel_loop3A_422 : i1
        %parallel_loop3A_424 = arith.andi %parallel_loop3A_423, %parallel_loop3A_418 : i1
        %parallel_loop3A_425 = arith.addi %parallel_loop3A_416, %parallel_loop3A_415 : i32
        %parallel_loop3A_426 = arith.select %parallel_loop3A_424, %parallel_loop3A_425, %parallel_loop3A_416 : i32
        %parallel_loop3A_427 = arith.constant 16 : i32
        %parallel_loop3A_428 = arith.muli %parallel_loop3A_426, %parallel_loop3A_427 : i32
        %parallel_loop3A_429 = arith.constant 8 : i32
        %parallel_loop3A_430 = arith.divsi %parallel_loop3A_410, %parallel_loop3A_429 : i32
        %parallel_loop3A_431 = arith.constant 0 : i32
        %parallel_loop3A_432 = arith.cmpi sgt, %parallel_loop3A_410, %parallel_loop3A_431 : i32
        %parallel_loop3A_433 = arith.extui %parallel_loop3A_432 : i1 to i32
        %parallel_loop3A_434 = arith.constant 0 : i32
        %parallel_loop3A_435 = arith.cmpi slt, %parallel_loop3A_410, %parallel_loop3A_434 : i32
        %parallel_loop3A_436 = arith.extui %parallel_loop3A_435 : i1 to i32
        %parallel_loop3A_437 = arith.subi %parallel_loop3A_433, %parallel_loop3A_436 : i32
        %parallel_loop3A_438 = arith.constant 0 : i32
        %parallel_loop3A_439 = arith.cmpi sgt, %parallel_loop3A_429, %parallel_loop3A_438 : i32
        %parallel_loop3A_440 = arith.extui %parallel_loop3A_439 : i1 to i32
        %parallel_loop3A_441 = arith.constant 0 : i32
        %parallel_loop3A_442 = arith.cmpi slt, %parallel_loop3A_429, %parallel_loop3A_441 : i32
        %parallel_loop3A_443 = arith.extui %parallel_loop3A_442 : i1 to i32
        %parallel_loop3A_444 = arith.subi %parallel_loop3A_440, %parallel_loop3A_443 : i32
        %parallel_loop3A_445 = arith.cmpi ne, %parallel_loop3A_437, %parallel_loop3A_444 : i32
        %parallel_loop3A_446 = arith.remsi %parallel_loop3A_410, %parallel_loop3A_429 : i32
        %parallel_loop3A_447 = arith.constant 0 : i32
        %parallel_loop3A_448 = arith.cmpi ne, %parallel_loop3A_446, %parallel_loop3A_447 : i32
        %parallel_loop3A_449 = arith.andi %parallel_loop3A_445, %parallel_loop3A_448 : i1
        %parallel_loop3A_450 = arith.constant 1 : i32
        %parallel_loop3A_451 = arith.subi %parallel_loop3A_430, %parallel_loop3A_450 : i32
        %parallel_loop3A_452 = arith.select %parallel_loop3A_449, %parallel_loop3A_451, %parallel_loop3A_430 : i32
        %parallel_loop3A_453 = arith.constant 16 : i32
        %parallel_loop3A_454 = arith.muli %parallel_loop3A_452, %parallel_loop3A_453 : i32
        %parallel_loop3A_455 = vector.broadcast %parallel_loop3A_428 : i32 to vector<16xi32>
        %parallel_loop3A_456 = arith.addi %parallel_loop3A_455, %iota3A : vector<16xi32>
        %parallel_loop3A_457 = vector.broadcast %parallel_loop3A_454 : i32 to vector<16xi32>
        %parallel_loop3A_458 = arith.addi %parallel_loop3A_457, %and3A_181 : vector<16xi32>
        %parallel_loop3A_459 = tpu.vector_load_idx %arg6[%parallel_loop3A_456, %parallel_loop3A_458] : memref<128x64xf32, #tpu.memory_space<vmem>>[vector<16xi32>, vector<16xi32>], vector<16xf32>,
        %parallel_loop3A_460 = arith.constant 3 : i32
        %parallel_loop3A_461 = vector.broadcast %parallel_loop3A_460 : i32 to vector<16xi32>
        %parallel_loop3A_462 = arith.shrui %parallel_loop3A_458, %parallel_loop3A_461 : vector<16xi32>
        %parallel_loop3A_463 = arith.constant 7 : i32
        %parallel_loop3A_464 = vector.broadcast %parallel_loop3A_463 : i32 to vector<16xi32>
        %parallel_loop3A_465 = arith.andi %parallel_loop3A_458, %parallel_loop3A_464 : vector<16xi32>
        tpu.vector_store_idx %arg8[%parallel_loop3A_462, %parallel_loop3A_465, %parallel_loop3A_456], %parallel_loop3A_459 : memref<8x8x128xf32, #tpu.memory_space<vmem>>[vector<16xi32>, vector<16xi32>, vector<16xi32>], vector<16xf32>,
      } {sc.loop_unroll_factor = 4 : i64, sc.parallel_access}
      %add3A_185 = arith.constant 13 : i32
      %add3A_186 = vector.broadcast %add3A_185 : i32 to vector<16xi32>
      %add3A_187 = arith.addi %iota3A, %add3A_186 : vector<16xi32>
      %and3A_188 = arith.constant 15 : i32
      %and3A_189 = vector.broadcast %and3A_188 : i32 to vector<16xi32>
      %and3A_190 = arith.andi %add3A_187, %and3A_189 : vector<16xi32>
      %parallel_loop3A_191 = arith.constant 0 : i32
      %parallel_loop3A_192 = arith.constant 32 : i32
      %parallel_loop3A_193 = arith.constant 1 : i32
      scf.for %parallel_loop3A_410 = %parallel_loop3A_191 to %parallel_loop3A_192 step %parallel_loop3A_193  : i32 {
        %parallel_loop3A_411 = arith.constant 8 : i32
        %parallel_loop3A_412 = arith.constant 0 : i32
        %parallel_loop3A_413 = arith.cmpi eq, %parallel_loop3A_411, %parallel_loop3A_412 : i32
        %parallel_loop3A_414 = arith.constant 1 : i32
        %parallel_loop3A_415 = arith.select %parallel_loop3A_413, %parallel_loop3A_414, %parallel_loop3A_411 : i32
        %parallel_loop3A_416 = arith.remsi %parallel_loop3A_410, %parallel_loop3A_415 : i32
        %parallel_loop3A_417 = arith.constant 0 : i32
        %parallel_loop3A_418 = arith.cmpi ne, %parallel_loop3A_416, %parallel_loop3A_417 : i32
        %parallel_loop3A_419 = arith.constant 0 : i32
        %parallel_loop3A_420 = arith.cmpi slt, %parallel_loop3A_416, %parallel_loop3A_419 : i32
        %parallel_loop3A_421 = arith.constant 0 : i32
        %parallel_loop3A_422 = arith.cmpi slt, %parallel_loop3A_415, %parallel_loop3A_421 : i32
        %parallel_loop3A_423 = arith.xori %parallel_loop3A_420, %parallel_loop3A_422 : i1
        %parallel_loop3A_424 = arith.andi %parallel_loop3A_423, %parallel_loop3A_418 : i1
        %parallel_loop3A_425 = arith.addi %parallel_loop3A_416, %parallel_loop3A_415 : i32
        %parallel_loop3A_426 = arith.select %parallel_loop3A_424, %parallel_loop3A_425, %parallel_loop3A_416 : i32
        %parallel_loop3A_427 = arith.constant 16 : i32
        %parallel_loop3A_428 = arith.muli %parallel_loop3A_426, %parallel_loop3A_427 : i32
        %parallel_loop3A_429 = arith.constant 8 : i32
        %parallel_loop3A_430 = arith.divsi %parallel_loop3A_410, %parallel_loop3A_429 : i32
        %parallel_loop3A_431 = arith.constant 0 : i32
        %parallel_loop3A_432 = arith.cmpi sgt, %parallel_loop3A_410, %parallel_loop3A_431 : i32
        %parallel_loop3A_433 = arith.extui %parallel_loop3A_432 : i1 to i32
        %parallel_loop3A_434 = arith.constant 0 : i32
        %parallel_loop3A_435 = arith.cmpi slt, %parallel_loop3A_410, %parallel_loop3A_434 : i32
        %parallel_loop3A_436 = arith.extui %parallel_loop3A_435 : i1 to i32
        %parallel_loop3A_437 = arith.subi %parallel_loop3A_433, %parallel_loop3A_436 : i32
        %parallel_loop3A_438 = arith.constant 0 : i32
        %parallel_loop3A_439 = arith.cmpi sgt, %parallel_loop3A_429, %parallel_loop3A_438 : i32
        %parallel_loop3A_440 = arith.extui %parallel_loop3A_439 : i1 to i32
        %parallel_loop3A_441 = arith.constant 0 : i32
        %parallel_loop3A_442 = arith.cmpi slt, %parallel_loop3A_429, %parallel_loop3A_441 : i32
        %parallel_loop3A_443 = arith.extui %parallel_loop3A_442 : i1 to i32
        %parallel_loop3A_444 = arith.subi %parallel_loop3A_440, %parallel_loop3A_443 : i32
        %parallel_loop3A_445 = arith.cmpi ne, %parallel_loop3A_437, %parallel_loop3A_444 : i32
        %parallel_loop3A_446 = arith.remsi %parallel_loop3A_410, %parallel_loop3A_429 : i32
        %parallel_loop3A_447 = arith.constant 0 : i32
        %parallel_loop3A_448 = arith.cmpi ne, %parallel_loop3A_446, %parallel_loop3A_447 : i32
        %parallel_loop3A_449 = arith.andi %parallel_loop3A_445, %parallel_loop3A_448 : i1
        %parallel_loop3A_450 = arith.constant 1 : i32
        %parallel_loop3A_451 = arith.subi %parallel_loop3A_430, %parallel_loop3A_450 : i32
        %parallel_loop3A_452 = arith.select %parallel_loop3A_449, %parallel_loop3A_451, %parallel_loop3A_430 : i32
        %parallel_loop3A_453 = arith.constant 16 : i32
        %parallel_loop3A_454 = arith.muli %parallel_loop3A_452, %parallel_loop3A_453 : i32
        %parallel_loop3A_455 = vector.broadcast %parallel_loop3A_428 : i32 to vector<16xi32>
        %parallel_loop3A_456 = arith.addi %parallel_loop3A_455, %iota3A : vector<16xi32>
        %parallel_loop3A_457 = vector.broadcast %parallel_loop3A_454 : i32 to vector<16xi32>
        %parallel_loop3A_458 = arith.addi %parallel_loop3A_457, %and3A_190 : vector<16xi32>
        %parallel_loop3A_459 = tpu.vector_load_idx %arg6[%parallel_loop3A_456, %parallel_loop3A_458] : memref<128x64xf32, #tpu.memory_space<vmem>>[vector<16xi32>, vector<16xi32>], vector<16xf32>,
        %parallel_loop3A_460 = arith.constant 3 : i32
        %parallel_loop3A_461 = vector.broadcast %parallel_loop3A_460 : i32 to vector<16xi32>
        %parallel_loop3A_462 = arith.shrui %parallel_loop3A_458, %parallel_loop3A_461 : vector<16xi32>
        %parallel_loop3A_463 = arith.constant 7 : i32
        %parallel_loop3A_464 = vector.broadcast %parallel_loop3A_463 : i32 to vector<16xi32>
        %parallel_loop3A_465 = arith.andi %parallel_loop3A_458, %parallel_loop3A_464 : vector<16xi32>
        tpu.vector_store_idx %arg8[%parallel_loop3A_462, %parallel_loop3A_465, %parallel_loop3A_456], %parallel_loop3A_459 : memref<8x8x128xf32, #tpu.memory_space<vmem>>[vector<16xi32>, vector<16xi32>, vector<16xi32>], vector<16xf32>,
      } {sc.loop_unroll_factor = 4 : i64, sc.parallel_access}
      %add3A_194 = arith.constant 14 : i32
      %add3A_195 = vector.broadcast %add3A_194 : i32 to vector<16xi32>
      %add3A_196 = arith.addi %iota3A, %add3A_195 : vector<16xi32>
      %and3A_197 = arith.constant 15 : i32
      %and3A_198 = vector.broadcast %and3A_197 : i32 to vector<16xi32>
      %and3A_199 = arith.andi %add3A_196, %and3A_198 : vector<16xi32>
      %parallel_loop3A_200 = arith.constant 0 : i32
      %parallel_loop3A_201 = arith.constant 32 : i32
      %parallel_loop3A_202 = arith.constant 1 : i32
      scf.for %parallel_loop3A_410 = %parallel_loop3A_200 to %parallel_loop3A_201 step %parallel_loop3A_202  : i32 {
        %parallel_loop3A_411 = arith.constant 8 : i32
        %parallel_loop3A_412 = arith.constant 0 : i32
        %parallel_loop3A_413 = arith.cmpi eq, %parallel_loop3A_411, %parallel_loop3A_412 : i32
        %parallel_loop3A_414 = arith.constant 1 : i32
        %parallel_loop3A_415 = arith.select %parallel_loop3A_413, %parallel_loop3A_414, %parallel_loop3A_411 : i32
        %parallel_loop3A_416 = arith.remsi %parallel_loop3A_410, %parallel_loop3A_415 : i32
        %parallel_loop3A_417 = arith.constant 0 : i32
        %parallel_loop3A_418 = arith.cmpi ne, %parallel_loop3A_416, %parallel_loop3A_417 : i32
        %parallel_loop3A_419 = arith.constant 0 : i32
        %parallel_loop3A_420 = arith.cmpi slt, %parallel_loop3A_416, %parallel_loop3A_419 : i32
        %parallel_loop3A_421 = arith.constant 0 : i32
        %parallel_loop3A_422 = arith.cmpi slt, %parallel_loop3A_415, %parallel_loop3A_421 : i32
        %parallel_loop3A_423 = arith.xori %parallel_loop3A_420, %parallel_loop3A_422 : i1
        %parallel_loop3A_424 = arith.andi %parallel_loop3A_423, %parallel_loop3A_418 : i1
        %parallel_loop3A_425 = arith.addi %parallel_loop3A_416, %parallel_loop3A_415 : i32
        %parallel_loop3A_426 = arith.select %parallel_loop3A_424, %parallel_loop3A_425, %parallel_loop3A_416 : i32
        %parallel_loop3A_427 = arith.constant 16 : i32
        %parallel_loop3A_428 = arith.muli %parallel_loop3A_426, %parallel_loop3A_427 : i32
        %parallel_loop3A_429 = arith.constant 8 : i32
        %parallel_loop3A_430 = arith.divsi %parallel_loop3A_410, %parallel_loop3A_429 : i32
        %parallel_loop3A_431 = arith.constant 0 : i32
        %parallel_loop3A_432 = arith.cmpi sgt, %parallel_loop3A_410, %parallel_loop3A_431 : i32
        %parallel_loop3A_433 = arith.extui %parallel_loop3A_432 : i1 to i32
        %parallel_loop3A_434 = arith.constant 0 : i32
        %parallel_loop3A_435 = arith.cmpi slt, %parallel_loop3A_410, %parallel_loop3A_434 : i32
        %parallel_loop3A_436 = arith.extui %parallel_loop3A_435 : i1 to i32
        %parallel_loop3A_437 = arith.subi %parallel_loop3A_433, %parallel_loop3A_436 : i32
        %parallel_loop3A_438 = arith.constant 0 : i32
        %parallel_loop3A_439 = arith.cmpi sgt, %parallel_loop3A_429, %parallel_loop3A_438 : i32
        %parallel_loop3A_440 = arith.extui %parallel_loop3A_439 : i1 to i32
        %parallel_loop3A_441 = arith.constant 0 : i32
        %parallel_loop3A_442 = arith.cmpi slt, %parallel_loop3A_429, %parallel_loop3A_441 : i32
        %parallel_loop3A_443 = arith.extui %parallel_loop3A_442 : i1 to i32
        %parallel_loop3A_444 = arith.subi %parallel_loop3A_440, %parallel_loop3A_443 : i32
        %parallel_loop3A_445 = arith.cmpi ne, %parallel_loop3A_437, %parallel_loop3A_444 : i32
        %parallel_loop3A_446 = arith.remsi %parallel_loop3A_410, %parallel_loop3A_429 : i32
        %parallel_loop3A_447 = arith.constant 0 : i32
        %parallel_loop3A_448 = arith.cmpi ne, %parallel_loop3A_446, %parallel_loop3A_447 : i32
        %parallel_loop3A_449 = arith.andi %parallel_loop3A_445, %parallel_loop3A_448 : i1
        %parallel_loop3A_450 = arith.constant 1 : i32
        %parallel_loop3A_451 = arith.subi %parallel_loop3A_430, %parallel_loop3A_450 : i32
        %parallel_loop3A_452 = arith.select %parallel_loop3A_449, %parallel_loop3A_451, %parallel_loop3A_430 : i32
        %parallel_loop3A_453 = arith.constant 16 : i32
        %parallel_loop3A_454 = arith.muli %parallel_loop3A_452, %parallel_loop3A_453 : i32
        %parallel_loop3A_455 = vector.broadcast %parallel_loop3A_428 : i32 to vector<16xi32>
        %parallel_loop3A_456 = arith.addi %parallel_loop3A_455, %iota3A : vector<16xi32>
        %parallel_loop3A_457 = vector.broadcast %parallel_loop3A_454 : i32 to vector<16xi32>
        %parallel_loop3A_458 = arith.addi %parallel_loop3A_457, %and3A_199 : vector<16xi32>
        %parallel_loop3A_459 = tpu.vector_load_idx %arg6[%parallel_loop3A_456, %parallel_loop3A_458] : memref<128x64xf32, #tpu.memory_space<vmem>>[vector<16xi32>, vector<16xi32>], vector<16xf32>,
        %parallel_loop3A_460 = arith.constant 3 : i32
        %parallel_loop3A_461 = vector.broadcast %parallel_loop3A_460 : i32 to vector<16xi32>
        %parallel_loop3A_462 = arith.shrui %parallel_loop3A_458, %parallel_loop3A_461 : vector<16xi32>
        %parallel_loop3A_463 = arith.constant 7 : i32
        %parallel_loop3A_464 = vector.broadcast %parallel_loop3A_463 : i32 to vector<16xi32>
        %parallel_loop3A_465 = arith.andi %parallel_loop3A_458, %parallel_loop3A_464 : vector<16xi32>
        tpu.vector_store_idx %arg8[%parallel_loop3A_462, %parallel_loop3A_465, %parallel_loop3A_456], %parallel_loop3A_459 : memref<8x8x128xf32, #tpu.memory_space<vmem>>[vector<16xi32>, vector<16xi32>, vector<16xi32>], vector<16xf32>,
      } {sc.loop_unroll_factor = 4 : i64, sc.parallel_access}
      %add3A_203 = arith.constant 15 : i32
      %add3A_204 = vector.broadcast %add3A_203 : i32 to vector<16xi32>
      %add3A_205 = arith.addi %iota3A, %add3A_204 : vector<16xi32>
      %and3A_206 = arith.constant 15 : i32
      %and3A_207 = vector.broadcast %and3A_206 : i32 to vector<16xi32>
      %and3A_208 = arith.andi %add3A_205, %and3A_207 : vector<16xi32>
      %parallel_loop3A_209 = arith.constant 0 : i32
      %parallel_loop3A_210 = arith.constant 32 : i32
      %parallel_loop3A_211 = arith.constant 1 : i32
      scf.for %parallel_loop3A_410 = %parallel_loop3A_209 to %parallel_loop3A_210 step %parallel_loop3A_211  : i32 {
        %parallel_loop3A_411 = arith.constant 8 : i32
        %parallel_loop3A_412 = arith.constant 0 : i32
        %parallel_loop3A_413 = arith.cmpi eq, %parallel_loop3A_411, %parallel_loop3A_412 : i32
        %parallel_loop3A_414 = arith.constant 1 : i32
        %parallel_loop3A_415 = arith.select %parallel_loop3A_413, %parallel_loop3A_414, %parallel_loop3A_411 : i32
        %parallel_loop3A_416 = arith.remsi %parallel_loop3A_410, %parallel_loop3A_415 : i32
        %parallel_loop3A_417 = arith.constant 0 : i32
        %parallel_loop3A_418 = arith.cmpi ne, %parallel_loop3A_416, %parallel_loop3A_417 : i32
        %parallel_loop3A_419 = arith.constant 0 : i32
        %parallel_loop3A_420 = arith.cmpi slt, %parallel_loop3A_416, %parallel_loop3A_419 : i32
        %parallel_loop3A_421 = arith.constant 0 : i32
        %parallel_loop3A_422 = arith.cmpi slt, %parallel_loop3A_415, %parallel_loop3A_421 : i32
        %parallel_loop3A_423 = arith.xori %parallel_loop3A_420, %parallel_loop3A_422 : i1
        %parallel_loop3A_424 = arith.andi %parallel_loop3A_423, %parallel_loop3A_418 : i1
        %parallel_loop3A_425 = arith.addi %parallel_loop3A_416, %parallel_loop3A_415 : i32
        %parallel_loop3A_426 = arith.select %parallel_loop3A_424, %parallel_loop3A_425, %parallel_loop3A_416 : i32
        %parallel_loop3A_427 = arith.constant 16 : i32
        %parallel_loop3A_428 = arith.muli %parallel_loop3A_426, %parallel_loop3A_427 : i32
        %parallel_loop3A_429 = arith.constant 8 : i32
        %parallel_loop3A_430 = arith.divsi %parallel_loop3A_410, %parallel_loop3A_429 : i32
        %parallel_loop3A_431 = arith.constant 0 : i32
        %parallel_loop3A_432 = arith.cmpi sgt, %parallel_loop3A_410, %parallel_loop3A_431 : i32
        %parallel_loop3A_433 = arith.extui %parallel_loop3A_432 : i1 to i32
        %parallel_loop3A_434 = arith.constant 0 : i32
        %parallel_loop3A_435 = arith.cmpi slt, %parallel_loop3A_410, %parallel_loop3A_434 : i32
        %parallel_loop3A_436 = arith.extui %parallel_loop3A_435 : i1 to i32
        %parallel_loop3A_437 = arith.subi %parallel_loop3A_433, %parallel_loop3A_436 : i32
        %parallel_loop3A_438 = arith.constant 0 : i32
        %parallel_loop3A_439 = arith.cmpi sgt, %parallel_loop3A_429, %parallel_loop3A_438 : i32
        %parallel_loop3A_440 = arith.extui %parallel_loop3A_439 : i1 to i32
        %parallel_loop3A_441 = arith.constant 0 : i32
        %parallel_loop3A_442 = arith.cmpi slt, %parallel_loop3A_429, %parallel_loop3A_441 : i32
        %parallel_loop3A_443 = arith.extui %parallel_loop3A_442 : i1 to i32
        %parallel_loop3A_444 = arith.subi %parallel_loop3A_440, %parallel_loop3A_443 : i32
        %parallel_loop3A_445 = arith.cmpi ne, %parallel_loop3A_437, %parallel_loop3A_444 : i32
        %parallel_loop3A_446 = arith.remsi %parallel_loop3A_410, %parallel_loop3A_429 : i32
        %parallel_loop3A_447 = arith.constant 0 : i32
        %parallel_loop3A_448 = arith.cmpi ne, %parallel_loop3A_446, %parallel_loop3A_447 : i32
        %parallel_loop3A_449 = arith.andi %parallel_loop3A_445, %parallel_loop3A_448 : i1
        %parallel_loop3A_450 = arith.constant 1 : i32
        %parallel_loop3A_451 = arith.subi %parallel_loop3A_430, %parallel_loop3A_450 : i32
        %parallel_loop3A_452 = arith.select %parallel_loop3A_449, %parallel_loop3A_451, %parallel_loop3A_430 : i32
        %parallel_loop3A_453 = arith.constant 16 : i32
        %parallel_loop3A_454 = arith.muli %parallel_loop3A_452, %parallel_loop3A_453 : i32
        %parallel_loop3A_455 = vector.broadcast %parallel_loop3A_428 : i32 to vector<16xi32>
        %parallel_loop3A_456 = arith.addi %parallel_loop3A_455, %iota3A : vector<16xi32>
        %parallel_loop3A_457 = vector.broadcast %parallel_loop3A_454 : i32 to vector<16xi32>
        %parallel_loop3A_458 = arith.addi %parallel_loop3A_457, %and3A_208 : vector<16xi32>
        %parallel_loop3A_459 = tpu.vector_load_idx %arg6[%parallel_loop3A_456, %parallel_loop3A_458] : memref<128x64xf32, #tpu.memory_space<vmem>>[vector<16xi32>, vector<16xi32>], vector<16xf32>,
        %parallel_loop3A_460 = arith.constant 3 : i32
        %parallel_loop3A_461 = vector.broadcast %parallel_loop3A_460 : i32 to vector<16xi32>
        %parallel_loop3A_462 = arith.shrui %parallel_loop3A_458, %parallel_loop3A_461 : vector<16xi32>
        %parallel_loop3A_463 = arith.constant 7 : i32
        %parallel_loop3A_464 = vector.broadcast %parallel_loop3A_463 : i32 to vector<16xi32>
        %parallel_loop3A_465 = arith.andi %parallel_loop3A_458, %parallel_loop3A_464 : vector<16xi32>
        tpu.vector_store_idx %arg8[%parallel_loop3A_462, %parallel_loop3A_465, %parallel_loop3A_456], %parallel_loop3A_459 : memref<8x8x128xf32, #tpu.memory_space<vmem>>[vector<16xi32>, vector<16xi32>, vector<16xi32>], vector<16xf32>,
      } {sc.loop_unroll_factor = 4 : i64, sc.parallel_access}
      %dma_start3A_212 = arith.constant 0 : i32
      %dma_start3A_213 = arith.constant 0 : i32
      %dma_start3A_214 = arith.constant 0 : i32
      %dma_start3A_215 = tpu.memref_slice %arg4[%add3A_57, %dma_start3A_212, %add3A, %dma_start3A_213, %dma_start3A_214] : memref<50x8x32x8x128xf32, #tpu.memory_space<hbm>> -> memref<1x8x1x8x128xf32, #tpu.memory_space<hbm>>
      %dma_start3A_216 = tpu.memref_squeeze %dma_start3A_215 : memref<1x8x1x8x128xf32, #tpu.memory_space<hbm>> -> memref<8x8x128xf32, #tpu.memory_space<hbm>>
      %dma_start3A_217 = arith.constant 0 : i32
      %dma_start3A_218 = arith.constant 0 : i32
      %dma_start3A_219 = arith.constant 0 : i32
      %dma_start3A_220 = tpu.memref_slice %arg4[%add3A_57, %dma_start3A_217, %add3A, %dma_start3A_218, %dma_start3A_219] : memref<50x8x32x8x128xf32, #tpu.memory_space<hbm>> -> memref<1x8x1x8x128xf32, #tpu.memory_space<hbm>>
      %dma_start3A_221 = tpu.memref_squeeze %dma_start3A_220 : memref<1x8x1x8x128xf32, #tpu.memory_space<hbm>> -> memref<8x8x128xf32, #tpu.memory_space<hbm>>
      tpu.enqueue_dma source(%arg8 : memref<8x8x128xf32, #tpu.memory_space<vmem>>) target(%dma_start3A_221 : memref<8x8x128xf32, #tpu.memory_space<hbm>>) target_semaphore(%arg12 : memref<!tpu.dma_semaphore, #tpu.memory_space<semaphore_mem>>)
      %add3A_222 = arith.constant 2 : i32
      %add3A_223 = arith.addi %add3A_57, %add3A_222 : i32
      %lt3A = arith.constant 50 : i32
      %lt3A_224 = arith.cmpi slt, %add3A_223, %lt3A : i32
      %convert_element_type3A_225 = arith.extui %lt3A_224 : i1 to i32
      %cond3A_226 = arith.constant 0 : i32
      %cond3A_227 = arith.cmpi ne, %convert_element_type3A_225, %cond3A_226 : i32
      scf.if %cond3A_227 {
        %add3A_410 = arith.constant 2 : i32
        %add3A_411 = arith.addi %add3A_57, %add3A_410 : i32
        %dma_start3A_412 = arith.constant 0 : i32
        %dma_start3A_413 = arith.constant 0 : i32
        %dma_start3A_414 = tpu.memref_slice %arg5[%scan3A, %dma_start3A_412, %dma_start3A_413] : memref<1x50x128xi32, #tpu.memory_space<vmem>> -> memref<1x50x128xi32, #tpu.memory_space<vmem>>
        %dma_start3A_415 = tpu.memref_squeeze %dma_start3A_414 : memref<1x50x128xi32, #tpu.memory_space<vmem>> -> memref<50x128xi32, #tpu.memory_space<vmem>>
        %dma_start3A_416 = arith.constant 0 : i32
        %dma_start3A_417 = tpu.memref_slice %dma_start3A_415[%add3A_411, %dma_start3A_416] : memref<50x128xi32, #tpu.memory_space<vmem>> -> memref<1x128xi32, #tpu.memory_space<vmem>>
        %dma_start3A_418 = tpu.memref_squeeze %dma_start3A_417 : memref<1x128xi32, #tpu.memory_space<vmem>> -> memref<128xi32, #tpu.memory_space<vmem>>
        %dma_start3A_419 = arith.constant 0 : i32
        %dma_start3A_420 = arith.constant 0 : i32
        %dma_start3A_421 = tpu.memref_slice %arg2[%dma_start3A_419, %dma_start3A_420] : memref<100000x64xf32, #tpu.memory_space<hbm>> -> memref<100000x64xf32, #tpu.memory_space<hbm>>
        tpu.enqueue_indirect_dma source(%dma_start3A_421 : memref<100000x64xf32, #tpu.memory_space<hbm>>) target(%arg6 : memref<128x64xf32, #tpu.memory_space<vmem>>) offsets(%dma_start3A_418 : memref<128xi32, #tpu.memory_space<vmem>>) semaphore(%arg10 : memref<!tpu.dma_semaphore, #tpu.memory_space<semaphore_mem>>)
      } else {
      }
      %mul3A_228 = arith.constant 2 : i32
      %mul3A_229 = arith.muli %scan3A_52, %mul3A_228 : i32
      %add3A_230 = arith.constant 1 : i32
      %add3A_231 = arith.addi %mul3A_229, %add3A_230 : i32
      %dma_wait3A_232 = arith.constant 0 : i32
      %dma_wait3A_233 = arith.constant 0 : i32
      %dma_wait3A_234 = tpu.memref_slice %arg5[%scan3A, %dma_wait3A_232, %dma_wait3A_233] : memref<1x50x128xi32, #tpu.memory_space<vmem>> -> memref<1x50x128xi32, #tpu.memory_space<vmem>>
      %dma_wait3A_235 = tpu.memref_squeeze %dma_wait3A_234 : memref<1x50x128xi32, #tpu.memory_space<vmem>> -> memref<50x128xi32, #tpu.memory_space<vmem>>
      %dma_wait3A_236 = arith.constant 0 : i32
      %dma_wait3A_237 = tpu.memref_slice %dma_wait3A_235[%add3A_231, %dma_wait3A_236] : memref<50x128xi32, #tpu.memory_space<vmem>> -> memref<1x128xi32, #tpu.memory_space<vmem>>
      %dma_wait3A_238 = tpu.memref_squeeze %dma_wait3A_237 : memref<1x128xi32, #tpu.memory_space<vmem>> -> memref<128xi32, #tpu.memory_space<vmem>>
      %dma_wait3A_239 = arith.constant 0 : i32
      %dma_wait3A_240 = arith.constant 0 : i32
      %dma_wait3A_241 = tpu.memref_slice %arg2[%dma_wait3A_239, %dma_wait3A_240] : memref<100000x64xf32, #tpu.memory_space<hbm>> -> memref<100000x64xf32, #tpu.memory_space<hbm>>
      tpu.wait_indirect_dma semaphore(%arg11 : memref<!tpu.dma_semaphore, #tpu.memory_space<semaphore_mem>>) src(%dma_wait3A_241 : memref<100000x64xf32, #tpu.memory_space<hbm>>) dst(%arg7 : memref<128x64xf32, #tpu.memory_space<vmem>>)
      %ge3A_242 = arith.constant 2 : i32
      %ge3A_243 = arith.cmpi sge, %add3A_231, %ge3A_242 : i32
      %convert_element_type3A_244 = arith.extui %ge3A_243 : i1 to i32
      %cond3A_245 = arith.constant 0 : i32
      %cond3A_246 = arith.cmpi ne, %convert_element_type3A_244, %cond3A_245 : i32
      scf.if %cond3A_246 {
        %sub3A = arith.constant 2 : i32
        %sub3A_410 = arith.subi %add3A_231, %sub3A : i32
        %dma_wait3A_411 = arith.constant 0 : i32
        %dma_wait3A_412 = arith.constant 0 : i32
        %dma_wait3A_413 = arith.constant 0 : i32
        %dma_wait3A_414 = tpu.memref_slice %arg4[%sub3A_410, %dma_wait3A_411, %add3A, %dma_wait3A_412, %dma_wait3A_413] : memref<50x8x32x8x128xf32, #tpu.memory_space<hbm>> -> memref<1x8x1x8x128xf32, #tpu.memory_space<hbm>>
        %dma_wait3A_415 = tpu.memref_squeeze %dma_wait3A_414 : memref<1x8x1x8x128xf32, #tpu.memory_space<hbm>> -> memref<8x8x128xf32, #tpu.memory_space<hbm>>
        %dma_wait3A_416 = arith.constant 0 : i32
        %dma_wait3A_417 = arith.constant 0 : i32
        %dma_wait3A_418 = arith.constant 0 : i32
        %dma_wait3A_419 = tpu.memref_slice %arg4[%sub3A_410, %dma_wait3A_416, %add3A, %dma_wait3A_417, %dma_wait3A_418] : memref<50x8x32x8x128xf32, #tpu.memory_space<hbm>> -> memref<1x8x1x8x128xf32, #tpu.memory_space<hbm>>
        %dma_wait3A_420 = tpu.memref_squeeze %dma_wait3A_419 : memref<1x8x1x8x128xf32, #tpu.memory_space<hbm>> -> memref<8x8x128xf32, #tpu.memory_space<hbm>>
        tpu.wait_dma2 semaphore(%arg13 : memref<!tpu.dma_semaphore, #tpu.memory_space<semaphore_mem>>) src(%arg9 : memref<8x8x128xf32, #tpu.memory_space<vmem>>) dst(%dma_wait3A_420 : memref<8x8x128xf32, #tpu.memory_space<hbm>>)
      } else {
      }
      %iota3A_247 = tpu.iota {dimensions = array<i32: 0>} : vector<16xi32>
      %add3A_248 = arith.constant 0 : i32
      %add3A_249 = vector.broadcast %add3A_248 : i32 to vector<16xi32>
      %add3A_250 = arith.addi %iota3A_247, %add3A_249 : vector<16xi32>
      %and3A_251 = arith.constant 15 : i32
      %and3A_252 = vector.broadcast %and3A_251 : i32 to vector<16xi32>
      %and3A_253 = arith.andi %add3A_250, %and3A_252 : vector<16xi32>
      %parallel_loop3A_254 = arith.constant 0 : i32
      %parallel_loop3A_255 = arith.constant 32 : i32
      %parallel_loop3A_256 = arith.constant 1 : i32
      scf.for %parallel_loop3A_410 = %parallel_loop3A_254 to %parallel_loop3A_255 step %parallel_loop3A_256  : i32 {
        %parallel_loop3A_411 = arith.constant 8 : i32
        %parallel_loop3A_412 = arith.constant 0 : i32
        %parallel_loop3A_413 = arith.cmpi eq, %parallel_loop3A_411, %parallel_loop3A_412 : i32
        %parallel_loop3A_414 = arith.constant 1 : i32
        %parallel_loop3A_415 = arith.select %parallel_loop3A_413, %parallel_loop3A_414, %parallel_loop3A_411 : i32
        %parallel_loop3A_416 = arith.remsi %parallel_loop3A_410, %parallel_loop3A_415 : i32
        %parallel_loop3A_417 = arith.constant 0 : i32
        %parallel_loop3A_418 = arith.cmpi ne, %parallel_loop3A_416, %parallel_loop3A_417 : i32
        %parallel_loop3A_419 = arith.constant 0 : i32
        %parallel_loop3A_420 = arith.cmpi slt, %parallel_loop3A_416, %parallel_loop3A_419 : i32
        %parallel_loop3A_421 = arith.constant 0 : i32
        %parallel_loop3A_422 = arith.cmpi slt, %parallel_loop3A_415, %parallel_loop3A_421 : i32
        %parallel_loop3A_423 = arith.xori %parallel_loop3A_420, %parallel_loop3A_422 : i1
        %parallel_loop3A_424 = arith.andi %parallel_loop3A_423, %parallel_loop3A_418 : i1
        %parallel_loop3A_425 = arith.addi %parallel_loop3A_416, %parallel_loop3A_415 : i32
        %parallel_loop3A_426 = arith.select %parallel_loop3A_424, %parallel_loop3A_425, %parallel_loop3A_416 : i32
        %parallel_loop3A_427 = arith.constant 16 : i32
        %parallel_loop3A_428 = arith.muli %parallel_loop3A_426, %parallel_loop3A_427 : i32
        %parallel_loop3A_429 = arith.constant 8 : i32
        %parallel_loop3A_430 = arith.divsi %parallel_loop3A_410, %parallel_loop3A_429 : i32
        %parallel_loop3A_431 = arith.constant 0 : i32
        %parallel_loop3A_432 = arith.cmpi sgt, %parallel_loop3A_410, %parallel_loop3A_431 : i32
        %parallel_loop3A_433 = arith.extui %parallel_loop3A_432 : i1 to i32
        %parallel_loop3A_434 = arith.constant 0 : i32
        %parallel_loop3A_435 = arith.cmpi slt, %parallel_loop3A_410, %parallel_loop3A_434 : i32
        %parallel_loop3A_436 = arith.extui %parallel_loop3A_435 : i1 to i32
        %parallel_loop3A_437 = arith.subi %parallel_loop3A_433, %parallel_loop3A_436 : i32
        %parallel_loop3A_438 = arith.constant 0 : i32
        %parallel_loop3A_439 = arith.cmpi sgt, %parallel_loop3A_429, %parallel_loop3A_438 : i32
        %parallel_loop3A_440 = arith.extui %parallel_loop3A_439 : i1 to i32
        %parallel_loop3A_441 = arith.constant 0 : i32
        %parallel_loop3A_442 = arith.cmpi slt, %parallel_loop3A_429, %parallel_loop3A_441 : i32
        %parallel_loop3A_443 = arith.extui %parallel_loop3A_442 : i1 to i32
        %parallel_loop3A_444 = arith.subi %parallel_loop3A_440, %parallel_loop3A_443 : i32
        %parallel_loop3A_445 = arith.cmpi ne, %parallel_loop3A_437, %parallel_loop3A_444 : i32
        %parallel_loop3A_446 = arith.remsi %parallel_loop3A_410, %parallel_loop3A_429 : i32
        %parallel_loop3A_447 = arith.constant 0 : i32
        %parallel_loop3A_448 = arith.cmpi ne, %parallel_loop3A_446, %parallel_loop3A_447 : i32
        %parallel_loop3A_449 = arith.andi %parallel_loop3A_445, %parallel_loop3A_448 : i1
        %parallel_loop3A_450 = arith.constant 1 : i32
        %parallel_loop3A_451 = arith.subi %parallel_loop3A_430, %parallel_loop3A_450 : i32
        %parallel_loop3A_452 = arith.select %parallel_loop3A_449, %parallel_loop3A_451, %parallel_loop3A_430 : i32
        %parallel_loop3A_453 = arith.constant 16 : i32
        %parallel_loop3A_454 = arith.muli %parallel_loop3A_452, %parallel_loop3A_453 : i32
        %parallel_loop3A_455 = vector.broadcast %parallel_loop3A_428 : i32 to vector<16xi32>
        %parallel_loop3A_456 = arith.addi %parallel_loop3A_455, %iota3A_247 : vector<16xi32>
        %parallel_loop3A_457 = vector.broadcast %parallel_loop3A_454 : i32 to vector<16xi32>
        %parallel_loop3A_458 = arith.addi %parallel_loop3A_457, %and3A_253 : vector<16xi32>
        %parallel_loop3A_459 = tpu.vector_load_idx %arg7[%parallel_loop3A_456, %parallel_loop3A_458] : memref<128x64xf32, #tpu.memory_space<vmem>>[vector<16xi32>, vector<16xi32>], vector<16xf32>,
        %parallel_loop3A_460 = arith.constant 3 : i32
        %parallel_loop3A_461 = vector.broadcast %parallel_loop3A_460 : i32 to vector<16xi32>
        %parallel_loop3A_462 = arith.shrui %parallel_loop3A_458, %parallel_loop3A_461 : vector<16xi32>
        %parallel_loop3A_463 = arith.constant 7 : i32
        %parallel_loop3A_464 = vector.broadcast %parallel_loop3A_463 : i32 to vector<16xi32>
        %parallel_loop3A_465 = arith.andi %parallel_loop3A_458, %parallel_loop3A_464 : vector<16xi32>
        tpu.vector_store_idx %arg9[%parallel_loop3A_462, %parallel_loop3A_465, %parallel_loop3A_456], %parallel_loop3A_459 : memref<8x8x128xf32, #tpu.memory_space<vmem>>[vector<16xi32>, vector<16xi32>, vector<16xi32>], vector<16xf32>,
      } {sc.loop_unroll_factor = 4 : i64, sc.parallel_access}
      %add3A_257 = arith.constant 1 : i32
      %add3A_258 = vector.broadcast %add3A_257 : i32 to vector<16xi32>
      %add3A_259 = arith.addi %iota3A_247, %add3A_258 : vector<16xi32>
      %and3A_260 = arith.constant 15 : i32
      %and3A_261 = vector.broadcast %and3A_260 : i32 to vector<16xi32>
      %and3A_262 = arith.andi %add3A_259, %and3A_261 : vector<16xi32>
      %parallel_loop3A_263 = arith.constant 0 : i32
      %parallel_loop3A_264 = arith.constant 32 : i32
      %parallel_loop3A_265 = arith.constant 1 : i32
      scf.for %parallel_loop3A_410 = %parallel_loop3A_263 to %parallel_loop3A_264 step %parallel_loop3A_265  : i32 {
        %parallel_loop3A_411 = arith.constant 8 : i32
        %parallel_loop3A_412 = arith.constant 0 : i32
        %parallel_loop3A_413 = arith.cmpi eq, %parallel_loop3A_411, %parallel_loop3A_412 : i32
        %parallel_loop3A_414 = arith.constant 1 : i32
        %parallel_loop3A_415 = arith.select %parallel_loop3A_413, %parallel_loop3A_414, %parallel_loop3A_411 : i32
        %parallel_loop3A_416 = arith.remsi %parallel_loop3A_410, %parallel_loop3A_415 : i32
        %parallel_loop3A_417 = arith.constant 0 : i32
        %parallel_loop3A_418 = arith.cmpi ne, %parallel_loop3A_416, %parallel_loop3A_417 : i32
        %parallel_loop3A_419 = arith.constant 0 : i32
        %parallel_loop3A_420 = arith.cmpi slt, %parallel_loop3A_416, %parallel_loop3A_419 : i32
        %parallel_loop3A_421 = arith.constant 0 : i32
        %parallel_loop3A_422 = arith.cmpi slt, %parallel_loop3A_415, %parallel_loop3A_421 : i32
        %parallel_loop3A_423 = arith.xori %parallel_loop3A_420, %parallel_loop3A_422 : i1
        %parallel_loop3A_424 = arith.andi %parallel_loop3A_423, %parallel_loop3A_418 : i1
        %parallel_loop3A_425 = arith.addi %parallel_loop3A_416, %parallel_loop3A_415 : i32
        %parallel_loop3A_426 = arith.select %parallel_loop3A_424, %parallel_loop3A_425, %parallel_loop3A_416 : i32
        %parallel_loop3A_427 = arith.constant 16 : i32
        %parallel_loop3A_428 = arith.muli %parallel_loop3A_426, %parallel_loop3A_427 : i32
        %parallel_loop3A_429 = arith.constant 8 : i32
        %parallel_loop3A_430 = arith.divsi %parallel_loop3A_410, %parallel_loop3A_429 : i32
        %parallel_loop3A_431 = arith.constant 0 : i32
        %parallel_loop3A_432 = arith.cmpi sgt, %parallel_loop3A_410, %parallel_loop3A_431 : i32
        %parallel_loop3A_433 = arith.extui %parallel_loop3A_432 : i1 to i32
        %parallel_loop3A_434 = arith.constant 0 : i32
        %parallel_loop3A_435 = arith.cmpi slt, %parallel_loop3A_410, %parallel_loop3A_434 : i32
        %parallel_loop3A_436 = arith.extui %parallel_loop3A_435 : i1 to i32
        %parallel_loop3A_437 = arith.subi %parallel_loop3A_433, %parallel_loop3A_436 : i32
        %parallel_loop3A_438 = arith.constant 0 : i32
        %parallel_loop3A_439 = arith.cmpi sgt, %parallel_loop3A_429, %parallel_loop3A_438 : i32
        %parallel_loop3A_440 = arith.extui %parallel_loop3A_439 : i1 to i32
        %parallel_loop3A_441 = arith.constant 0 : i32
        %parallel_loop3A_442 = arith.cmpi slt, %parallel_loop3A_429, %parallel_loop3A_441 : i32
        %parallel_loop3A_443 = arith.extui %parallel_loop3A_442 : i1 to i32
        %parallel_loop3A_444 = arith.subi %parallel_loop3A_440, %parallel_loop3A_443 : i32
        %parallel_loop3A_445 = arith.cmpi ne, %parallel_loop3A_437, %parallel_loop3A_444 : i32
        %parallel_loop3A_446 = arith.remsi %parallel_loop3A_410, %parallel_loop3A_429 : i32
        %parallel_loop3A_447 = arith.constant 0 : i32
        %parallel_loop3A_448 = arith.cmpi ne, %parallel_loop3A_446, %parallel_loop3A_447 : i32
        %parallel_loop3A_449 = arith.andi %parallel_loop3A_445, %parallel_loop3A_448 : i1
        %parallel_loop3A_450 = arith.constant 1 : i32
        %parallel_loop3A_451 = arith.subi %parallel_loop3A_430, %parallel_loop3A_450 : i32
        %parallel_loop3A_452 = arith.select %parallel_loop3A_449, %parallel_loop3A_451, %parallel_loop3A_430 : i32
        %parallel_loop3A_453 = arith.constant 16 : i32
        %parallel_loop3A_454 = arith.muli %parallel_loop3A_452, %parallel_loop3A_453 : i32
        %parallel_loop3A_455 = vector.broadcast %parallel_loop3A_428 : i32 to vector<16xi32>
        %parallel_loop3A_456 = arith.addi %parallel_loop3A_455, %iota3A_247 : vector<16xi32>
        %parallel_loop3A_457 = vector.broadcast %parallel_loop3A_454 : i32 to vector<16xi32>
        %parallel_loop3A_458 = arith.addi %parallel_loop3A_457, %and3A_262 : vector<16xi32>
        %parallel_loop3A_459 = tpu.vector_load_idx %arg7[%parallel_loop3A_456, %parallel_loop3A_458] : memref<128x64xf32, #tpu.memory_space<vmem>>[vector<16xi32>, vector<16xi32>], vector<16xf32>,
        %parallel_loop3A_460 = arith.constant 3 : i32
        %parallel_loop3A_461 = vector.broadcast %parallel_loop3A_460 : i32 to vector<16xi32>
        %parallel_loop3A_462 = arith.shrui %parallel_loop3A_458, %parallel_loop3A_461 : vector<16xi32>
        %parallel_loop3A_463 = arith.constant 7 : i32
        %parallel_loop3A_464 = vector.broadcast %parallel_loop3A_463 : i32 to vector<16xi32>
        %parallel_loop3A_465 = arith.andi %parallel_loop3A_458, %parallel_loop3A_464 : vector<16xi32>
        tpu.vector_store_idx %arg9[%parallel_loop3A_462, %parallel_loop3A_465, %parallel_loop3A_456], %parallel_loop3A_459 : memref<8x8x128xf32, #tpu.memory_space<vmem>>[vector<16xi32>, vector<16xi32>, vector<16xi32>], vector<16xf32>,
      } {sc.loop_unroll_factor = 4 : i64, sc.parallel_access}
      %add3A_266 = arith.constant 2 : i32
      %add3A_267 = vector.broadcast %add3A_266 : i32 to vector<16xi32>
      %add3A_268 = arith.addi %iota3A_247, %add3A_267 : vector<16xi32>
      %and3A_269 = arith.constant 15 : i32
      %and3A_270 = vector.broadcast %and3A_269 : i32 to vector<16xi32>
      %and3A_271 = arith.andi %add3A_268, %and3A_270 : vector<16xi32>
      %parallel_loop3A_272 = arith.constant 0 : i32
      %parallel_loop3A_273 = arith.constant 32 : i32
      %parallel_loop3A_274 = arith.constant 1 : i32
      scf.for %parallel_loop3A_410 = %parallel_loop3A_272 to %parallel_loop3A_273 step %parallel_loop3A_274  : i32 {
        %parallel_loop3A_411 = arith.constant 8 : i32
        %parallel_loop3A_412 = arith.constant 0 : i32
        %parallel_loop3A_413 = arith.cmpi eq, %parallel_loop3A_411, %parallel_loop3A_412 : i32
        %parallel_loop3A_414 = arith.constant 1 : i32
        %parallel_loop3A_415 = arith.select %parallel_loop3A_413, %parallel_loop3A_414, %parallel_loop3A_411 : i32
        %parallel_loop3A_416 = arith.remsi %parallel_loop3A_410, %parallel_loop3A_415 : i32
        %parallel_loop3A_417 = arith.constant 0 : i32
        %parallel_loop3A_418 = arith.cmpi ne, %parallel_loop3A_416, %parallel_loop3A_417 : i32
        %parallel_loop3A_419 = arith.constant 0 : i32
        %parallel_loop3A_420 = arith.cmpi slt, %parallel_loop3A_416, %parallel_loop3A_419 : i32
        %parallel_loop3A_421 = arith.constant 0 : i32
        %parallel_loop3A_422 = arith.cmpi slt, %parallel_loop3A_415, %parallel_loop3A_421 : i32
        %parallel_loop3A_423 = arith.xori %parallel_loop3A_420, %parallel_loop3A_422 : i1
        %parallel_loop3A_424 = arith.andi %parallel_loop3A_423, %parallel_loop3A_418 : i1
        %parallel_loop3A_425 = arith.addi %parallel_loop3A_416, %parallel_loop3A_415 : i32
        %parallel_loop3A_426 = arith.select %parallel_loop3A_424, %parallel_loop3A_425, %parallel_loop3A_416 : i32
        %parallel_loop3A_427 = arith.constant 16 : i32
        %parallel_loop3A_428 = arith.muli %parallel_loop3A_426, %parallel_loop3A_427 : i32
        %parallel_loop3A_429 = arith.constant 8 : i32
        %parallel_loop3A_430 = arith.divsi %parallel_loop3A_410, %parallel_loop3A_429 : i32
        %parallel_loop3A_431 = arith.constant 0 : i32
        %parallel_loop3A_432 = arith.cmpi sgt, %parallel_loop3A_410, %parallel_loop3A_431 : i32
        %parallel_loop3A_433 = arith.extui %parallel_loop3A_432 : i1 to i32
        %parallel_loop3A_434 = arith.constant 0 : i32
        %parallel_loop3A_435 = arith.cmpi slt, %parallel_loop3A_410, %parallel_loop3A_434 : i32
        %parallel_loop3A_436 = arith.extui %parallel_loop3A_435 : i1 to i32
        %parallel_loop3A_437 = arith.subi %parallel_loop3A_433, %parallel_loop3A_436 : i32
        %parallel_loop3A_438 = arith.constant 0 : i32
        %parallel_loop3A_439 = arith.cmpi sgt, %parallel_loop3A_429, %parallel_loop3A_438 : i32
        %parallel_loop3A_440 = arith.extui %parallel_loop3A_439 : i1 to i32
        %parallel_loop3A_441 = arith.constant 0 : i32
        %parallel_loop3A_442 = arith.cmpi slt, %parallel_loop3A_429, %parallel_loop3A_441 : i32
        %parallel_loop3A_443 = arith.extui %parallel_loop3A_442 : i1 to i32
        %parallel_loop3A_444 = arith.subi %parallel_loop3A_440, %parallel_loop3A_443 : i32
        %parallel_loop3A_445 = arith.cmpi ne, %parallel_loop3A_437, %parallel_loop3A_444 : i32
        %parallel_loop3A_446 = arith.remsi %parallel_loop3A_410, %parallel_loop3A_429 : i32
        %parallel_loop3A_447 = arith.constant 0 : i32
        %parallel_loop3A_448 = arith.cmpi ne, %parallel_loop3A_446, %parallel_loop3A_447 : i32
        %parallel_loop3A_449 = arith.andi %parallel_loop3A_445, %parallel_loop3A_448 : i1
        %parallel_loop3A_450 = arith.constant 1 : i32
        %parallel_loop3A_451 = arith.subi %parallel_loop3A_430, %parallel_loop3A_450 : i32
        %parallel_loop3A_452 = arith.select %parallel_loop3A_449, %parallel_loop3A_451, %parallel_loop3A_430 : i32
        %parallel_loop3A_453 = arith.constant 16 : i32
        %parallel_loop3A_454 = arith.muli %parallel_loop3A_452, %parallel_loop3A_453 : i32
        %parallel_loop3A_455 = vector.broadcast %parallel_loop3A_428 : i32 to vector<16xi32>
        %parallel_loop3A_456 = arith.addi %parallel_loop3A_455, %iota3A_247 : vector<16xi32>
        %parallel_loop3A_457 = vector.broadcast %parallel_loop3A_454 : i32 to vector<16xi32>
        %parallel_loop3A_458 = arith.addi %parallel_loop3A_457, %and3A_271 : vector<16xi32>
        %parallel_loop3A_459 = tpu.vector_load_idx %arg7[%parallel_loop3A_456, %parallel_loop3A_458] : memref<128x64xf32, #tpu.memory_space<vmem>>[vector<16xi32>, vector<16xi32>], vector<16xf32>,
        %parallel_loop3A_460 = arith.constant 3 : i32
        %parallel_loop3A_461 = vector.broadcast %parallel_loop3A_460 : i32 to vector<16xi32>
        %parallel_loop3A_462 = arith.shrui %parallel_loop3A_458, %parallel_loop3A_461 : vector<16xi32>
        %parallel_loop3A_463 = arith.constant 7 : i32
        %parallel_loop3A_464 = vector.broadcast %parallel_loop3A_463 : i32 to vector<16xi32>
        %parallel_loop3A_465 = arith.andi %parallel_loop3A_458, %parallel_loop3A_464 : vector<16xi32>
        tpu.vector_store_idx %arg9[%parallel_loop3A_462, %parallel_loop3A_465, %parallel_loop3A_456], %parallel_loop3A_459 : memref<8x8x128xf32, #tpu.memory_space<vmem>>[vector<16xi32>, vector<16xi32>, vector<16xi32>], vector<16xf32>,
      } {sc.loop_unroll_factor = 4 : i64, sc.parallel_access}
      %add3A_275 = arith.constant 3 : i32
      %add3A_276 = vector.broadcast %add3A_275 : i32 to vector<16xi32>
      %add3A_277 = arith.addi %iota3A_247, %add3A_276 : vector<16xi32>
      %and3A_278 = arith.constant 15 : i32
      %and3A_279 = vector.broadcast %and3A_278 : i32 to vector<16xi32>
      %and3A_280 = arith.andi %add3A_277, %and3A_279 : vector<16xi32>
      %parallel_loop3A_281 = arith.constant 0 : i32
      %parallel_loop3A_282 = arith.constant 32 : i32
      %parallel_loop3A_283 = arith.constant 1 : i32
      scf.for %parallel_loop3A_410 = %parallel_loop3A_281 to %parallel_loop3A_282 step %parallel_loop3A_283  : i32 {
        %parallel_loop3A_411 = arith.constant 8 : i32
        %parallel_loop3A_412 = arith.constant 0 : i32
        %parallel_loop3A_413 = arith.cmpi eq, %parallel_loop3A_411, %parallel_loop3A_412 : i32
        %parallel_loop3A_414 = arith.constant 1 : i32
        %parallel_loop3A_415 = arith.select %parallel_loop3A_413, %parallel_loop3A_414, %parallel_loop3A_411 : i32
        %parallel_loop3A_416 = arith.remsi %parallel_loop3A_410, %parallel_loop3A_415 : i32
        %parallel_loop3A_417 = arith.constant 0 : i32
        %parallel_loop3A_418 = arith.cmpi ne, %parallel_loop3A_416, %parallel_loop3A_417 : i32
        %parallel_loop3A_419 = arith.constant 0 : i32
        %parallel_loop3A_420 = arith.cmpi slt, %parallel_loop3A_416, %parallel_loop3A_419 : i32
        %parallel_loop3A_421 = arith.constant 0 : i32
        %parallel_loop3A_422 = arith.cmpi slt, %parallel_loop3A_415, %parallel_loop3A_421 : i32
        %parallel_loop3A_423 = arith.xori %parallel_loop3A_420, %parallel_loop3A_422 : i1
        %parallel_loop3A_424 = arith.andi %parallel_loop3A_423, %parallel_loop3A_418 : i1
        %parallel_loop3A_425 = arith.addi %parallel_loop3A_416, %parallel_loop3A_415 : i32
        %parallel_loop3A_426 = arith.select %parallel_loop3A_424, %parallel_loop3A_425, %parallel_loop3A_416 : i32
        %parallel_loop3A_427 = arith.constant 16 : i32
        %parallel_loop3A_428 = arith.muli %parallel_loop3A_426, %parallel_loop3A_427 : i32
        %parallel_loop3A_429 = arith.constant 8 : i32
        %parallel_loop3A_430 = arith.divsi %parallel_loop3A_410, %parallel_loop3A_429 : i32
        %parallel_loop3A_431 = arith.constant 0 : i32
        %parallel_loop3A_432 = arith.cmpi sgt, %parallel_loop3A_410, %parallel_loop3A_431 : i32
        %parallel_loop3A_433 = arith.extui %parallel_loop3A_432 : i1 to i32
        %parallel_loop3A_434 = arith.constant 0 : i32
        %parallel_loop3A_435 = arith.cmpi slt, %parallel_loop3A_410, %parallel_loop3A_434 : i32
        %parallel_loop3A_436 = arith.extui %parallel_loop3A_435 : i1 to i32
        %parallel_loop3A_437 = arith.subi %parallel_loop3A_433, %parallel_loop3A_436 : i32
        %parallel_loop3A_438 = arith.constant 0 : i32
        %parallel_loop3A_439 = arith.cmpi sgt, %parallel_loop3A_429, %parallel_loop3A_438 : i32
        %parallel_loop3A_440 = arith.extui %parallel_loop3A_439 : i1 to i32
        %parallel_loop3A_441 = arith.constant 0 : i32
        %parallel_loop3A_442 = arith.cmpi slt, %parallel_loop3A_429, %parallel_loop3A_441 : i32
        %parallel_loop3A_443 = arith.extui %parallel_loop3A_442 : i1 to i32
        %parallel_loop3A_444 = arith.subi %parallel_loop3A_440, %parallel_loop3A_443 : i32
        %parallel_loop3A_445 = arith.cmpi ne, %parallel_loop3A_437, %parallel_loop3A_444 : i32
        %parallel_loop3A_446 = arith.remsi %parallel_loop3A_410, %parallel_loop3A_429 : i32
        %parallel_loop3A_447 = arith.constant 0 : i32
        %parallel_loop3A_448 = arith.cmpi ne, %parallel_loop3A_446, %parallel_loop3A_447 : i32
        %parallel_loop3A_449 = arith.andi %parallel_loop3A_445, %parallel_loop3A_448 : i1
        %parallel_loop3A_450 = arith.constant 1 : i32
        %parallel_loop3A_451 = arith.subi %parallel_loop3A_430, %parallel_loop3A_450 : i32
        %parallel_loop3A_452 = arith.select %parallel_loop3A_449, %parallel_loop3A_451, %parallel_loop3A_430 : i32
        %parallel_loop3A_453 = arith.constant 16 : i32
        %parallel_loop3A_454 = arith.muli %parallel_loop3A_452, %parallel_loop3A_453 : i32
        %parallel_loop3A_455 = vector.broadcast %parallel_loop3A_428 : i32 to vector<16xi32>
        %parallel_loop3A_456 = arith.addi %parallel_loop3A_455, %iota3A_247 : vector<16xi32>
        %parallel_loop3A_457 = vector.broadcast %parallel_loop3A_454 : i32 to vector<16xi32>
        %parallel_loop3A_458 = arith.addi %parallel_loop3A_457, %and3A_280 : vector<16xi32>
        %parallel_loop3A_459 = tpu.vector_load_idx %arg7[%parallel_loop3A_456, %parallel_loop3A_458] : memref<128x64xf32, #tpu.memory_space<vmem>>[vector<16xi32>, vector<16xi32>], vector<16xf32>,
        %parallel_loop3A_460 = arith.constant 3 : i32
        %parallel_loop3A_461 = vector.broadcast %parallel_loop3A_460 : i32 to vector<16xi32>
        %parallel_loop3A_462 = arith.shrui %parallel_loop3A_458, %parallel_loop3A_461 : vector<16xi32>
        %parallel_loop3A_463 = arith.constant 7 : i32
        %parallel_loop3A_464 = vector.broadcast %parallel_loop3A_463 : i32 to vector<16xi32>
        %parallel_loop3A_465 = arith.andi %parallel_loop3A_458, %parallel_loop3A_464 : vector<16xi32>
        tpu.vector_store_idx %arg9[%parallel_loop3A_462, %parallel_loop3A_465, %parallel_loop3A_456], %parallel_loop3A_459 : memref<8x8x128xf32, #tpu.memory_space<vmem>>[vector<16xi32>, vector<16xi32>, vector<16xi32>], vector<16xf32>,
      } {sc.loop_unroll_factor = 4 : i64, sc.parallel_access}
      %add3A_284 = arith.constant 4 : i32
      %add3A_285 = vector.broadcast %add3A_284 : i32 to vector<16xi32>
      %add3A_286 = arith.addi %iota3A_247, %add3A_285 : vector<16xi32>
      %and3A_287 = arith.constant 15 : i32
      %and3A_288 = vector.broadcast %and3A_287 : i32 to vector<16xi32>
      %and3A_289 = arith.andi %add3A_286, %and3A_288 : vector<16xi32>
      %parallel_loop3A_290 = arith.constant 0 : i32
      %parallel_loop3A_291 = arith.constant 32 : i32
      %parallel_loop3A_292 = arith.constant 1 : i32
      scf.for %parallel_loop3A_410 = %parallel_loop3A_290 to %parallel_loop3A_291 step %parallel_loop3A_292  : i32 {
        %parallel_loop3A_411 = arith.constant 8 : i32
        %parallel_loop3A_412 = arith.constant 0 : i32
        %parallel_loop3A_413 = arith.cmpi eq, %parallel_loop3A_411, %parallel_loop3A_412 : i32
        %parallel_loop3A_414 = arith.constant 1 : i32
        %parallel_loop3A_415 = arith.select %parallel_loop3A_413, %parallel_loop3A_414, %parallel_loop3A_411 : i32
        %parallel_loop3A_416 = arith.remsi %parallel_loop3A_410, %parallel_loop3A_415 : i32
        %parallel_loop3A_417 = arith.constant 0 : i32
        %parallel_loop3A_418 = arith.cmpi ne, %parallel_loop3A_416, %parallel_loop3A_417 : i32
        %parallel_loop3A_419 = arith.constant 0 : i32
        %parallel_loop3A_420 = arith.cmpi slt, %parallel_loop3A_416, %parallel_loop3A_419 : i32
        %parallel_loop3A_421 = arith.constant 0 : i32
        %parallel_loop3A_422 = arith.cmpi slt, %parallel_loop3A_415, %parallel_loop3A_421 : i32
        %parallel_loop3A_423 = arith.xori %parallel_loop3A_420, %parallel_loop3A_422 : i1
        %parallel_loop3A_424 = arith.andi %parallel_loop3A_423, %parallel_loop3A_418 : i1
        %parallel_loop3A_425 = arith.addi %parallel_loop3A_416, %parallel_loop3A_415 : i32
        %parallel_loop3A_426 = arith.select %parallel_loop3A_424, %parallel_loop3A_425, %parallel_loop3A_416 : i32
        %parallel_loop3A_427 = arith.constant 16 : i32
        %parallel_loop3A_428 = arith.muli %parallel_loop3A_426, %parallel_loop3A_427 : i32
        %parallel_loop3A_429 = arith.constant 8 : i32
        %parallel_loop3A_430 = arith.divsi %parallel_loop3A_410, %parallel_loop3A_429 : i32
        %parallel_loop3A_431 = arith.constant 0 : i32
        %parallel_loop3A_432 = arith.cmpi sgt, %parallel_loop3A_410, %parallel_loop3A_431 : i32
        %parallel_loop3A_433 = arith.extui %parallel_loop3A_432 : i1 to i32
        %parallel_loop3A_434 = arith.constant 0 : i32
        %parallel_loop3A_435 = arith.cmpi slt, %parallel_loop3A_410, %parallel_loop3A_434 : i32
        %parallel_loop3A_436 = arith.extui %parallel_loop3A_435 : i1 to i32
        %parallel_loop3A_437 = arith.subi %parallel_loop3A_433, %parallel_loop3A_436 : i32
        %parallel_loop3A_438 = arith.constant 0 : i32
        %parallel_loop3A_439 = arith.cmpi sgt, %parallel_loop3A_429, %parallel_loop3A_438 : i32
        %parallel_loop3A_440 = arith.extui %parallel_loop3A_439 : i1 to i32
        %parallel_loop3A_441 = arith.constant 0 : i32
        %parallel_loop3A_442 = arith.cmpi slt, %parallel_loop3A_429, %parallel_loop3A_441 : i32
        %parallel_loop3A_443 = arith.extui %parallel_loop3A_442 : i1 to i32
        %parallel_loop3A_444 = arith.subi %parallel_loop3A_440, %parallel_loop3A_443 : i32
        %parallel_loop3A_445 = arith.cmpi ne, %parallel_loop3A_437, %parallel_loop3A_444 : i32
        %parallel_loop3A_446 = arith.remsi %parallel_loop3A_410, %parallel_loop3A_429 : i32
        %parallel_loop3A_447 = arith.constant 0 : i32
        %parallel_loop3A_448 = arith.cmpi ne, %parallel_loop3A_446, %parallel_loop3A_447 : i32
        %parallel_loop3A_449 = arith.andi %parallel_loop3A_445, %parallel_loop3A_448 : i1
        %parallel_loop3A_450 = arith.constant 1 : i32
        %parallel_loop3A_451 = arith.subi %parallel_loop3A_430, %parallel_loop3A_450 : i32
        %parallel_loop3A_452 = arith.select %parallel_loop3A_449, %parallel_loop3A_451, %parallel_loop3A_430 : i32
        %parallel_loop3A_453 = arith.constant 16 : i32
        %parallel_loop3A_454 = arith.muli %parallel_loop3A_452, %parallel_loop3A_453 : i32
        %parallel_loop3A_455 = vector.broadcast %parallel_loop3A_428 : i32 to vector<16xi32>
        %parallel_loop3A_456 = arith.addi %parallel_loop3A_455, %iota3A_247 : vector<16xi32>
        %parallel_loop3A_457 = vector.broadcast %parallel_loop3A_454 : i32 to vector<16xi32>
        %parallel_loop3A_458 = arith.addi %parallel_loop3A_457, %and3A_289 : vector<16xi32>
        %parallel_loop3A_459 = tpu.vector_load_idx %arg7[%parallel_loop3A_456, %parallel_loop3A_458] : memref<128x64xf32, #tpu.memory_space<vmem>>[vector<16xi32>, vector<16xi32>], vector<16xf32>,
        %parallel_loop3A_460 = arith.constant 3 : i32
        %parallel_loop3A_461 = vector.broadcast %parallel_loop3A_460 : i32 to vector<16xi32>
        %parallel_loop3A_462 = arith.shrui %parallel_loop3A_458, %parallel_loop3A_461 : vector<16xi32>
        %parallel_loop3A_463 = arith.constant 7 : i32
        %parallel_loop3A_464 = vector.broadcast %parallel_loop3A_463 : i32 to vector<16xi32>
        %parallel_loop3A_465 = arith.andi %parallel_loop3A_458, %parallel_loop3A_464 : vector<16xi32>
        tpu.vector_store_idx %arg9[%parallel_loop3A_462, %parallel_loop3A_465, %parallel_loop3A_456], %parallel_loop3A_459 : memref<8x8x128xf32, #tpu.memory_space<vmem>>[vector<16xi32>, vector<16xi32>, vector<16xi32>], vector<16xf32>,
      } {sc.loop_unroll_factor = 4 : i64, sc.parallel_access}
      %add3A_293 = arith.constant 5 : i32
      %add3A_294 = vector.broadcast %add3A_293 : i32 to vector<16xi32>
      %add3A_295 = arith.addi %iota3A_247, %add3A_294 : vector<16xi32>
      %and3A_296 = arith.constant 15 : i32
      %and3A_297 = vector.broadcast %and3A_296 : i32 to vector<16xi32>
      %and3A_298 = arith.andi %add3A_295, %and3A_297 : vector<16xi32>
      %parallel_loop3A_299 = arith.constant 0 : i32
      %parallel_loop3A_300 = arith.constant 32 : i32
      %parallel_loop3A_301 = arith.constant 1 : i32
      scf.for %parallel_loop3A_410 = %parallel_loop3A_299 to %parallel_loop3A_300 step %parallel_loop3A_301  : i32 {
        %parallel_loop3A_411 = arith.constant 8 : i32
        %parallel_loop3A_412 = arith.constant 0 : i32
        %parallel_loop3A_413 = arith.cmpi eq, %parallel_loop3A_411, %parallel_loop3A_412 : i32
        %parallel_loop3A_414 = arith.constant 1 : i32
        %parallel_loop3A_415 = arith.select %parallel_loop3A_413, %parallel_loop3A_414, %parallel_loop3A_411 : i32
        %parallel_loop3A_416 = arith.remsi %parallel_loop3A_410, %parallel_loop3A_415 : i32
        %parallel_loop3A_417 = arith.constant 0 : i32
        %parallel_loop3A_418 = arith.cmpi ne, %parallel_loop3A_416, %parallel_loop3A_417 : i32
        %parallel_loop3A_419 = arith.constant 0 : i32
        %parallel_loop3A_420 = arith.cmpi slt, %parallel_loop3A_416, %parallel_loop3A_419 : i32
        %parallel_loop3A_421 = arith.constant 0 : i32
        %parallel_loop3A_422 = arith.cmpi slt, %parallel_loop3A_415, %parallel_loop3A_421 : i32
        %parallel_loop3A_423 = arith.xori %parallel_loop3A_420, %parallel_loop3A_422 : i1
        %parallel_loop3A_424 = arith.andi %parallel_loop3A_423, %parallel_loop3A_418 : i1
        %parallel_loop3A_425 = arith.addi %parallel_loop3A_416, %parallel_loop3A_415 : i32
        %parallel_loop3A_426 = arith.select %parallel_loop3A_424, %parallel_loop3A_425, %parallel_loop3A_416 : i32
        %parallel_loop3A_427 = arith.constant 16 : i32
        %parallel_loop3A_428 = arith.muli %parallel_loop3A_426, %parallel_loop3A_427 : i32
        %parallel_loop3A_429 = arith.constant 8 : i32
        %parallel_loop3A_430 = arith.divsi %parallel_loop3A_410, %parallel_loop3A_429 : i32
        %parallel_loop3A_431 = arith.constant 0 : i32
        %parallel_loop3A_432 = arith.cmpi sgt, %parallel_loop3A_410, %parallel_loop3A_431 : i32
        %parallel_loop3A_433 = arith.extui %parallel_loop3A_432 : i1 to i32
        %parallel_loop3A_434 = arith.constant 0 : i32
        %parallel_loop3A_435 = arith.cmpi slt, %parallel_loop3A_410, %parallel_loop3A_434 : i32
        %parallel_loop3A_436 = arith.extui %parallel_loop3A_435 : i1 to i32
        %parallel_loop3A_437 = arith.subi %parallel_loop3A_433, %parallel_loop3A_436 : i32
        %parallel_loop3A_438 = arith.constant 0 : i32
        %parallel_loop3A_439 = arith.cmpi sgt, %parallel_loop3A_429, %parallel_loop3A_438 : i32
        %parallel_loop3A_440 = arith.extui %parallel_loop3A_439 : i1 to i32
        %parallel_loop3A_441 = arith.constant 0 : i32
        %parallel_loop3A_442 = arith.cmpi slt, %parallel_loop3A_429, %parallel_loop3A_441 : i32
        %parallel_loop3A_443 = arith.extui %parallel_loop3A_442 : i1 to i32
        %parallel_loop3A_444 = arith.subi %parallel_loop3A_440, %parallel_loop3A_443 : i32
        %parallel_loop3A_445 = arith.cmpi ne, %parallel_loop3A_437, %parallel_loop3A_444 : i32
        %parallel_loop3A_446 = arith.remsi %parallel_loop3A_410, %parallel_loop3A_429 : i32
        %parallel_loop3A_447 = arith.constant 0 : i32
        %parallel_loop3A_448 = arith.cmpi ne, %parallel_loop3A_446, %parallel_loop3A_447 : i32
        %parallel_loop3A_449 = arith.andi %parallel_loop3A_445, %parallel_loop3A_448 : i1
        %parallel_loop3A_450 = arith.constant 1 : i32
        %parallel_loop3A_451 = arith.subi %parallel_loop3A_430, %parallel_loop3A_450 : i32
        %parallel_loop3A_452 = arith.select %parallel_loop3A_449, %parallel_loop3A_451, %parallel_loop3A_430 : i32
        %parallel_loop3A_453 = arith.constant 16 : i32
        %parallel_loop3A_454 = arith.muli %parallel_loop3A_452, %parallel_loop3A_453 : i32
        %parallel_loop3A_455 = vector.broadcast %parallel_loop3A_428 : i32 to vector<16xi32>
        %parallel_loop3A_456 = arith.addi %parallel_loop3A_455, %iota3A_247 : vector<16xi32>
        %parallel_loop3A_457 = vector.broadcast %parallel_loop3A_454 : i32 to vector<16xi32>
        %parallel_loop3A_458 = arith.addi %parallel_loop3A_457, %and3A_298 : vector<16xi32>
        %parallel_loop3A_459 = tpu.vector_load_idx %arg7[%parallel_loop3A_456, %parallel_loop3A_458] : memref<128x64xf32, #tpu.memory_space<vmem>>[vector<16xi32>, vector<16xi32>], vector<16xf32>,
        %parallel_loop3A_460 = arith.constant 3 : i32
        %parallel_loop3A_461 = vector.broadcast %parallel_loop3A_460 : i32 to vector<16xi32>
        %parallel_loop3A_462 = arith.shrui %parallel_loop3A_458, %parallel_loop3A_461 : vector<16xi32>
        %parallel_loop3A_463 = arith.constant 7 : i32
        %parallel_loop3A_464 = vector.broadcast %parallel_loop3A_463 : i32 to vector<16xi32>
        %parallel_loop3A_465 = arith.andi %parallel_loop3A_458, %parallel_loop3A_464 : vector<16xi32>
        tpu.vector_store_idx %arg9[%parallel_loop3A_462, %parallel_loop3A_465, %parallel_loop3A_456], %parallel_loop3A_459 : memref<8x8x128xf32, #tpu.memory_space<vmem>>[vector<16xi32>, vector<16xi32>, vector<16xi32>], vector<16xf32>,
      } {sc.loop_unroll_factor = 4 : i64, sc.parallel_access}
      %add3A_302 = arith.constant 6 : i32
      %add3A_303 = vector.broadcast %add3A_302 : i32 to vector<16xi32>
      %add3A_304 = arith.addi %iota3A_247, %add3A_303 : vector<16xi32>
      %and3A_305 = arith.constant 15 : i32
      %and3A_306 = vector.broadcast %and3A_305 : i32 to vector<16xi32>
      %and3A_307 = arith.andi %add3A_304, %and3A_306 : vector<16xi32>
      %parallel_loop3A_308 = arith.constant 0 : i32
      %parallel_loop3A_309 = arith.constant 32 : i32
      %parallel_loop3A_310 = arith.constant 1 : i32
      scf.for %parallel_loop3A_410 = %parallel_loop3A_308 to %parallel_loop3A_309 step %parallel_loop3A_310  : i32 {
        %parallel_loop3A_411 = arith.constant 8 : i32
        %parallel_loop3A_412 = arith.constant 0 : i32
        %parallel_loop3A_413 = arith.cmpi eq, %parallel_loop3A_411, %parallel_loop3A_412 : i32
        %parallel_loop3A_414 = arith.constant 1 : i32
        %parallel_loop3A_415 = arith.select %parallel_loop3A_413, %parallel_loop3A_414, %parallel_loop3A_411 : i32
        %parallel_loop3A_416 = arith.remsi %parallel_loop3A_410, %parallel_loop3A_415 : i32
        %parallel_loop3A_417 = arith.constant 0 : i32
        %parallel_loop3A_418 = arith.cmpi ne, %parallel_loop3A_416, %parallel_loop3A_417 : i32
        %parallel_loop3A_419 = arith.constant 0 : i32
        %parallel_loop3A_420 = arith.cmpi slt, %parallel_loop3A_416, %parallel_loop3A_419 : i32
        %parallel_loop3A_421 = arith.constant 0 : i32
        %parallel_loop3A_422 = arith.cmpi slt, %parallel_loop3A_415, %parallel_loop3A_421 : i32
        %parallel_loop3A_423 = arith.xori %parallel_loop3A_420, %parallel_loop3A_422 : i1
        %parallel_loop3A_424 = arith.andi %parallel_loop3A_423, %parallel_loop3A_418 : i1
        %parallel_loop3A_425 = arith.addi %parallel_loop3A_416, %parallel_loop3A_415 : i32
        %parallel_loop3A_426 = arith.select %parallel_loop3A_424, %parallel_loop3A_425, %parallel_loop3A_416 : i32
        %parallel_loop3A_427 = arith.constant 16 : i32
        %parallel_loop3A_428 = arith.muli %parallel_loop3A_426, %parallel_loop3A_427 : i32
        %parallel_loop3A_429 = arith.constant 8 : i32
        %parallel_loop3A_430 = arith.divsi %parallel_loop3A_410, %parallel_loop3A_429 : i32
        %parallel_loop3A_431 = arith.constant 0 : i32
        %parallel_loop3A_432 = arith.cmpi sgt, %parallel_loop3A_410, %parallel_loop3A_431 : i32
        %parallel_loop3A_433 = arith.extui %parallel_loop3A_432 : i1 to i32
        %parallel_loop3A_434 = arith.constant 0 : i32
        %parallel_loop3A_435 = arith.cmpi slt, %parallel_loop3A_410, %parallel_loop3A_434 : i32
        %parallel_loop3A_436 = arith.extui %parallel_loop3A_435 : i1 to i32
        %parallel_loop3A_437 = arith.subi %parallel_loop3A_433, %parallel_loop3A_436 : i32
        %parallel_loop3A_438 = arith.constant 0 : i32
        %parallel_loop3A_439 = arith.cmpi sgt, %parallel_loop3A_429, %parallel_loop3A_438 : i32
        %parallel_loop3A_440 = arith.extui %parallel_loop3A_439 : i1 to i32
        %parallel_loop3A_441 = arith.constant 0 : i32
        %parallel_loop3A_442 = arith.cmpi slt, %parallel_loop3A_429, %parallel_loop3A_441 : i32
        %parallel_loop3A_443 = arith.extui %parallel_loop3A_442 : i1 to i32
        %parallel_loop3A_444 = arith.subi %parallel_loop3A_440, %parallel_loop3A_443 : i32
        %parallel_loop3A_445 = arith.cmpi ne, %parallel_loop3A_437, %parallel_loop3A_444 : i32
        %parallel_loop3A_446 = arith.remsi %parallel_loop3A_410, %parallel_loop3A_429 : i32
        %parallel_loop3A_447 = arith.constant 0 : i32
        %parallel_loop3A_448 = arith.cmpi ne, %parallel_loop3A_446, %parallel_loop3A_447 : i32
        %parallel_loop3A_449 = arith.andi %parallel_loop3A_445, %parallel_loop3A_448 : i1
        %parallel_loop3A_450 = arith.constant 1 : i32
        %parallel_loop3A_451 = arith.subi %parallel_loop3A_430, %parallel_loop3A_450 : i32
        %parallel_loop3A_452 = arith.select %parallel_loop3A_449, %parallel_loop3A_451, %parallel_loop3A_430 : i32
        %parallel_loop3A_453 = arith.constant 16 : i32
        %parallel_loop3A_454 = arith.muli %parallel_loop3A_452, %parallel_loop3A_453 : i32
        %parallel_loop3A_455 = vector.broadcast %parallel_loop3A_428 : i32 to vector<16xi32>
        %parallel_loop3A_456 = arith.addi %parallel_loop3A_455, %iota3A_247 : vector<16xi32>
        %parallel_loop3A_457 = vector.broadcast %parallel_loop3A_454 : i32 to vector<16xi32>
        %parallel_loop3A_458 = arith.addi %parallel_loop3A_457, %and3A_307 : vector<16xi32>
        %parallel_loop3A_459 = tpu.vector_load_idx %arg7[%parallel_loop3A_456, %parallel_loop3A_458] : memref<128x64xf32, #tpu.memory_space<vmem>>[vector<16xi32>, vector<16xi32>], vector<16xf32>,
        %parallel_loop3A_460 = arith.constant 3 : i32
        %parallel_loop3A_461 = vector.broadcast %parallel_loop3A_460 : i32 to vector<16xi32>
        %parallel_loop3A_462 = arith.shrui %parallel_loop3A_458, %parallel_loop3A_461 : vector<16xi32>
        %parallel_loop3A_463 = arith.constant 7 : i32
        %parallel_loop3A_464 = vector.broadcast %parallel_loop3A_463 : i32 to vector<16xi32>
        %parallel_loop3A_465 = arith.andi %parallel_loop3A_458, %parallel_loop3A_464 : vector<16xi32>
        tpu.vector_store_idx %arg9[%parallel_loop3A_462, %parallel_loop3A_465, %parallel_loop3A_456], %parallel_loop3A_459 : memref<8x8x128xf32, #tpu.memory_space<vmem>>[vector<16xi32>, vector<16xi32>, vector<16xi32>], vector<16xf32>,
      } {sc.loop_unroll_factor = 4 : i64, sc.parallel_access}
      %add3A_311 = arith.constant 7 : i32
      %add3A_312 = vector.broadcast %add3A_311 : i32 to vector<16xi32>
      %add3A_313 = arith.addi %iota3A_247, %add3A_312 : vector<16xi32>
      %and3A_314 = arith.constant 15 : i32
      %and3A_315 = vector.broadcast %and3A_314 : i32 to vector<16xi32>
      %and3A_316 = arith.andi %add3A_313, %and3A_315 : vector<16xi32>
      %parallel_loop3A_317 = arith.constant 0 : i32
      %parallel_loop3A_318 = arith.constant 32 : i32
      %parallel_loop3A_319 = arith.constant 1 : i32
      scf.for %parallel_loop3A_410 = %parallel_loop3A_317 to %parallel_loop3A_318 step %parallel_loop3A_319  : i32 {
        %parallel_loop3A_411 = arith.constant 8 : i32
        %parallel_loop3A_412 = arith.constant 0 : i32
        %parallel_loop3A_413 = arith.cmpi eq, %parallel_loop3A_411, %parallel_loop3A_412 : i32
        %parallel_loop3A_414 = arith.constant 1 : i32
        %parallel_loop3A_415 = arith.select %parallel_loop3A_413, %parallel_loop3A_414, %parallel_loop3A_411 : i32
        %parallel_loop3A_416 = arith.remsi %parallel_loop3A_410, %parallel_loop3A_415 : i32
        %parallel_loop3A_417 = arith.constant 0 : i32
        %parallel_loop3A_418 = arith.cmpi ne, %parallel_loop3A_416, %parallel_loop3A_417 : i32
        %parallel_loop3A_419 = arith.constant 0 : i32
        %parallel_loop3A_420 = arith.cmpi slt, %parallel_loop3A_416, %parallel_loop3A_419 : i32
        %parallel_loop3A_421 = arith.constant 0 : i32
        %parallel_loop3A_422 = arith.cmpi slt, %parallel_loop3A_415, %parallel_loop3A_421 : i32
        %parallel_loop3A_423 = arith.xori %parallel_loop3A_420, %parallel_loop3A_422 : i1
        %parallel_loop3A_424 = arith.andi %parallel_loop3A_423, %parallel_loop3A_418 : i1
        %parallel_loop3A_425 = arith.addi %parallel_loop3A_416, %parallel_loop3A_415 : i32
        %parallel_loop3A_426 = arith.select %parallel_loop3A_424, %parallel_loop3A_425, %parallel_loop3A_416 : i32
        %parallel_loop3A_427 = arith.constant 16 : i32
        %parallel_loop3A_428 = arith.muli %parallel_loop3A_426, %parallel_loop3A_427 : i32
        %parallel_loop3A_429 = arith.constant 8 : i32
        %parallel_loop3A_430 = arith.divsi %parallel_loop3A_410, %parallel_loop3A_429 : i32
        %parallel_loop3A_431 = arith.constant 0 : i32
        %parallel_loop3A_432 = arith.cmpi sgt, %parallel_loop3A_410, %parallel_loop3A_431 : i32
        %parallel_loop3A_433 = arith.extui %parallel_loop3A_432 : i1 to i32
        %parallel_loop3A_434 = arith.constant 0 : i32
        %parallel_loop3A_435 = arith.cmpi slt, %parallel_loop3A_410, %parallel_loop3A_434 : i32
        %parallel_loop3A_436 = arith.extui %parallel_loop3A_435 : i1 to i32
        %parallel_loop3A_437 = arith.subi %parallel_loop3A_433, %parallel_loop3A_436 : i32
        %parallel_loop3A_438 = arith.constant 0 : i32
        %parallel_loop3A_439 = arith.cmpi sgt, %parallel_loop3A_429, %parallel_loop3A_438 : i32
        %parallel_loop3A_440 = arith.extui %parallel_loop3A_439 : i1 to i32
        %parallel_loop3A_441 = arith.constant 0 : i32
        %parallel_loop3A_442 = arith.cmpi slt, %parallel_loop3A_429, %parallel_loop3A_441 : i32
        %parallel_loop3A_443 = arith.extui %parallel_loop3A_442 : i1 to i32
        %parallel_loop3A_444 = arith.subi %parallel_loop3A_440, %parallel_loop3A_443 : i32
        %parallel_loop3A_445 = arith.cmpi ne, %parallel_loop3A_437, %parallel_loop3A_444 : i32
        %parallel_loop3A_446 = arith.remsi %parallel_loop3A_410, %parallel_loop3A_429 : i32
        %parallel_loop3A_447 = arith.constant 0 : i32
        %parallel_loop3A_448 = arith.cmpi ne, %parallel_loop3A_446, %parallel_loop3A_447 : i32
        %parallel_loop3A_449 = arith.andi %parallel_loop3A_445, %parallel_loop3A_448 : i1
        %parallel_loop3A_450 = arith.constant 1 : i32
        %parallel_loop3A_451 = arith.subi %parallel_loop3A_430, %parallel_loop3A_450 : i32
        %parallel_loop3A_452 = arith.select %parallel_loop3A_449, %parallel_loop3A_451, %parallel_loop3A_430 : i32
        %parallel_loop3A_453 = arith.constant 16 : i32
        %parallel_loop3A_454 = arith.muli %parallel_loop3A_452, %parallel_loop3A_453 : i32
        %parallel_loop3A_455 = vector.broadcast %parallel_loop3A_428 : i32 to vector<16xi32>
        %parallel_loop3A_456 = arith.addi %parallel_loop3A_455, %iota3A_247 : vector<16xi32>
        %parallel_loop3A_457 = vector.broadcast %parallel_loop3A_454 : i32 to vector<16xi32>
        %parallel_loop3A_458 = arith.addi %parallel_loop3A_457, %and3A_316 : vector<16xi32>
        %parallel_loop3A_459 = tpu.vector_load_idx %arg7[%parallel_loop3A_456, %parallel_loop3A_458] : memref<128x64xf32, #tpu.memory_space<vmem>>[vector<16xi32>, vector<16xi32>], vector<16xf32>,
        %parallel_loop3A_460 = arith.constant 3 : i32
        %parallel_loop3A_461 = vector.broadcast %parallel_loop3A_460 : i32 to vector<16xi32>
        %parallel_loop3A_462 = arith.shrui %parallel_loop3A_458, %parallel_loop3A_461 : vector<16xi32>
        %parallel_loop3A_463 = arith.constant 7 : i32
        %parallel_loop3A_464 = vector.broadcast %parallel_loop3A_463 : i32 to vector<16xi32>
        %parallel_loop3A_465 = arith.andi %parallel_loop3A_458, %parallel_loop3A_464 : vector<16xi32>
        tpu.vector_store_idx %arg9[%parallel_loop3A_462, %parallel_loop3A_465, %parallel_loop3A_456], %parallel_loop3A_459 : memref<8x8x128xf32, #tpu.memory_space<vmem>>[vector<16xi32>, vector<16xi32>, vector<16xi32>], vector<16xf32>,
      } {sc.loop_unroll_factor = 4 : i64, sc.parallel_access}
      %add3A_320 = arith.constant 8 : i32
      %add3A_321 = vector.broadcast %add3A_320 : i32 to vector<16xi32>
      %add3A_322 = arith.addi %iota3A_247, %add3A_321 : vector<16xi32>
      %and3A_323 = arith.constant 15 : i32
      %and3A_324 = vector.broadcast %and3A_323 : i32 to vector<16xi32>
      %and3A_325 = arith.andi %add3A_322, %and3A_324 : vector<16xi32>
      %parallel_loop3A_326 = arith.constant 0 : i32
      %parallel_loop3A_327 = arith.constant 32 : i32
      %parallel_loop3A_328 = arith.constant 1 : i32
      scf.for %parallel_loop3A_410 = %parallel_loop3A_326 to %parallel_loop3A_327 step %parallel_loop3A_328  : i32 {
        %parallel_loop3A_411 = arith.constant 8 : i32
        %parallel_loop3A_412 = arith.constant 0 : i32
        %parallel_loop3A_413 = arith.cmpi eq, %parallel_loop3A_411, %parallel_loop3A_412 : i32
        %parallel_loop3A_414 = arith.constant 1 : i32
        %parallel_loop3A_415 = arith.select %parallel_loop3A_413, %parallel_loop3A_414, %parallel_loop3A_411 : i32
        %parallel_loop3A_416 = arith.remsi %parallel_loop3A_410, %parallel_loop3A_415 : i32
        %parallel_loop3A_417 = arith.constant 0 : i32
        %parallel_loop3A_418 = arith.cmpi ne, %parallel_loop3A_416, %parallel_loop3A_417 : i32
        %parallel_loop3A_419 = arith.constant 0 : i32
        %parallel_loop3A_420 = arith.cmpi slt, %parallel_loop3A_416, %parallel_loop3A_419 : i32
        %parallel_loop3A_421 = arith.constant 0 : i32
        %parallel_loop3A_422 = arith.cmpi slt, %parallel_loop3A_415, %parallel_loop3A_421 : i32
        %parallel_loop3A_423 = arith.xori %parallel_loop3A_420, %parallel_loop3A_422 : i1
        %parallel_loop3A_424 = arith.andi %parallel_loop3A_423, %parallel_loop3A_418 : i1
        %parallel_loop3A_425 = arith.addi %parallel_loop3A_416, %parallel_loop3A_415 : i32
        %parallel_loop3A_426 = arith.select %parallel_loop3A_424, %parallel_loop3A_425, %parallel_loop3A_416 : i32
        %parallel_loop3A_427 = arith.constant 16 : i32
        %parallel_loop3A_428 = arith.muli %parallel_loop3A_426, %parallel_loop3A_427 : i32
        %parallel_loop3A_429 = arith.constant 8 : i32
        %parallel_loop3A_430 = arith.divsi %parallel_loop3A_410, %parallel_loop3A_429 : i32
        %parallel_loop3A_431 = arith.constant 0 : i32
        %parallel_loop3A_432 = arith.cmpi sgt, %parallel_loop3A_410, %parallel_loop3A_431 : i32
        %parallel_loop3A_433 = arith.extui %parallel_loop3A_432 : i1 to i32
        %parallel_loop3A_434 = arith.constant 0 : i32
        %parallel_loop3A_435 = arith.cmpi slt, %parallel_loop3A_410, %parallel_loop3A_434 : i32
        %parallel_loop3A_436 = arith.extui %parallel_loop3A_435 : i1 to i32
        %parallel_loop3A_437 = arith.subi %parallel_loop3A_433, %parallel_loop3A_436 : i32
        %parallel_loop3A_438 = arith.constant 0 : i32
        %parallel_loop3A_439 = arith.cmpi sgt, %parallel_loop3A_429, %parallel_loop3A_438 : i32
        %parallel_loop3A_440 = arith.extui %parallel_loop3A_439 : i1 to i32
        %parallel_loop3A_441 = arith.constant 0 : i32
        %parallel_loop3A_442 = arith.cmpi slt, %parallel_loop3A_429, %parallel_loop3A_441 : i32
        %parallel_loop3A_443 = arith.extui %parallel_loop3A_442 : i1 to i32
        %parallel_loop3A_444 = arith.subi %parallel_loop3A_440, %parallel_loop3A_443 : i32
        %parallel_loop3A_445 = arith.cmpi ne, %parallel_loop3A_437, %parallel_loop3A_444 : i32
        %parallel_loop3A_446 = arith.remsi %parallel_loop3A_410, %parallel_loop3A_429 : i32
        %parallel_loop3A_447 = arith.constant 0 : i32
        %parallel_loop3A_448 = arith.cmpi ne, %parallel_loop3A_446, %parallel_loop3A_447 : i32
        %parallel_loop3A_449 = arith.andi %parallel_loop3A_445, %parallel_loop3A_448 : i1
        %parallel_loop3A_450 = arith.constant 1 : i32
        %parallel_loop3A_451 = arith.subi %parallel_loop3A_430, %parallel_loop3A_450 : i32
        %parallel_loop3A_452 = arith.select %parallel_loop3A_449, %parallel_loop3A_451, %parallel_loop3A_430 : i32
        %parallel_loop3A_453 = arith.constant 16 : i32
        %parallel_loop3A_454 = arith.muli %parallel_loop3A_452, %parallel_loop3A_453 : i32
        %parallel_loop3A_455 = vector.broadcast %parallel_loop3A_428 : i32 to vector<16xi32>
        %parallel_loop3A_456 = arith.addi %parallel_loop3A_455, %iota3A_247 : vector<16xi32>
        %parallel_loop3A_457 = vector.broadcast %parallel_loop3A_454 : i32 to vector<16xi32>
        %parallel_loop3A_458 = arith.addi %parallel_loop3A_457, %and3A_325 : vector<16xi32>
        %parallel_loop3A_459 = tpu.vector_load_idx %arg7[%parallel_loop3A_456, %parallel_loop3A_458] : memref<128x64xf32, #tpu.memory_space<vmem>>[vector<16xi32>, vector<16xi32>], vector<16xf32>,
        %parallel_loop3A_460 = arith.constant 3 : i32
        %parallel_loop3A_461 = vector.broadcast %parallel_loop3A_460 : i32 to vector<16xi32>
        %parallel_loop3A_462 = arith.shrui %parallel_loop3A_458, %parallel_loop3A_461 : vector<16xi32>
        %parallel_loop3A_463 = arith.constant 7 : i32
        %parallel_loop3A_464 = vector.broadcast %parallel_loop3A_463 : i32 to vector<16xi32>
        %parallel_loop3A_465 = arith.andi %parallel_loop3A_458, %parallel_loop3A_464 : vector<16xi32>
        tpu.vector_store_idx %arg9[%parallel_loop3A_462, %parallel_loop3A_465, %parallel_loop3A_456], %parallel_loop3A_459 : memref<8x8x128xf32, #tpu.memory_space<vmem>>[vector<16xi32>, vector<16xi32>, vector<16xi32>], vector<16xf32>,
      } {sc.loop_unroll_factor = 4 : i64, sc.parallel_access}
      %add3A_329 = arith.constant 9 : i32
      %add3A_330 = vector.broadcast %add3A_329 : i32 to vector<16xi32>
      %add3A_331 = arith.addi %iota3A_247, %add3A_330 : vector<16xi32>
      %and3A_332 = arith.constant 15 : i32
      %and3A_333 = vector.broadcast %and3A_332 : i32 to vector<16xi32>
      %and3A_334 = arith.andi %add3A_331, %and3A_333 : vector<16xi32>
      %parallel_loop3A_335 = arith.constant 0 : i32
      %parallel_loop3A_336 = arith.constant 32 : i32
      %parallel_loop3A_337 = arith.constant 1 : i32
      scf.for %parallel_loop3A_410 = %parallel_loop3A_335 to %parallel_loop3A_336 step %parallel_loop3A_337  : i32 {
        %parallel_loop3A_411 = arith.constant 8 : i32
        %parallel_loop3A_412 = arith.constant 0 : i32
        %parallel_loop3A_413 = arith.cmpi eq, %parallel_loop3A_411, %parallel_loop3A_412 : i32
        %parallel_loop3A_414 = arith.constant 1 : i32
        %parallel_loop3A_415 = arith.select %parallel_loop3A_413, %parallel_loop3A_414, %parallel_loop3A_411 : i32
        %parallel_loop3A_416 = arith.remsi %parallel_loop3A_410, %parallel_loop3A_415 : i32
        %parallel_loop3A_417 = arith.constant 0 : i32
        %parallel_loop3A_418 = arith.cmpi ne, %parallel_loop3A_416, %parallel_loop3A_417 : i32
        %parallel_loop3A_419 = arith.constant 0 : i32
        %parallel_loop3A_420 = arith.cmpi slt, %parallel_loop3A_416, %parallel_loop3A_419 : i32
        %parallel_loop3A_421 = arith.constant 0 : i32
        %parallel_loop3A_422 = arith.cmpi slt, %parallel_loop3A_415, %parallel_loop3A_421 : i32
        %parallel_loop3A_423 = arith.xori %parallel_loop3A_420, %parallel_loop3A_422 : i1
        %parallel_loop3A_424 = arith.andi %parallel_loop3A_423, %parallel_loop3A_418 : i1
        %parallel_loop3A_425 = arith.addi %parallel_loop3A_416, %parallel_loop3A_415 : i32
        %parallel_loop3A_426 = arith.select %parallel_loop3A_424, %parallel_loop3A_425, %parallel_loop3A_416 : i32
        %parallel_loop3A_427 = arith.constant 16 : i32
        %parallel_loop3A_428 = arith.muli %parallel_loop3A_426, %parallel_loop3A_427 : i32
        %parallel_loop3A_429 = arith.constant 8 : i32
        %parallel_loop3A_430 = arith.divsi %parallel_loop3A_410, %parallel_loop3A_429 : i32
        %parallel_loop3A_431 = arith.constant 0 : i32
        %parallel_loop3A_432 = arith.cmpi sgt, %parallel_loop3A_410, %parallel_loop3A_431 : i32
        %parallel_loop3A_433 = arith.extui %parallel_loop3A_432 : i1 to i32
        %parallel_loop3A_434 = arith.constant 0 : i32
        %parallel_loop3A_435 = arith.cmpi slt, %parallel_loop3A_410, %parallel_loop3A_434 : i32
        %parallel_loop3A_436 = arith.extui %parallel_loop3A_435 : i1 to i32
        %parallel_loop3A_437 = arith.subi %parallel_loop3A_433, %parallel_loop3A_436 : i32
        %parallel_loop3A_438 = arith.constant 0 : i32
        %parallel_loop3A_439 = arith.cmpi sgt, %parallel_loop3A_429, %parallel_loop3A_438 : i32
        %parallel_loop3A_440 = arith.extui %parallel_loop3A_439 : i1 to i32
        %parallel_loop3A_441 = arith.constant 0 : i32
        %parallel_loop3A_442 = arith.cmpi slt, %parallel_loop3A_429, %parallel_loop3A_441 : i32
        %parallel_loop3A_443 = arith.extui %parallel_loop3A_442 : i1 to i32
        %parallel_loop3A_444 = arith.subi %parallel_loop3A_440, %parallel_loop3A_443 : i32
        %parallel_loop3A_445 = arith.cmpi ne, %parallel_loop3A_437, %parallel_loop3A_444 : i32
        %parallel_loop3A_446 = arith.remsi %parallel_loop3A_410, %parallel_loop3A_429 : i32
        %parallel_loop3A_447 = arith.constant 0 : i32
        %parallel_loop3A_448 = arith.cmpi ne, %parallel_loop3A_446, %parallel_loop3A_447 : i32
        %parallel_loop3A_449 = arith.andi %parallel_loop3A_445, %parallel_loop3A_448 : i1
        %parallel_loop3A_450 = arith.constant 1 : i32
        %parallel_loop3A_451 = arith.subi %parallel_loop3A_430, %parallel_loop3A_450 : i32
        %parallel_loop3A_452 = arith.select %parallel_loop3A_449, %parallel_loop3A_451, %parallel_loop3A_430 : i32
        %parallel_loop3A_453 = arith.constant 16 : i32
        %parallel_loop3A_454 = arith.muli %parallel_loop3A_452, %parallel_loop3A_453 : i32
        %parallel_loop3A_455 = vector.broadcast %parallel_loop3A_428 : i32 to vector<16xi32>
        %parallel_loop3A_456 = arith.addi %parallel_loop3A_455, %iota3A_247 : vector<16xi32>
        %parallel_loop3A_457 = vector.broadcast %parallel_loop3A_454 : i32 to vector<16xi32>
        %parallel_loop3A_458 = arith.addi %parallel_loop3A_457, %and3A_334 : vector<16xi32>
        %parallel_loop3A_459 = tpu.vector_load_idx %arg7[%parallel_loop3A_456, %parallel_loop3A_458] : memref<128x64xf32, #tpu.memory_space<vmem>>[vector<16xi32>, vector<16xi32>], vector<16xf32>,
        %parallel_loop3A_460 = arith.constant 3 : i32
        %parallel_loop3A_461 = vector.broadcast %parallel_loop3A_460 : i32 to vector<16xi32>
        %parallel_loop3A_462 = arith.shrui %parallel_loop3A_458, %parallel_loop3A_461 : vector<16xi32>
        %parallel_loop3A_463 = arith.constant 7 : i32
        %parallel_loop3A_464 = vector.broadcast %parallel_loop3A_463 : i32 to vector<16xi32>
        %parallel_loop3A_465 = arith.andi %parallel_loop3A_458, %parallel_loop3A_464 : vector<16xi32>
        tpu.vector_store_idx %arg9[%parallel_loop3A_462, %parallel_loop3A_465, %parallel_loop3A_456], %parallel_loop3A_459 : memref<8x8x128xf32, #tpu.memory_space<vmem>>[vector<16xi32>, vector<16xi32>, vector<16xi32>], vector<16xf32>,
      } {sc.loop_unroll_factor = 4 : i64, sc.parallel_access}
      %add3A_338 = arith.constant 10 : i32
      %add3A_339 = vector.broadcast %add3A_338 : i32 to vector<16xi32>
      %add3A_340 = arith.addi %iota3A_247, %add3A_339 : vector<16xi32>
      %and3A_341 = arith.constant 15 : i32
      %and3A_342 = vector.broadcast %and3A_341 : i32 to vector<16xi32>
      %and3A_343 = arith.andi %add3A_340, %and3A_342 : vector<16xi32>
      %parallel_loop3A_344 = arith.constant 0 : i32
      %parallel_loop3A_345 = arith.constant 32 : i32
      %parallel_loop3A_346 = arith.constant 1 : i32
      scf.for %parallel_loop3A_410 = %parallel_loop3A_344 to %parallel_loop3A_345 step %parallel_loop3A_346  : i32 {
        %parallel_loop3A_411 = arith.constant 8 : i32
        %parallel_loop3A_412 = arith.constant 0 : i32
        %parallel_loop3A_413 = arith.cmpi eq, %parallel_loop3A_411, %parallel_loop3A_412 : i32
        %parallel_loop3A_414 = arith.constant 1 : i32
        %parallel_loop3A_415 = arith.select %parallel_loop3A_413, %parallel_loop3A_414, %parallel_loop3A_411 : i32
        %parallel_loop3A_416 = arith.remsi %parallel_loop3A_410, %parallel_loop3A_415 : i32
        %parallel_loop3A_417 = arith.constant 0 : i32
        %parallel_loop3A_418 = arith.cmpi ne, %parallel_loop3A_416, %parallel_loop3A_417 : i32
        %parallel_loop3A_419 = arith.constant 0 : i32
        %parallel_loop3A_420 = arith.cmpi slt, %parallel_loop3A_416, %parallel_loop3A_419 : i32
        %parallel_loop3A_421 = arith.constant 0 : i32
        %parallel_loop3A_422 = arith.cmpi slt, %parallel_loop3A_415, %parallel_loop3A_421 : i32
        %parallel_loop3A_423 = arith.xori %parallel_loop3A_420, %parallel_loop3A_422 : i1
        %parallel_loop3A_424 = arith.andi %parallel_loop3A_423, %parallel_loop3A_418 : i1
        %parallel_loop3A_425 = arith.addi %parallel_loop3A_416, %parallel_loop3A_415 : i32
        %parallel_loop3A_426 = arith.select %parallel_loop3A_424, %parallel_loop3A_425, %parallel_loop3A_416 : i32
        %parallel_loop3A_427 = arith.constant 16 : i32
        %parallel_loop3A_428 = arith.muli %parallel_loop3A_426, %parallel_loop3A_427 : i32
        %parallel_loop3A_429 = arith.constant 8 : i32
        %parallel_loop3A_430 = arith.divsi %parallel_loop3A_410, %parallel_loop3A_429 : i32
        %parallel_loop3A_431 = arith.constant 0 : i32
        %parallel_loop3A_432 = arith.cmpi sgt, %parallel_loop3A_410, %parallel_loop3A_431 : i32
        %parallel_loop3A_433 = arith.extui %parallel_loop3A_432 : i1 to i32
        %parallel_loop3A_434 = arith.constant 0 : i32
        %parallel_loop3A_435 = arith.cmpi slt, %parallel_loop3A_410, %parallel_loop3A_434 : i32
        %parallel_loop3A_436 = arith.extui %parallel_loop3A_435 : i1 to i32
        %parallel_loop3A_437 = arith.subi %parallel_loop3A_433, %parallel_loop3A_436 : i32
        %parallel_loop3A_438 = arith.constant 0 : i32
        %parallel_loop3A_439 = arith.cmpi sgt, %parallel_loop3A_429, %parallel_loop3A_438 : i32
        %parallel_loop3A_440 = arith.extui %parallel_loop3A_439 : i1 to i32
        %parallel_loop3A_441 = arith.constant 0 : i32
        %parallel_loop3A_442 = arith.cmpi slt, %parallel_loop3A_429, %parallel_loop3A_441 : i32
        %parallel_loop3A_443 = arith.extui %parallel_loop3A_442 : i1 to i32
        %parallel_loop3A_444 = arith.subi %parallel_loop3A_440, %parallel_loop3A_443 : i32
        %parallel_loop3A_445 = arith.cmpi ne, %parallel_loop3A_437, %parallel_loop3A_444 : i32
        %parallel_loop3A_446 = arith.remsi %parallel_loop3A_410, %parallel_loop3A_429 : i32
        %parallel_loop3A_447 = arith.constant 0 : i32
        %parallel_loop3A_448 = arith.cmpi ne, %parallel_loop3A_446, %parallel_loop3A_447 : i32
        %parallel_loop3A_449 = arith.andi %parallel_loop3A_445, %parallel_loop3A_448 : i1
        %parallel_loop3A_450 = arith.constant 1 : i32
        %parallel_loop3A_451 = arith.subi %parallel_loop3A_430, %parallel_loop3A_450 : i32
        %parallel_loop3A_452 = arith.select %parallel_loop3A_449, %parallel_loop3A_451, %parallel_loop3A_430 : i32
        %parallel_loop3A_453 = arith.constant 16 : i32
        %parallel_loop3A_454 = arith.muli %parallel_loop3A_452, %parallel_loop3A_453 : i32
        %parallel_loop3A_455 = vector.broadcast %parallel_loop3A_428 : i32 to vector<16xi32>
        %parallel_loop3A_456 = arith.addi %parallel_loop3A_455, %iota3A_247 : vector<16xi32>
        %parallel_loop3A_457 = vector.broadcast %parallel_loop3A_454 : i32 to vector<16xi32>
        %parallel_loop3A_458 = arith.addi %parallel_loop3A_457, %and3A_343 : vector<16xi32>
        %parallel_loop3A_459 = tpu.vector_load_idx %arg7[%parallel_loop3A_456, %parallel_loop3A_458] : memref<128x64xf32, #tpu.memory_space<vmem>>[vector<16xi32>, vector<16xi32>], vector<16xf32>,
        %parallel_loop3A_460 = arith.constant 3 : i32
        %parallel_loop3A_461 = vector.broadcast %parallel_loop3A_460 : i32 to vector<16xi32>
        %parallel_loop3A_462 = arith.shrui %parallel_loop3A_458, %parallel_loop3A_461 : vector<16xi32>
        %parallel_loop3A_463 = arith.constant 7 : i32
        %parallel_loop3A_464 = vector.broadcast %parallel_loop3A_463 : i32 to vector<16xi32>
        %parallel_loop3A_465 = arith.andi %parallel_loop3A_458, %parallel_loop3A_464 : vector<16xi32>
        tpu.vector_store_idx %arg9[%parallel_loop3A_462, %parallel_loop3A_465, %parallel_loop3A_456], %parallel_loop3A_459 : memref<8x8x128xf32, #tpu.memory_space<vmem>>[vector<16xi32>, vector<16xi32>, vector<16xi32>], vector<16xf32>,
      } {sc.loop_unroll_factor = 4 : i64, sc.parallel_access}
      %add3A_347 = arith.constant 11 : i32
      %add3A_348 = vector.broadcast %add3A_347 : i32 to vector<16xi32>
      %add3A_349 = arith.addi %iota3A_247, %add3A_348 : vector<16xi32>
      %and3A_350 = arith.constant 15 : i32
      %and3A_351 = vector.broadcast %and3A_350 : i32 to vector<16xi32>
      %and3A_352 = arith.andi %add3A_349, %and3A_351 : vector<16xi32>
      %parallel_loop3A_353 = arith.constant 0 : i32
      %parallel_loop3A_354 = arith.constant 32 : i32
      %parallel_loop3A_355 = arith.constant 1 : i32
      scf.for %parallel_loop3A_410 = %parallel_loop3A_353 to %parallel_loop3A_354 step %parallel_loop3A_355  : i32 {
        %parallel_loop3A_411 = arith.constant 8 : i32
        %parallel_loop3A_412 = arith.constant 0 : i32
        %parallel_loop3A_413 = arith.cmpi eq, %parallel_loop3A_411, %parallel_loop3A_412 : i32
        %parallel_loop3A_414 = arith.constant 1 : i32
        %parallel_loop3A_415 = arith.select %parallel_loop3A_413, %parallel_loop3A_414, %parallel_loop3A_411 : i32
        %parallel_loop3A_416 = arith.remsi %parallel_loop3A_410, %parallel_loop3A_415 : i32
        %parallel_loop3A_417 = arith.constant 0 : i32
        %parallel_loop3A_418 = arith.cmpi ne, %parallel_loop3A_416, %parallel_loop3A_417 : i32
        %parallel_loop3A_419 = arith.constant 0 : i32
        %parallel_loop3A_420 = arith.cmpi slt, %parallel_loop3A_416, %parallel_loop3A_419 : i32
        %parallel_loop3A_421 = arith.constant 0 : i32
        %parallel_loop3A_422 = arith.cmpi slt, %parallel_loop3A_415, %parallel_loop3A_421 : i32
        %parallel_loop3A_423 = arith.xori %parallel_loop3A_420, %parallel_loop3A_422 : i1
        %parallel_loop3A_424 = arith.andi %parallel_loop3A_423, %parallel_loop3A_418 : i1
        %parallel_loop3A_425 = arith.addi %parallel_loop3A_416, %parallel_loop3A_415 : i32
        %parallel_loop3A_426 = arith.select %parallel_loop3A_424, %parallel_loop3A_425, %parallel_loop3A_416 : i32
        %parallel_loop3A_427 = arith.constant 16 : i32
        %parallel_loop3A_428 = arith.muli %parallel_loop3A_426, %parallel_loop3A_427 : i32
        %parallel_loop3A_429 = arith.constant 8 : i32
        %parallel_loop3A_430 = arith.divsi %parallel_loop3A_410, %parallel_loop3A_429 : i32
        %parallel_loop3A_431 = arith.constant 0 : i32
        %parallel_loop3A_432 = arith.cmpi sgt, %parallel_loop3A_410, %parallel_loop3A_431 : i32
        %parallel_loop3A_433 = arith.extui %parallel_loop3A_432 : i1 to i32
        %parallel_loop3A_434 = arith.constant 0 : i32
        %parallel_loop3A_435 = arith.cmpi slt, %parallel_loop3A_410, %parallel_loop3A_434 : i32
        %parallel_loop3A_436 = arith.extui %parallel_loop3A_435 : i1 to i32
        %parallel_loop3A_437 = arith.subi %parallel_loop3A_433, %parallel_loop3A_436 : i32
        %parallel_loop3A_438 = arith.constant 0 : i32
        %parallel_loop3A_439 = arith.cmpi sgt, %parallel_loop3A_429, %parallel_loop3A_438 : i32
        %parallel_loop3A_440 = arith.extui %parallel_loop3A_439 : i1 to i32
        %parallel_loop3A_441 = arith.constant 0 : i32
        %parallel_loop3A_442 = arith.cmpi slt, %parallel_loop3A_429, %parallel_loop3A_441 : i32
        %parallel_loop3A_443 = arith.extui %parallel_loop3A_442 : i1 to i32
        %parallel_loop3A_444 = arith.subi %parallel_loop3A_440, %parallel_loop3A_443 : i32
        %parallel_loop3A_445 = arith.cmpi ne, %parallel_loop3A_437, %parallel_loop3A_444 : i32
        %parallel_loop3A_446 = arith.remsi %parallel_loop3A_410, %parallel_loop3A_429 : i32
        %parallel_loop3A_447 = arith.constant 0 : i32
        %parallel_loop3A_448 = arith.cmpi ne, %parallel_loop3A_446, %parallel_loop3A_447 : i32
        %parallel_loop3A_449 = arith.andi %parallel_loop3A_445, %parallel_loop3A_448 : i1
        %parallel_loop3A_450 = arith.constant 1 : i32
        %parallel_loop3A_451 = arith.subi %parallel_loop3A_430, %parallel_loop3A_450 : i32
        %parallel_loop3A_452 = arith.select %parallel_loop3A_449, %parallel_loop3A_451, %parallel_loop3A_430 : i32
        %parallel_loop3A_453 = arith.constant 16 : i32
        %parallel_loop3A_454 = arith.muli %parallel_loop3A_452, %parallel_loop3A_453 : i32
        %parallel_loop3A_455 = vector.broadcast %parallel_loop3A_428 : i32 to vector<16xi32>
        %parallel_loop3A_456 = arith.addi %parallel_loop3A_455, %iota3A_247 : vector<16xi32>
        %parallel_loop3A_457 = vector.broadcast %parallel_loop3A_454 : i32 to vector<16xi32>
        %parallel_loop3A_458 = arith.addi %parallel_loop3A_457, %and3A_352 : vector<16xi32>
        %parallel_loop3A_459 = tpu.vector_load_idx %arg7[%parallel_loop3A_456, %parallel_loop3A_458] : memref<128x64xf32, #tpu.memory_space<vmem>>[vector<16xi32>, vector<16xi32>], vector<16xf32>,
        %parallel_loop3A_460 = arith.constant 3 : i32
        %parallel_loop3A_461 = vector.broadcast %parallel_loop3A_460 : i32 to vector<16xi32>
        %parallel_loop3A_462 = arith.shrui %parallel_loop3A_458, %parallel_loop3A_461 : vector<16xi32>
        %parallel_loop3A_463 = arith.constant 7 : i32
        %parallel_loop3A_464 = vector.broadcast %parallel_loop3A_463 : i32 to vector<16xi32>
        %parallel_loop3A_465 = arith.andi %parallel_loop3A_458, %parallel_loop3A_464 : vector<16xi32>
        tpu.vector_store_idx %arg9[%parallel_loop3A_462, %parallel_loop3A_465, %parallel_loop3A_456], %parallel_loop3A_459 : memref<8x8x128xf32, #tpu.memory_space<vmem>>[vector<16xi32>, vector<16xi32>, vector<16xi32>], vector<16xf32>,
      } {sc.loop_unroll_factor = 4 : i64, sc.parallel_access}
      %add3A_356 = arith.constant 12 : i32
      %add3A_357 = vector.broadcast %add3A_356 : i32 to vector<16xi32>
      %add3A_358 = arith.addi %iota3A_247, %add3A_357 : vector<16xi32>
      %and3A_359 = arith.constant 15 : i32
      %and3A_360 = vector.broadcast %and3A_359 : i32 to vector<16xi32>
      %and3A_361 = arith.andi %add3A_358, %and3A_360 : vector<16xi32>
      %parallel_loop3A_362 = arith.constant 0 : i32
      %parallel_loop3A_363 = arith.constant 32 : i32
      %parallel_loop3A_364 = arith.constant 1 : i32
      scf.for %parallel_loop3A_410 = %parallel_loop3A_362 to %parallel_loop3A_363 step %parallel_loop3A_364  : i32 {
        %parallel_loop3A_411 = arith.constant 8 : i32
        %parallel_loop3A_412 = arith.constant 0 : i32
        %parallel_loop3A_413 = arith.cmpi eq, %parallel_loop3A_411, %parallel_loop3A_412 : i32
        %parallel_loop3A_414 = arith.constant 1 : i32
        %parallel_loop3A_415 = arith.select %parallel_loop3A_413, %parallel_loop3A_414, %parallel_loop3A_411 : i32
        %parallel_loop3A_416 = arith.remsi %parallel_loop3A_410, %parallel_loop3A_415 : i32
        %parallel_loop3A_417 = arith.constant 0 : i32
        %parallel_loop3A_418 = arith.cmpi ne, %parallel_loop3A_416, %parallel_loop3A_417 : i32
        %parallel_loop3A_419 = arith.constant 0 : i32
        %parallel_loop3A_420 = arith.cmpi slt, %parallel_loop3A_416, %parallel_loop3A_419 : i32
        %parallel_loop3A_421 = arith.constant 0 : i32
        %parallel_loop3A_422 = arith.cmpi slt, %parallel_loop3A_415, %parallel_loop3A_421 : i32
        %parallel_loop3A_423 = arith.xori %parallel_loop3A_420, %parallel_loop3A_422 : i1
        %parallel_loop3A_424 = arith.andi %parallel_loop3A_423, %parallel_loop3A_418 : i1
        %parallel_loop3A_425 = arith.addi %parallel_loop3A_416, %parallel_loop3A_415 : i32
        %parallel_loop3A_426 = arith.select %parallel_loop3A_424, %parallel_loop3A_425, %parallel_loop3A_416 : i32
        %parallel_loop3A_427 = arith.constant 16 : i32
        %parallel_loop3A_428 = arith.muli %parallel_loop3A_426, %parallel_loop3A_427 : i32
        %parallel_loop3A_429 = arith.constant 8 : i32
        %parallel_loop3A_430 = arith.divsi %parallel_loop3A_410, %parallel_loop3A_429 : i32
        %parallel_loop3A_431 = arith.constant 0 : i32
        %parallel_loop3A_432 = arith.cmpi sgt, %parallel_loop3A_410, %parallel_loop3A_431 : i32
        %parallel_loop3A_433 = arith.extui %parallel_loop3A_432 : i1 to i32
        %parallel_loop3A_434 = arith.constant 0 : i32
        %parallel_loop3A_435 = arith.cmpi slt, %parallel_loop3A_410, %parallel_loop3A_434 : i32
        %parallel_loop3A_436 = arith.extui %parallel_loop3A_435 : i1 to i32
        %parallel_loop3A_437 = arith.subi %parallel_loop3A_433, %parallel_loop3A_436 : i32
        %parallel_loop3A_438 = arith.constant 0 : i32
        %parallel_loop3A_439 = arith.cmpi sgt, %parallel_loop3A_429, %parallel_loop3A_438 : i32
        %parallel_loop3A_440 = arith.extui %parallel_loop3A_439 : i1 to i32
        %parallel_loop3A_441 = arith.constant 0 : i32
        %parallel_loop3A_442 = arith.cmpi slt, %parallel_loop3A_429, %parallel_loop3A_441 : i32
        %parallel_loop3A_443 = arith.extui %parallel_loop3A_442 : i1 to i32
        %parallel_loop3A_444 = arith.subi %parallel_loop3A_440, %parallel_loop3A_443 : i32
        %parallel_loop3A_445 = arith.cmpi ne, %parallel_loop3A_437, %parallel_loop3A_444 : i32
        %parallel_loop3A_446 = arith.remsi %parallel_loop3A_410, %parallel_loop3A_429 : i32
        %parallel_loop3A_447 = arith.constant 0 : i32
        %parallel_loop3A_448 = arith.cmpi ne, %parallel_loop3A_446, %parallel_loop3A_447 : i32
        %parallel_loop3A_449 = arith.andi %parallel_loop3A_445, %parallel_loop3A_448 : i1
        %parallel_loop3A_450 = arith.constant 1 : i32
        %parallel_loop3A_451 = arith.subi %parallel_loop3A_430, %parallel_loop3A_450 : i32
        %parallel_loop3A_452 = arith.select %parallel_loop3A_449, %parallel_loop3A_451, %parallel_loop3A_430 : i32
        %parallel_loop3A_453 = arith.constant 16 : i32
        %parallel_loop3A_454 = arith.muli %parallel_loop3A_452, %parallel_loop3A_453 : i32
        %parallel_loop3A_455 = vector.broadcast %parallel_loop3A_428 : i32 to vector<16xi32>
        %parallel_loop3A_456 = arith.addi %parallel_loop3A_455, %iota3A_247 : vector<16xi32>
        %parallel_loop3A_457 = vector.broadcast %parallel_loop3A_454 : i32 to vector<16xi32>
        %parallel_loop3A_458 = arith.addi %parallel_loop3A_457, %and3A_361 : vector<16xi32>
        %parallel_loop3A_459 = tpu.vector_load_idx %arg7[%parallel_loop3A_456, %parallel_loop3A_458] : memref<128x64xf32, #tpu.memory_space<vmem>>[vector<16xi32>, vector<16xi32>], vector<16xf32>,
        %parallel_loop3A_460 = arith.constant 3 : i32
        %parallel_loop3A_461 = vector.broadcast %parallel_loop3A_460 : i32 to vector<16xi32>
        %parallel_loop3A_462 = arith.shrui %parallel_loop3A_458, %parallel_loop3A_461 : vector<16xi32>
        %parallel_loop3A_463 = arith.constant 7 : i32
        %parallel_loop3A_464 = vector.broadcast %parallel_loop3A_463 : i32 to vector<16xi32>
        %parallel_loop3A_465 = arith.andi %parallel_loop3A_458, %parallel_loop3A_464 : vector<16xi32>
        tpu.vector_store_idx %arg9[%parallel_loop3A_462, %parallel_loop3A_465, %parallel_loop3A_456], %parallel_loop3A_459 : memref<8x8x128xf32, #tpu.memory_space<vmem>>[vector<16xi32>, vector<16xi32>, vector<16xi32>], vector<16xf32>,
      } {sc.loop_unroll_factor = 4 : i64, sc.parallel_access}
      %add3A_365 = arith.constant 13 : i32
      %add3A_366 = vector.broadcast %add3A_365 : i32 to vector<16xi32>
      %add3A_367 = arith.addi %iota3A_247, %add3A_366 : vector<16xi32>
      %and3A_368 = arith.constant 15 : i32
      %and3A_369 = vector.broadcast %and3A_368 : i32 to vector<16xi32>
      %and3A_370 = arith.andi %add3A_367, %and3A_369 : vector<16xi32>
      %parallel_loop3A_371 = arith.constant 0 : i32
      %parallel_loop3A_372 = arith.constant 32 : i32
      %parallel_loop3A_373 = arith.constant 1 : i32
      scf.for %parallel_loop3A_410 = %parallel_loop3A_371 to %parallel_loop3A_372 step %parallel_loop3A_373  : i32 {
        %parallel_loop3A_411 = arith.constant 8 : i32
        %parallel_loop3A_412 = arith.constant 0 : i32
        %parallel_loop3A_413 = arith.cmpi eq, %parallel_loop3A_411, %parallel_loop3A_412 : i32
        %parallel_loop3A_414 = arith.constant 1 : i32
        %parallel_loop3A_415 = arith.select %parallel_loop3A_413, %parallel_loop3A_414, %parallel_loop3A_411 : i32
        %parallel_loop3A_416 = arith.remsi %parallel_loop3A_410, %parallel_loop3A_415 : i32
        %parallel_loop3A_417 = arith.constant 0 : i32
        %parallel_loop3A_418 = arith.cmpi ne, %parallel_loop3A_416, %parallel_loop3A_417 : i32
        %parallel_loop3A_419 = arith.constant 0 : i32
        %parallel_loop3A_420 = arith.cmpi slt, %parallel_loop3A_416, %parallel_loop3A_419 : i32
        %parallel_loop3A_421 = arith.constant 0 : i32
        %parallel_loop3A_422 = arith.cmpi slt, %parallel_loop3A_415, %parallel_loop3A_421 : i32
        %parallel_loop3A_423 = arith.xori %parallel_loop3A_420, %parallel_loop3A_422 : i1
        %parallel_loop3A_424 = arith.andi %parallel_loop3A_423, %parallel_loop3A_418 : i1
        %parallel_loop3A_425 = arith.addi %parallel_loop3A_416, %parallel_loop3A_415 : i32
        %parallel_loop3A_426 = arith.select %parallel_loop3A_424, %parallel_loop3A_425, %parallel_loop3A_416 : i32
        %parallel_loop3A_427 = arith.constant 16 : i32
        %parallel_loop3A_428 = arith.muli %parallel_loop3A_426, %parallel_loop3A_427 : i32
        %parallel_loop3A_429 = arith.constant 8 : i32
        %parallel_loop3A_430 = arith.divsi %parallel_loop3A_410, %parallel_loop3A_429 : i32
        %parallel_loop3A_431 = arith.constant 0 : i32
        %parallel_loop3A_432 = arith.cmpi sgt, %parallel_loop3A_410, %parallel_loop3A_431 : i32
        %parallel_loop3A_433 = arith.extui %parallel_loop3A_432 : i1 to i32
        %parallel_loop3A_434 = arith.constant 0 : i32
        %parallel_loop3A_435 = arith.cmpi slt, %parallel_loop3A_410, %parallel_loop3A_434 : i32
        %parallel_loop3A_436 = arith.extui %parallel_loop3A_435 : i1 to i32
        %parallel_loop3A_437 = arith.subi %parallel_loop3A_433, %parallel_loop3A_436 : i32
        %parallel_loop3A_438 = arith.constant 0 : i32
        %parallel_loop3A_439 = arith.cmpi sgt, %parallel_loop3A_429, %parallel_loop3A_438 : i32
        %parallel_loop3A_440 = arith.extui %parallel_loop3A_439 : i1 to i32
        %parallel_loop3A_441 = arith.constant 0 : i32
        %parallel_loop3A_442 = arith.cmpi slt, %parallel_loop3A_429, %parallel_loop3A_441 : i32
        %parallel_loop3A_443 = arith.extui %parallel_loop3A_442 : i1 to i32
        %parallel_loop3A_444 = arith.subi %parallel_loop3A_440, %parallel_loop3A_443 : i32
        %parallel_loop3A_445 = arith.cmpi ne, %parallel_loop3A_437, %parallel_loop3A_444 : i32
        %parallel_loop3A_446 = arith.remsi %parallel_loop3A_410, %parallel_loop3A_429 : i32
        %parallel_loop3A_447 = arith.constant 0 : i32
        %parallel_loop3A_448 = arith.cmpi ne, %parallel_loop3A_446, %parallel_loop3A_447 : i32
        %parallel_loop3A_449 = arith.andi %parallel_loop3A_445, %parallel_loop3A_448 : i1
        %parallel_loop3A_450 = arith.constant 1 : i32
        %parallel_loop3A_451 = arith.subi %parallel_loop3A_430, %parallel_loop3A_450 : i32
        %parallel_loop3A_452 = arith.select %parallel_loop3A_449, %parallel_loop3A_451, %parallel_loop3A_430 : i32
        %parallel_loop3A_453 = arith.constant 16 : i32
        %parallel_loop3A_454 = arith.muli %parallel_loop3A_452, %parallel_loop3A_453 : i32
        %parallel_loop3A_455 = vector.broadcast %parallel_loop3A_428 : i32 to vector<16xi32>
        %parallel_loop3A_456 = arith.addi %parallel_loop3A_455, %iota3A_247 : vector<16xi32>
        %parallel_loop3A_457 = vector.broadcast %parallel_loop3A_454 : i32 to vector<16xi32>
        %parallel_loop3A_458 = arith.addi %parallel_loop3A_457, %and3A_370 : vector<16xi32>
        %parallel_loop3A_459 = tpu.vector_load_idx %arg7[%parallel_loop3A_456, %parallel_loop3A_458] : memref<128x64xf32, #tpu.memory_space<vmem>>[vector<16xi32>, vector<16xi32>], vector<16xf32>,
        %parallel_loop3A_460 = arith.constant 3 : i32
        %parallel_loop3A_461 = vector.broadcast %parallel_loop3A_460 : i32 to vector<16xi32>
        %parallel_loop3A_462 = arith.shrui %parallel_loop3A_458, %parallel_loop3A_461 : vector<16xi32>
        %parallel_loop3A_463 = arith.constant 7 : i32
        %parallel_loop3A_464 = vector.broadcast %parallel_loop3A_463 : i32 to vector<16xi32>
        %parallel_loop3A_465 = arith.andi %parallel_loop3A_458, %parallel_loop3A_464 : vector<16xi32>
        tpu.vector_store_idx %arg9[%parallel_loop3A_462, %parallel_loop3A_465, %parallel_loop3A_456], %parallel_loop3A_459 : memref<8x8x128xf32, #tpu.memory_space<vmem>>[vector<16xi32>, vector<16xi32>, vector<16xi32>], vector<16xf32>,
      } {sc.loop_unroll_factor = 4 : i64, sc.parallel_access}
      %add3A_374 = arith.constant 14 : i32
      %add3A_375 = vector.broadcast %add3A_374 : i32 to vector<16xi32>
      %add3A_376 = arith.addi %iota3A_247, %add3A_375 : vector<16xi32>
      %and3A_377 = arith.constant 15 : i32
      %and3A_378 = vector.broadcast %and3A_377 : i32 to vector<16xi32>
      %and3A_379 = arith.andi %add3A_376, %and3A_378 : vector<16xi32>
      %parallel_loop3A_380 = arith.constant 0 : i32
      %parallel_loop3A_381 = arith.constant 32 : i32
      %parallel_loop3A_382 = arith.constant 1 : i32
      scf.for %parallel_loop3A_410 = %parallel_loop3A_380 to %parallel_loop3A_381 step %parallel_loop3A_382  : i32 {
        %parallel_loop3A_411 = arith.constant 8 : i32
        %parallel_loop3A_412 = arith.constant 0 : i32
        %parallel_loop3A_413 = arith.cmpi eq, %parallel_loop3A_411, %parallel_loop3A_412 : i32
        %parallel_loop3A_414 = arith.constant 1 : i32
        %parallel_loop3A_415 = arith.select %parallel_loop3A_413, %parallel_loop3A_414, %parallel_loop3A_411 : i32
        %parallel_loop3A_416 = arith.remsi %parallel_loop3A_410, %parallel_loop3A_415 : i32
        %parallel_loop3A_417 = arith.constant 0 : i32
        %parallel_loop3A_418 = arith.cmpi ne, %parallel_loop3A_416, %parallel_loop3A_417 : i32
        %parallel_loop3A_419 = arith.constant 0 : i32
        %parallel_loop3A_420 = arith.cmpi slt, %parallel_loop3A_416, %parallel_loop3A_419 : i32
        %parallel_loop3A_421 = arith.constant 0 : i32
        %parallel_loop3A_422 = arith.cmpi slt, %parallel_loop3A_415, %parallel_loop3A_421 : i32
        %parallel_loop3A_423 = arith.xori %parallel_loop3A_420, %parallel_loop3A_422 : i1
        %parallel_loop3A_424 = arith.andi %parallel_loop3A_423, %parallel_loop3A_418 : i1
        %parallel_loop3A_425 = arith.addi %parallel_loop3A_416, %parallel_loop3A_415 : i32
        %parallel_loop3A_426 = arith.select %parallel_loop3A_424, %parallel_loop3A_425, %parallel_loop3A_416 : i32
        %parallel_loop3A_427 = arith.constant 16 : i32
        %parallel_loop3A_428 = arith.muli %parallel_loop3A_426, %parallel_loop3A_427 : i32
        %parallel_loop3A_429 = arith.constant 8 : i32
        %parallel_loop3A_430 = arith.divsi %parallel_loop3A_410, %parallel_loop3A_429 : i32
        %parallel_loop3A_431 = arith.constant 0 : i32
        %parallel_loop3A_432 = arith.cmpi sgt, %parallel_loop3A_410, %parallel_loop3A_431 : i32
        %parallel_loop3A_433 = arith.extui %parallel_loop3A_432 : i1 to i32
        %parallel_loop3A_434 = arith.constant 0 : i32
        %parallel_loop3A_435 = arith.cmpi slt, %parallel_loop3A_410, %parallel_loop3A_434 : i32
        %parallel_loop3A_436 = arith.extui %parallel_loop3A_435 : i1 to i32
        %parallel_loop3A_437 = arith.subi %parallel_loop3A_433, %parallel_loop3A_436 : i32
        %parallel_loop3A_438 = arith.constant 0 : i32
        %parallel_loop3A_439 = arith.cmpi sgt, %parallel_loop3A_429, %parallel_loop3A_438 : i32
        %parallel_loop3A_440 = arith.extui %parallel_loop3A_439 : i1 to i32
        %parallel_loop3A_441 = arith.constant 0 : i32
        %parallel_loop3A_442 = arith.cmpi slt, %parallel_loop3A_429, %parallel_loop3A_441 : i32
        %parallel_loop3A_443 = arith.extui %parallel_loop3A_442 : i1 to i32
        %parallel_loop3A_444 = arith.subi %parallel_loop3A_440, %parallel_loop3A_443 : i32
        %parallel_loop3A_445 = arith.cmpi ne, %parallel_loop3A_437, %parallel_loop3A_444 : i32
        %parallel_loop3A_446 = arith.remsi %parallel_loop3A_410, %parallel_loop3A_429 : i32
        %parallel_loop3A_447 = arith.constant 0 : i32
        %parallel_loop3A_448 = arith.cmpi ne, %parallel_loop3A_446, %parallel_loop3A_447 : i32
        %parallel_loop3A_449 = arith.andi %parallel_loop3A_445, %parallel_loop3A_448 : i1
        %parallel_loop3A_450 = arith.constant 1 : i32
        %parallel_loop3A_451 = arith.subi %parallel_loop3A_430, %parallel_loop3A_450 : i32
        %parallel_loop3A_452 = arith.select %parallel_loop3A_449, %parallel_loop3A_451, %parallel_loop3A_430 : i32
        %parallel_loop3A_453 = arith.constant 16 : i32
        %parallel_loop3A_454 = arith.muli %parallel_loop3A_452, %parallel_loop3A_453 : i32
        %parallel_loop3A_455 = vector.broadcast %parallel_loop3A_428 : i32 to vector<16xi32>
        %parallel_loop3A_456 = arith.addi %parallel_loop3A_455, %iota3A_247 : vector<16xi32>
        %parallel_loop3A_457 = vector.broadcast %parallel_loop3A_454 : i32 to vector<16xi32>
        %parallel_loop3A_458 = arith.addi %parallel_loop3A_457, %and3A_379 : vector<16xi32>
        %parallel_loop3A_459 = tpu.vector_load_idx %arg7[%parallel_loop3A_456, %parallel_loop3A_458] : memref<128x64xf32, #tpu.memory_space<vmem>>[vector<16xi32>, vector<16xi32>], vector<16xf32>,
        %parallel_loop3A_460 = arith.constant 3 : i32
        %parallel_loop3A_461 = vector.broadcast %parallel_loop3A_460 : i32 to vector<16xi32>
        %parallel_loop3A_462 = arith.shrui %parallel_loop3A_458, %parallel_loop3A_461 : vector<16xi32>
        %parallel_loop3A_463 = arith.constant 7 : i32
        %parallel_loop3A_464 = vector.broadcast %parallel_loop3A_463 : i32 to vector<16xi32>
        %parallel_loop3A_465 = arith.andi %parallel_loop3A_458, %parallel_loop3A_464 : vector<16xi32>
        tpu.vector_store_idx %arg9[%parallel_loop3A_462, %parallel_loop3A_465, %parallel_loop3A_456], %parallel_loop3A_459 : memref<8x8x128xf32, #tpu.memory_space<vmem>>[vector<16xi32>, vector<16xi32>, vector<16xi32>], vector<16xf32>,
      } {sc.loop_unroll_factor = 4 : i64, sc.parallel_access}
      %add3A_383 = arith.constant 15 : i32
      %add3A_384 = vector.broadcast %add3A_383 : i32 to vector<16xi32>
      %add3A_385 = arith.addi %iota3A_247, %add3A_384 : vector<16xi32>
      %and3A_386 = arith.constant 15 : i32
      %and3A_387 = vector.broadcast %and3A_386 : i32 to vector<16xi32>
      %and3A_388 = arith.andi %add3A_385, %and3A_387 : vector<16xi32>
      %parallel_loop3A_389 = arith.constant 0 : i32
      %parallel_loop3A_390 = arith.constant 32 : i32
      %parallel_loop3A_391 = arith.constant 1 : i32
      scf.for %parallel_loop3A_410 = %parallel_loop3A_389 to %parallel_loop3A_390 step %parallel_loop3A_391  : i32 {
        %parallel_loop3A_411 = arith.constant 8 : i32
        %parallel_loop3A_412 = arith.constant 0 : i32
        %parallel_loop3A_413 = arith.cmpi eq, %parallel_loop3A_411, %parallel_loop3A_412 : i32
        %parallel_loop3A_414 = arith.constant 1 : i32
        %parallel_loop3A_415 = arith.select %parallel_loop3A_413, %parallel_loop3A_414, %parallel_loop3A_411 : i32
        %parallel_loop3A_416 = arith.remsi %parallel_loop3A_410, %parallel_loop3A_415 : i32
        %parallel_loop3A_417 = arith.constant 0 : i32
        %parallel_loop3A_418 = arith.cmpi ne, %parallel_loop3A_416, %parallel_loop3A_417 : i32
        %parallel_loop3A_419 = arith.constant 0 : i32
        %parallel_loop3A_420 = arith.cmpi slt, %parallel_loop3A_416, %parallel_loop3A_419 : i32
        %parallel_loop3A_421 = arith.constant 0 : i32
        %parallel_loop3A_422 = arith.cmpi slt, %parallel_loop3A_415, %parallel_loop3A_421 : i32
        %parallel_loop3A_423 = arith.xori %parallel_loop3A_420, %parallel_loop3A_422 : i1
        %parallel_loop3A_424 = arith.andi %parallel_loop3A_423, %parallel_loop3A_418 : i1
        %parallel_loop3A_425 = arith.addi %parallel_loop3A_416, %parallel_loop3A_415 : i32
        %parallel_loop3A_426 = arith.select %parallel_loop3A_424, %parallel_loop3A_425, %parallel_loop3A_416 : i32
        %parallel_loop3A_427 = arith.constant 16 : i32
        %parallel_loop3A_428 = arith.muli %parallel_loop3A_426, %parallel_loop3A_427 : i32
        %parallel_loop3A_429 = arith.constant 8 : i32
        %parallel_loop3A_430 = arith.divsi %parallel_loop3A_410, %parallel_loop3A_429 : i32
        %parallel_loop3A_431 = arith.constant 0 : i32
        %parallel_loop3A_432 = arith.cmpi sgt, %parallel_loop3A_410, %parallel_loop3A_431 : i32
        %parallel_loop3A_433 = arith.extui %parallel_loop3A_432 : i1 to i32
        %parallel_loop3A_434 = arith.constant 0 : i32
        %parallel_loop3A_435 = arith.cmpi slt, %parallel_loop3A_410, %parallel_loop3A_434 : i32
        %parallel_loop3A_436 = arith.extui %parallel_loop3A_435 : i1 to i32
        %parallel_loop3A_437 = arith.subi %parallel_loop3A_433, %parallel_loop3A_436 : i32
        %parallel_loop3A_438 = arith.constant 0 : i32
        %parallel_loop3A_439 = arith.cmpi sgt, %parallel_loop3A_429, %parallel_loop3A_438 : i32
        %parallel_loop3A_440 = arith.extui %parallel_loop3A_439 : i1 to i32
        %parallel_loop3A_441 = arith.constant 0 : i32
        %parallel_loop3A_442 = arith.cmpi slt, %parallel_loop3A_429, %parallel_loop3A_441 : i32
        %parallel_loop3A_443 = arith.extui %parallel_loop3A_442 : i1 to i32
        %parallel_loop3A_444 = arith.subi %parallel_loop3A_440, %parallel_loop3A_443 : i32
        %parallel_loop3A_445 = arith.cmpi ne, %parallel_loop3A_437, %parallel_loop3A_444 : i32
        %parallel_loop3A_446 = arith.remsi %parallel_loop3A_410, %parallel_loop3A_429 : i32
        %parallel_loop3A_447 = arith.constant 0 : i32
        %parallel_loop3A_448 = arith.cmpi ne, %parallel_loop3A_446, %parallel_loop3A_447 : i32
        %parallel_loop3A_449 = arith.andi %parallel_loop3A_445, %parallel_loop3A_448 : i1
        %parallel_loop3A_450 = arith.constant 1 : i32
        %parallel_loop3A_451 = arith.subi %parallel_loop3A_430, %parallel_loop3A_450 : i32
        %parallel_loop3A_452 = arith.select %parallel_loop3A_449, %parallel_loop3A_451, %parallel_loop3A_430 : i32
        %parallel_loop3A_453 = arith.constant 16 : i32
        %parallel_loop3A_454 = arith.muli %parallel_loop3A_452, %parallel_loop3A_453 : i32
        %parallel_loop3A_455 = vector.broadcast %parallel_loop3A_428 : i32 to vector<16xi32>
        %parallel_loop3A_456 = arith.addi %parallel_loop3A_455, %iota3A_247 : vector<16xi32>
        %parallel_loop3A_457 = vector.broadcast %parallel_loop3A_454 : i32 to vector<16xi32>
        %parallel_loop3A_458 = arith.addi %parallel_loop3A_457, %and3A_388 : vector<16xi32>
        %parallel_loop3A_459 = tpu.vector_load_idx %arg7[%parallel_loop3A_456, %parallel_loop3A_458] : memref<128x64xf32, #tpu.memory_space<vmem>>[vector<16xi32>, vector<16xi32>], vector<16xf32>,
        %parallel_loop3A_460 = arith.constant 3 : i32
        %parallel_loop3A_461 = vector.broadcast %parallel_loop3A_460 : i32 to vector<16xi32>
        %parallel_loop3A_462 = arith.shrui %parallel_loop3A_458, %parallel_loop3A_461 : vector<16xi32>
        %parallel_loop3A_463 = arith.constant 7 : i32
        %parallel_loop3A_464 = vector.broadcast %parallel_loop3A_463 : i32 to vector<16xi32>
        %parallel_loop3A_465 = arith.andi %parallel_loop3A_458, %parallel_loop3A_464 : vector<16xi32>
        tpu.vector_store_idx %arg9[%parallel_loop3A_462, %parallel_loop3A_465, %parallel_loop3A_456], %parallel_loop3A_459 : memref<8x8x128xf32, #tpu.memory_space<vmem>>[vector<16xi32>, vector<16xi32>, vector<16xi32>], vector<16xf32>,
      } {sc.loop_unroll_factor = 4 : i64, sc.parallel_access}
      %dma_start3A_392 = arith.constant 0 : i32
      %dma_start3A_393 = arith.constant 0 : i32
      %dma_start3A_394 = arith.constant 0 : i32
      %dma_start3A_395 = tpu.memref_slice %arg4[%add3A_231, %dma_start3A_392, %add3A, %dma_start3A_393, %dma_start3A_394] : memref<50x8x32x8x128xf32, #tpu.memory_space<hbm>> -> memref<1x8x1x8x128xf32, #tpu.memory_space<hbm>>
      %dma_start3A_396 = tpu.memref_squeeze %dma_start3A_395 : memref<1x8x1x8x128xf32, #tpu.memory_space<hbm>> -> memref<8x8x128xf32, #tpu.memory_space<hbm>>
      %dma_start3A_397 = arith.constant 0 : i32
      %dma_start3A_398 = arith.constant 0 : i32
      %dma_start3A_399 = arith.constant 0 : i32
      %dma_start3A_400 = tpu.memref_slice %arg4[%add3A_231, %dma_start3A_397, %add3A, %dma_start3A_398, %dma_start3A_399] : memref<50x8x32x8x128xf32, #tpu.memory_space<hbm>> -> memref<1x8x1x8x128xf32, #tpu.memory_space<hbm>>
      %dma_start3A_401 = tpu.memref_squeeze %dma_start3A_400 : memref<1x8x1x8x128xf32, #tpu.memory_space<hbm>> -> memref<8x8x128xf32, #tpu.memory_space<hbm>>
      tpu.enqueue_dma source(%arg9 : memref<8x8x128xf32, #tpu.memory_space<vmem>>) target(%dma_start3A_401 : memref<8x8x128xf32, #tpu.memory_space<hbm>>) target_semaphore(%arg13 : memref<!tpu.dma_semaphore, #tpu.memory_space<semaphore_mem>>)
      %add3A_402 = arith.constant 2 : i32
      %add3A_403 = arith.addi %add3A_231, %add3A_402 : i32
      %lt3A_404 = arith.constant 50 : i32
      %lt3A_405 = arith.cmpi slt, %add3A_403, %lt3A_404 : i32
      %convert_element_type3A_406 = arith.extui %lt3A_405 : i1 to i32
      %cond3A_407 = arith.constant 0 : i32
      %cond3A_408 = arith.cmpi ne, %convert_element_type3A_406, %cond3A_407 : i32
      scf.if %cond3A_408 {
        %add3A_410 = arith.constant 2 : i32
        %add3A_411 = arith.addi %add3A_231, %add3A_410 : i32
        %dma_start3A_412 = arith.constant 0 : i32
        %dma_start3A_413 = arith.constant 0 : i32
        %dma_start3A_414 = tpu.memref_slice %arg5[%scan3A, %dma_start3A_412, %dma_start3A_413] : memref<1x50x128xi32, #tpu.memory_space<vmem>> -> memref<1x50x128xi32, #tpu.memory_space<vmem>>
        %dma_start3A_415 = tpu.memref_squeeze %dma_start3A_414 : memref<1x50x128xi32, #tpu.memory_space<vmem>> -> memref<50x128xi32, #tpu.memory_space<vmem>>
        %dma_start3A_416 = arith.constant 0 : i32
        %dma_start3A_417 = tpu.memref_slice %dma_start3A_415[%add3A_411, %dma_start3A_416] : memref<50x128xi32, #tpu.memory_space<vmem>> -> memref<1x128xi32, #tpu.memory_space<vmem>>
        %dma_start3A_418 = tpu.memref_squeeze %dma_start3A_417 : memref<1x128xi32, #tpu.memory_space<vmem>> -> memref<128xi32, #tpu.memory_space<vmem>>
        %dma_start3A_419 = arith.constant 0 : i32
        %dma_start3A_420 = arith.constant 0 : i32
        %dma_start3A_421 = tpu.memref_slice %arg2[%dma_start3A_419, %dma_start3A_420] : memref<100000x64xf32, #tpu.memory_space<hbm>> -> memref<100000x64xf32, #tpu.memory_space<hbm>>
        tpu.enqueue_indirect_dma source(%dma_start3A_421 : memref<100000x64xf32, #tpu.memory_space<hbm>>) target(%arg7 : memref<128x64xf32, #tpu.memory_space<vmem>>) offsets(%dma_start3A_418 : memref<128xi32, #tpu.memory_space<vmem>>) semaphore(%arg11 : memref<!tpu.dma_semaphore, #tpu.memory_space<semaphore_mem>>)
      } else {
      }
      %scan3A_409 = arith.constant 0 : i32
      scf.yield %scan3A_409 : i32
    }
    %scan3A_30 = arith.constant 25 : i32
    %dma_wait3A = arith.constant 48 : i32
    %dma_wait3A_31 = arith.constant 0 : i32
    %dma_wait3A_32 = arith.constant 0 : i32
    %dma_wait3A_33 = arith.constant 0 : i32
    %dma_wait3A_34 = tpu.memref_slice %arg4[%dma_wait3A, %dma_wait3A_31, %add3A, %dma_wait3A_32, %dma_wait3A_33] : memref<50x8x32x8x128xf32, #tpu.memory_space<hbm>> -> memref<1x8x1x8x128xf32, #tpu.memory_space<hbm>>
    %dma_wait3A_35 = tpu.memref_squeeze %dma_wait3A_34 : memref<1x8x1x8x128xf32, #tpu.memory_space<hbm>> -> memref<8x8x128xf32, #tpu.memory_space<hbm>>
    %dma_wait3A_36 = arith.constant 0 : i32
    %dma_wait3A_37 = arith.constant 0 : i32
    %dma_wait3A_38 = arith.constant 0 : i32
    %dma_wait3A_39 = tpu.memref_slice %arg4[%dma_wait3A, %dma_wait3A_36, %add3A, %dma_wait3A_37, %dma_wait3A_38] : memref<50x8x32x8x128xf32, #tpu.memory_space<hbm>> -> memref<1x8x1x8x128xf32, #tpu.memory_space<hbm>>
    %dma_wait3A_40 = tpu.memref_squeeze %dma_wait3A_39 : memref<1x8x1x8x128xf32, #tpu.memory_space<hbm>> -> memref<8x8x128xf32, #tpu.memory_space<hbm>>
    tpu.wait_dma2 semaphore(%arg12 : memref<!tpu.dma_semaphore, #tpu.memory_space<semaphore_mem>>) src(%arg8 : memref<8x8x128xf32, #tpu.memory_space<vmem>>) dst(%dma_wait3A_40 : memref<8x8x128xf32, #tpu.memory_space<hbm>>)
    %dma_wait3A_41 = arith.constant 49 : i32
    %dma_wait3A_42 = arith.constant 0 : i32
    %dma_wait3A_43 = arith.constant 0 : i32
    %dma_wait3A_44 = arith.constant 0 : i32
    %dma_wait3A_45 = tpu.memref_slice %arg4[%dma_wait3A_41, %dma_wait3A_42, %add3A, %dma_wait3A_43, %dma_wait3A_44] : memref<50x8x32x8x128xf32, #tpu.memory_space<hbm>> -> memref<1x8x1x8x128xf32, #tpu.memory_space<hbm>>
    %dma_wait3A_46 = tpu.memref_squeeze %dma_wait3A_45 : memref<1x8x1x8x128xf32, #tpu.memory_space<hbm>> -> memref<8x8x128xf32, #tpu.memory_space<hbm>>
    %dma_wait3A_47 = arith.constant 0 : i32
    %dma_wait3A_48 = arith.constant 0 : i32
    %dma_wait3A_49 = arith.constant 0 : i32
    %dma_wait3A_50 = tpu.memref_slice %arg4[%dma_wait3A_41, %dma_wait3A_47, %add3A, %dma_wait3A_48, %dma_wait3A_49] : memref<50x8x32x8x128xf32, #tpu.memory_space<hbm>> -> memref<1x8x1x8x128xf32, #tpu.memory_space<hbm>>
    %dma_wait3A_51 = tpu.memref_squeeze %dma_wait3A_50 : memref<1x8x1x8x128xf32, #tpu.memory_space<hbm>> -> memref<8x8x128xf32, #tpu.memory_space<hbm>>
    tpu.wait_dma2 semaphore(%arg13 : memref<!tpu.dma_semaphore, #tpu.memory_space<semaphore_mem>>) src(%arg9 : memref<8x8x128xf32, #tpu.memory_space<vmem>>) dst(%dma_wait3A_51 : memref<8x8x128xf32, #tpu.memory_space<hbm>>)
    return
  }
}

</mosaic_0001>

<sc_bundles>
// kernel: kernel.3.cloned.1.call-start
scs
__scs_entry_jumppad:
0x0: {  	(pc) =	sbr.rel $0x88, $3  }
0x1: {  	(tag) =	ssettag $0x0;
	lr =	simm.s32 $0x1  }
0x2: {  	[smem:$0x3F9F] =	sst lr;
	_ =	strace $0xD0000000  }
0x3: {  	_ = 	snop  }
0x4: {  	_ = 	snop  }
0x5: {  	_ = 	snop  }
0x6: {  	_ = 	snop  }
0x7: {  	_ = 	snop  }
__scs_overlays_trampoline_lowered:
0x8: {  	[smem:$0x3FAE] =	sst s0  }
0x9: {  	[smem:$0x3FAF] =	sst s1  }
0xa: {  	[smem:$0x3FB0] =	sst s2  }
0xb: {  	[smem:$0x3FB1] =	sst s3  }
0xc: {  	[smem:$0x3FB2] =	sst s4  }
0xd: {  	[smem:$0x3FB3] =	sst s5  }
0xe: {  	[smem:$0x3FB4] =	sst s6  }
0xf: {  	[smem:$0x3FB5] =	sst s7  }
0x10: {  	[smem:$0x3FB6] =	sst s8  }
0x11: {  	[smem:$0x3FB7] =	sst s9;
	s0 =	simm.s32 @!p0 $0x0  }
0x12: {  	s1 =	sld [smem:$0x3F9D];
	s0 =	simm.s32 @p0 $0x1  }
0x13: {  	[smem:$0x3FB8] =	sst s0;
	s0 =	simm.s32 @!p1 $0x0  }
0x14: {  	s2 =	sld [smem:$0x3F9C];
	s0 =	simm.s32 @p1 $0x1  }
0x15: {  	[smem:$0x3FB9] =	sst s0;
	s0 =	simm.s32 @!p2 $0x0  }
0x16: {  	s3 =	sld [smem:$0x3FDB];
	s0 =	simm.s32 @p2 $0x1  }
0x17: {  	s4 =	simm.s32 $0x1BF5;
	[smem:$0x3FBB] =	sst s0  }
0x18: {  	s0 =	sld [smem:$0x3F9E];
	_ =	swait.ge [sflag:s4], $0x0  }
0x19: {  	s7 =	sld [smem:$0x3F9F]  }
0x1a: {  	s8 =	sadd.s32 $0xFFFFE003, lr  }
0x1b: {  	s9 =	sadd.s32 $0xFFFFFEF7, lr;
	s5 =	simm.s32 $0xFFFFFFFF;
	p2 =	slt.u32 s8, $0xFFFFF086  }
0x1c: {  	p1 =	slt.u32 s9, $0xF7A;
	s5 =	simm.s32 @!p2 $0x0  }
0x1d: {  	s5 =	simm.s32 @p1 $0x1;
	p0 =	seq.s32 s7, s2  }
0x1e: {  	s7 =	smul.u32 @!p0 $0xF7A, s2;
	p2 =	seq.s32 @!p0 s5, $0x0  }
0x1f: {  	s9 =	smul.u32 $0xF7A, s1;
	s8 =	simm.s32 @!p0 $0x1BF5;
	p2 =	por !p2, p0  }
0x20: {  	[sflag:s8] =	ssyncset.s32 @!p0 $0xFFFFF086;
	s6 =	sadd.s32 @!p0 s3, s7;
	s7 =	simm.s32 @!p0 $0x108  }
0x21: {  	s3 =	sadd.s32 s3, s9;
	s6 =	sadd.s32 @!p0 $0x88, s6;
	s7 =	simm.s32 @p2 $0x1082  }
0x22: {  	[simem:s7], [sflag:s8] =	dma.local @!p0 [hbm:s6], $0xF7A  }
0x23: {  	s9 =	sor.u32 $0xD0000000, s2;
	s6 =	simm.s32 $0x108;
	_ =	swait.ge @!p0 [sflag:s8], $0x0  }
0x24: {  	s3 =	sadd.s32 $0x88, s3;
	s6 =	simm.s32 @!p1 $0x1082;
	[sflag:s4] =	ssyncset.s32 $0xFFFFF086  }
0x25: {  	[simem:s6], [sflag:s4] =	dma.local [hbm:s3], $0xF7A  }
0x26: {  	[smem:$0x3F9F] =	sst s1;
	(tag) =	ssettag s2;
	_ =	strace s9  }
0x27: {  	s1 =	sld [smem:$0x3FAF]  }
0x28: {  	s2 =	sld [smem:$0x3FB0]  }
0x29: {  	s4 =	sld [smem:$0x3FB2]  }
0x2a: {  	p0 =	seq.s32 s5, $0x0;
	s5 =	sld [smem:$0x3FB3]  }
0x2b: {  	s6 =	sld [smem:$0x3FB4]  }
0x2c: {  	s7 =	sld [smem:$0x3FB5]  }
0x2d: {  	s3 =	simm.s32 $0x108;
	s8 =	sld [smem:$0x3FB6]  }
0x2e: {  	s3 =	simm.s32 @!p0 $0x1082;
	s9 =	sld [smem:$0x3FB7]  }
0x2f: {  	lr =	sadd.s32 s0, s3;
	s0 =	sld [smem:$0x3FAE]  }
0x30: {  	s3 =	sld [smem:$0x3FB1]  }
0x31: {  	[smem:$0x3FBA] =	sst s10  }
0x32: {  	s10 =	sld [smem:$0x3FB8];
	_ =	sdelay $0x3  }
0x33: {  	p0 =	seq.s32 s10, $0x1;
	s10 =	sld [smem:$0x3FBA];
	_ =	sdelay $0x3  }
0x34: {  	[smem:$0x3FBA] =	sst s10  }
0x35: {  	s10 =	sld [smem:$0x3FB9];
	_ =	sdelay $0x3  }
0x36: {  	p1 =	seq.s32 s10, $0x1;
	s10 =	sld [smem:$0x3FBA];
	_ =	sdelay $0x3  }
0x37: {  	[smem:$0x3FBA] =	sst s10  }
0x38: {  	s10 =	sld [smem:$0x3FBB]  }
0x39: {  	_ = 	snop;
	(pc) =	sbr.ind lr, $3  }
0x3a: {  	_ = 	snop  }
0x3b: {  	_ = 	snop  }
0x3c: {  	p2 =	seq.s32 s10, $0x1;
	s10 =	sld [smem:$0x3FBA]  }
0x3d: {  	_ =	shalt  }
0x3e: {  	_ =	shalt  }
0x3f: {  	_ =	shalt  }
0x40: {  	_ =	shalt  }
0x41: {  	_ =	shalt  }
0x42: {  	_ =	shalt  }
0x43: {  	_ =	shalt  }
0x44: {  	_ =	shalt  }
0x45: {  	_ =	shalt  }
0x46: {  	_ =	shalt  }
0x47: {  	_ =	shalt  }
0x48: {  	_ =	shalt  }
0x49: {  	_ =	shalt  }
0x4a: {  	_ =	shalt  }
0x4b: {  	_ =	shalt  }
0x4c: {  	_ =	shalt  }
0x4d: {  	_ =	shalt  }
0x4e: {  	_ =	shalt  }
0x4f: {  	_ =	shalt  }
0x50: {  	_ =	shalt  }
0x51: {  	_ =	shalt  }
0x52: {  	_ =	shalt  }
0x53: {  	_ =	shalt  }
0x54: {  	_ =	shalt  }
0x55: {  	_ =	shalt  }
0x56: {  	_ =	shalt  }
0x57: {  	_ =	shalt  }
0x58: {  	_ =	shalt  }
0x59: {  	_ =	shalt  }
0x5a: {  	_ =	shalt  }
0x5b: {  	_ =	shalt  }
0x5c: {  	_ =	shalt  }
0x5d: {  	_ =	shalt  }
0x5e: {  	_ =	shalt  }
0x5f: {  	_ =	shalt  }
0x60: {  	_ =	shalt  }
0x61: {  	_ =	shalt  }
0x62: {  	_ =	shalt  }
0x63: {  	_ =	shalt  }
0x64: {  	_ =	shalt  }
0x65: {  	_ =	shalt  }
0x66: {  	_ =	shalt  }
0x67: {  	_ =	shalt  }
0x68: {  	_ =	shalt  }
0x69: {  	_ =	shalt  }
0x6a: {  	_ =	shalt  }
0x6b: {  	_ =	shalt  }
0x6c: {  	_ =	shalt  }
0x6d: {  	_ =	shalt  }
0x6e: {  	_ =	shalt  }
0x6f: {  	_ =	shalt  }
0x70: {  	_ =	shalt  }
0x71: {  	_ =	shalt  }
0x72: {  	_ =	shalt  }
0x73: {  	_ =	shalt  }
0x74: {  	_ =	shalt  }
0x75: {  	_ =	shalt  }
0x76: {  	_ =	shalt  }
0x77: {  	_ =	shalt  }
0x78: {  	_ =	shalt  }
0x79: {  	_ =	shalt  }
0x7a: {  	_ =	shalt  }
0x7b: {  	_ =	shalt  }
0x7c: {  	_ =	shalt  }
0x7d: {  	_ =	shalt  }
0x7e: {  	_ =	shalt  }
0x7f: {  	_ =	shalt  }
0x80: {  	_ =	shalt  }
0x81: {  	_ =	shalt  }
0x82: {  	_ =	shalt  }
0x83: {  	_ =	shalt  }
0x84: {  	_ =	shalt  }
0x85: {  	_ =	shalt  }
0x86: {  	_ =	shalt  }
0x87: {  	_ =	shalt  }
.Lfunc_end0:
.L_simem_size_0:
called_computation_lowered:
.L_overlay_start_0:
0x88: {  	s2 =	sld [smem:$0x3FD9]  }
0x89: {  	s3 =	sld [smem:$0x3FFE];
	_ =	sdelay $0x1  }
0x8a: {  	s1 =	srdreg.scid  }
0x8b: {  	s0 =	sand.u32 $0x1, s1  }
0x8c: {  	s17 =	sshll.u32 s0, $0xA;
	s2 =	sadd.s32 s3, s2  }
0x8d: {  	s2 =	sadd.s32 s2, s17  }
0x8e: {  	[smem:$0x3FC6] =	sst s2  }
0x8f: {  	_ = 	snop  }
0x90: {  	s2 =	sld [smem:$0x3FD0];
	(tm) =	ssettm $0x1  }
0x91: {  	s18 =	sld [smem:$0x3FFB];
	_ =	sdelay $0x3  }
0x92: {  	_ =	strace s18  }
0x93: {  	s3 =	sld [smem:$0x3FFC];
	_ =	sdelay $0x3  }
0x94: {  	_ =	strace s3  }
0x95: {  	s3 =	sld [smem:$0x3FFD];
	_ =	sdelay $0x3  }
0x96: {  	_ =	strace s3  }
0x97: {  	_ =	strace $0x8FFFFFFF  }
0x98: {  	s19 =	sld [smem:$0x3FDB];
	_ =	sdelay $0x1  }
0x99: {  	s4 =	simm.s32 $_scs_section_size  }
0x9a: {  	s5 =	simm.s32 $_size__tile_overlayer_lowered;
	s6 =	simm.s32 $_tile_overlayer_lowered  }
0x9b: {  	s22 =	simm.s32 $0x1BFF;
	s21 =	sshll.u32 s6, $0x1;
	s3 =	sadd.s32 s4, s19  }
0x9c: {  	s7 =	simm.s32 $0x0;
	s20 =	sshll.u32 s5, $0x1;
	s5 =	sadd.s32 s21, s3  }
0x9d: {  	[timem:s7], [sflag:s22] =	dma.local [hbm:s5], s20  }
0x9e: {  	_ =	swait.ge [sflag:s22], s20  }
0x9f: {  	s4 =	ssub.s32 $0x0, s20;
	[sflag:s22] =	ssyncset.done $0x0  }
0xa0: {  	[sflag:s22] =	ssyncadd.s32 s4;
	_ =	sdelay $0x1  }
0xa1: {  	s23 =	simm.s32 $0x1B8B  }
0xa2: {  	_ =	swait.ge [sflag:s23], $0x1  }
0xa3: {  	[sflag:s23] =	ssyncset.done $0x0  }
0xa4: {  	s25 =	simm.s32 $0x1B8E;
	s24 =	sld [smem:$0x3FFE];
	[sflag:s23] =	ssyncadd.s32 $0xFFFFFFFF  }
0xa5: {  	s26 =	simm.s32 $execute0_lowered;
	[smem:$0x3FD2] =	sst s25  }
0xa6: {  	s5 =	sshll.u32 s26, $0x1;
	_ =	strace $0x80000046;
	[dreg:$0x1] =	wrdreg $0xFFFFFFFF  }
0xa7: {  	s28 =	simm.s32 $_size_execute0_lowered;
	s3 =	sadd.s32 s3, s5;
	[dreg:$0x0] =	wrdreg $0x0  }
0xa8: {  	s5 =	sshll.u32 s28, $0x1;
	[dreg:$0x2] =	wrdreg s3  }
0xa9: {  	[dreg:$0x3] =	wrdreg s5  }
0xaa: {  	[dreg:$0x4] =	wrdreg $0xC0  }
0xab: {  	_ =	task [dreg:s7], $0x5FFFF  }
0xac: {  	[dreg:$0x1] =	wrdreg $0xFFFFFFFF  }
0xad: {  	[dreg:$0x0] =	wrdreg $0x60  }
0xae: {  	[dreg:$0x2] =	wrdreg s24  }
0xaf: {  	[dreg:$0x3] =	wrdreg s2  }
0xb0: {  	[dreg:$0x4] =	wrdreg $0x9  }
0xb1: {  	_ =	task.clear_ibuf [dreg:s7], $0x5FFFF;
	_ =	strace $0x90000046  }
0xb2: {  	s29 =	simm.s32 $0x9;
	_ =	strace $0x80000048  }
0xb3: {  	_ =	swait.ge [sflag:s29], $0x1  }
0xb4: {  	[sflag:s29] =	ssyncadd.s32 $0xFFFFFFFF  }
0xb5: {  	_ =	strace $0x90000048  }
0xb6: {  	_ =	sfence  }
0xb7: {  	s30 =	sld [smem:$0x0];
	_ =	sdelay $0x2  }
0xb8: {  	s31 =	sshll.u32 s1, $0xD;
	s1 =	sshrl.u32 s1, $0x2  }
0xb9: {  	s3 =	sand.u32 $0x4000, s31;
	s1 =	sadd.s32 s1, s30  }
0xba: {  	s0 =	sor.u32 s3, s0;
	s1 =	sshll.u32 s1, $0x11  }
0xbb: {  	s0 =	sor.u32 s1, s0  }
0xbc: {  	s0 =	sadd.s32 $0x8F2B, s0  }
0xbd: {  	[sflag:s0] =	ssyncadd.remote.s32 $0x1  }
0xbe: {  	_ =	sfence.sel $0xFFFF  }
0xbf: {  	[dreg:$0x0] =	wrdreg $0xFFFFFFFF;
	(pc) =	sbr.abs _section_cstart, $3  }
0xc0: {  	[dreg:$0x1] =	wrdreg $0xFFFFFFFF  }
0xc1: {  	_ =	task.clear_ibuf [dreg:s7], $0x2FFFF;
	_ =	strace $0x9FFFFFFF  }
0xc2: {  	(tm) =	ssettm $0x7FFFFFFF  }
0xc3: {  	_ =	shalt  }
tec
execute0_lowered:
.L_overlay_start_1:
0x0: {  	(tag) =	ssettag $0x1  }
0x1: {  	v1 =	vimm.s32 $0xFEDCBA9  }
0x2: {  	v2 =	vimm.s32 $0x87654321;
	v3 =	vimm.s32 $0x7;
	vm13 =	vcmask $0x300  }
0x3: {  	vm12 =	vcmask $0x704;
	vm11 =	vcmask $0xB08;
	vm10 =	vcmask $0xF0C  }
0x4: {  	vm9 =	vcmask $0x1310;
	vm8 =	vcmask $0x1714;
	vm7 =	vcmask $0x1B18  }
0x5: {  	vm6 =	vcmask $0x2320;
	vm5 =	vcmask $0x2724;
	vm3 =	vcmask $0x2B28  }
0x6: {  	vm1 =	vcmask $0x2F2C;
	v6 =	vimm.s32 $0x87;
	vm0 =	vcmask $0x3330  }
0x7: {  	v7 =	vimm.s32 $0x10FEDCBA;
	v8 =	vimm.s32 $0x98765432;
	vm2 =	vcmask $0x3734  }
0x8: {  	vm4 =	vcmask $0x3B38;
	v1 =	vunpack.c.l.s4.s8 v1;
	v2 =	vunpack.c.l.s4.s8 v2  }
0x9: {  	v11 =	vimm.s32 $0xA9876543;
	v3 =	vsel vm13, $0x80, v3;
	v6 =	vsel vm13, $0x100, v6  }
0xa: {  	v4 =	vunpack.c.0.s8.s32 v1;
	v1 =	vsel vm12, $0x101, v3;
	v2 =	vunpack.c.0.s8.s32 v2  }
0xb: {  	v7 =	vunpack.c.l.s4.s8 v7;
	v8 =	vunpack.c.l.s4.s8 v8;
	v1 =	vsel vm11, $0x182, v1  }
0xc: {  	v6 =	vsel vm12, $0x181, v6;
	v1 =	vsel vm10, $0x203, v1;
	[tilespmem:$0x1FF30] =	vst v2;
	v2 =	vcombine.low v2, v4  }
0xd: {  	v11 =	vunpack.c.l.s4.s8 v11;
	v6 =	vsel vm11, $0x202, v6;
	v1 =	vsel vm9, $0x284, v1  }
0xe: {  	v1 =	vsel vm8, $0x305, v1;
	v5 =	vand.u32 $0xF, v2;
	v2 =	vimm.s32 $0x7654321  }
0xf: {  	v7 =	vunpack.c.0.s8.s32 v7;
	v1 =	vsel vm7, $0x386, v1;
	v2 =	vunpack.c.l.s4.s8 v2  }
0x10: {  	v9 =	vunpack.c.0.s8.s32 v8;
	v6 =	vsel vm10, $0x283, v6;
	v1 =	vsel vm6, $0x80, v1  }
0x11: {  	v6 =	vsel vm9, $0x304, v6;
	v1 =	vsel vm5, $0x101, v1;
	v8 =	vunpack.c.0.s8.s32 v2  }
0x12: {  	v2 =	vsel vm8, $0x385, v6;
	v6 =	vcombine.low v9, v7;
	v1 =	vsel vm3, $0x182, v1  }
0x13: {  	[tilespmem:$0x1FF40] =	vst v7;
	v7 =	vimm.s32 $0x210FEDCB;
	v2 =	vsel vm7, $0x6, v2;
	v1 =	vsel vm1, $0x203, v1  }
0x14: {  	v10 =	vand.u32 $0xF, v6;
	v6 =	vimm.s32 $0x10765432;
	v1 =	vsel vm0, $0x284, v1  }
0x15: {  	v7 =	vunpack.c.l.s4.s8 v7;
	v6 =	vunpack.c.l.s4.s8 v6;
	v1 =	vsel vm2, $0x305, v1  }
0x16: {  	[tilespmem:$0x1FF50] =	vst v9;
	v9 =	vsel vm4, $0x386, v1;
	v1 =	vsel vm6, $0x100, v2;
	v2 =	vimm.s32 $0x107  }
0x17: {  	v11 =	vunpack.c.0.s8.s32 v11;
	v7 =	vunpack.c.0.s8.s32 v7;
	v2 =	vsel vm13, $0x180, v2  }
0x18: {  	v13 =	vunpack.c.0.s8.s32 v6;
	v2 =	vsel vm12, $0x201, v2  }
0x19: {  	[tilespmem:$0x1FF60] =	vst v7;
	v6 =	vcombine.low v11, v7;
	v7 =	vimm.s32 $0x3210FEDC;
	v2 =	vsel vm11, $0x282, v2  }
0x1a: {  	[tilespmem:$0x1FF70] =	vst v11;
	v11 =	vimm.s32 $0xBA987654;
	v1 =	vsel vm5, $0x181, v1;
	v2 =	vsel vm10, $0x303, v2  }
0x1b: {  	v7 =	vunpack.c.l.s4.s8 v7;
	v1 =	vsel vm3, $0x202, v1;
	v2 =	vsel vm9, $0x384, v2  }
0x1c: {  	v11 =	vunpack.c.l.s4.s8 v11;
	v1 =	vsel vm1, $0x283, v1;
	v2 =	vsel vm8, $0x5, v2  }
0x1d: {  	v15 =	vand.u32 $0xF, v6;
	v1 =	vsel vm0, $0x304, v1;
	v2 =	vsel vm7, $0x86, v2  }
0x1e: {  	v6 =	vimm.s32 $0x21076543;
	v1 =	vsel vm2, $0x385, v1;
	v2 =	vsel vm6, $0x180, v2  }
0x1f: {  	v14 =	vsel vm4, $0x6, v1;
	v1 =	vsel vm5, $0x201, v2;
	v2 =	vimm.s32 $0x187  }
0x20: {  	v0 =	vlaneseq.u32;
	v6 =	vunpack.c.l.s4.s8 v6;
	v2 =	vsel vm13, $0x200, v2  }
0x21: {  	v7 =	vunpack.c.0.s8.s32 v7;
	v11 =	vunpack.c.0.s8.s32 v11;
	v2 =	vsel vm12, $0x281, v2  }
0x22: {  	v3 =	vand.u32 $0x7, v0;
	v18 =	vunpack.c.0.s8.s32 v6;
	v2 =	vsel vm11, $0x302, v2  }
0x23: {  	[tilespmem:$0x1FF80] =	vst v7;
	v6 =	vcombine.low v11, v7;
	v7 =	vimm.s32 $0x207;
	v2 =	vsel vm10, $0x383, v2  }
0x24: {  	[tilespmem:$0x1FF90] =	vst v11;
	v11 =	vimm.s32 $0x32107654;
	v1 =	vsel vm3, $0x282, v1;
	v2 =	vsel vm9, $0x4, v2  }
0x25: {  	v20 =	vand.u32 $0xF, v6;
	v1 =	vsel vm1, $0x303, v1;
	v2 =	vsel vm8, $0x85, v2  }
0x26: {  	v6 =	vimm.s32 $0x43210FED;
	v1 =	vsel vm0, $0x384, v1;
	v2 =	vsel vm7, $0x106, v2  }
0x27: {  	v6 =	vunpack.c.l.s4.s8 v6;
	v1 =	vsel vm2, $0x5, v1;
	v2 =	vsel vm6, $0x200, v2  }
0x28: {  	v19 =	vsel vm4, $0x86, v1;
	v1 =	vsel vm5, $0x281, v2;
	v2 =	vsel vm13, $0x280, v7  }
0x29: {  	v12 =	vunpack.c.0.s8.s32 v6;
	v6 =	vunpack.c.l.s4.s8 v11;
	v2 =	vsel vm12, $0x301, v2  }
0x2a: {  	v11 =	vimm.s32 $0xDCBA9876;
	v7 =	vimm.s32 $0xCBA98765;
	v2 =	vsel vm11, $0x382, v2  }
0x2b: {  	v11 =	vunpack.c.l.s4.s8 v11;
	v7 =	vunpack.c.l.s4.s8 v7;
	v2 =	vsel vm10, $0x3, v2  }
0x2c: {  	v23 =	vunpack.c.0.s8.s32 v6;
	v1 =	vsel vm3, $0x302, v1;
	v2 =	vsel vm9, $0x84, v2  }
0x2d: {  	v1 =	vsel vm1, $0x383, v1;
	v7 =	vunpack.c.0.s8.s32 v7;
	v2 =	vsel vm8, $0x105, v2  }
0x2e: {  	v6 =	vimm.s32 $0x43210765;
	v1 =	vsel vm0, $0x4, v1;
	v2 =	vsel vm7, $0x186, v2  }
0x2f: {  	v1 =	vsel vm2, $0x85, v1;
	[tilespmem:$0x1FFB0] =	vst v7;
	v7 =	vcombine.low v7, v12;
	v2 =	vsel vm6, $0x280, v2  }
0x30: {  	v24 =	vsel vm4, $0x106, v1;
	v1 =	vsel vm5, $0x301, v2;
	v2 =	vimm.s32 $0x287  }
0x31: {  	[tilespmem:$0x1FF20] =	vst v4;
	v4 =	vmul.u32 $0x81, v3;
	v6 =	vunpack.c.l.s4.s8 v6;
	v2 =	vsel vm13, $0x300, v2  }
0x32: {  	v11 =	vunpack.c.0.s8.s32 v11;
	v25 =	vand.u32 $0xF, v7;
	v2 =	vsel vm12, $0x381, v2  }
0x33: {  	v7 =	vimm.s32 $0x543210FE;
	v1 =	vsel vm3, $0x382, v1;
	v2 =	vsel vm11, $0x2, v2  }
0x34: {  	v7 =	vunpack.c.l.s4.s8 v7;
	v1 =	vsel vm1, $0x3, v1;
	v2 =	vsel vm10, $0x83, v2  }
0x35: {  	v28 =	vunpack.c.0.s8.s32 v6;
	v1 =	vsel vm0, $0x84, v1;
	v2 =	vsel vm9, $0x104, v2  }
0x36: {  	v7 =	vunpack.c.0.s8.s32 v7;
	v1 =	vsel vm2, $0x105, v1;
	v2 =	vsel vm8, $0x185, v2  }
0x37: {  	v6 =	vimm.s32 $0x54321076;
	v29 =	vsel vm4, $0x186, v1;
	v2 =	vsel vm7, $0x206, v2  }
0x38: {  	[tilespmem:$0x1FFC0] =	vst v7;
	v1 =	vcombine.low v11, v7;
	v7 =	vimm.s32 $0x307;
	v2 =	vsel vm6, $0x300, v2  }
0x39: {  	v6 =	vunpack.c.l.s4.s8 v6;
	v7 =	vsel vm13, $0x380, v7;
	v2 =	vsel vm5, $0x381, v2  }
0x3a: {  	v30 =	vand.u32 $0xF, v1;
	v1 =	vsel vm3, $0x2, v2;
	v2 =	vsel vm12, $0x1, v7  }
0x3b: {  	s5 =	rddreg [dreg:$0x0];
	s1 =	srdreg.scid;
	v31 =	vunpack.c.0.s8.s32 v6;
	v6 =	vimm.s32 $0x6543210F;
	v2 =	vsel vm11, $0x82, v2  }
0x3c: {  	s0 =	stileid.u32;
	s2 =	rddreg [dreg:$0x1];
	v6 =	vunpack.c.l.s4.s8 v6;
	v1 =	vsel vm1, $0x83, v1;
	v2 =	vsel vm10, $0x103, v2  }
0x3d: {  	s30 =	simm.s32 $0x0;
	s9 =	simm.s32 $0x5;
	s10 =	simm.s32 $0x80;
	v7 =	vimm.s32 $0xEDCBA987;
	v1 =	vsel vm0, $0x104, v1;
	v2 =	vsel vm9, $0x184, v2  }
0x3e: {  	s11 =	simm.s32 $0x1900;
	s12 =	simm.s32 $0x3900;
	s13 =	simm.s32 $0x1;
	v7 =	vunpack.c.l.s4.s8 v7;
	v1 =	vsel vm2, $0x185, v1;
	v2 =	vsel vm8, $0x205, v2  }
0x3f: {  	s14 =	simm.s32 $0x5900;
	s15 =	simm.s32 $0x400;
	s16 =	simm.s32 $0x8000;
	[tilespmem:$0x1FFD0] =	vst v11;
	v11 =	vunpack.c.0.s8.s32 v6;
	v32 =	vsel vm4, $0x206, v1;
	v1 =	vsel vm7, $0x286, v2  }
0x40: {  	s17 =	simm.s32 $0x2;
	s18 =	simm.s32 $0x4;
	s19 =	simm.s32 $0x7900;
	v7 =	vunpack.c.0.s8.s32 v7;
	v2 =	vimm.s32 $0xFEDCBA98;
	v1 =	vsel vm6, $0x380, v1  }
0x41: {  	s4 =	sand.u32 $0x1, s1;
	s6 =	sshll.u32 s0, $0x1;
	[smem:$0x7FF] =	sst s30;
	[tilespmem:$0x1FFA0] =	vst v12;
	v6 =	vimm.s32 $0x76543210;
	v2 =	vunpack.c.l.s4.s8 v2;
	v1 =	vsel vm5, $0x1, v1  }
.Ltmp0:
0x42: {  	s6 =	sor.u32 s4, s6;
	_ =	strace $0x80000047;
	v6 =	vunpack.c.l.s4.s8 v6;
	[tilespmem:$0x1FFF0] =	vst v7;
	v7 =	vcombine.low v7, v11;
	v1 =	vsel vm3, $0x82, v1;
	(pc) =	sbr.rel .LBB2_1-.Ltmp0, $4  }
0x43: {  	s20 =	simm.s32 $0x3;
	s8 =	ssub.s32 $0x2, s4;
	s7 =	smul.u32 $0x320, s6;
	[tilespmem:$0x1FFE0] =	vst v11;
	v11 =	vimm.s32 $0x65432107;
	v2 =	vunpack.c.0.s8.s32 v2;
	v1 =	vsel vm1, $0x103, v1  }
0x44: {  	s21 =	simm.s32 $0x0;
	s4 =	sadd.s32 $0x6800, s5;
	s31 =	sshrl.u32 s8, $0x1;
	v6 =	vunpack.c.0.s8.s32 v6;
	v11 =	vunpack.c.l.s4.s8 v11;
	v1 =	vsel vm0, $0x184, v1  }
0x45: {  	s6 =	sshll.u32 s6, $0x7;
	s8 =	ssub.s32 s8, s31;
	s5 =	sadd.s32 s7, s5;
	v35 =	vand.u32 $0xF, v7;
	v2 =	vand.u32 $0xF, v2;
	v1 =	vsel vm2, $0x205, v1  }
0x46: {  	s7 =	sadd.s32 $0x8000, s2;
	s8 =	smax.u32 s8, $0x1;
	s5 =	sadd.s32 $0x400, s5;
	v36 =	vunpack.c.0.s8.s32 v11;
	v38 =	vcombine.low v2, v6;
	v37 =	vsel vm4, $0x286, v1  }
.LBB2_142:
0x47: {  	s21 =	sadd.s32 $0x1, s21  }
0x48: {  	_ =	swait.ge [sflag:s20], $0x2000;
	p0 =	sne.s32 s21, s8  }
.Ltmp1:
0x49: {  	[sflag:s20] =	ssyncset.done $0x0;
	(pc) =	sbr.rel @!p0 .LBB2_143-.Ltmp1, $4  }
0x4a: {  	[sflag:s20] =	ssyncadd.s32 $0xFFFFE000  }
0x4b: {  	_ =	swait.ge [sflag:s18], $0x2000  }
0x4c: {  	[sflag:s18] =	ssyncset.done $0x0  }
0x4d: {  	[sflag:s18] =	ssyncadd.s32 $0xFFFFE000  }
.LBB2_1:
0x4e: {  	s0 =	simm.s32 $0x0  }
0x4f: {  	[tilespmem:s0], [sflag:$0x5] =	stream.linear.gather [hbm4b:s5+s0], $0x1900, $0x38;
	[tilespmem:$0x9900] =	vst v63  }
0x50: {  	_ =	swait.ge [sflag:s9], $0x1900  }
0x51: {  	[sflag:s9] =	ssyncset.done $0x0  }
0x52: {  	[sflag:s9] =	ssyncadd.s32 $0xFFFFE700  }
0x53: {  	[tilespmem:s11], [sflag:$0x1] =	stream.indirect.gather [hbm4b:s4+s10], $0x40, s0, s10, $0xb8;
	[tilespmem:$0x9900] =	vst v63  }
0x54: {  	s22 =	simm.s32 $0x0  }
0x55: {  	[tilespmem:s12], [sflag:$0x2] =	stream.indirect.gather [hbm4b:s4+s10], $0x40, s10, s10, $0xb8;
	[tilespmem:$0x9900] =	vst v63  }
.LBB2_2:
0x56: {  	s23 =	simm.s32 $0x0  }
0x57: {  	s31 =	simm.s32 $0x40;
	s25 =	sand.u32 $0x40, s23  }
0x58: {  	s24 =	sand.u32 $0x30, s23;
	s23 =	sand.u32 $0x40, s31;
	v1 =	vor.u32 s25, v0  }
0x59: {  	s3 =	sor.u32 $0x30, s25;
	v2 =	vor.u32 s24, v0;
	s26 =	sor.u32 $0x10, s25;
	v43 =	vor.u32 s23, v0;
	v42 =	vshll.u32 v1, $0x6  }
0x5a: {  	s30 =	sor.u32 $0x20, s25;
	v6 =	vor.u32 s3, v0;
	v7 =	vand.u32 $0x38, v2;
	v11 =	vor.u32 s26, v0  }
0x5b: {  	v12 =	vor.u32 s30, v0;
	v2 =	vshll.u32 v2, $0x7;
	v44 =	vand.u32 $0x48, v1  }
0x5c: {  	v49 =	vshll.u32 v43, $0x6;
	v47 =	vshll.u32 v6, $0x6;
	v45 =	vshll.u32 v11, $0x6  }
0x5d: {  	_ =	swait.ge [sflag:s13], $0x2000;
	v46 =	vshll.u32 v12, $0x6;
	v21 =	vor.u32 v7, v42;
	v16 =	vor.u32 v7, v47  }
0x5e: {  	p0 =	seq.s32 s22, $0x0;
	[sflag:s13] =	ssyncset.done $0x0;
	s25 =	sor.u32 $0x30, s23;
	v17 =	vor.u32 v7, v45;
	v7 =	vor.u32 v7, v46;
	v16 =	vor.u32 v3, v16  }
0x5f: {  	s28 =	simm.s32 @!p0 $0x3;
	[sflag:s13] =	ssyncadd.s32 $0xFFFFE000;
	v54 =	vor.u32 s25, v0;
	v40 =	vand.u32 $0x58, v11;
	v7 =	vor.u32 v3, v7  }
0x60: {  	s26 =	simm.s32 $0x8;
	_ =	swait.ge @!p0 [sflag:s28], $0x2000;
	v1 =	vand.u32 $0x1C00, v2;
	v41 =	vand.u32 $0x68, v12;
	v11 =	vor.u32 v3, v21  }
0x61: {  	v48 =	vand.u32 $0x78, v6;
	s29 =	sand.u32 $0x30, s26;
	[sflag:s28] =	ssyncset.done @!p0 $0x0;
	v6 =	vshll.u32 v54, $0x6;
	v22 =	vor.u32 v4, v1  }
0x62: {  	v26 =	vor.u32 s29, v0;
	s29 =	sor.u32 $0x10, s23;
	[sflag:s28] =	ssyncadd.s32 @!p0 $0xFFFFE000;
	v17 =	vor.u32 v3, v17;
	v53 =	vor.u32 v44, v22  }
0x63: {  	s23 =	sor.u32 $0x20, s23;
	v21 =	vor.u32 v48, v22;
	v1 =	vand.u32 $0x38, v26;
	v2 =	vor.u32 s29, v0;
	v57 =	vld.idx.msk [tilespmem:v16+s11+$0x0], $0xffff  }
0x64: {  	v50 =	vor.u32 s23, v0;
	v58 =	vor.u32 v41, v22;
	v6 =	vor.u32 v1, v6;
	v56 =	vld.idx.msk [tilespmem:v7+s11+$0x0], $0xffff  }
0x65: {  	v51 =	vshll.u32 v2, $0x6;
	v52 =	vshll.u32 v50, $0x6;
	v12 =	vor.u32 v3, v6;
	v7 =	vld.idx.msk [tilespmem:v11+s11+$0x0], $0xffff  }
0x66: {  	v39 =	vand.u32 $0x58, v2;
	v6 =	vor.u32 v1, v49;
	v16 =	vor.u32 v1, v51  }
0x67: {  	v2 =	vor.u32 v1, v52;
	v1 =	vor.u32 v3, v6;
	v6 =	vor.u32 v3, v16  }
0x68: {  	v2 =	vor.u32 v3, v2;
	v55 =	vld.idx.msk [tilespmem:v17+s11+$0x0], $0xffff;
	v11 =	vshll.u32 v26, $0x7;
	v17 =	vand.u32 $0x68, v50  }
0x69: {  	s28 =	simm.s32 $0x4;
	s23 =	sshll.u32 s22, $0xA;
	s29 =	simm.s32 $0x80;
	v16 =	vand.u32 $0x48, v43;
	[tilespmem:v21+s14+$0x0] =	vst.idx.msk $0xffff, v57;
	v21 =	vand.u32 $0x1C00, v11;
	v11 =	vor.u32 v40, v22;
	v57 =	vmovc v39  }
.LBB2_3:
0x6a: {  	s30 =	sand.u32 $0x40, s29;
	s28 =	sadd.s32 $0x4, s28;
	v22 =	vor.u32 v4, v21;
	v21 =	vld.idx.msk [tilespmem:v12+s11+$0x0], $0xffff;
	v12 =	vand.u32 $0x78, v54;
	s26 =	sadd.s32 $0x8, s26;
	[tilespmem:v53+s14+$0x0] =	vst.idx.msk $0xffff, v7;
	v26 =	vmov v17  }
0x6b: {  	s31 =	sand.u32 $0x30, s26;
	v17 =	vor.u32 s30, v0;
	s1 =	sor.u32 $0x30, s30;
	p1 =	slt.u32 s28, $0x1C;
	v53 =	vor.u32 v16, v22;
	v16 =	vor.u32 v12, v22  }
0x6c: {  	v59 =	vor.u32 s31, v0;
	v60 =	vshll.u32 v17, $0x6;
	s31 =	sor.u32 $0x10, s30;
	s30 =	sor.u32 $0x20, s30;
	v54 =	vor.u32 s1, v0;
	v61 =	vld.idx.msk [tilespmem:v6+s11+$0x0], $0xffff  }
0x6d: {  	v6 =	vand.u32 $0x38, v59;
	v62 =	vor.u32 s31, v0;
	v7 =	vshll.u32 v54, $0x6;
	v63 =	vld.idx.msk [tilespmem:v2+s11+$0x0], $0xffff  }
0x6e: {  	v27 =	vor.u32 s30, v0;
	v2 =	vshll.u32 v62, $0x6;
	v12 =	vor.u32 v6, v7;
	v7 =	vld.idx.msk [tilespmem:v1+s11+$0x0], $0xffff;
	[tilespmem:v11+s14+$0x0] =	vst.idx.msk $0xffff, v55  }
.Ltmp2:
0x6f: {  	v1 =	vshll.u32 v27, $0x6;
	v2 =	vor.u32 v6, v2;
	v12 =	vor.u32 v3, v12;
	[tilespmem:v58+s14+$0x0] =	vst.idx.msk $0xffff, v56;
	(pc) =	sbr.rel @p1 .LBB2_3-.Ltmp2, $4  }
0x70: {  	v11 =	vor.u32 v6, v60;
	v60 =	vand.u32 $0x58, v62;
	v33 =	vor.u32 v6, v1;
	[tilespmem:v16+s14+$0x0] =	vst.idx.msk $0xffff, v21  }
0x71: {  	v1 =	vor.u32 v3, v11;
	v6 =	vor.u32 v3, v2;
	v2 =	vor.u32 v3, v33  }
0x72: {  	v11 =	vshll.u32 v59, $0x7;
	v16 =	vand.u32 $0x48, v17;
	v17 =	vand.u32 $0x68, v27;
	v55 =	vmovc v61  }
0x73: {  	s29 =	sadd.s32 $0x40, s29;
	v58 =	vor.u32 v26, v22;
	v21 =	vand.u32 $0x1C00, v11;
	v11 =	vor.u32 v57, v22;
	v57 =	vmovc v60;
	v56 =	vmovc v63  }
0x74: {  	_ =	sdelay $0x2  }
0x75: {  	v21 =	vor.u32 v4, v21;
	v22 =	vand.u32 $0x78, v54  }
0x76: {  	v12 =	vld.idx.msk [tilespmem:v12+s11+$0x0], $0xffff;
	v22 =	vor.u32 v22, v21  }
0x77: {  	v1 =	vld.idx.msk [tilespmem:v1+s11+$0x0], $0xffff;
	v16 =	vor.u32 v16, v21  }
0x78: {  	v26 =	vor.u32 s24, v5;
	[tilespmem:v53+s14+$0x0] =	vst.idx.msk $0xffff, v7;
	v6 =	vld.idx.msk [tilespmem:v6+s11+$0x0], $0xffff;
	v7 =	vor.u32 v57, v21  }
0x79: {  	[tilespmem:v11+s14+$0x0] =	vst.idx.msk $0xffff, v55;
	v27 =	vand.u32 $0x38, v26  }
0x7a: {  	v2 =	vld.idx.msk [tilespmem:v2+s11+$0x0], $0xffff;
	v11 =	vor.u32 v17, v21;
	v17 =	vor.u32 v27, v47;
	v21 =	vor.u32 v27, v42  }
0x7b: {  	v17 =	vor.u32 v8, v17;
	[tilespmem:v22+s14+$0x0] =	vst.idx.msk $0xffff, v12;
	v12 =	vor.u32 v27, v45  }
0x7c: {  	s24 =	simm.s32 $0x8;
	[tilespmem:v16+s14+$0x0] =	vst.idx.msk $0xffff, v1;
	v1 =	vor.u32 v27, v46;
	v12 =	vor.u32 v8, v12  }
0x7d: {  	s1 =	sand.u32 $0x30, s24;
	v16 =	vshll.u32 v26, $0x7;
	[tilespmem:v7+s14+$0x0] =	vst.idx.msk $0xffff, v6;
	v6 =	vor.u32 v8, v21;
	v45 =	vor.u32 s25, v0  }
0x7e: {  	[tilespmem:v58+s14+$0x0] =	vst.idx.msk $0xffff, v56;
	v1 =	vor.u32 v8, v1;
	v7 =	vand.u32 $0x1C00, v16;
	v16 =	vor.u32 s1, v5  }
0x7f: {  	[tilespmem:v11+s14+$0x0] =	vst.idx.msk $0xffff, v2;
	v21 =	vor.u32 v9, v7;
	v2 =	vand.u32 $0x38, v16;
	v7 =	vshll.u32 v45, $0x6  }
0x80: {  	v17 =	vld.idx.msk [tilespmem:v17+s11+$0x0], $0xffff;
	v22 =	vor.u32 v48, v21;
	v42 =	vor.u32 v44, v21;
	v7 =	vor.u32 v2, v7  }
0x81: {  	v11 =	vor.u32 v2, v51;
	v44 =	vld.idx.msk [tilespmem:v12+s11+$0x0], $0xffff;
	v12 =	vor.u32 v2, v49;
	v2 =	vor.u32 v2, v52  }
0x82: {  	v7 =	vor.u32 v8, v7;
	v47 =	vor.u32 v8, v2;
	v2 =	vld.idx.msk [tilespmem:v6+s11+$0x0], $0xffff;
	_ =	sdelay $0x1  }
0x83: {  	v46 =	vld.idx.msk [tilespmem:v1+s11+$0x0], $0xffff;
	v1 =	vor.u32 v8, v11;
	v11 =	vand.u32 $0x48, v43  }
0x84: {  	v48 =	vor.u32 v8, v12;
	v6 =	vshll.u32 v16, $0x7;
	v12 =	vand.u32 $0x68, v50  }
0x85: {  	s26 =	simm.s32 $0x80;
	s25 =	simm.s32 $0x4;
	[tilespmem:v22+s14+$0x0] =	vst.idx.msk $0xffff, v17;
	v16 =	vand.u32 $0x1C00, v6;
	v6 =	vor.u32 v40, v21;
	v40 =	vor.u32 v41, v21  }
.LBB2_5:
0x86: {  	s1 =	sand.u32 $0x40, s26;
	s25 =	sadd.s32 $0x4, s25;
	v17 =	vor.u32 v9, v16;
	v16 =	vld.idx.msk [tilespmem:v7+s11+$0x0], $0xffff;
	v7 =	vand.u32 $0x78, v45;
	s24 =	sadd.s32 $0x8, s24;
	[tilespmem:v42+s14+$0x0] =	vst.idx.msk $0xffff, v2;
	v21 =	vmov v12  }
0x87: {  	s28 =	sand.u32 $0x30, s24;
	v12 =	vor.u32 s1, v0;
	s29 =	sor.u32 $0x30, s1;
	p1 =	slt.u32 s25, $0x1C;
	v42 =	vor.u32 v11, v17;
	v11 =	vor.u32 v7, v17  }
0x88: {  	v22 =	vor.u32 s28, v5;
	v26 =	vshll.u32 v12, $0x6;
	s28 =	sor.u32 $0x10, s1;
	s1 =	sor.u32 $0x20, s1;
	v45 =	vor.u32 s29, v0;
	v27 =	vld.idx.msk [tilespmem:v1+s11+$0x0], $0xffff  }
0x89: {  	v1 =	vand.u32 $0x38, v22;
	v41 =	vor.u32 s28, v0;
	v2 =	vshll.u32 v45, $0x6;
	v43 =	vld.idx.msk [tilespmem:v47+s11+$0x0], $0xffff  }
0x8a: {  	v49 =	vor.u32 s1, v0;
	v7 =	vshll.u32 v41, $0x6;
	v47 =	vor.u32 v1, v2;
	v2 =	vld.idx.msk [tilespmem:v48+s11+$0x0], $0xffff;
	[tilespmem:v6+s14+$0x0] =	vst.idx.msk $0xffff, v44  }
.Ltmp3:
0x8b: {  	v44 =	vshll.u32 v49, $0x6;
	v6 =	vor.u32 v1, v7;
	v7 =	vor.u32 v8, v47;
	[tilespmem:v40+s14+$0x0] =	vst.idx.msk $0xffff, v46;
	(pc) =	sbr.rel @p1 .LBB2_5-.Ltmp3, $4  }
0x8c: {  	v26 =	vor.u32 v1, v26;
	v41 =	vand.u32 $0x58, v41;
	v40 =	vor.u32 v1, v44;
	[tilespmem:v11+s14+$0x0] =	vst.idx.msk $0xffff, v16  }
0x8d: {  	v48 =	vor.u32 v8, v26;
	v1 =	vor.u32 v8, v6;
	v47 =	vor.u32 v8, v40  }
0x8e: {  	v11 =	vand.u32 $0x48, v12;
	v6 =	vshll.u32 v22, $0x7;
	v12 =	vand.u32 $0x68, v49;
	v44 =	vmovc v27  }
0x8f: {  	s26 =	sadd.s32 $0x40, s26;
	v40 =	vor.u32 v21, v17;
	v16 =	vand.u32 $0x1C00, v6;
	v6 =	vor.u32 v39, v17;
	v39 =	vmovc v41;
	v46 =	vmovc v43  }
0x90: {  	_ =	sdelay $0x2  }
0x91: {  	v16 =	vor.u32 v9, v16;
	v17 =	vand.u32 $0x78, v45;
	s1 =	simm.s32 $0x0  }
0x92: {  	v7 =	vld.idx.msk [tilespmem:v7+s11+$0x0], $0xffff;
	v11 =	vor.u32 v11, v16;
	v17 =	vor.u32 v17, v16;
	v21 =	vor.u32 v39, v16;
	s25 =	sand.u32 $0x40, s1;
	s24 =	sand.u32 $0x30, s1  }
0x93: {  	v22 =	vld.idx.msk [tilespmem:v48+s11+$0x0], $0xffff;
	v12 =	vor.u32 v12, v16;
	v16 =	vor.u32 s25, v0;
	s30 =	sor.u32 $0x30, s25;
	v26 =	vor.u32 s24, v10;
	s26 =	sor.u32 $0x10, s25  }
0x94: {  	[tilespmem:v42+s14+$0x0] =	vst.idx.msk $0xffff, v2;
	v1 =	vld.idx.msk [tilespmem:v1+s11+$0x0], $0xffff;
	s31 =	sor.u32 $0x20, s25;
	v43 =	vshll.u32 v16, $0x6;
	v39 =	vor.u32 s30, v0;
	v2 =	vor.u32 s26, v0  }
0x95: {  	v27 =	vld.idx.msk [tilespmem:v47+s11+$0x0], $0xffff;
	[tilespmem:v6+s14+$0x0] =	vst.idx.msk $0xffff, v44;
	p2 =	por $0x1, $0x1;
	v6 =	vand.u32 $0x38, v26;
	v62 =	vor.u32 s31, v0;
	v44 =	vshll.u32 v39, $0x6  }
.Ltmp4:
0x96: {  	[tilespmem:v40+s14+$0x0] =	vst.idx.msk $0xffff, v46;
	v45 =	vshll.u32 v2, $0x6;
	v46 =	vshll.u32 v62, $0x6;
	v63 =	vor.u32 v6, v44;
	(pc) =	sbr.rel @!p2 .LBB2_7-.Ltmp4, $4  }
0x97: {  	v40 =	vand.u32 $0x58, v2;
	v41 =	vor.u32 v6, v45;
	v2 =	vor.u32 v6, v46;
	[tilespmem:v17+s14+$0x0] =	vst.idx.msk $0xffff, v7  }
0x98: {  	v42 =	vand.u32 $0x68, v62;
	v51 =	vor.u32 v13, v63;
	v7 =	vor.u32 v6, v43;
	[tilespmem:v11+s14+$0x0] =	vst.idx.msk $0xffff, v22  }
0x99: {  	[tilespmem:v21+s14+$0x0] =	vst.idx.msk $0xffff, v1;
	v50 =	vor.u32 v13, v41;
	v48 =	vor.u32 v13, v2;
	v1 =	vshll.u32 v26, $0x7  }
0x9a: {  	p1 =	por $0x0, $0x0;
	s25 =	simm.s32 $0x40;
	[tilespmem:v12+s14+$0x0] =	vst.idx.msk $0xffff, v27;
	v41 =	vand.u32 $0x48, v16;
	v47 =	vor.u32 v13, v7;
	v11 =	vand.u32 $0x1C00, v1  }
0x9b: {  	s1 =	sand.u32 $0x40, s25;
	v1 =	vor.u32 v14, v11;
	v2 =	vand.u32 $0x78, v39;
	s26 =	simm.s32 $0x8  }
0x9c: {  	s28 =	sand.u32 $0x30, s26;
	v6 =	vor.u32 s1, v0;
	s29 =	sor.u32 $0x30, s1;
	v49 =	vor.u32 v41, v1;
	v2 =	vor.u32 v2, v1  }
0x9d: {  	v7 =	vor.u32 s28, v10;
	v11 =	vshll.u32 v6, $0x6;
	v52 =	vor.u32 s29, v0  }
0x9e: {  	s28 =	sor.u32 $0x10, s1;
	s1 =	sor.u32 $0x20, s1;
	v6 =	vand.u32 $0x48, v6;
	v16 =	vand.u32 $0x38, v7;
	v21 =	vshll.u32 v52, $0x6  }
0x9f: {  	v12 =	vld.idx.msk [tilespmem:v51+s11+$0x0], $0xffff;
	p4 =	por $0x1, $0x1;
	v17 =	vor.u32 s28, v0;
	v26 =	vor.u32 s1, v0;
	v21 =	vor.u32 v16, v21  }
.Ltmp5:
0xa0: {  	v56 =	vld.idx.msk [tilespmem:v47+s11+$0x0], $0xffff;
	v22 =	vshll.u32 v17, $0x6;
	v27 =	vshll.u32 v26, $0x6;
	v51 =	vor.u32 v13, v21;
	(pc) =	sbr.rel @!p4 .LBB2_10-.Ltmp5, $4  }
0xa1: {  	v11 =	vor.u32 v16, v11;
	v53 =	vand.u32 $0x58, v17;
	v22 =	vor.u32 v16, v22  }
0xa2: {  	v54 =	vld.idx.msk [tilespmem:v50+s11+$0x0], $0xffff;
	v16 =	vor.u32 v16, v27;
	v47 =	vor.u32 v13, v11;
	v50 =	vor.u32 v13, v22  }
0xa3: {  	v55 =	vld.idx.msk [tilespmem:v48+s11+$0x0], $0xffff;
	v11 =	vshll.u32 v7, $0x7;
	v7 =	vand.u32 $0x68, v26;
	v48 =	vor.u32 v13, v16  }
0xa4: {  	p3 =	por $0x1, $0x1;
	s29 =	simm.s32 $0x80;
	s28 =	simm.s32 $0x4;
	[tilespmem:v2+s14+$0x0] =	vst.idx.msk $0xffff, v12;
	v11 =	vand.u32 $0x1C00, v11;
	v2 =	vor.u32 v40, v1;
	v1 =	vor.u32 v42, v1  }
.LBB2_9:
0xa5: {  	s1 =	sand.u32 $0x40, s29;
	s28 =	sadd.s32 $0x4, s28;
	v12 =	vor.u32 v14, v11;
	v11 =	vld.idx.msk [tilespmem:v51+s11+$0x0], $0xffff;
	v16 =	vand.u32 $0x78, v52;
	s26 =	sadd.s32 $0x8, s26;
	[tilespmem:v49+s14+$0x0] =	vst.idx.msk $0xffff, v56;
	v17 =	vmov v7  }
0xa6: {  	s30 =	sand.u32 $0x30, s26;
	v7 =	vor.u32 s1, v0;
	s31 =	sor.u32 $0x30, s1;
	p4 =	slt.u32 s28, $0x1C;
	v49 =	vor.u32 v6, v12;
	v6 =	vor.u32 v16, v12  }
0xa7: {  	v16 =	vor.u32 s30, v10;
	v21 =	vshll.u32 v7, $0x6;
	s30 =	sor.u32 $0x10, s1;
	s1 =	sor.u32 $0x20, s1;
	v52 =	vor.u32 s31, v0;
	v22 =	vld.idx.msk [tilespmem:v50+s11+$0x0], $0xffff  }
0xa8: {  	v26 =	vand.u32 $0x38, v16;
	v27 =	vor.u32 s30, v0;
	v50 =	vshll.u32 v52, $0x6;
	v57 =	vld.idx.msk [tilespmem:v48+s11+$0x0], $0xffff  }
0xa9: {  	v58 =	vor.u32 s1, v0;
	v48 =	vshll.u32 v27, $0x6;
	v50 =	vor.u32 v26, v50;
	v56 =	vld.idx.msk [tilespmem:v47+s11+$0x0], $0xffff;
	[tilespmem:v2+s14+$0x0] =	vst.idx.msk $0xffff, v54  }
.Ltmp6:
0xaa: {  	v47 =	vshll.u32 v58, $0x6;
	v2 =	vor.u32 v26, v48;
	v51 =	vor.u32 v13, v50;
	[tilespmem:v1+s14+$0x0] =	vst.idx.msk $0xffff, v55;
	(pc) =	sbr.rel @p4 .LBB2_9-.Ltmp6, $4  }
0xab: {  	v1 =	vor.u32 v26, v21;
	v21 =	vand.u32 $0x58, v27;
	v26 =	vor.u32 v26, v47;
	[tilespmem:v6+s14+$0x0] =	vst.idx.msk $0xffff, v11  }
0xac: {  	v47 =	vor.u32 v13, v1;
	v50 =	vor.u32 v13, v2;
	v48 =	vor.u32 v13, v26  }
0xad: {  	v6 =	vand.u32 $0x48, v7;
	v1 =	vshll.u32 v16, $0x7;
	v7 =	vand.u32 $0x68, v58;
	v54 =	vmovc v22  }
0xae: {  	s29 =	sadd.s32 $0x40, s29;
	v2 =	vor.u32 v53, v12;
	v53 =	vmovc v21;
	v11 =	vand.u32 $0x1C00, v1;
	v1 =	vor.u32 v17, v12;
	v55 =	vmovc v57  }
.LBB2_10:
0xaf: {  	_ =	sdelay $0x2  }
0xb0: {  	v11 =	vor.u32 v14, v11;
	v12 =	vand.u32 $0x78, v52  }
0xb1: {  	v16 =	vld.idx.msk [tilespmem:v51+s11+$0x0], $0xffff;
	v12 =	vor.u32 v12, v11  }
0xb2: {  	v17 =	vld.idx.msk [tilespmem:v47+s11+$0x0], $0xffff;
	v6 =	vor.u32 v6, v11  }
0xb3: {  	[tilespmem:v49+s14+$0x0] =	vst.idx.msk @p3 $0xffff, v56  }
0xb4: {  	v21 =	vld.idx.msk [tilespmem:v50+s11+$0x0], $0xffff;
	[tilespmem:v2+s14+$0x0] =	vst.idx.msk @p3 $0xffff, v54;
	v2 =	vor.u32 v53, v11  }
0xb5: {  	v22 =	vld.idx.msk [tilespmem:v48+s11+$0x0], $0xffff;
	[tilespmem:v1+s14+$0x0] =	vst.idx.msk @p3 $0xffff, v55;
	v1 =	vor.u32 v7, v11;
	v7 =	vor.u32 s24, v15  }
.Ltmp7:
0xb6: {  	v11 =	vand.u32 $0x38, v7;
	[tilespmem:v12+s14+$0x0] =	vst.idx.msk $0xffff, v16;
	(pc) =	sbr.rel @!p2 .LBB2_11-.Ltmp7, $4  }
0xb7: {  	[tilespmem:v6+s14+$0x0] =	vst.idx.msk $0xffff, v17;
	v6 =	vor.u32 v11, v44  }
0xb8: {  	v12 =	vor.u32 v11, v45;
	v49 =	vor.u32 v18, v6;
	v6 =	vor.u32 v11, v43  }
0xb9: {  	[tilespmem:v2+s14+$0x0] =	vst.idx.msk $0xffff, v21;
	v2 =	vor.u32 v11, v46;
	v43 =	vor.u32 v18, v6;
	v6 =	vshll.u32 v7, $0x7  }
0xba: {  	v46 =	vor.u32 v18, v12;
	[tilespmem:v1+s14+$0x0] =	vst.idx.msk $0xffff, v22;
	v45 =	vor.u32 v18, v2;
	v1 =	vand.u32 $0x1C00, v6  }
0xbb: {  	s1 =	sand.u32 $0x40, s25;
	v6 =	vor.u32 v19, v1;
	v1 =	vand.u32 $0x78, v39;
	s24 =	simm.s32 $0x8  }
0xbc: {  	s30 =	sand.u32 $0x30, s24;
	v2 =	vor.u32 s1, v0;
	s26 =	sor.u32 $0x30, s1;
	v44 =	vor.u32 v41, v6;
	v1 =	vor.u32 v1, v6  }
0xbd: {  	v53 =	vor.u32 v40, v6;
	v7 =	vor.u32 s30, v15;
	v39 =	vor.u32 s26, v0  }
0xbe: {  	s31 =	sor.u32 $0x10, s1;
	v51 =	vor.u32 v42, v6;
	v16 =	vand.u32 $0x38, v7;
	v21 =	vshll.u32 v39, $0x6  }
0xbf: {  	v12 =	vld.idx.msk [tilespmem:v49+s11+$0x0], $0xffff;
	p2 =	por $0x1, $0x1;
	s1 =	sor.u32 $0x20, s1;
	v11 =	vshll.u32 v2, $0x6;
	v17 =	vor.u32 s31, v0;
	v21 =	vor.u32 v16, v21  }
.Ltmp8:
0xc0: {  	v50 =	vld.idx.msk [tilespmem:v43+s11+$0x0], $0xffff;
	v26 =	vor.u32 s1, v0;
	v22 =	vshll.u32 v17, $0x6;
	v49 =	vor.u32 v18, v21;
	(pc) =	sbr.rel @!p2 .LBB2_13-.Ltmp8, $4  }
0xc1: {  	v41 =	vand.u32 $0x48, v2;
	v27 =	vshll.u32 v26, $0x6;
	v22 =	vor.u32 v16, v22  }
0xc2: {  	v47 =	vld.idx.msk [tilespmem:v46+s11+$0x0], $0xffff;
	v11 =	vor.u32 v16, v11;
	v16 =	vor.u32 v16, v27;
	v46 =	vor.u32 v18, v22  }
0xc3: {  	v48 =	vld.idx.msk [tilespmem:v45+s11+$0x0], $0xffff;
	v52 =	vand.u32 $0x58, v17;
	v7 =	vshll.u32 v7, $0x7;
	v45 =	vor.u32 v18, v16  }
0xc4: {  	s25 =	simm.s32 $0x4;
	p1 =	por $0x1, $0x1;
	s26 =	simm.s32 $0x80;
	v2 =	vand.u32 $0x68, v26;
	v43 =	vor.u32 v18, v11;
	[tilespmem:v1+s14+$0x0] =	vst.idx.msk $0xffff, v12;
	v1 =	vand.u32 $0x1C00, v7  }
.LBB2_14:
0xc5: {  	s1 =	sand.u32 $0x40, s26;
	s25 =	sadd.s32 $0x4, s25;
	v6 =	vor.u32 v19, v1;
	v1 =	vld.idx.msk [tilespmem:v49+s11+$0x0], $0xffff;
	v7 =	vand.u32 $0x78, v39;
	s24 =	sadd.s32 $0x8, s24;
	[tilespmem:v44+s14+$0x0] =	vst.idx.msk $0xffff, v50;
	v11 =	vmov v2  }
0xc6: {  	s28 =	sand.u32 $0x30, s24;
	v2 =	vor.u32 s1, v0;
	s29 =	sor.u32 $0x30, s1;
	p2 =	slt.u32 s25, $0x1C;
	v44 =	vor.u32 v41, v6;
	v7 =	vor.u32 v7, v6  }
0xc7: {  	v12 =	vor.u32 s28, v15;
	v16 =	vshll.u32 v2, $0x6;
	s28 =	sor.u32 $0x10, s1;
	s1 =	sor.u32 $0x20, s1;
	v39 =	vor.u32 s29, v0;
	v17 =	vld.idx.msk [tilespmem:v46+s11+$0x0], $0xffff  }
0xc8: {  	v21 =	vand.u32 $0x38, v12;
	v22 =	vor.u32 s28, v0;
	v26 =	vshll.u32 v39, $0x6;
	v27 =	vld.idx.msk [tilespmem:v45+s11+$0x0], $0xffff  }
0xc9: {  	v42 =	vor.u32 s1, v0;
	v40 =	vshll.u32 v22, $0x6;
	v26 =	vor.u32 v21, v26;
	v50 =	vld.idx.msk [tilespmem:v43+s11+$0x0], $0xffff;
	[tilespmem:v53+s14+$0x0] =	vst.idx.msk $0xffff, v47  }
.Ltmp9:
0xca: {  	v41 =	vshll.u32 v42, $0x6;
	v40 =	vor.u32 v21, v40;
	v49 =	vor.u32 v18, v26;
	[tilespmem:v51+s14+$0x0] =	vst.idx.msk $0xffff, v48;
	(pc) =	sbr.rel @p2 .LBB2_14-.Ltmp9, $4  }
0xcb: {  	v16 =	vor.u32 v21, v16;
	v22 =	vand.u32 $0x58, v22;
	v21 =	vor.u32 v21, v41;
	[tilespmem:v7+s14+$0x0] =	vst.idx.msk $0xffff, v1  }
0xcc: {  	v43 =	vor.u32 v18, v16;
	v46 =	vor.u32 v18, v40;
	v45 =	vor.u32 v18, v21  }
0xcd: {  	v41 =	vand.u32 $0x48, v2;
	v2 =	vand.u32 $0x68, v42;
	v1 =	vshll.u32 v12, $0x7;
	v47 =	vmovc v17  }
0xce: {  	s26 =	sadd.s32 $0x40, s26;
	v53 =	vor.u32 v52, v6;
	v51 =	vor.u32 v11, v6;
	v52 =	vmovc v22;
	v1 =	vand.u32 $0x1C00, v1;
	v48 =	vmovc v27  }
0xcf: {  	v42 =	vmov v2;
	v40 =	vmov v52  }
.LBB2_16:
0xd0: {  	_ =	sdelay $0x2  }
0xd1: {  	v1 =	vor.u32 v19, v1;
	v2 =	vand.u32 $0x78, v39;
	s1 =	simm.s32 $0x0  }
0xd2: {  	v6 =	vld.idx.msk [tilespmem:v49+s11+$0x0], $0xffff;
	v7 =	vor.u32 v41, v1;
	v2 =	vor.u32 v2, v1;
	v11 =	vor.u32 v40, v1;
	s25 =	sand.u32 $0x40, s1;
	s24 =	sand.u32 $0x30, s1  }
0xd3: {  	v12 =	vld.idx.msk [tilespmem:v43+s11+$0x0], $0xffff;
	v1 =	vor.u32 v42, v1;
	v16 =	vor.u32 s25, v0;
	s30 =	sor.u32 $0x30, s25;
	v17 =	vor.u32 s24, v20;
	s26 =	sor.u32 $0x10, s25  }
0xd4: {  	[tilespmem:v44+s14+$0x0] =	vst.idx.msk @p1 $0xffff, v50;
	v21 =	vld.idx.msk [tilespmem:v46+s11+$0x0], $0xffff;
	s31 =	sor.u32 $0x20, s25;
	v43 =	vshll.u32 v16, $0x6;
	v39 =	vor.u32 s30, v0;
	v22 =	vor.u32 s26, v0  }
0xd5: {  	v26 =	vld.idx.msk [tilespmem:v45+s11+$0x0], $0xffff;
	[tilespmem:v53+s14+$0x0] =	vst.idx.msk @p1 $0xffff, v47;
	p2 =	por $0x1, $0x1;
	v27 =	vand.u32 $0x38, v17;
	v61 =	vor.u32 s31, v0;
	v41 =	vand.u32 $0x48, v16  }
.Ltmp10:
0xd6: {  	[tilespmem:v51+s14+$0x0] =	vst.idx.msk @p1 $0xffff, v48;
	v44 =	vshll.u32 v39, $0x6;
	v45 =	vshll.u32 v22, $0x6;
	v46 =	vshll.u32 v61, $0x6;
	(pc) =	sbr.rel @!p2 .LBB2_17-.Ltmp10, $4  }
0xd7: {  	v40 =	vand.u32 $0x58, v22;
	v62 =	vor.u32 v27, v44;
	v63 =	vor.u32 v27, v45;
	[tilespmem:v2+s14+$0x0] =	vst.idx.msk $0xffff, v6  }
0xd8: {  	v42 =	vand.u32 $0x68, v61;
	v51 =	vor.u32 v23, v62;
	v2 =	vor.u32 v27, v43;
	[tilespmem:v7+s14+$0x0] =	vst.idx.msk $0xffff, v12  }
0xd9: {  	v6 =	vor.u32 v27, v46;
	[tilespmem:v11+s14+$0x0] =	vst.idx.msk $0xffff, v21;
	v47 =	vor.u32 v23, v2;
	v2 =	vshll.u32 v17, $0x7  }
0xda: {  	p1 =	por $0x0, $0x0;
	s25 =	simm.s32 $0x40;
	v50 =	vor.u32 v23, v63;
	[tilespmem:v1+s14+$0x0] =	vst.idx.msk $0xffff, v26;
	v48 =	vor.u32 v23, v6;
	v11 =	vand.u32 $0x1C00, v2  }
0xdb: {  	s1 =	sand.u32 $0x40, s25;
	v1 =	vor.u32 v24, v11;
	v2 =	vand.u32 $0x78, v39;
	s26 =	simm.s32 $0x8  }
0xdc: {  	s28 =	sand.u32 $0x30, s26;
	v6 =	vor.u32 s1, v0;
	s29 =	sor.u32 $0x30, s1;
	v49 =	vor.u32 v41, v1;
	v2 =	vor.u32 v2, v1  }
0xdd: {  	v7 =	vor.u32 s28, v20;
	v11 =	vshll.u32 v6, $0x6;
	v52 =	vor.u32 s29, v0  }
0xde: {  	s28 =	sor.u32 $0x10, s1;
	s1 =	sor.u32 $0x20, s1;
	v6 =	vand.u32 $0x48, v6;
	v16 =	vand.u32 $0x38, v7;
	v21 =	vshll.u32 v52, $0x6  }
0xdf: {  	v12 =	vld.idx.msk [tilespmem:v51+s11+$0x0], $0xffff;
	p4 =	por $0x1, $0x1;
	v17 =	vor.u32 s28, v0;
	v26 =	vor.u32 s1, v0;
	v21 =	vor.u32 v16, v21  }
.Ltmp11:
0xe0: {  	v56 =	vld.idx.msk [tilespmem:v47+s11+$0x0], $0xffff;
	v22 =	vshll.u32 v17, $0x6;
	v27 =	vshll.u32 v26, $0x6;
	v51 =	vor.u32 v23, v21;
	(pc) =	sbr.rel @!p4 .LBB2_20-.Ltmp11, $4  }
0xe1: {  	v11 =	vor.u32 v16, v11;
	v53 =	vand.u32 $0x58, v17;
	v22 =	vor.u32 v16, v22  }
0xe2: {  	v54 =	vld.idx.msk [tilespmem:v50+s11+$0x0], $0xffff;
	v16 =	vor.u32 v16, v27;
	v47 =	vor.u32 v23, v11;
	v50 =	vor.u32 v23, v22  }
0xe3: {  	v55 =	vld.idx.msk [tilespmem:v48+s11+$0x0], $0xffff;
	v11 =	vshll.u32 v7, $0x7;
	v7 =	vand.u32 $0x68, v26;
	v48 =	vor.u32 v23, v16  }
0xe4: {  	p3 =	por $0x1, $0x1;
	s29 =	simm.s32 $0x80;
	s28 =	simm.s32 $0x4;
	[tilespmem:v2+s14+$0x0] =	vst.idx.msk $0xffff, v12;
	v11 =	vand.u32 $0x1C00, v11;
	v2 =	vor.u32 v40, v1;
	v1 =	vor.u32 v42, v1  }
.LBB2_19:
0xe5: {  	s1 =	sand.u32 $0x40, s29;
	s28 =	sadd.s32 $0x4, s28;
	v12 =	vor.u32 v24, v11;
	v11 =	vld.idx.msk [tilespmem:v51+s11+$0x0], $0xffff;
	v16 =	vand.u32 $0x78, v52;
	s26 =	sadd.s32 $0x8, s26;
	[tilespmem:v49+s14+$0x0] =	vst.idx.msk $0xffff, v56;
	v17 =	vmov v7  }
0xe6: {  	s30 =	sand.u32 $0x30, s26;
	v7 =	vor.u32 s1, v0;
	s31 =	sor.u32 $0x30, s1;
	p4 =	slt.u32 s28, $0x1C;
	v49 =	vor.u32 v6, v12;
	v6 =	vor.u32 v16, v12  }
0xe7: {  	v16 =	vor.u32 s30, v20;
	v21 =	vshll.u32 v7, $0x6;
	s30 =	sor.u32 $0x10, s1;
	s1 =	sor.u32 $0x20, s1;
	v52 =	vor.u32 s31, v0;
	v22 =	vld.idx.msk [tilespmem:v50+s11+$0x0], $0xffff  }
0xe8: {  	v26 =	vand.u32 $0x38, v16;
	v27 =	vor.u32 s30, v0;
	v50 =	vshll.u32 v52, $0x6;
	v57 =	vld.idx.msk [tilespmem:v48+s11+$0x0], $0xffff  }
0xe9: {  	v58 =	vor.u32 s1, v0;
	v48 =	vshll.u32 v27, $0x6;
	v50 =	vor.u32 v26, v50;
	v56 =	vld.idx.msk [tilespmem:v47+s11+$0x0], $0xffff;
	[tilespmem:v2+s14+$0x0] =	vst.idx.msk $0xffff, v54  }
.Ltmp12:
0xea: {  	v47 =	vshll.u32 v58, $0x6;
	v2 =	vor.u32 v26, v48;
	v51 =	vor.u32 v23, v50;
	[tilespmem:v1+s14+$0x0] =	vst.idx.msk $0xffff, v55;
	(pc) =	sbr.rel @p4 .LBB2_19-.Ltmp12, $4  }
0xeb: {  	v1 =	vor.u32 v26, v21;
	v21 =	vand.u32 $0x58, v27;
	v26 =	vor.u32 v26, v47;
	[tilespmem:v6+s14+$0x0] =	vst.idx.msk $0xffff, v11  }
0xec: {  	v47 =	vor.u32 v23, v1;
	v50 =	vor.u32 v23, v2;
	v48 =	vor.u32 v23, v26  }
0xed: {  	v6 =	vand.u32 $0x48, v7;
	v1 =	vshll.u32 v16, $0x7;
	v7 =	vand.u32 $0x68, v58;
	v54 =	vmovc v22  }
0xee: {  	s29 =	sadd.s32 $0x40, s29;
	v2 =	vor.u32 v53, v12;
	v53 =	vmovc v21;
	v11 =	vand.u32 $0x1C00, v1;
	v1 =	vor.u32 v17, v12;
	v55 =	vmovc v57  }
.LBB2_20:
0xef: {  	_ =	sdelay $0x2  }
0xf0: {  	v11 =	vor.u32 v24, v11;
	v12 =	vand.u32 $0x78, v52  }
0xf1: {  	v16 =	vld.idx.msk [tilespmem:v51+s11+$0x0], $0xffff;
	v12 =	vor.u32 v12, v11  }
0xf2: {  	v17 =	vld.idx.msk [tilespmem:v47+s11+$0x0], $0xffff;
	v6 =	vor.u32 v6, v11  }
0xf3: {  	[tilespmem:v49+s14+$0x0] =	vst.idx.msk @p3 $0xffff, v56  }
0xf4: {  	v21 =	vld.idx.msk [tilespmem:v50+s11+$0x0], $0xffff;
	[tilespmem:v2+s14+$0x0] =	vst.idx.msk @p3 $0xffff, v54;
	v2 =	vor.u32 v53, v11  }
0xf5: {  	v22 =	vld.idx.msk [tilespmem:v48+s11+$0x0], $0xffff;
	[tilespmem:v1+s14+$0x0] =	vst.idx.msk @p3 $0xffff, v55;
	v1 =	vor.u32 v7, v11;
	v7 =	vor.u32 s24, v25  }
.Ltmp13:
0xf6: {  	v11 =	vand.u32 $0x38, v7;
	[tilespmem:v12+s14+$0x0] =	vst.idx.msk $0xffff, v16;
	(pc) =	sbr.rel @!p2 .LBB2_21-.Ltmp13, $4  }
0xf7: {  	[tilespmem:v6+s14+$0x0] =	vst.idx.msk $0xffff, v17;
	v6 =	vor.u32 v11, v44  }
0xf8: {  	v12 =	vor.u32 v11, v45;
	v49 =	vor.u32 v28, v6;
	v6 =	vor.u32 v11, v43  }
0xf9: {  	[tilespmem:v2+s14+$0x0] =	vst.idx.msk $0xffff, v21;
	v2 =	vor.u32 v11, v46;
	v43 =	vor.u32 v28, v6;
	v6 =	vshll.u32 v7, $0x7  }
0xfa: {  	v46 =	vor.u32 v28, v12;
	[tilespmem:v1+s14+$0x0] =	vst.idx.msk $0xffff, v22;
	v45 =	vor.u32 v28, v2;
	v1 =	vand.u32 $0x1C00, v6  }
0xfb: {  	s1 =	sand.u32 $0x40, s25;
	v6 =	vor.u32 v29, v1;
	v1 =	vand.u32 $0x78, v39;
	s24 =	simm.s32 $0x8  }
0xfc: {  	s30 =	sand.u32 $0x30, s24;
	v2 =	vor.u32 s1, v0;
	s26 =	sor.u32 $0x30, s1;
	v44 =	vor.u32 v41, v6;
	v1 =	vor.u32 v1, v6  }
0xfd: {  	v53 =	vor.u32 v40, v6;
	v7 =	vor.u32 s30, v25;
	v39 =	vor.u32 s26, v0  }
0xfe: {  	s31 =	sor.u32 $0x10, s1;
	v51 =	vor.u32 v42, v6;
	v16 =	vand.u32 $0x38, v7;
	v21 =	vshll.u32 v39, $0x6  }
0xff: {  	v12 =	vld.idx.msk [tilespmem:v49+s11+$0x0], $0xffff;
	p2 =	por $0x1, $0x1;
	s1 =	sor.u32 $0x20, s1;
	v11 =	vshll.u32 v2, $0x6;
	v17 =	vor.u32 s31, v0;
	v21 =	vor.u32 v16, v21  }
.Ltmp14:
0x100: {  	v50 =	vld.idx.msk [tilespmem:v43+s11+$0x0], $0xffff;
	v26 =	vor.u32 s1, v0;
	v22 =	vshll.u32 v17, $0x6;
	v49 =	vor.u32 v28, v21;
	(pc) =	sbr.rel @!p2 .LBB2_23-.Ltmp14, $4  }
0x101: {  	v41 =	vand.u32 $0x48, v2;
	v27 =	vshll.u32 v26, $0x6;
	v22 =	vor.u32 v16, v22  }
0x102: {  	v47 =	vld.idx.msk [tilespmem:v46+s11+$0x0], $0xffff;
	v11 =	vor.u32 v16, v11;
	v16 =	vor.u32 v16, v27;
	v46 =	vor.u32 v28, v22  }
0x103: {  	v48 =	vld.idx.msk [tilespmem:v45+s11+$0x0], $0xffff;
	v52 =	vand.u32 $0x58, v17;
	v7 =	vshll.u32 v7, $0x7;
	v45 =	vor.u32 v28, v16  }
0x104: {  	s25 =	simm.s32 $0x4;
	p1 =	por $0x1, $0x1;
	s26 =	simm.s32 $0x80;
	v2 =	vand.u32 $0x68, v26;
	v43 =	vor.u32 v28, v11;
	[tilespmem:v1+s14+$0x0] =	vst.idx.msk $0xffff, v12;
	v1 =	vand.u32 $0x1C00, v7  }
.LBB2_24:
0x105: {  	s1 =	sand.u32 $0x40, s26;
	s25 =	sadd.s32 $0x4, s25;
	v6 =	vor.u32 v29, v1;
	v1 =	vld.idx.msk [tilespmem:v49+s11+$0x0], $0xffff;
	v7 =	vand.u32 $0x78, v39;
	s24 =	sadd.s32 $0x8, s24;
	[tilespmem:v44+s14+$0x0] =	vst.idx.msk $0xffff, v50;
	v11 =	vmov v2  }
0x106: {  	s28 =	sand.u32 $0x30, s24;
	v2 =	vor.u32 s1, v0;
	s29 =	sor.u32 $0x30, s1;
	p2 =	slt.u32 s25, $0x1C;
	v44 =	vor.u32 v41, v6;
	v7 =	vor.u32 v7, v6  }
0x107: {  	v12 =	vor.u32 s28, v25;
	v16 =	vshll.u32 v2, $0x6;
	s28 =	sor.u32 $0x10, s1;
	s1 =	sor.u32 $0x20, s1;
	v39 =	vor.u32 s29, v0;
	v17 =	vld.idx.msk [tilespmem:v46+s11+$0x0], $0xffff  }
0x108: {  	v21 =	vand.u32 $0x38, v12;
	v22 =	vor.u32 s28, v0;
	v26 =	vshll.u32 v39, $0x6;
	v27 =	vld.idx.msk [tilespmem:v45+s11+$0x0], $0xffff  }
0x109: {  	v42 =	vor.u32 s1, v0;
	v40 =	vshll.u32 v22, $0x6;
	v26 =	vor.u32 v21, v26;
	v50 =	vld.idx.msk [tilespmem:v43+s11+$0x0], $0xffff;
	[tilespmem:v53+s14+$0x0] =	vst.idx.msk $0xffff, v47  }
.Ltmp15:
0x10a: {  	v41 =	vshll.u32 v42, $0x6;
	v40 =	vor.u32 v21, v40;
	v49 =	vor.u32 v28, v26;
	[tilespmem:v51+s14+$0x0] =	vst.idx.msk $0xffff, v48;
	(pc) =	sbr.rel @p2 .LBB2_24-.Ltmp15, $4  }
0x10b: {  	v16 =	vor.u32 v21, v16;
	v22 =	vand.u32 $0x58, v22;
	v21 =	vor.u32 v21, v41;
	[tilespmem:v7+s14+$0x0] =	vst.idx.msk $0xffff, v1  }
0x10c: {  	v43 =	vor.u32 v28, v16;
	v46 =	vor.u32 v28, v40;
	v45 =	vor.u32 v28, v21  }
0x10d: {  	v41 =	vand.u32 $0x48, v2;
	v2 =	vand.u32 $0x68, v42;
	v1 =	vshll.u32 v12, $0x7;
	v47 =	vmovc v17  }
0x10e: {  	s26 =	sadd.s32 $0x40, s26;
	v53 =	vor.u32 v52, v6;
	v51 =	vor.u32 v11, v6;
	v52 =	vmovc v22;
	v1 =	vand.u32 $0x1C00, v1;
	v48 =	vmovc v27  }
0x10f: {  	v42 =	vmov v2;
	v40 =	vmov v52  }
.LBB2_26:
0x110: {  	_ =	sdelay $0x2  }
0x111: {  	v1 =	vor.u32 v29, v1;
	v2 =	vand.u32 $0x78, v39;
	s1 =	simm.s32 $0x0  }
0x112: {  	v6 =	vld.idx.msk [tilespmem:v49+s11+$0x0], $0xffff;
	v7 =	vor.u32 v41, v1;
	v2 =	vor.u32 v2, v1;
	v11 =	vor.u32 v40, v1;
	s25 =	sand.u32 $0x40, s1;
	s24 =	sand.u32 $0x30, s1  }
0x113: {  	v12 =	vld.idx.msk [tilespmem:v43+s11+$0x0], $0xffff;
	v1 =	vor.u32 v42, v1;
	v16 =	vor.u32 s25, v0;
	s30 =	sor.u32 $0x30, s25;
	v17 =	vor.u32 s24, v30;
	s26 =	sor.u32 $0x10, s25  }
0x114: {  	[tilespmem:v44+s14+$0x0] =	vst.idx.msk @p1 $0xffff, v50;
	v21 =	vld.idx.msk [tilespmem:v46+s11+$0x0], $0xffff;
	s31 =	sor.u32 $0x20, s25;
	v43 =	vshll.u32 v16, $0x6;
	v39 =	vor.u32 s30, v0;
	v22 =	vor.u32 s26, v0  }
0x115: {  	v26 =	vld.idx.msk [tilespmem:v45+s11+$0x0], $0xffff;
	[tilespmem:v53+s14+$0x0] =	vst.idx.msk @p1 $0xffff, v47;
	p2 =	por $0x1, $0x1;
	v27 =	vand.u32 $0x38, v17;
	v61 =	vor.u32 s31, v0;
	v41 =	vand.u32 $0x48, v16  }
.Ltmp16:
0x116: {  	[tilespmem:v51+s14+$0x0] =	vst.idx.msk @p1 $0xffff, v48;
	v44 =	vshll.u32 v39, $0x6;
	v45 =	vshll.u32 v22, $0x6;
	v46 =	vshll.u32 v61, $0x6;
	(pc) =	sbr.rel @!p2 .LBB2_27-.Ltmp16, $4  }
0x117: {  	v40 =	vand.u32 $0x58, v22;
	v62 =	vor.u32 v27, v44;
	v63 =	vor.u32 v27, v45;
	[tilespmem:v2+s14+$0x0] =	vst.idx.msk $0xffff, v6  }
0x118: {  	v42 =	vand.u32 $0x68, v61;
	v51 =	vor.u32 v31, v62;
	v2 =	vor.u32 v27, v43;
	[tilespmem:v7+s14+$0x0] =	vst.idx.msk $0xffff, v12  }
0x119: {  	v6 =	vor.u32 v27, v46;
	[tilespmem:v11+s14+$0x0] =	vst.idx.msk $0xffff, v21;
	v47 =	vor.u32 v31, v2;
	v2 =	vshll.u32 v17, $0x7  }
0x11a: {  	p1 =	por $0x0, $0x0;
	s25 =	simm.s32 $0x40;
	v50 =	vor.u32 v31, v63;
	[tilespmem:v1+s14+$0x0] =	vst.idx.msk $0xffff, v26;
	v48 =	vor.u32 v31, v6;
	v11 =	vand.u32 $0x1C00, v2  }
0x11b: {  	s1 =	sand.u32 $0x40, s25;
	v1 =	vor.u32 v32, v11;
	v2 =	vand.u32 $0x78, v39;
	s26 =	simm.s32 $0x8  }
0x11c: {  	s28 =	sand.u32 $0x30, s26;
	v6 =	vor.u32 s1, v0;
	s29 =	sor.u32 $0x30, s1;
	v49 =	vor.u32 v41, v1;
	v2 =	vor.u32 v2, v1  }
0x11d: {  	v7 =	vor.u32 s28, v30;
	v11 =	vshll.u32 v6, $0x6;
	v52 =	vor.u32 s29, v0  }
0x11e: {  	s28 =	sor.u32 $0x10, s1;
	s1 =	sor.u32 $0x20, s1;
	v6 =	vand.u32 $0x48, v6;
	v16 =	vand.u32 $0x38, v7;
	v21 =	vshll.u32 v52, $0x6  }
0x11f: {  	v12 =	vld.idx.msk [tilespmem:v51+s11+$0x0], $0xffff;
	p4 =	por $0x1, $0x1;
	v17 =	vor.u32 s28, v0;
	v26 =	vor.u32 s1, v0;
	v21 =	vor.u32 v16, v21  }
.Ltmp17:
0x120: {  	v56 =	vld.idx.msk [tilespmem:v47+s11+$0x0], $0xffff;
	v22 =	vshll.u32 v17, $0x6;
	v27 =	vshll.u32 v26, $0x6;
	v51 =	vor.u32 v31, v21;
	(pc) =	sbr.rel @!p4 .LBB2_30-.Ltmp17, $4  }
0x121: {  	v11 =	vor.u32 v16, v11;
	v53 =	vand.u32 $0x58, v17;
	v22 =	vor.u32 v16, v22  }
0x122: {  	v54 =	vld.idx.msk [tilespmem:v50+s11+$0x0], $0xffff;
	v16 =	vor.u32 v16, v27;
	v47 =	vor.u32 v31, v11;
	v50 =	vor.u32 v31, v22  }
0x123: {  	v55 =	vld.idx.msk [tilespmem:v48+s11+$0x0], $0xffff;
	v11 =	vshll.u32 v7, $0x7;
	v7 =	vand.u32 $0x68, v26;
	v48 =	vor.u32 v31, v16  }
0x124: {  	p3 =	por $0x1, $0x1;
	s29 =	simm.s32 $0x80;
	s28 =	simm.s32 $0x4;
	[tilespmem:v2+s14+$0x0] =	vst.idx.msk $0xffff, v12;
	v11 =	vand.u32 $0x1C00, v11;
	v2 =	vor.u32 v40, v1;
	v1 =	vor.u32 v42, v1  }
.LBB2_29:
0x125: {  	s1 =	sand.u32 $0x40, s29;
	s28 =	sadd.s32 $0x4, s28;
	v12 =	vor.u32 v32, v11;
	v11 =	vld.idx.msk [tilespmem:v51+s11+$0x0], $0xffff;
	v16 =	vand.u32 $0x78, v52;
	s26 =	sadd.s32 $0x8, s26;
	[tilespmem:v49+s14+$0x0] =	vst.idx.msk $0xffff, v56;
	v17 =	vmov v7  }
0x126: {  	s30 =	sand.u32 $0x30, s26;
	v7 =	vor.u32 s1, v0;
	s31 =	sor.u32 $0x30, s1;
	p4 =	slt.u32 s28, $0x1C;
	v49 =	vor.u32 v6, v12;
	v6 =	vor.u32 v16, v12  }
0x127: {  	v16 =	vor.u32 s30, v30;
	v21 =	vshll.u32 v7, $0x6;
	s30 =	sor.u32 $0x10, s1;
	s1 =	sor.u32 $0x20, s1;
	v52 =	vor.u32 s31, v0;
	v22 =	vld.idx.msk [tilespmem:v50+s11+$0x0], $0xffff  }
0x128: {  	v26 =	vand.u32 $0x38, v16;
	v27 =	vor.u32 s30, v0;
	v50 =	vshll.u32 v52, $0x6;
	v57 =	vld.idx.msk [tilespmem:v48+s11+$0x0], $0xffff  }
0x129: {  	v58 =	vor.u32 s1, v0;
	v48 =	vshll.u32 v27, $0x6;
	v50 =	vor.u32 v26, v50;
	v56 =	vld.idx.msk [tilespmem:v47+s11+$0x0], $0xffff;
	[tilespmem:v2+s14+$0x0] =	vst.idx.msk $0xffff, v54  }
.Ltmp18:
0x12a: {  	v47 =	vshll.u32 v58, $0x6;
	v2 =	vor.u32 v26, v48;
	v51 =	vor.u32 v31, v50;
	[tilespmem:v1+s14+$0x0] =	vst.idx.msk $0xffff, v55;
	(pc) =	sbr.rel @p4 .LBB2_29-.Ltmp18, $4  }
0x12b: {  	v1 =	vor.u32 v26, v21;
	v21 =	vand.u32 $0x58, v27;
	v26 =	vor.u32 v26, v47;
	[tilespmem:v6+s14+$0x0] =	vst.idx.msk $0xffff, v11  }
0x12c: {  	v47 =	vor.u32 v31, v1;
	v50 =	vor.u32 v31, v2;
	v48 =	vor.u32 v31, v26  }
0x12d: {  	v6 =	vand.u32 $0x48, v7;
	v1 =	vshll.u32 v16, $0x7;
	v7 =	vand.u32 $0x68, v58;
	v54 =	vmovc v22  }
0x12e: {  	s29 =	sadd.s32 $0x40, s29;
	v2 =	vor.u32 v53, v12;
	v53 =	vmovc v21;
	v11 =	vand.u32 $0x1C00, v1;
	v1 =	vor.u32 v17, v12;
	v55 =	vmovc v57  }
.LBB2_30:
0x12f: {  	_ =	sdelay $0x2  }
0x130: {  	v11 =	vor.u32 v32, v11;
	v12 =	vand.u32 $0x78, v52  }
0x131: {  	v16 =	vld.idx.msk [tilespmem:v51+s11+$0x0], $0xffff;
	v12 =	vor.u32 v12, v11  }
0x132: {  	v17 =	vld.idx.msk [tilespmem:v47+s11+$0x0], $0xffff;
	v6 =	vor.u32 v6, v11  }
0x133: {  	[tilespmem:v49+s14+$0x0] =	vst.idx.msk @p3 $0xffff, v56  }
0x134: {  	v21 =	vld.idx.msk [tilespmem:v50+s11+$0x0], $0xffff;
	[tilespmem:v2+s14+$0x0] =	vst.idx.msk @p3 $0xffff, v54;
	v2 =	vor.u32 v53, v11  }
0x135: {  	v22 =	vld.idx.msk [tilespmem:v48+s11+$0x0], $0xffff;
	[tilespmem:v1+s14+$0x0] =	vst.idx.msk @p3 $0xffff, v55;
	v1 =	vor.u32 v7, v11;
	v7 =	vor.u32 s24, v35  }
.Ltmp19:
0x136: {  	v11 =	vand.u32 $0x38, v7;
	[tilespmem:v12+s14+$0x0] =	vst.idx.msk $0xffff, v16;
	(pc) =	sbr.rel @!p2 .LBB2_31-.Ltmp19, $4  }
0x137: {  	[tilespmem:v6+s14+$0x0] =	vst.idx.msk $0xffff, v17;
	v6 =	vor.u32 v11, v44  }
0x138: {  	v12 =	vor.u32 v11, v45;
	v49 =	vor.u32 v36, v6;
	v6 =	vor.u32 v11, v43  }
0x139: {  	[tilespmem:v2+s14+$0x0] =	vst.idx.msk $0xffff, v21;
	v2 =	vor.u32 v11, v46;
	v43 =	vor.u32 v36, v6;
	v6 =	vshll.u32 v7, $0x7  }
0x13a: {  	v46 =	vor.u32 v36, v12;
	[tilespmem:v1+s14+$0x0] =	vst.idx.msk $0xffff, v22;
	v45 =	vor.u32 v36, v2;
	v1 =	vand.u32 $0x1C00, v6  }
0x13b: {  	s1 =	sand.u32 $0x40, s25;
	v6 =	vor.u32 v37, v1;
	v1 =	vand.u32 $0x78, v39;
	s24 =	simm.s32 $0x8  }
0x13c: {  	s30 =	sand.u32 $0x30, s24;
	v2 =	vor.u32 s1, v0;
	s26 =	sor.u32 $0x30, s1;
	v44 =	vor.u32 v41, v6;
	v1 =	vor.u32 v1, v6  }
0x13d: {  	v53 =	vor.u32 v40, v6;
	v7 =	vor.u32 s30, v35;
	v39 =	vor.u32 s26, v0  }
0x13e: {  	s31 =	sor.u32 $0x10, s1;
	v51 =	vor.u32 v42, v6;
	v16 =	vand.u32 $0x38, v7;
	v21 =	vshll.u32 v39, $0x6  }
0x13f: {  	v12 =	vld.idx.msk [tilespmem:v49+s11+$0x0], $0xffff;
	p2 =	por $0x1, $0x1;
	s1 =	sor.u32 $0x20, s1;
	v11 =	vshll.u32 v2, $0x6;
	v17 =	vor.u32 s31, v0;
	v21 =	vor.u32 v16, v21  }
.Ltmp20:
0x140: {  	v50 =	vld.idx.msk [tilespmem:v43+s11+$0x0], $0xffff;
	v26 =	vor.u32 s1, v0;
	v22 =	vshll.u32 v17, $0x6;
	v49 =	vor.u32 v36, v21;
	(pc) =	sbr.rel @!p2 .LBB2_33-.Ltmp20, $4  }
0x141: {  	v41 =	vand.u32 $0x48, v2;
	v27 =	vshll.u32 v26, $0x6;
	v22 =	vor.u32 v16, v22  }
0x142: {  	v47 =	vld.idx.msk [tilespmem:v46+s11+$0x0], $0xffff;
	v11 =	vor.u32 v16, v11;
	v16 =	vor.u32 v16, v27;
	v46 =	vor.u32 v36, v22  }
0x143: {  	v48 =	vld.idx.msk [tilespmem:v45+s11+$0x0], $0xffff;
	v52 =	vand.u32 $0x58, v17;
	v7 =	vshll.u32 v7, $0x7;
	v45 =	vor.u32 v36, v16  }
0x144: {  	s25 =	simm.s32 $0x4;
	p1 =	por $0x1, $0x1;
	s26 =	simm.s32 $0x80;
	v2 =	vand.u32 $0x68, v26;
	v43 =	vor.u32 v36, v11;
	[tilespmem:v1+s14+$0x0] =	vst.idx.msk $0xffff, v12;
	v1 =	vand.u32 $0x1C00, v7  }
.LBB2_34:
0x145: {  	s1 =	sand.u32 $0x40, s26;
	s25 =	sadd.s32 $0x4, s25;
	v6 =	vor.u32 v37, v1;
	v1 =	vld.idx.msk [tilespmem:v49+s11+$0x0], $0xffff;
	v7 =	vand.u32 $0x78, v39;
	s24 =	sadd.s32 $0x8, s24;
	[tilespmem:v44+s14+$0x0] =	vst.idx.msk $0xffff, v50;
	v11 =	vmov v2  }
0x146: {  	s28 =	sand.u32 $0x30, s24;
	v2 =	vor.u32 s1, v0;
	s29 =	sor.u32 $0x30, s1;
	p2 =	slt.u32 s25, $0x1C;
	v44 =	vor.u32 v41, v6;
	v7 =	vor.u32 v7, v6  }
0x147: {  	v12 =	vor.u32 s28, v35;
	v16 =	vshll.u32 v2, $0x6;
	s28 =	sor.u32 $0x10, s1;
	s1 =	sor.u32 $0x20, s1;
	v39 =	vor.u32 s29, v0;
	v17 =	vld.idx.msk [tilespmem:v46+s11+$0x0], $0xffff  }
0x148: {  	v21 =	vand.u32 $0x38, v12;
	v22 =	vor.u32 s28, v0;
	v26 =	vshll.u32 v39, $0x6;
	v27 =	vld.idx.msk [tilespmem:v45+s11+$0x0], $0xffff  }
0x149: {  	v42 =	vor.u32 s1, v0;
	v40 =	vshll.u32 v22, $0x6;
	v26 =	vor.u32 v21, v26;
	v50 =	vld.idx.msk [tilespmem:v43+s11+$0x0], $0xffff;
	[tilespmem:v53+s14+$0x0] =	vst.idx.msk $0xffff, v47  }
.Ltmp21:
0x14a: {  	v41 =	vshll.u32 v42, $0x6;
	v40 =	vor.u32 v21, v40;
	v49 =	vor.u32 v36, v26;
	[tilespmem:v51+s14+$0x0] =	vst.idx.msk $0xffff, v48;
	(pc) =	sbr.rel @p2 .LBB2_34-.Ltmp21, $4  }
0x14b: {  	v16 =	vor.u32 v21, v16;
	v22 =	vand.u32 $0x58, v22;
	v21 =	vor.u32 v21, v41;
	[tilespmem:v7+s14+$0x0] =	vst.idx.msk $0xffff, v1  }
0x14c: {  	v43 =	vor.u32 v36, v16;
	v46 =	vor.u32 v36, v40;
	v45 =	vor.u32 v36, v21  }
0x14d: {  	v41 =	vand.u32 $0x48, v2;
	v2 =	vand.u32 $0x68, v42;
	v1 =	vshll.u32 v12, $0x7;
	v47 =	vmovc v17  }
0x14e: {  	s26 =	sadd.s32 $0x40, s26;
	v53 =	vor.u32 v52, v6;
	v51 =	vor.u32 v11, v6;
	v52 =	vmovc v22;
	v1 =	vand.u32 $0x1C00, v1;
	v48 =	vmovc v27  }
0x14f: {  	v42 =	vmov v2;
	v40 =	vmov v52  }
.LBB2_36:
0x150: {  	_ =	sdelay $0x2  }
0x151: {  	v1 =	vor.u32 v37, v1;
	v2 =	vand.u32 $0x78, v39;
	s24 =	simm.s32 $0x0  }
0x152: {  	v6 =	vld.idx.msk [tilespmem:v49+s11+$0x0], $0xffff;
	v7 =	vor.u32 v41, v1;
	v2 =	vor.u32 v2, v1;
	v11 =	vor.u32 v40, v1;
	s1 =	sand.u32 $0x40, s24;
	s26 =	sand.u32 $0x30, s24  }
0x153: {  	v12 =	vld.idx.msk [tilespmem:v43+s11+$0x0], $0xffff;
	[tilespmem:v44+s14+$0x0] =	vst.idx.msk @p1 $0xffff, v50;
	v1 =	vor.u32 v42, v1;
	v16 =	vor.u32 s1, v0;
	s25 =	sor.u32 $0x30, s1;
	v17 =	vor.u32 s26, v38;
	s28 =	sor.u32 $0x10, s1  }
0x154: {  	v21 =	vld.idx.msk [tilespmem:v46+s11+$0x0], $0xffff;
	[tilespmem:v53+s14+$0x0] =	vst.idx.msk @p1 $0xffff, v47;
	s1 =	sor.u32 $0x20, s1;
	v43 =	vshll.u32 v16, $0x6;
	v39 =	vor.u32 s25, v0;
	v22 =	vor.u32 s28, v0  }
0x155: {  	v26 =	vld.idx.msk [tilespmem:v45+s11+$0x0], $0xffff;
	[tilespmem:v51+s14+$0x0] =	vst.idx.msk @p1 $0xffff, v48;
	p1 =	por $0x1, $0x1;
	v27 =	vand.u32 $0x38, v17;
	v61 =	vor.u32 s1, v0;
	v42 =	vand.u32 $0x48, v16  }
.Ltmp22:
0x156: {  	v44 =	vshll.u32 v39, $0x6;
	v46 =	vshll.u32 v22, $0x6;
	v47 =	vshll.u32 v61, $0x6;
	(pc) =	sbr.rel @!p1 .LBB2_37-.Ltmp22, $4  }
0x157: {  	v40 =	vand.u32 $0x58, v22;
	v62 =	vor.u32 v27, v44;
	v63 =	vor.u32 v27, v46;
	[tilespmem:v2+s14+$0x0] =	vst.idx.msk $0xffff, v6  }
0x158: {  	v41 =	vand.u32 $0x68, v61;
	v51 =	vor.u32 v3, v62;
	v2 =	vor.u32 v27, v43;
	[tilespmem:v7+s14+$0x0] =	vst.idx.msk $0xffff, v12  }
0x159: {  	v6 =	vor.u32 v27, v47;
	[tilespmem:v11+s14+$0x0] =	vst.idx.msk $0xffff, v21;
	v45 =	vor.u32 v3, v2;
	v2 =	vshll.u32 v17, $0x7  }
0x15a: {  	p2 =	por $0x0, $0x0;
	s25 =	simm.s32 $0x0;
	s28 =	simm.s32 $0x40;
	v50 =	vor.u32 v3, v63;
	[tilespmem:v1+s14+$0x0] =	vst.idx.msk $0xffff, v26;
	v48 =	vor.u32 v3, v6;
	v11 =	vand.u32 $0x1C00, v2  }
0x15b: {  	s1 =	sand.u32 $0x40, s28;
	v1 =	vor.u32 v4, v11;
	v2 =	vand.u32 $0x78, v39;
	s28 =	simm.s32 $0x8  }
0x15c: {  	s29 =	sand.u32 $0x30, s28;
	v6 =	vor.u32 s1, v0;
	s30 =	sor.u32 $0x30, s1;
	v49 =	vor.u32 v42, v1;
	v2 =	vor.u32 v2, v1  }
0x15d: {  	v11 =	vor.u32 s29, v38;
	v7 =	vshll.u32 v6, $0x6;
	s29 =	sor.u32 $0x10, s1;
	v52 =	vor.u32 s30, v0  }
0x15e: {  	s1 =	sor.u32 $0x20, s1;
	v16 =	vand.u32 $0x38, v11;
	v17 =	vor.u32 s29, v0;
	v21 =	vshll.u32 v52, $0x6  }
0x15f: {  	v12 =	vld.idx.msk [tilespmem:v51+s11+$0x0], $0xffff;
	p3 =	por $0x1, $0x1;
	v26 =	vor.u32 s1, v0;
	v11 =	vshll.u32 v11, $0x7;
	v21 =	vor.u32 v16, v21  }
.Ltmp23:
0x160: {  	v56 =	vld.idx.msk [tilespmem:v45+s11+$0x0], $0xffff;
	v22 =	vshll.u32 v17, $0x6;
	v27 =	vshll.u32 v26, $0x6;
	v51 =	vor.u32 v3, v21;
	(pc) =	sbr.rel @!p3 .LBB2_40-.Ltmp23, $4  }
0x161: {  	v7 =	vor.u32 v16, v7;
	v53 =	vand.u32 $0x58, v17;
	v22 =	vor.u32 v16, v22  }
0x162: {  	v54 =	vld.idx.msk [tilespmem:v50+s11+$0x0], $0xffff;
	v11 =	vand.u32 $0x1C00, v11;
	v16 =	vor.u32 v16, v27;
	v50 =	vor.u32 v3, v22  }
0x163: {  	v55 =	vld.idx.msk [tilespmem:v48+s11+$0x0], $0xffff;
	v45 =	vor.u32 v3, v7;
	v7 =	vand.u32 $0x48, v6;
	v48 =	vor.u32 v3, v16  }
0x164: {  	p2 =	por $0x1, $0x1;
	s30 =	simm.s32 $0x80;
	s29 =	simm.s32 $0x4;
	v6 =	vand.u32 $0x68, v26;
	[tilespmem:v2+s14+$0x0] =	vst.idx.msk $0xffff, v12;
	v2 =	vor.u32 v40, v1;
	v1 =	vor.u32 v41, v1  }
.LBB2_39:
0x165: {  	s1 =	sand.u32 $0x40, s30;
	s29 =	sadd.s32 $0x4, s29;
	v12 =	vor.u32 v4, v11;
	v11 =	vld.idx.msk [tilespmem:v51+s11+$0x0], $0xffff;
	v16 =	vand.u32 $0x78, v52;
	s28 =	sadd.s32 $0x8, s28;
	[tilespmem:v49+s14+$0x0] =	vst.idx.msk $0xffff, v56;
	v17 =	vmov v6  }
0x166: {  	s31 =	sand.u32 $0x30, s28;
	v6 =	vor.u32 s1, v0;
	s0 =	sor.u32 $0x30, s1;
	p3 =	slt.u32 s29, $0x1C;
	v49 =	vor.u32 v7, v12;
	v7 =	vor.u32 v16, v12  }
0x167: {  	v16 =	vor.u32 s31, v38;
	v21 =	vshll.u32 v6, $0x6;
	s31 =	sor.u32 $0x10, s1;
	s1 =	sor.u32 $0x20, s1;
	v52 =	vor.u32 s0, v0;
	v22 =	vld.idx.msk [tilespmem:v50+s11+$0x0], $0xffff  }
0x168: {  	v26 =	vand.u32 $0x38, v16;
	v27 =	vor.u32 s31, v0;
	v50 =	vshll.u32 v52, $0x6;
	v57 =	vld.idx.msk [tilespmem:v48+s11+$0x0], $0xffff  }
0x169: {  	v58 =	vor.u32 s1, v0;
	v48 =	vshll.u32 v27, $0x6;
	v50 =	vor.u32 v26, v50;
	v56 =	vld.idx.msk [tilespmem:v45+s11+$0x0], $0xffff;
	[tilespmem:v2+s14+$0x0] =	vst.idx.msk $0xffff, v54  }
.Ltmp24:
0x16a: {  	v45 =	vshll.u32 v58, $0x6;
	v2 =	vor.u32 v26, v48;
	v51 =	vor.u32 v3, v50;
	[tilespmem:v1+s14+$0x0] =	vst.idx.msk $0xffff, v55;
	(pc) =	sbr.rel @p3 .LBB2_39-.Ltmp24, $4  }
0x16b: {  	v1 =	vor.u32 v26, v21;
	v21 =	vand.u32 $0x58, v27;
	v26 =	vor.u32 v26, v45;
	[tilespmem:v7+s14+$0x0] =	vst.idx.msk $0xffff, v11  }
0x16c: {  	v45 =	vor.u32 v3, v1;
	v50 =	vor.u32 v3, v2;
	v48 =	vor.u32 v3, v26  }
0x16d: {  	v7 =	vand.u32 $0x48, v6;
	v1 =	vshll.u32 v16, $0x7;
	v6 =	vand.u32 $0x68, v58;
	v54 =	vmovc v22  }
0x16e: {  	s30 =	sadd.s32 $0x40, s30;
	v2 =	vor.u32 v53, v12;
	v53 =	vmovc v21;
	v11 =	vand.u32 $0x1C00, v1;
	v1 =	vor.u32 v17, v12;
	v55 =	vmovc v57  }
.LBB2_40:
0x16f: {  	v21 =	vld [tilespmem:$0x1FF20]  }
0x170: {  	v22 =	vld [tilespmem:$0x1FF30];
	_ =	sdelay $0x2  }
0x171: {  	v11 =	vor.u32 v4, v11;
	v12 =	vand.u32 $0x78, v52  }
0x172: {  	v16 =	vld.idx.msk [tilespmem:v51+s11+$0x0], $0xffff;
	v12 =	vor.u32 v12, v11  }
0x173: {  	v51 =	vcombine.low v21, v22  }
0x174: {  	v17 =	vld.idx.msk [tilespmem:v45+s11+$0x0], $0xffff;
	v7 =	vor.u32 v7, v11  }
0x175: {  	[tilespmem:v2+s14+$0x0] =	vst.idx.msk @p2 $0xffff, v54;
	v2 =	vor.u32 v53, v11;
	v21 =	vld.idx.msk [tilespmem:v50+s11+$0x0], $0xffff;
	v45 =	vand.u32 $0xF, v51  }
0x176: {  	v6 =	vor.u32 v6, v11;
	v22 =	vld.idx.msk [tilespmem:v48+s11+$0x0], $0xffff;
	v11 =	vor.u32 s26, v45  }
0x177: {  	[tilespmem:v12+s14+$0x0] =	vst.idx.msk $0xffff, v16;
	v12 =	vand.u32 $0x38, v11  }
0x178: {  	[tilespmem:v1+s14+$0x0] =	vst.idx.msk @p2 $0xffff, v55;
	v1 =	vor.u32 v12, v44  }
.Ltmp25:
0x179: {  	[tilespmem:v7+s14+$0x0] =	vst.idx.msk $0xffff, v17;
	v16 =	vor.u32 v12, v46;
	v7 =	vor.u32 v8, v1;
	(pc) =	sbr.rel @!p1 .LBB2_42-.Ltmp25, $4  }
0x17a: {  	v17 =	vor.u32 v12, v43;
	[tilespmem:v2+s14+$0x0] =	vst.idx.msk $0xffff, v21;
	v1 =	vor.u32 v8, v16  }
0x17b: {  	v2 =	vor.u32 v12, v47;
	[tilespmem:v6+s14+$0x0] =	vst.idx.msk $0xffff, v22;
	v6 =	vor.u32 v8, v17  }
0x17c: {  	v11 =	vshll.u32 v11, $0x7;
	v2 =	vor.u32 v8, v2  }
0x17d: {  	[tilespmem:v49+s14+$0x0] =	vst.idx.msk @p2 $0xffff, v56;
	s26 =	simm.s32 $0x0;
	v11 =	vand.u32 $0x1C00, v11  }
.LBB2_41:
0x17e: {  	s25 =	sadd.s32 $0x4, s25;
	v11 =	vor.u32 v9, v11;
	v12 =	vld.idx.msk [tilespmem:v7+s11+$0x0], $0xffff;
	v7 =	vand.u32 $0x78, v39;
	s24 =	sadd.s32 $0x40, s24  }
0x17f: {  	s26 =	sadd.s32 $0x8, s26;
	s0 =	sand.u32 $0x40, s24;
	p1 =	slt.u32 s25, $0x1C;
	v16 =	vor.u32 v42, v11;
	v17 =	vld.idx.msk [tilespmem:v1+s11+$0x0], $0xffff;
	v21 =	vor.u32 v40, v11;
	v1 =	vor.u32 v7, v11  }
0x180: {  	v45 =	vand.u32 $0xF, v51;
	s1 =	sand.u32 $0x30, s26;
	v27 =	vor.u32 v41, v11;
	v22 =	vor.u32 s0, v0;
	s28 =	sor.u32 $0x10, s0;
	s29 =	sor.u32 $0x30, s0;
	v26 =	vld.idx.msk [tilespmem:v6+s11+$0x0], $0xffff  }
0x181: {  	v11 =	vor.u32 s1, v45;
	s0 =	sor.u32 $0x20, s0;
	v40 =	vor.u32 s28, v0;
	v39 =	vor.u32 s29, v0;
	v43 =	vld.idx.msk [tilespmem:v2+s11+$0x0], $0xffff  }
0x182: {  	v2 =	vand.u32 $0x38, v11;
	v41 =	vor.u32 s0, v0;
	v6 =	vshll.u32 v39, $0x6  }
0x183: {  	v7 =	vshll.u32 v40, $0x6;
	v42 =	vshll.u32 v41, $0x6;
	v6 =	vor.u32 v2, v6  }
.Ltmp26:
0x184: {  	v44 =	vshll.u32 v22, $0x6;
	v46 =	vor.u32 v2, v7;
	v7 =	vor.u32 v8, v6;
	[tilespmem:v1+s14+$0x0] =	vst.idx.msk $0xffff, v12;
	(pc) =	sbr.rel @p1 .LBB2_41-.Ltmp26, $4  }
0x185: {  	v6 =	vor.u32 v2, v44;
	v1 =	vor.u32 v8, v46;
	v2 =	vor.u32 v2, v42  }
0x186: {  	v40 =	vand.u32 $0x58, v40;
	v6 =	vor.u32 v8, v6;
	v2 =	vor.u32 v8, v2;
	[tilespmem:v16+s14+$0x0] =	vst.idx.msk $0xffff, v26  }
0x187: {  	v11 =	vshll.u32 v11, $0x7;
	v41 =	vand.u32 $0x68, v41;
	v42 =	vand.u32 $0x48, v22;
	[tilespmem:v21+s14+$0x0] =	vst.idx.msk $0xffff, v17  }
0x188: {  	v11 =	vand.u32 $0x1C00, v11;
	[tilespmem:v27+s14+$0x0] =	vst.idx.msk $0xffff, v43  }
.LBB2_42:
0x189: {  	v16 =	vld [tilespmem:$0x1FF40]  }
0x18a: {  	v17 =	vld [tilespmem:$0x1FF50];
	_ =	sdelay $0x4  }
0x18b: {  	v11 =	vor.u32 v9, v11;
	v12 =	vand.u32 $0x78, v39;
	s24 =	simm.s32 $0x0;
	v16 =	vcombine.low v16, v17  }
0x18c: {  	v6 =	vld.idx.msk [tilespmem:v6+s11+$0x0], $0xffff;
	v12 =	vor.u32 v12, v11;
	s0 =	sand.u32 $0x40, s24;
	v17 =	vor.u32 v42, v11  }
0x18d: {  	v7 =	vld.idx.msk [tilespmem:v7+s11+$0x0], $0xffff;
	v21 =	vor.u32 v40, v11;
	s25 =	sand.u32 $0x30, s24;
	v22 =	vor.u32 v41, v11;
	s26 =	sor.u32 $0x30, s0;
	v44 =	vand.u32 $0xF, v16  }
0x18e: {  	v39 =	vor.u32 s0, v0;
	s1 =	sor.u32 $0x10, s0;
	v11 =	vld.idx.msk [tilespmem:v1+s11+$0x0], $0xffff;
	v1 =	vor.u32 s26, v0;
	v26 =	vor.u32 s25, v44  }
0x18f: {  	v43 =	vld.idx.msk [tilespmem:v2+s11+$0x0], $0xffff;
	s0 =	sor.u32 $0x20, s0;
	v40 =	vor.u32 s1, v0;
	v2 =	vshll.u32 v1, $0x6;
	v27 =	vand.u32 $0x38, v26  }
0x190: {  	v41 =	vor.u32 s0, v0;
	v46 =	vshll.u32 v40, $0x6;
	v2 =	vor.u32 v27, v2  }
0x191: {  	v47 =	vshll.u32 v39, $0x6;
	[tilespmem:v17+s14+$0x0] =	vst.idx.msk $0xffff, v6;
	v6 =	vor.u32 v27, v46;
	v16 =	vor.u32 v13, v2  }
0x192: {  	v42 =	vshll.u32 v41, $0x6;
	[tilespmem:v12+s14+$0x0] =	vst.idx.msk $0xffff, v7;
	v2 =	vor.u32 v27, v47;
	v7 =	vor.u32 v13, v6  }
0x193: {  	v6 =	vor.u32 v27, v42;
	v2 =	vor.u32 v13, v2  }
0x194: {  	v12 =	vand.u32 $0x68, v41;
	[tilespmem:v21+s14+$0x0] =	vst.idx.msk $0xffff, v11;
	v21 =	vshll.u32 v26, $0x7;
	v6 =	vor.u32 v13, v6  }
0x195: {  	s28 =	simm.s32 $0x0;
	s29 =	simm.s32 $0x0;
	s30 =	simm.s32 $0x0;
	[tilespmem:v22+s14+$0x0] =	vst.idx.msk $0xffff, v43;
	v11 =	vand.u32 $0x58, v40;
	v17 =	vand.u32 $0x48, v39;
	v21 =	vand.u32 $0x1C00, v21  }
.LBB2_43:
0x196: {  	s28 =	sadd.s32 $0x4, s28;
	v21 =	vor.u32 v14, v21;
	v22 =	vld.idx.msk [tilespmem:v16+s11+$0x0], $0xffff;
	v1 =	vand.u32 $0x78, v1;
	s29 =	sadd.s32 $0x40, s29  }
0x197: {  	s30 =	sadd.s32 $0x8, s30;
	s0 =	sand.u32 $0x40, s29;
	p1 =	slt.u32 s28, $0x1C;
	v17 =	vor.u32 v17, v21;
	v26 =	vld.idx.msk [tilespmem:v7+s11+$0x0], $0xffff;
	v27 =	vor.u32 v11, v21;
	v7 =	vor.u32 v1, v21  }
0x198: {  	s1 =	sand.u32 $0x30, s30;
	v49 =	vor.u32 v12, v21;
	v43 =	vor.u32 s0, v0;
	s31 =	sor.u32 $0x10, s0;
	s3 =	sor.u32 $0x30, s0;
	v48 =	vld.idx.msk [tilespmem:v2+s11+$0x0], $0xffff  }
0x199: {  	v12 =	vor.u32 s1, v44;
	s0 =	sor.u32 $0x20, s0;
	v11 =	vor.u32 s31, v0;
	v1 =	vor.u32 s3, v0;
	v50 =	vld.idx.msk [tilespmem:v6+s11+$0x0], $0xffff  }
0x19a: {  	v2 =	vand.u32 $0x38, v12;
	v21 =	vor.u32 s0, v0;
	v6 =	vshll.u32 v1, $0x6  }
0x19b: {  	v16 =	vshll.u32 v11, $0x6;
	v51 =	vshll.u32 v21, $0x6;
	v6 =	vor.u32 v2, v6  }
.Ltmp27:
0x19c: {  	v52 =	vshll.u32 v43, $0x6;
	v53 =	vor.u32 v2, v16;
	v16 =	vor.u32 v13, v6;
	[tilespmem:v7+s14+$0x0] =	vst.idx.msk $0xffff, v22;
	(pc) =	sbr.rel @p1 .LBB2_43-.Ltmp27, $4  }
0x19d: {  	v6 =	vor.u32 v2, v52;
	v7 =	vor.u32 v13, v53;
	v22 =	vor.u32 v2, v51  }
0x19e: {  	v11 =	vand.u32 $0x58, v11;
	v2 =	vor.u32 v13, v6;
	v6 =	vor.u32 v13, v22;
	[tilespmem:v17+s14+$0x0] =	vst.idx.msk $0xffff, v48  }
0x19f: {  	v22 =	vshll.u32 v12, $0x7;
	v12 =	vand.u32 $0x68, v21;
	v17 =	vand.u32 $0x48, v43;
	[tilespmem:v27+s14+$0x0] =	vst.idx.msk $0xffff, v26  }
0x1a0: {  	v21 =	vand.u32 $0x1C00, v22;
	[tilespmem:v49+s14+$0x0] =	vst.idx.msk $0xffff, v50  }
0x1a1: {  	_ =	sdelay $0x3  }
0x1a2: {  	v22 =	vld.idx.msk [tilespmem:v2+s11+$0x0], $0xffff  }
0x1a3: {  	v2 =	vld [tilespmem:$0x1FF60]  }
0x1a4: {  	v26 =	vld [tilespmem:$0x1FF70];
	_ =	sdelay $0x2  }
0x1a5: {  	v21 =	vor.u32 v14, v21;
	v1 =	vand.u32 $0x78, v1  }
0x1a6: {  	v16 =	vld.idx.msk [tilespmem:v16+s11+$0x0], $0xffff;
	v1 =	vor.u32 v1, v21  }
0x1a7: {  	v2 =	vcombine.low v2, v26;
	_ =	sdelay $0x1  }
0x1a8: {  	v17 =	vor.u32 v17, v21;
	v43 =	vand.u32 $0xF, v2  }
0x1a9: {  	v11 =	vor.u32 v11, v21;
	v2 =	vor.u32 s26, v0;
	v27 =	vor.u32 s25, v43  }
0x1aa: {  	v48 =	vld.idx.msk [tilespmem:v6+s11+$0x0], $0xffff;
	v21 =	vor.u32 v12, v21;
	[tilespmem:v1+s14+$0x0] =	vst.idx.msk $0xffff, v16;
	v6 =	vshll.u32 v2, $0x6;
	v1 =	vand.u32 $0x38, v27  }
0x1ab: {  	v26 =	vld.idx.msk [tilespmem:v7+s11+$0x0], $0xffff;
	v6 =	vor.u32 v1, v6  }
0x1ac: {  	v7 =	vor.u32 v1, v46;
	v12 =	vor.u32 v18, v6  }
0x1ad: {  	v16 =	vor.u32 v1, v47;
	v6 =	vor.u32 v18, v7  }
0x1ae: {  	[tilespmem:v17+s14+$0x0] =	vst.idx.msk $0xffff, v22;
	v1 =	vor.u32 v1, v42;
	v7 =	vor.u32 v18, v16  }
0x1af: {  	[tilespmem:v21+s14+$0x0] =	vst.idx.msk $0xffff, v48;
	v17 =	vand.u32 $0x48, v39;
	v22 =	vshll.u32 v27, $0x7;
	v1 =	vor.u32 v18, v1  }
0x1b0: {  	s26 =	simm.s32 $0x0;
	s25 =	simm.s32 $0x0;
	[tilespmem:v11+s14+$0x0] =	vst.idx.msk $0xffff, v26;
	v11 =	vand.u32 $0x68, v41;
	v21 =	vand.u32 $0x1C00, v22;
	v16 =	vand.u32 $0x58, v40  }
.LBB2_45:
0x1b1: {  	s25 =	sadd.s32 $0x4, s25;
	v21 =	vor.u32 v19, v21;
	v22 =	vld.idx.msk [tilespmem:v12+s11+$0x0], $0xffff;
	v2 =	vand.u32 $0x78, v2;
	s24 =	sadd.s32 $0x40, s24  }
0x1b2: {  	s26 =	sadd.s32 $0x8, s26;
	s0 =	sand.u32 $0x40, s24;
	p1 =	slt.u32 s25, $0x1C;
	v17 =	vor.u32 v17, v21;
	v26 =	vld.idx.msk [tilespmem:v6+s11+$0x0], $0xffff;
	v27 =	vor.u32 v16, v21;
	v6 =	vor.u32 v2, v21  }
0x1b3: {  	s1 =	sand.u32 $0x30, s26;
	v41 =	vor.u32 v11, v21;
	v39 =	vor.u32 s0, v0;
	s3 =	sor.u32 $0x10, s0;
	s28 =	sor.u32 $0x30, s0;
	v40 =	vld.idx.msk [tilespmem:v7+s11+$0x0], $0xffff  }
0x1b4: {  	v11 =	vor.u32 s1, v43;
	s0 =	sor.u32 $0x20, s0;
	v16 =	vor.u32 s3, v0;
	v2 =	vor.u32 s28, v0;
	v42 =	vld.idx.msk [tilespmem:v1+s11+$0x0], $0xffff  }
0x1b5: {  	v1 =	vand.u32 $0x38, v11;
	v21 =	vor.u32 s0, v0;
	v7 =	vshll.u32 v2, $0x6  }
0x1b6: {  	v12 =	vshll.u32 v16, $0x6;
	v46 =	vshll.u32 v21, $0x6;
	v7 =	vor.u32 v1, v7  }
.Ltmp28:
0x1b7: {  	v47 =	vshll.u32 v39, $0x6;
	v48 =	vor.u32 v1, v12;
	v12 =	vor.u32 v18, v7;
	[tilespmem:v6+s14+$0x0] =	vst.idx.msk $0xffff, v22;
	(pc) =	sbr.rel @p1 .LBB2_45-.Ltmp28, $4  }
0x1b8: {  	v7 =	vor.u32 v1, v47;
	v6 =	vor.u32 v18, v48;
	v1 =	vor.u32 v1, v46  }
0x1b9: {  	v16 =	vand.u32 $0x58, v16;
	v7 =	vor.u32 v18, v7;
	v1 =	vor.u32 v18, v1;
	[tilespmem:v17+s14+$0x0] =	vst.idx.msk $0xffff, v40  }
0x1ba: {  	v22 =	vshll.u32 v11, $0x7;
	v11 =	vand.u32 $0x68, v21;
	v17 =	vand.u32 $0x48, v39;
	[tilespmem:v27+s14+$0x0] =	vst.idx.msk $0xffff, v26  }
0x1bb: {  	v21 =	vand.u32 $0x1C00, v22;
	[tilespmem:v41+s14+$0x0] =	vst.idx.msk $0xffff, v42  }
0x1bc: {  	v21 =	vor.u32 v19, v21;
	v2 =	vand.u32 $0x78, v2;
	v26 =	vld [tilespmem:$0x1FF90]  }
0x1bd: {  	v22 =	vor.u32 v2, v21;
	v2 =	vld [tilespmem:$0x1FF80];
	_ =	sdelay $0x3  }
0x1be: {  	s24 =	simm.s32 $0x0  }
0x1bf: {  	s0 =	sand.u32 $0x40, s24;
	v2 =	vcombine.low v2, v26  }
0x1c0: {  	v7 =	vld.idx.msk [tilespmem:v7+s11+$0x0], $0xffff;
	v17 =	vor.u32 v17, v21;
	s1 =	sor.u32 $0x10, s0  }
0x1c1: {  	v12 =	vld.idx.msk [tilespmem:v12+s11+$0x0], $0xffff;
	s25 =	sand.u32 $0x30, s24;
	v39 =	vor.u32 s0, v0;
	s26 =	sor.u32 $0x30, s0;
	v40 =	vor.u32 s1, v0;
	v42 =	vand.u32 $0xF, v2  }
0x1c2: {  	v41 =	vld.idx.msk [tilespmem:v1+s11+$0x0], $0xffff;
	v26 =	vor.u32 v16, v21;
	v2 =	vor.u32 s26, v0;
	v27 =	vor.u32 s25, v42  }
0x1c3: {  	s0 =	sor.u32 $0x20, s0;
	v21 =	vor.u32 v11, v21;
	v11 =	vld.idx.msk [tilespmem:v6+s11+$0x0], $0xffff;
	v1 =	vshll.u32 v2, $0x6;
	v6 =	vand.u32 $0x38, v27  }
0x1c4: {  	v46 =	vor.u32 s0, v0;
	v48 =	vshll.u32 v40, $0x6;
	v1 =	vor.u32 v6, v1  }
0x1c5: {  	v49 =	vshll.u32 v39, $0x6;
	[tilespmem:v17+s14+$0x0] =	vst.idx.msk $0xffff, v7;
	v7 =	vor.u32 v6, v48;
	v16 =	vor.u32 v23, v1  }
0x1c6: {  	v47 =	vshll.u32 v46, $0x6;
	v1 =	vor.u32 v6, v49;
	v7 =	vor.u32 v23, v7  }
0x1c7: {  	[tilespmem:v22+s14+$0x0] =	vst.idx.msk $0xffff, v12;
	v12 =	vor.u32 v6, v47;
	v6 =	vor.u32 v23, v1  }
0x1c8: {  	v17 =	vand.u32 $0x48, v39;
	v22 =	vshll.u32 v27, $0x7;
	[tilespmem:v26+s14+$0x0] =	vst.idx.msk $0xffff, v11;
	v1 =	vor.u32 v23, v12  }
0x1c9: {  	s28 =	simm.s32 $0x0;
	s29 =	simm.s32 $0x0;
	s30 =	simm.s32 $0x0;
	v11 =	vand.u32 $0x58, v40;
	[tilespmem:v21+s14+$0x0] =	vst.idx.msk $0xffff, v41;
	v21 =	vand.u32 $0x1C00, v22;
	v12 =	vand.u32 $0x68, v46  }
.LBB2_47:
0x1ca: {  	s28 =	sadd.s32 $0x4, s28;
	v21 =	vor.u32 v24, v21;
	v22 =	vld.idx.msk [tilespmem:v16+s11+$0x0], $0xffff;
	v2 =	vand.u32 $0x78, v2;
	s29 =	sadd.s32 $0x40, s29  }
0x1cb: {  	s30 =	sadd.s32 $0x8, s30;
	s0 =	sand.u32 $0x40, s29;
	p1 =	slt.u32 s28, $0x1C;
	v17 =	vor.u32 v17, v21;
	v26 =	vld.idx.msk [tilespmem:v7+s11+$0x0], $0xffff;
	v27 =	vor.u32 v11, v21;
	v7 =	vor.u32 v2, v21  }
0x1cc: {  	s1 =	sand.u32 $0x30, s30;
	v51 =	vor.u32 v12, v21;
	v41 =	vor.u32 s0, v0;
	s3 =	sor.u32 $0x10, s0;
	s31 =	sor.u32 $0x30, s0;
	v50 =	vld.idx.msk [tilespmem:v6+s11+$0x0], $0xffff  }
0x1cd: {  	v12 =	vor.u32 s1, v42;
	s0 =	sor.u32 $0x20, s0;
	v11 =	vor.u32 s3, v0;
	v2 =	vor.u32 s31, v0;
	v52 =	vld.idx.msk [tilespmem:v1+s11+$0x0], $0xffff  }
0x1ce: {  	v1 =	vand.u32 $0x38, v12;
	v21 =	vor.u32 s0, v0;
	v6 =	vshll.u32 v2, $0x6  }
0x1cf: {  	v16 =	vshll.u32 v11, $0x6;
	v53 =	vshll.u32 v21, $0x6;
	v6 =	vor.u32 v1, v6  }
.Ltmp29:
0x1d0: {  	v54 =	vshll.u32 v41, $0x6;
	v55 =	vor.u32 v1, v16;
	v16 =	vor.u32 v23, v6;
	[tilespmem:v7+s14+$0x0] =	vst.idx.msk $0xffff, v22;
	(pc) =	sbr.rel @p1 .LBB2_47-.Ltmp29, $4  }
0x1d1: {  	v6 =	vor.u32 v1, v54;
	v7 =	vor.u32 v23, v55;
	v1 =	vor.u32 v1, v53  }
0x1d2: {  	v11 =	vand.u32 $0x58, v11;
	v6 =	vor.u32 v23, v6;
	v1 =	vor.u32 v23, v1;
	[tilespmem:v17+s14+$0x0] =	vst.idx.msk $0xffff, v50  }
0x1d3: {  	v22 =	vshll.u32 v12, $0x7;
	v12 =	vand.u32 $0x68, v21;
	v17 =	vand.u32 $0x48, v41;
	[tilespmem:v27+s14+$0x0] =	vst.idx.msk $0xffff, v26  }
0x1d4: {  	v21 =	vand.u32 $0x1C00, v22;
	[tilespmem:v51+s14+$0x0] =	vst.idx.msk $0xffff, v52  }
0x1d5: {  	v21 =	vor.u32 v24, v21;
	v2 =	vand.u32 $0x78, v2;
	v26 =	vld [tilespmem:$0x1FFB0]  }
0x1d6: {  	v22 =	vor.u32 v2, v21;
	v2 =	vld [tilespmem:$0x1FFA0];
	_ =	sdelay $0x4  }
0x1d7: {  	v6 =	vld.idx.msk [tilespmem:v6+s11+$0x0], $0xffff;
	v17 =	vor.u32 v17, v21;
	v2 =	vcombine.low v2, v26;
	_ =	sdelay $0x1  }
0x1d8: {  	v16 =	vld.idx.msk [tilespmem:v16+s11+$0x0], $0xffff;
	v41 =	vand.u32 $0xF, v2  }
0x1d9: {  	v50 =	vld.idx.msk [tilespmem:v1+s11+$0x0], $0xffff;
	v11 =	vor.u32 v11, v21;
	v2 =	vor.u32 s26, v0;
	v27 =	vor.u32 s25, v41  }
0x1da: {  	v21 =	vor.u32 v12, v21;
	v26 =	vld.idx.msk [tilespmem:v7+s11+$0x0], $0xffff;
	v7 =	vshll.u32 v2, $0x6;
	v1 =	vand.u32 $0x38, v27  }
0x1db: {  	[tilespmem:v17+s14+$0x0] =	vst.idx.msk $0xffff, v6;
	v6 =	vor.u32 v1, v7  }
0x1dc: {  	v7 =	vor.u32 v1, v48;
	v12 =	vor.u32 v28, v6  }
0x1dd: {  	[tilespmem:v22+s14+$0x0] =	vst.idx.msk $0xffff, v16;
	v16 =	vor.u32 v1, v49;
	v6 =	vor.u32 v28, v7  }
0x1de: {  	v1 =	vor.u32 v1, v47;
	v7 =	vor.u32 v28, v16  }
0x1df: {  	[tilespmem:v21+s14+$0x0] =	vst.idx.msk $0xffff, v50;
	v17 =	vand.u32 $0x48, v39;
	v22 =	vshll.u32 v27, $0x7;
	v1 =	vor.u32 v28, v1  }
0x1e0: {  	s26 =	simm.s32 $0x0;
	s25 =	simm.s32 $0x0;
	[tilespmem:v11+s14+$0x0] =	vst.idx.msk $0xffff, v26;
	v11 =	vand.u32 $0x68, v46;
	v21 =	vand.u32 $0x1C00, v22;
	v16 =	vand.u32 $0x58, v40  }
.LBB2_49:
0x1e1: {  	s25 =	sadd.s32 $0x4, s25;
	v21 =	vor.u32 v29, v21;
	v22 =	vld.idx.msk [tilespmem:v12+s11+$0x0], $0xffff;
	v2 =	vand.u32 $0x78, v2;
	s24 =	sadd.s32 $0x40, s24  }
0x1e2: {  	s26 =	sadd.s32 $0x8, s26;
	s0 =	sand.u32 $0x40, s24;
	p1 =	slt.u32 s25, $0x1C;
	v17 =	vor.u32 v17, v21;
	v26 =	vld.idx.msk [tilespmem:v6+s11+$0x0], $0xffff;
	v27 =	vor.u32 v16, v21;
	v6 =	vor.u32 v2, v21  }
0x1e3: {  	s1 =	sand.u32 $0x30, s26;
	v46 =	vor.u32 v11, v21;
	v39 =	vor.u32 s0, v0;
	s3 =	sor.u32 $0x10, s0;
	s28 =	sor.u32 $0x30, s0;
	v40 =	vld.idx.msk [tilespmem:v7+s11+$0x0], $0xffff  }
0x1e4: {  	v11 =	vor.u32 s1, v41;
	s0 =	sor.u32 $0x20, s0;
	v16 =	vor.u32 s3, v0;
	v2 =	vor.u32 s28, v0;
	v47 =	vld.idx.msk [tilespmem:v1+s11+$0x0], $0xffff  }
0x1e5: {  	v1 =	vand.u32 $0x38, v11;
	v21 =	vor.u32 s0, v0;
	v7 =	vshll.u32 v2, $0x6  }
0x1e6: {  	v12 =	vshll.u32 v16, $0x6;
	v48 =	vshll.u32 v21, $0x6;
	v7 =	vor.u32 v1, v7  }
.Ltmp30:
0x1e7: {  	v49 =	vshll.u32 v39, $0x6;
	v50 =	vor.u32 v1, v12;
	v12 =	vor.u32 v28, v7;
	[tilespmem:v6+s14+$0x0] =	vst.idx.msk $0xffff, v22;
	(pc) =	sbr.rel @p1 .LBB2_49-.Ltmp30, $4  }
0x1e8: {  	v7 =	vor.u32 v1, v49;
	v6 =	vor.u32 v28, v50;
	v1 =	vor.u32 v1, v48  }
0x1e9: {  	v16 =	vand.u32 $0x58, v16;
	v7 =	vor.u32 v28, v7;
	v1 =	vor.u32 v28, v1;
	[tilespmem:v17+s14+$0x0] =	vst.idx.msk $0xffff, v40  }
0x1ea: {  	v22 =	vshll.u32 v11, $0x7;
	v11 =	vand.u32 $0x68, v21;
	v17 =	vand.u32 $0x48, v39;
	[tilespmem:v27+s14+$0x0] =	vst.idx.msk $0xffff, v26  }
0x1eb: {  	v21 =	vand.u32 $0x1C00, v22;
	[tilespmem:v46+s14+$0x0] =	vst.idx.msk $0xffff, v47  }
0x1ec: {  	v21 =	vor.u32 v29, v21;
	v2 =	vand.u32 $0x78, v2;
	v26 =	vld [tilespmem:$0x1FFD0]  }
0x1ed: {  	v22 =	vor.u32 v2, v21;
	v2 =	vld [tilespmem:$0x1FFC0];
	_ =	sdelay $0x3  }
0x1ee: {  	s24 =	simm.s32 $0x0  }
0x1ef: {  	s0 =	sand.u32 $0x40, s24;
	v2 =	vcombine.low v2, v26  }
0x1f0: {  	v7 =	vld.idx.msk [tilespmem:v7+s11+$0x0], $0xffff;
	v17 =	vor.u32 v17, v21;
	s1 =	sor.u32 $0x10, s0  }
0x1f1: {  	v12 =	vld.idx.msk [tilespmem:v12+s11+$0x0], $0xffff;
	s25 =	sand.u32 $0x30, s24;
	v46 =	vor.u32 s0, v0;
	s26 =	sor.u32 $0x30, s0;
	v47 =	vor.u32 s1, v0;
	v40 =	vand.u32 $0xF, v2  }
0x1f2: {  	v6 =	vld.idx.msk [tilespmem:v6+s11+$0x0], $0xffff;
	v26 =	vor.u32 v16, v21;
	v2 =	vor.u32 s26, v0;
	v27 =	vor.u32 s25, v40  }
0x1f3: {  	v39 =	vld.idx.msk [tilespmem:v1+s11+$0x0], $0xffff;
	s0 =	sor.u32 $0x20, s0;
	v21 =	vor.u32 v11, v21;
	v1 =	vshll.u32 v2, $0x6;
	v11 =	vand.u32 $0x38, v27  }
0x1f4: {  	v48 =	vor.u32 s0, v0;
	v50 =	vshll.u32 v47, $0x6;
	v1 =	vor.u32 v11, v1  }
0x1f5: {  	v51 =	vshll.u32 v46, $0x6;
	[tilespmem:v17+s14+$0x0] =	vst.idx.msk $0xffff, v7;
	v7 =	vor.u32 v11, v50;
	v16 =	vor.u32 v31, v1  }
0x1f6: {  	v49 =	vshll.u32 v48, $0x6;
	v1 =	vor.u32 v11, v51;
	v7 =	vor.u32 v31, v7  }
0x1f7: {  	[tilespmem:v22+s14+$0x0] =	vst.idx.msk $0xffff, v12;
	v12 =	vor.u32 v11, v49;
	v1 =	vor.u32 v31, v1  }
0x1f8: {  	v17 =	vand.u32 $0x48, v46;
	v22 =	vshll.u32 v27, $0x7;
	[tilespmem:v26+s14+$0x0] =	vst.idx.msk $0xffff, v6;
	v6 =	vor.u32 v31, v12  }
0x1f9: {  	s28 =	simm.s32 $0x0;
	s29 =	simm.s32 $0x0;
	s30 =	simm.s32 $0x0;
	[tilespmem:v21+s14+$0x0] =	vst.idx.msk $0xffff, v39;
	v21 =	vand.u32 $0x1C00, v22;
	v11 =	vand.u32 $0x58, v47;
	v12 =	vand.u32 $0x68, v48  }
.LBB2_51:
0x1fa: {  	s28 =	sadd.s32 $0x4, s28;
	v21 =	vor.u32 v32, v21;
	v22 =	vld.idx.msk [tilespmem:v16+s11+$0x0], $0xffff;
	v2 =	vand.u32 $0x78, v2;
	s29 =	sadd.s32 $0x40, s29  }
0x1fb: {  	s30 =	sadd.s32 $0x8, s30;
	s0 =	sand.u32 $0x40, s29;
	p1 =	slt.u32 s28, $0x1C;
	v17 =	vor.u32 v17, v21;
	v26 =	vld.idx.msk [tilespmem:v7+s11+$0x0], $0xffff;
	v27 =	vor.u32 v11, v21;
	v7 =	vor.u32 v2, v21  }
0x1fc: {  	s1 =	sand.u32 $0x30, s30;
	v53 =	vor.u32 v12, v21;
	v39 =	vor.u32 s0, v0;
	s3 =	sor.u32 $0x10, s0;
	s31 =	sor.u32 $0x30, s0;
	v52 =	vld.idx.msk [tilespmem:v1+s11+$0x0], $0xffff  }
0x1fd: {  	v12 =	vor.u32 s1, v40;
	s0 =	sor.u32 $0x20, s0;
	v11 =	vor.u32 s3, v0;
	v2 =	vor.u32 s31, v0;
	v54 =	vld.idx.msk [tilespmem:v6+s11+$0x0], $0xffff  }
0x1fe: {  	v1 =	vand.u32 $0x38, v12;
	v21 =	vor.u32 s0, v0;
	v6 =	vshll.u32 v2, $0x6  }
0x1ff: {  	v16 =	vshll.u32 v11, $0x6;
	v55 =	vshll.u32 v21, $0x6;
	v6 =	vor.u32 v1, v6  }
.Ltmp31:
0x200: {  	v56 =	vshll.u32 v39, $0x6;
	v57 =	vor.u32 v1, v16;
	v16 =	vor.u32 v31, v6;
	[tilespmem:v7+s14+$0x0] =	vst.idx.msk $0xffff, v22;
	(pc) =	sbr.rel @p1 .LBB2_51-.Ltmp31, $4  }
0x201: {  	v6 =	vor.u32 v1, v56;
	v7 =	vor.u32 v31, v57;
	v22 =	vor.u32 v1, v55  }
0x202: {  	v11 =	vand.u32 $0x58, v11;
	v1 =	vor.u32 v31, v6;
	v6 =	vor.u32 v31, v22;
	[tilespmem:v17+s14+$0x0] =	vst.idx.msk $0xffff, v52  }
0x203: {  	v22 =	vshll.u32 v12, $0x7;
	v12 =	vand.u32 $0x68, v21;
	v17 =	vand.u32 $0x48, v39;
	[tilespmem:v27+s14+$0x0] =	vst.idx.msk $0xffff, v26  }
0x204: {  	v21 =	vand.u32 $0x1C00, v22;
	[tilespmem:v53+s14+$0x0] =	vst.idx.msk $0xffff, v54  }
0x205: {  	_ =	sdelay $0x3  }
0x206: {  	v22 =	vld.idx.msk [tilespmem:v1+s11+$0x0], $0xffff  }
0x207: {  	v1 =	vld [tilespmem:$0x1FFE0]  }
0x208: {  	v26 =	vld [tilespmem:$0x1FFF0];
	_ =	sdelay $0x2  }
0x209: {  	v21 =	vor.u32 v32, v21;
	v2 =	vand.u32 $0x78, v2  }
0x20a: {  	v16 =	vld.idx.msk [tilespmem:v16+s11+$0x0], $0xffff;
	v2 =	vor.u32 v2, v21  }
0x20b: {  	v1 =	vcombine.low v1, v26;
	_ =	sdelay $0x1  }
0x20c: {  	v17 =	vor.u32 v17, v21;
	v39 =	vand.u32 $0xF, v1  }
0x20d: {  	v27 =	vor.u32 v11, v21;
	v1 =	vor.u32 s26, v0;
	v52 =	vor.u32 s25, v39  }
0x20e: {  	v53 =	vld.idx.msk [tilespmem:v6+s11+$0x0], $0xffff;
	v21 =	vor.u32 v12, v21;
	[tilespmem:v2+s14+$0x0] =	vst.idx.msk $0xffff, v16;
	v6 =	vshll.u32 v1, $0x6;
	v2 =	vand.u32 $0x38, v52  }
0x20f: {  	v26 =	vld.idx.msk [tilespmem:v7+s11+$0x0], $0xffff;
	v6 =	vor.u32 v2, v6  }
0x210: {  	v7 =	vor.u32 v2, v50;
	v11 =	vor.u32 v36, v6  }
0x211: {  	v6 =	vor.u32 v2, v51;
	v7 =	vor.u32 v36, v7  }
0x212: {  	[tilespmem:v17+s14+$0x0] =	vst.idx.msk $0xffff, v22;
	v2 =	vor.u32 v2, v49;
	v6 =	vor.u32 v36, v6  }
0x213: {  	v12 =	vand.u32 $0x58, v47;
	[tilespmem:v21+s14+$0x0] =	vst.idx.msk $0xffff, v53;
	v22 =	vshll.u32 v52, $0x7;
	v2 =	vor.u32 v36, v2  }
0x214: {  	v17 =	vand.u32 $0x48, v46;
	v16 =	vand.u32 $0x68, v48;
	s26 =	simm.s32 $0x0;
	s25 =	simm.s32 $0x0;
	[tilespmem:v27+s14+$0x0] =	vst.idx.msk $0xffff, v26;
	v21 =	vand.u32 $0x1C00, v22  }
.LBB2_53:
0x215: {  	s25 =	sadd.s32 $0x4, s25;
	v21 =	vor.u32 v37, v21;
	v22 =	vld.idx.msk [tilespmem:v11+s11+$0x0], $0xffff;
	v1 =	vand.u32 $0x78, v1;
	s24 =	sadd.s32 $0x40, s24  }
0x216: {  	s26 =	sadd.s32 $0x8, s26;
	s0 =	sand.u32 $0x40, s24;
	p1 =	slt.u32 s25, $0x1C;
	v17 =	vor.u32 v17, v21;
	v26 =	vld.idx.msk [tilespmem:v7+s11+$0x0], $0xffff;
	v27 =	vor.u32 v12, v21;
	v7 =	vor.u32 v1, v21  }
0x217: {  	s1 =	sand.u32 $0x30, s26;
	v48 =	vor.u32 v16, v21;
	v46 =	vor.u32 s0, v0;
	s3 =	sor.u32 $0x10, s0;
	s28 =	sor.u32 $0x30, s0;
	v47 =	vld.idx.msk [tilespmem:v6+s11+$0x0], $0xffff  }
0x218: {  	v16 =	vor.u32 s1, v39;
	s0 =	sor.u32 $0x20, s0;
	v12 =	vor.u32 s3, v0;
	v1 =	vor.u32 s28, v0;
	v49 =	vld.idx.msk [tilespmem:v2+s11+$0x0], $0xffff  }
0x219: {  	v2 =	vand.u32 $0x38, v16;
	v21 =	vor.u32 s0, v0;
	v6 =	vshll.u32 v1, $0x6  }
0x21a: {  	v11 =	vshll.u32 v12, $0x6;
	v50 =	vshll.u32 v21, $0x6;
	v6 =	vor.u32 v2, v6  }
.Ltmp32:
0x21b: {  	v51 =	vshll.u32 v46, $0x6;
	v52 =	vor.u32 v2, v11;
	v11 =	vor.u32 v36, v6;
	[tilespmem:v7+s14+$0x0] =	vst.idx.msk $0xffff, v22;
	(pc) =	sbr.rel @p1 .LBB2_53-.Ltmp32, $4  }
0x21c: {  	v6 =	vor.u32 v2, v51;
	v7 =	vor.u32 v36, v52;
	v2 =	vor.u32 v2, v50  }
0x21d: {  	v12 =	vand.u32 $0x58, v12;
	v6 =	vor.u32 v36, v6;
	v2 =	vor.u32 v36, v2;
	[tilespmem:v17+s14+$0x0] =	vst.idx.msk $0xffff, v47  }
0x21e: {  	v22 =	vshll.u32 v16, $0x7;
	v16 =	vand.u32 $0x68, v21;
	v17 =	vand.u32 $0x48, v46;
	[tilespmem:v27+s14+$0x0] =	vst.idx.msk $0xffff, v26  }
0x21f: {  	v21 =	vand.u32 $0x1C00, v22;
	[tilespmem:v48+s14+$0x0] =	vst.idx.msk $0xffff, v49  }
0x220: {  	_ =	sdelay $0x2  }
0x221: {  	v21 =	vor.u32 v37, v21;
	v1 =	vand.u32 $0x78, v1  }
0x222: {  	v11 =	vld.idx.msk [tilespmem:v11+s11+$0x0], $0xffff;
	v1 =	vor.u32 v1, v21  }
0x223: {  	v6 =	vld.idx.msk [tilespmem:v6+s11+$0x0], $0xffff;
	v17 =	vor.u32 v17, v21  }
0x224: {  	v7 =	vld.idx.msk [tilespmem:v7+s11+$0x0], $0xffff;
	v12 =	vor.u32 v12, v21  }
0x225: {  	v2 =	vld.idx.msk [tilespmem:v2+s11+$0x0], $0xffff;
	v16 =	vor.u32 v16, v21  }
0x226: {  	p1 =	sne.s32 s22, $0x18  }
.Ltmp33:
0x227: {  	[tilespmem:v1+s14+$0x0] =	vst.idx.msk $0xffff, v11;
	(pc) =	sbr.rel @p1 .LBB2_56-.Ltmp33, $4  }
0x228: {  	s0 =	sshll.u32 s22, $0x10;
	[tilespmem:v17+s14+$0x0] =	vst.idx.msk $0xffff, v6  }
0x229: {  	s24 =	sor.u32 s6, s0;
	[tilespmem:v12+s14+$0x0] =	vst.idx.msk $0xffff, v7  }
0x22a: {  	s0 =	sadd.s32 s2, s24;
	[tilespmem:v16+s14+$0x0] =	vst.idx.msk $0xffff, v2  }
0x22b: {  	[hbm4b:s0+s15] =	stream.strided.scatter [tilespmem:s14], [sflag:$0x3], $0x2000, s16, s15, $0x38;
	[tilespmem:$0x9900] =	vst v63  }
.Ltmp34:
0x22c: {  	(pc) =	sbr.rel .LBB2_57-.Ltmp34, $4  }
0x22d: {  	_ = 	snop  }
0x22e: {  	_ =	swait.ge [sflag:s17], $0x2000  }
0x22f: {  	[sflag:s17] =	ssyncset.done $0x0  }
0x230: {  	[sflag:s17] =	ssyncadd.s32 $0xFFFFE000  }
.LBB2_56:
0x231: {  	s0 =	sshrl.u32 s23, $0x2  }
.Ltmp35:
0x232: {  	s0 =	sadd.s32 $0x100, s0;
	(pc) =	sbr.rel @p0 .LBB2_58-.Ltmp35, $4  }
0x233: {  	[tilespmem:s11], [sflag:$0x1] =	stream.indirect.gather [hbm4b:s4+s10], $0x40, s0, s10, $0xb8;
	[tilespmem:$0x9900] =	vst v63  }
0x234: {  	_ =	swait.ge [sflag:s17], $0x2000  }
0x235: {  	[sflag:s17] =	ssyncset.done $0x0  }
0x236: {  	[sflag:s17] =	ssyncadd.s32 $0xFFFFE000  }
.LBB2_57:
0x237: {  	_ =	swait.ge [sflag:s18], $0x2000  }
0x238: {  	[sflag:s18] =	ssyncset.done $0x0  }
0x239: {  	[sflag:s18] =	ssyncadd.s32 $0xFFFFE000  }
.LBB2_58:
0x23a: {  	s0 =	simm.s32 $0x0  }
0x23b: {  	s1 =	sand.u32 $0x40, s0;
	s25 =	sand.u32 $0x30, s0  }
0x23c: {  	v1 =	vor.u32 s1, v0;
	s26 =	sor.u32 $0x30, s1;
	v2 =	vor.u32 s25, v0  }
0x23d: {  	s3 =	sor.u32 $0x10, s1;
	s31 =	sor.u32 $0x20, s1;
	v21 =	vshll.u32 v1, $0x6;
	v6 =	vor.u32 s26, v0;
	v7 =	vand.u32 $0x38, v2  }
0x23e: {  	v11 =	vor.u32 s3, v0;
	v12 =	vor.u32 s31, v0;
	v2 =	vshll.u32 v2, $0x7  }
0x23f: {  	v57 =	vshll.u32 v6, $0x6;
	v17 =	vshll.u32 v11, $0x6;
	v53 =	vshll.u32 v12, $0x6  }
0x240: {  	s28 =	simm.s32 $0x8;
	s1 =	simm.s32 $0x40;
	[tilespmem:$0x1FEE0] =	vst v21;
	v21 =	vor.u32 v7, v21;
	v33 =	vand.u32 $0x58, v11;
	v16 =	vor.u32 v7, v57  }
0x241: {  	s0 =	sand.u32 $0x40, s1;
	s3 =	sand.u32 $0x30, s28;
	v34 =	vand.u32 $0x68, v12;
	v54 =	vand.u32 $0x78, v6;
	v16 =	vor.u32 v3, v16  }
0x242: {  	v49 =	vor.u32 s0, v0;
	v22 =	vor.u32 s3, v0;
	[tilespmem:$0x1FED0] =	vst v17;
	v17 =	vor.u32 v7, v17  }
0x243: {  	v7 =	vor.u32 v7, v53;
	v21 =	vor.u32 v3, v21;
	v11 =	vor.u32 v3, v17  }
0x244: {  	s26 =	sor.u32 $0x30, s0;
	s31 =	sor.u32 $0x10, s0;
	s0 =	sor.u32 $0x20, s0;
	v55 =	vshll.u32 v49, $0x6;
	v17 =	vand.u32 $0x48, v1;
	v1 =	vand.u32 $0x1C00, v2  }
0x245: {  	v61 =	vor.u32 s26, v0;
	v56 =	vor.u32 s0, v0;
	v27 =	vor.u32 v4, v1;
	[tilespmem:$0x1FEF0] =	vst v17  }
0x246: {  	v7 =	vor.u32 v3, v7;
	v1 =	vor.u32 s31, v0;
	v26 =	vor.u32 v54, v27;
	v16 =	vld.idx.msk [tilespmem:v16+s12+$0x0], $0xffff  }
0x247: {  	v2 =	vand.u32 $0x38, v22;
	v6 =	vshll.u32 v61, $0x6;
	v58 =	vshll.u32 v1, $0x6  }
0x248: {  	v59 =	vshll.u32 v56, $0x6;
	v6 =	vor.u32 v2, v6;
	v12 =	vor.u32 v2, v58;
	v62 =	vld.idx.msk [tilespmem:v11+s12+$0x0], $0xffff  }
0x249: {  	v60 =	vor.u32 v17, v27;
	v17 =	vor.u32 v3, v6;
	v11 =	vor.u32 v3, v12;
	v12 =	vld.idx.msk [tilespmem:v21+s12+$0x0], $0xffff  }
0x24a: {  	v46 =	vor.u32 v2, v59;
	v6 =	vor.u32 v2, v55  }
0x24b: {  	v1 =	vand.u32 $0x58, v1;
	v2 =	vor.u32 v3, v6;
	v6 =	vor.u32 v3, v46;
	[tilespmem:v26+s19+$0x0] =	vst.idx.msk $0xffff, v16  }
0x24c: {  	v63 =	vld.idx.msk [tilespmem:v7+s12+$0x0], $0xffff;
	v21 =	vand.u32 $0x48, v49;
	v7 =	vshll.u32 v22, $0x7;
	v22 =	vand.u32 $0x68, v56;
	[tilespmem:$0x1FF00] =	vst v33  }
0x24d: {  	s29 =	simm.s32 $0x4;
	s30 =	simm.s32 $0x80;
	v46 =	vmovc v1;
	v26 =	vand.u32 $0x1C00, v7;
	v16 =	vor.u32 v33, v27;
	v7 =	vor.u32 v34, v27;
	[tilespmem:$0x1FF10] =	vst v34  }
.LBB2_59:
0x24e: {  	s0 =	sand.u32 $0x40, s30;
	s29 =	sadd.s32 $0x4, s29;
	v27 =	vor.u32 v4, v26;
	v26 =	vld.idx.msk [tilespmem:v17+s12+$0x0], $0xffff;
	v17 =	vand.u32 $0x78, v61;
	s28 =	sadd.s32 $0x8, s28;
	[tilespmem:v60+s19+$0x0] =	vst.idx.msk $0xffff, v12;
	v33 =	vmov v22  }
0x24f: {  	s1 =	sand.u32 $0x30, s28;
	v22 =	vor.u32 s0, v0;
	s3 =	sor.u32 $0x30, s0;
	p0 =	slt.u32 s29, $0x1C;
	v60 =	vor.u32 v21, v27;
	v21 =	vor.u32 v17, v27  }
0x250: {  	v34 =	vor.u32 s1, v0;
	v47 =	vshll.u32 v22, $0x6;
	s1 =	sor.u32 $0x10, s0;
	s0 =	sor.u32 $0x20, s0;
	v61 =	vor.u32 s3, v0;
	v48 =	vld.idx.msk [tilespmem:v11+s12+$0x0], $0xffff  }
0x251: {  	v11 =	vand.u32 $0x38, v34;
	v50 =	vor.u32 s1, v0;
	v12 =	vshll.u32 v61, $0x6;
	v51 =	vld.idx.msk [tilespmem:v6+s12+$0x0], $0xffff  }
0x252: {  	v52 =	vor.u32 s0, v0;
	v6 =	vshll.u32 v50, $0x6;
	v17 =	vor.u32 v11, v12;
	v12 =	vld.idx.msk [tilespmem:v2+s12+$0x0], $0xffff;
	[tilespmem:v16+s19+$0x0] =	vst.idx.msk $0xffff, v62  }
.Ltmp36:
0x253: {  	v2 =	vshll.u32 v52, $0x6;
	v6 =	vor.u32 v11, v6;
	v17 =	vor.u32 v3, v17;
	[tilespmem:v7+s19+$0x0] =	vst.idx.msk $0xffff, v63;
	(pc) =	sbr.rel @p0 .LBB2_59-.Ltmp36, $4  }
0x254: {  	v7 =	vor.u32 v11, v47;
	v47 =	vand.u32 $0x58, v50;
	v16 =	vor.u32 v11, v2;
	[tilespmem:v21+s19+$0x0] =	vst.idx.msk $0xffff, v26  }
0x255: {  	v2 =	vor.u32 v3, v7;
	v11 =	vor.u32 v3, v6;
	v6 =	vor.u32 v3, v16  }
0x256: {  	v21 =	vand.u32 $0x48, v22;
	v7 =	vshll.u32 v34, $0x7;
	v22 =	vand.u32 $0x68, v52;
	v62 =	vmovc v48  }
0x257: {  	s30 =	sadd.s32 $0x40, s30;
	v16 =	vor.u32 v46, v27;
	v46 =	vmovc v47;
	v26 =	vand.u32 $0x1C00, v7;
	v7 =	vor.u32 v33, v27;
	v63 =	vmovc v51  }
0x258: {  	_ =	sdelay $0x2  }
0x259: {  	v26 =	vor.u32 v4, v26;
	v27 =	vand.u32 $0x78, v61  }
0x25a: {  	v17 =	vld.idx.msk [tilespmem:v17+s12+$0x0], $0xffff;
	v27 =	vor.u32 v27, v26;
	_ =	sdelay $0x1  }
0x25b: {  	[tilespmem:v60+s19+$0x0] =	vst.idx.msk $0xffff, v12  }
0x25c: {  	v2 =	vld.idx.msk [tilespmem:v2+s12+$0x0], $0xffff;
	[tilespmem:v16+s19+$0x0] =	vst.idx.msk $0xffff, v62  }
0x25d: {  	v33 =	vor.u32 s25, v5;
	v11 =	vld.idx.msk [tilespmem:v11+s12+$0x0], $0xffff;
	[tilespmem:v7+s19+$0x0] =	vst.idx.msk $0xffff, v63;
	v21 =	vor.u32 v21, v26  }
0x25e: {  	v6 =	vld.idx.msk [tilespmem:v6+s12+$0x0], $0xffff;
	v12 =	vor.u32 v46, v26;
	v34 =	vand.u32 $0x38, v33;
	[tilespmem:v27+s19+$0x0] =	vst.idx.msk $0xffff, v17  }
0x25f: {  	v16 =	vor.u32 v22, v26;
	v22 =	vor.u32 v34, v57;
	v17 =	vld [tilespmem:$0x1FED0]  }
0x260: {  	v7 =	vor.u32 v8, v22;
	v22 =	vld [tilespmem:$0x1FEE0];
	_ =	sdelay $0x1  }
0x261: {  	[tilespmem:v21+s19+$0x0] =	vst.idx.msk $0xffff, v2  }
0x262: {  	v21 =	vshll.u32 v33, $0x7;
	[tilespmem:v12+s19+$0x0] =	vst.idx.msk $0xffff, v11  }
0x263: {  	[tilespmem:v16+s19+$0x0] =	vst.idx.msk $0xffff, v6;
	v12 =	vand.u32 $0x1C00, v21;
	v17 =	vor.u32 v34, v17  }
0x264: {  	v21 =	vor.u32 v9, v12;
	v22 =	vor.u32 v34, v22;
	v17 =	vor.u32 v8, v17  }
0x265: {  	s25 =	simm.s32 $0x8;
	v16 =	vld.idx.msk [tilespmem:v7+s12+$0x0], $0xffff;
	v11 =	vor.u32 v8, v22;
	v22 =	vor.u32 v54, v21  }
0x266: {  	s0 =	sand.u32 $0x30, s25  }
0x267: {  	v12 =	vor.u32 s0, v5  }
0x268: {  	v26 =	vld [tilespmem:$0x1FEF0];
	v6 =	vand.u32 $0x38, v12  }
0x269: {  	v51 =	vld.idx.msk [tilespmem:v17+s12+$0x0], $0xffff;
	v17 =	vor.u32 v6, v55  }
0x26a: {  	[tilespmem:v22+s19+$0x0] =	vst.idx.msk $0xffff, v16;
	v55 =	vor.u32 v8, v17;
	v17 =	vshll.u32 v12, $0x7  }
0x26b: {  	v52 =	vor.u32 s26, v0;
	v16 =	vand.u32 $0x1C00, v17;
	v17 =	vld [tilespmem:$0x1FF00]  }
0x26c: {  	v2 =	vor.u32 v34, v53;
	v7 =	vshll.u32 v52, $0x6  }
0x26d: {  	v2 =	vor.u32 v8, v2;
	v7 =	vor.u32 v6, v7  }
0x26e: {  	v50 =	vor.u32 v26, v21;
	v26 =	vor.u32 v6, v58;
	v6 =	vor.u32 v6, v59  }
0x26f: {  	v54 =	vor.u32 v8, v6;
	v6 =	vld.idx.msk [tilespmem:v11+s12+$0x0], $0xffff  }
0x270: {  	v11 =	vand.u32 $0x48, v49;
	v49 =	vor.u32 v17, v21;
	v17 =	vld [tilespmem:$0x1FF10]  }
0x271: {  	v7 =	vor.u32 v8, v7;
	_ =	sdelay $0x1  }
0x272: {  	v53 =	vld.idx.msk [tilespmem:v2+s12+$0x0], $0xffff;
	v2 =	vor.u32 v8, v26;
	_ =	sdelay $0x1  }
0x273: {  	s26 =	simm.s32 $0x4;
	s28 =	simm.s32 $0x80;
	v12 =	vand.u32 $0x68, v56;
	v47 =	vor.u32 v17, v21  }
.LBB2_61:
0x274: {  	s0 =	sand.u32 $0x40, s28;
	s26 =	sadd.s32 $0x4, s26;
	v17 =	vor.u32 v9, v16;
	v16 =	vld.idx.msk [tilespmem:v7+s12+$0x0], $0xffff;
	v7 =	vand.u32 $0x78, v52;
	s25 =	sadd.s32 $0x8, s25;
	[tilespmem:v50+s19+$0x0] =	vst.idx.msk $0xffff, v6;
	v21 =	vmov v12  }
0x275: {  	s1 =	sand.u32 $0x30, s25;
	v12 =	vor.u32 s0, v0;
	s3 =	sor.u32 $0x30, s0;
	p0 =	slt.u32 s26, $0x1C;
	v50 =	vor.u32 v11, v17;
	v11 =	vor.u32 v7, v17  }
0x276: {  	v22 =	vor.u32 s1, v5;
	v26 =	vshll.u32 v12, $0x6;
	s1 =	sor.u32 $0x10, s0;
	s0 =	sor.u32 $0x20, s0;
	v52 =	vor.u32 s3, v0;
	v27 =	vld.idx.msk [tilespmem:v2+s12+$0x0], $0xffff  }
0x277: {  	v2 =	vand.u32 $0x38, v22;
	v33 =	vor.u32 s1, v0;
	v6 =	vshll.u32 v52, $0x6;
	v34 =	vld.idx.msk [tilespmem:v54+s12+$0x0], $0xffff  }
0x278: {  	v46 =	vor.u32 s0, v0;
	v7 =	vshll.u32 v33, $0x6;
	v48 =	vor.u32 v2, v6;
	v6 =	vld.idx.msk [tilespmem:v55+s12+$0x0], $0xffff;
	[tilespmem:v49+s19+$0x0] =	vst.idx.msk $0xffff, v51  }
.Ltmp37:
0x279: {  	v51 =	vshll.u32 v46, $0x6;
	v49 =	vor.u32 v2, v7;
	v7 =	vor.u32 v8, v48;
	[tilespmem:v47+s19+$0x0] =	vst.idx.msk $0xffff, v53;
	(pc) =	sbr.rel @p0 .LBB2_61-.Ltmp37, $4  }
0x27a: {  	v26 =	vor.u32 v2, v26;
	v33 =	vand.u32 $0x58, v33;
	v47 =	vor.u32 v2, v51;
	[tilespmem:v11+s19+$0x0] =	vst.idx.msk $0xffff, v16  }
0x27b: {  	v55 =	vor.u32 v8, v26;
	v2 =	vor.u32 v8, v49;
	v54 =	vor.u32 v8, v47  }
0x27c: {  	v11 =	vand.u32 $0x48, v12;
	v16 =	vshll.u32 v22, $0x7;
	v12 =	vand.u32 $0x68, v46;
	v51 =	vmovc v27  }
0x27d: {  	s28 =	sadd.s32 $0x40, s28;
	v49 =	vor.u32 v1, v17;
	v47 =	vor.u32 v21, v17;
	v1 =	vmovc v33;
	v16 =	vand.u32 $0x1C00, v16;
	v53 =	vmovc v34  }
0x27e: {  	_ =	sdelay $0x2  }
0x27f: {  	v16 =	vor.u32 v9, v16;
	v17 =	vand.u32 $0x78, v52;
	s0 =	simm.s32 $0x0  }
0x280: {  	v7 =	vld.idx.msk [tilespmem:v7+s12+$0x0], $0xffff;
	v11 =	vor.u32 v11, v16;
	v17 =	vor.u32 v17, v16;
	v1 =	vor.u32 v1, v16;
	s1 =	sand.u32 $0x40, s0;
	s25 =	sand.u32 $0x30, s0  }
0x281: {  	v21 =	vld.idx.msk [tilespmem:v55+s12+$0x0], $0xffff;
	v12 =	vor.u32 v12, v16;
	v16 =	vor.u32 s1, v0;
	s30 =	sor.u32 $0x30, s1;
	v22 =	vor.u32 s25, v10;
	s3 =	sor.u32 $0x10, s1  }
0x282: {  	[tilespmem:v50+s19+$0x0] =	vst.idx.msk $0xffff, v6;
	v2 =	vld.idx.msk [tilespmem:v2+s12+$0x0], $0xffff;
	s31 =	sor.u32 $0x20, s1;
	v50 =	vshll.u32 v16, $0x6;
	v46 =	vor.u32 s30, v0;
	v6 =	vor.u32 s3, v0  }
0x283: {  	v26 =	vld.idx.msk [tilespmem:v54+s12+$0x0], $0xffff;
	[tilespmem:v49+s19+$0x0] =	vst.idx.msk $0xffff, v51;
	p1 =	por $0x1, $0x1;
	v27 =	vand.u32 $0x38, v22;
	v33 =	vor.u32 s31, v0;
	v51 =	vshll.u32 v46, $0x6  }
.Ltmp38:
0x284: {  	[tilespmem:v47+s19+$0x0] =	vst.idx.msk $0xffff, v53;
	v52 =	vshll.u32 v6, $0x6;
	v53 =	vshll.u32 v33, $0x6;
	v34 =	vor.u32 v27, v51;
	(pc) =	sbr.rel @!p1 .LBB2_63-.Ltmp38, $4  }
0x285: {  	v47 =	vand.u32 $0x58, v6;
	v48 =	vor.u32 v27, v52;
	v6 =	vor.u32 v27, v53;
	[tilespmem:v17+s19+$0x0] =	vst.idx.msk $0xffff, v7  }
0x286: {  	v49 =	vand.u32 $0x68, v33;
	v58 =	vor.u32 v13, v34;
	v7 =	vor.u32 v27, v50;
	[tilespmem:v11+s19+$0x0] =	vst.idx.msk $0xffff, v21  }
0x287: {  	[tilespmem:v1+s19+$0x0] =	vst.idx.msk $0xffff, v2;
	v57 =	vor.u32 v13, v48;
	v55 =	vor.u32 v13, v6;
	v1 =	vshll.u32 v22, $0x7  }
0x288: {  	s26 =	simm.s32 $0x40;
	p0 =	por $0x0, $0x0;
	[tilespmem:v12+s19+$0x0] =	vst.idx.msk $0xffff, v26;
	v48 =	vand.u32 $0x48, v16;
	v54 =	vor.u32 v13, v7;
	v11 =	vand.u32 $0x1C00, v1  }
0x289: {  	s0 =	sand.u32 $0x40, s26;
	v1 =	vor.u32 v14, v11;
	v2 =	vand.u32 $0x78, v46;
	s28 =	simm.s32 $0x8  }
0x28a: {  	s1 =	sand.u32 $0x30, s28;
	v6 =	vor.u32 s0, v0;
	s3 =	sor.u32 $0x30, s0;
	v56 =	vor.u32 v48, v1;
	v2 =	vor.u32 v2, v1  }
0x28b: {  	s31 =	sor.u32 $0x10, s0;
	v7 =	vor.u32 s1, v10;
	v11 =	vshll.u32 v6, $0x6;
	v59 =	vor.u32 s3, v0  }
0x28c: {  	[tilespmem:$0x1FEC0] =	vst v50;
	s0 =	sor.u32 $0x20, s0;
	v17 =	vor.u32 s31, v0;
	v16 =	vand.u32 $0x38, v7;
	v21 =	vshll.u32 v59, $0x6  }
0x28d: {  	p3 =	por $0x1, $0x1;
	v12 =	vld.idx.msk [tilespmem:v58+s12+$0x0], $0xffff;
	v26 =	vor.u32 s0, v0;
	v6 =	vand.u32 $0x48, v6;
	v21 =	vor.u32 v16, v21  }
.Ltmp39:
0x28e: {  	v63 =	vld.idx.msk [tilespmem:v54+s12+$0x0], $0xffff;
	v22 =	vshll.u32 v17, $0x6;
	v27 =	vshll.u32 v26, $0x6;
	v58 =	vor.u32 v13, v21;
	(pc) =	sbr.rel @!p3 .LBB2_65-.Ltmp39, $4  }
0x28f: {  	v60 =	vand.u32 $0x58, v17;
	v22 =	vor.u32 v16, v22;
	v11 =	vor.u32 v16, v11  }
0x290: {  	v61 =	vld.idx.msk [tilespmem:v57+s12+$0x0], $0xffff;
	v16 =	vor.u32 v16, v27;
	v54 =	vor.u32 v13, v11;
	v57 =	vor.u32 v13, v22  }
0x291: {  	v62 =	vld.idx.msk [tilespmem:v55+s12+$0x0], $0xffff;
	v55 =	vor.u32 v13, v16;
	v11 =	vshll.u32 v7, $0x7;
	v7 =	vand.u32 $0x68, v26  }
0x292: {  	s29 =	simm.s32 $0x4;
	s30 =	simm.s32 $0x80;
	p2 =	por $0x1, $0x1;
	[tilespmem:v2+s19+$0x0] =	vst.idx.msk $0xffff, v12;
	v11 =	vand.u32 $0x1C00, v11;
	v2 =	vor.u32 v47, v1;
	v1 =	vor.u32 v49, v1  }
.LBB2_66:
0x293: {  	s0 =	sand.u32 $0x40, s30;
	s29 =	sadd.s32 $0x4, s29;
	v12 =	vor.u32 v14, v11;
	v11 =	vld.idx.msk [tilespmem:v58+s12+$0x0], $0xffff;
	v16 =	vand.u32 $0x78, v59;
	s28 =	sadd.s32 $0x8, s28;
	[tilespmem:v56+s19+$0x0] =	vst.idx.msk $0xffff, v63;
	v17 =	vmov v7  }
0x294: {  	s1 =	sand.u32 $0x30, s28;
	v7 =	vor.u32 s0, v0;
	s3 =	sor.u32 $0x30, s0;
	p3 =	slt.u32 s29, $0x1C;
	v56 =	vor.u32 v6, v12;
	v6 =	vor.u32 v16, v12  }
0x295: {  	v16 =	vor.u32 s1, v10;
	v21 =	vshll.u32 v7, $0x6;
	s1 =	sor.u32 $0x10, s0;
	s0 =	sor.u32 $0x20, s0;
	v59 =	vor.u32 s3, v0;
	v22 =	vld.idx.msk [tilespmem:v57+s12+$0x0], $0xffff  }
0x296: {  	v26 =	vand.u32 $0x38, v16;
	v27 =	vor.u32 s1, v0;
	v33 =	vshll.u32 v59, $0x6;
	v34 =	vld.idx.msk [tilespmem:v55+s12+$0x0], $0xffff  }
0x297: {  	v50 =	vor.u32 s0, v0;
	v55 =	vshll.u32 v27, $0x6;
	v33 =	vor.u32 v26, v33;
	v63 =	vld.idx.msk [tilespmem:v54+s12+$0x0], $0xffff;
	[tilespmem:v2+s19+$0x0] =	vst.idx.msk $0xffff, v61  }
.Ltmp40:
0x298: {  	v54 =	vshll.u32 v50, $0x6;
	v2 =	vor.u32 v26, v55;
	v58 =	vor.u32 v13, v33;
	[tilespmem:v1+s19+$0x0] =	vst.idx.msk $0xffff, v62;
	(pc) =	sbr.rel @p3 .LBB2_66-.Ltmp40, $4  }
0x299: {  	v1 =	vor.u32 v26, v21;
	v21 =	vand.u32 $0x58, v27;
	v26 =	vor.u32 v26, v54;
	[tilespmem:v6+s19+$0x0] =	vst.idx.msk $0xffff, v11  }
0x29a: {  	v54 =	vor.u32 v13, v1;
	v57 =	vor.u32 v13, v2;
	v55 =	vor.u32 v13, v26  }
0x29b: {  	v6 =	vand.u32 $0x48, v7;
	v1 =	vshll.u32 v16, $0x7;
	v7 =	vand.u32 $0x68, v50;
	v61 =	vmovc v22  }
0x29c: {  	s30 =	sadd.s32 $0x40, s30;
	v2 =	vor.u32 v60, v12;
	v60 =	vmovc v21;
	v11 =	vand.u32 $0x1C00, v1;
	v1 =	vor.u32 v17, v12;
	v62 =	vmovc v34  }
0x29d: {  	v50 =	vld [tilespmem:$0x1FEC0]  }
.LBB2_68:
0x29e: {  	_ =	sdelay $0x2  }
0x29f: {  	v11 =	vor.u32 v14, v11;
	v12 =	vand.u32 $0x78, v59  }
0x2a0: {  	v16 =	vld.idx.msk [tilespmem:v58+s12+$0x0], $0xffff;
	v12 =	vor.u32 v12, v11  }
0x2a1: {  	v17 =	vld.idx.msk [tilespmem:v54+s12+$0x0], $0xffff;
	v6 =	vor.u32 v6, v11  }
0x2a2: {  	[tilespmem:v56+s19+$0x0] =	vst.idx.msk @p2 $0xffff, v63  }
0x2a3: {  	v21 =	vld.idx.msk [tilespmem:v57+s12+$0x0], $0xffff;
	[tilespmem:v2+s19+$0x0] =	vst.idx.msk @p2 $0xffff, v61;
	v2 =	vor.u32 v60, v11  }
0x2a4: {  	v22 =	vld.idx.msk [tilespmem:v55+s12+$0x0], $0xffff;
	[tilespmem:v1+s19+$0x0] =	vst.idx.msk @p2 $0xffff, v62;
	v1 =	vor.u32 v7, v11;
	v7 =	vor.u32 s25, v15  }
.Ltmp41:
0x2a5: {  	v11 =	vand.u32 $0x38, v7;
	[tilespmem:v12+s19+$0x0] =	vst.idx.msk $0xffff, v16;
	(pc) =	sbr.rel @!p1 .LBB2_69-.Ltmp41, $4  }
0x2a6: {  	[tilespmem:v6+s19+$0x0] =	vst.idx.msk $0xffff, v17;
	v6 =	vor.u32 v11, v51  }
0x2a7: {  	v12 =	vor.u32 v11, v52;
	v56 =	vor.u32 v18, v6;
	v6 =	vor.u32 v11, v50  }
0x2a8: {  	[tilespmem:v2+s19+$0x0] =	vst.idx.msk $0xffff, v21;
	v2 =	vor.u32 v11, v53;
	v50 =	vor.u32 v18, v6;
	v6 =	vshll.u32 v7, $0x7  }
0x2a9: {  	[tilespmem:v1+s19+$0x0] =	vst.idx.msk $0xffff, v22;
	v53 =	vor.u32 v18, v12;
	v52 =	vor.u32 v18, v2;
	v1 =	vand.u32 $0x1C00, v6  }
0x2aa: {  	s0 =	sand.u32 $0x40, s26;
	v6 =	vor.u32 v19, v1;
	v1 =	vand.u32 $0x78, v46;
	s25 =	simm.s32 $0x8  }
0x2ab: {  	s1 =	sand.u32 $0x30, s25;
	v2 =	vor.u32 s0, v0;
	s3 =	sor.u32 $0x30, s0;
	v51 =	vor.u32 v48, v6;
	v1 =	vor.u32 v1, v6  }
0x2ac: {  	v60 =	vor.u32 v47, v6;
	v7 =	vor.u32 s1, v15;
	v46 =	vor.u32 s3, v0  }
0x2ad: {  	s31 =	sor.u32 $0x10, s0;
	v58 =	vor.u32 v49, v6;
	v16 =	vand.u32 $0x38, v7;
	v21 =	vshll.u32 v46, $0x6  }
0x2ae: {  	v12 =	vld.idx.msk [tilespmem:v56+s12+$0x0], $0xffff;
	p1 =	por $0x1, $0x1;
	s0 =	sor.u32 $0x20, s0;
	v11 =	vshll.u32 v2, $0x6;
	v17 =	vor.u32 s31, v0;
	v21 =	vor.u32 v16, v21  }
.Ltmp42:
0x2af: {  	v57 =	vld.idx.msk [tilespmem:v50+s12+$0x0], $0xffff;
	v26 =	vor.u32 s0, v0;
	v22 =	vshll.u32 v17, $0x6;
	v56 =	vor.u32 v18, v21;
	(pc) =	sbr.rel @!p1 .LBB2_71-.Ltmp42, $4  }
0x2b0: {  	v48 =	vand.u32 $0x48, v2;
	v27 =	vshll.u32 v26, $0x6;
	v22 =	vor.u32 v16, v22  }
0x2b1: {  	v54 =	vld.idx.msk [tilespmem:v53+s12+$0x0], $0xffff;
	v11 =	vor.u32 v16, v11;
	v16 =	vor.u32 v16, v27;
	v53 =	vor.u32 v18, v22  }
0x2b2: {  	v55 =	vld.idx.msk [tilespmem:v52+s12+$0x0], $0xffff;
	v59 =	vand.u32 $0x58, v17;
	v7 =	vshll.u32 v7, $0x7;
	v52 =	vor.u32 v18, v16  }
0x2b3: {  	s26 =	simm.s32 $0x4;
	s28 =	simm.s32 $0x80;
	p0 =	por $0x1, $0x1;
	v2 =	vand.u32 $0x68, v26;
	v50 =	vor.u32 v18, v11;
	[tilespmem:v1+s19+$0x0] =	vst.idx.msk $0xffff, v12;
	v1 =	vand.u32 $0x1C00, v7  }
.LBB2_72:
0x2b4: {  	s0 =	sand.u32 $0x40, s28;
	s26 =	sadd.s32 $0x4, s26;
	v6 =	vor.u32 v19, v1;
	v1 =	vld.idx.msk [tilespmem:v56+s12+$0x0], $0xffff;
	v7 =	vand.u32 $0x78, v46;
	s25 =	sadd.s32 $0x8, s25;
	[tilespmem:v51+s19+$0x0] =	vst.idx.msk $0xffff, v57;
	v11 =	vmov v2  }
0x2b5: {  	s1 =	sand.u32 $0x30, s25;
	v2 =	vor.u32 s0, v0;
	s3 =	sor.u32 $0x30, s0;
	p1 =	slt.u32 s26, $0x1C;
	v51 =	vor.u32 v48, v6;
	v7 =	vor.u32 v7, v6  }
0x2b6: {  	v12 =	vor.u32 s1, v15;
	v16 =	vshll.u32 v2, $0x6;
	s1 =	sor.u32 $0x10, s0;
	s0 =	sor.u32 $0x20, s0;
	v46 =	vor.u32 s3, v0;
	v17 =	vld.idx.msk [tilespmem:v53+s12+$0x0], $0xffff  }
0x2b7: {  	v21 =	vand.u32 $0x38, v12;
	v22 =	vor.u32 s1, v0;
	v26 =	vshll.u32 v46, $0x6;
	v27 =	vld.idx.msk [tilespmem:v52+s12+$0x0], $0xffff  }
0x2b8: {  	v34 =	vor.u32 s0, v0;
	v33 =	vshll.u32 v22, $0x6;
	v26 =	vor.u32 v21, v26;
	v57 =	vld.idx.msk [tilespmem:v50+s12+$0x0], $0xffff;
	[tilespmem:v60+s19+$0x0] =	vst.idx.msk $0xffff, v54  }
.Ltmp43:
0x2b9: {  	v47 =	vshll.u32 v34, $0x6;
	v33 =	vor.u32 v21, v33;
	v56 =	vor.u32 v18, v26;
	[tilespmem:v58+s19+$0x0] =	vst.idx.msk $0xffff, v55;
	(pc) =	sbr.rel @p1 .LBB2_72-.Ltmp43, $4  }
0x2ba: {  	v16 =	vor.u32 v21, v16;
	v22 =	vand.u32 $0x58, v22;
	v21 =	vor.u32 v21, v47;
	[tilespmem:v7+s19+$0x0] =	vst.idx.msk $0xffff, v1  }
0x2bb: {  	v50 =	vor.u32 v18, v16;
	v53 =	vor.u32 v18, v33;
	v52 =	vor.u32 v18, v21  }
0x2bc: {  	v48 =	vand.u32 $0x48, v2;
	v2 =	vand.u32 $0x68, v34;
	v1 =	vshll.u32 v12, $0x7;
	v54 =	vmovc v17  }
0x2bd: {  	s28 =	sadd.s32 $0x40, s28;
	v60 =	vor.u32 v59, v6;
	v58 =	vor.u32 v11, v6;
	v59 =	vmovc v22;
	v1 =	vand.u32 $0x1C00, v1;
	v55 =	vmovc v27  }
0x2be: {  	v49 =	vmov v2;
	v47 =	vmov v59  }
.LBB2_74:
0x2bf: {  	_ =	sdelay $0x2  }
0x2c0: {  	v1 =	vor.u32 v19, v1;
	v2 =	vand.u32 $0x78, v46;
	s0 =	simm.s32 $0x0  }
0x2c1: {  	v6 =	vld.idx.msk [tilespmem:v56+s12+$0x0], $0xffff;
	v7 =	vor.u32 v48, v1;
	v2 =	vor.u32 v2, v1;
	v11 =	vor.u32 v47, v1;
	s1 =	sand.u32 $0x40, s0;
	s25 =	sand.u32 $0x30, s0  }
0x2c2: {  	v12 =	vld.idx.msk [tilespmem:v50+s12+$0x0], $0xffff;
	v1 =	vor.u32 v49, v1;
	v16 =	vor.u32 s1, v0;
	s30 =	sor.u32 $0x30, s1;
	v17 =	vor.u32 s25, v20;
	s3 =	sor.u32 $0x10, s1  }
0x2c3: {  	[tilespmem:v51+s19+$0x0] =	vst.idx.msk @p0 $0xffff, v57;
	v21 =	vld.idx.msk [tilespmem:v53+s12+$0x0], $0xffff;
	s31 =	sor.u32 $0x20, s1;
	v50 =	vshll.u32 v16, $0x6;
	v46 =	vor.u32 s30, v0;
	v22 =	vor.u32 s3, v0  }
0x2c4: {  	v26 =	vld.idx.msk [tilespmem:v52+s12+$0x0], $0xffff;
	[tilespmem:v60+s19+$0x0] =	vst.idx.msk @p0 $0xffff, v54;
	p1 =	por $0x1, $0x1;
	v27 =	vand.u32 $0x38, v17;
	v33 =	vor.u32 s31, v0;
	v48 =	vand.u32 $0x48, v16  }
.Ltmp44:
0x2c5: {  	[tilespmem:v58+s19+$0x0] =	vst.idx.msk @p0 $0xffff, v55;
	v51 =	vshll.u32 v46, $0x6;
	v52 =	vshll.u32 v22, $0x6;
	v53 =	vshll.u32 v33, $0x6;
	(pc) =	sbr.rel @!p1 .LBB2_75-.Ltmp44, $4  }
0x2c6: {  	v47 =	vand.u32 $0x58, v22;
	v34 =	vor.u32 v27, v51;
	v63 =	vor.u32 v27, v52;
	[tilespmem:v2+s19+$0x0] =	vst.idx.msk $0xffff, v6  }
0x2c7: {  	v49 =	vand.u32 $0x68, v33;
	v58 =	vor.u32 v23, v34;
	v2 =	vor.u32 v27, v50;
	[tilespmem:v7+s19+$0x0] =	vst.idx.msk $0xffff, v12  }
0x2c8: {  	v6 =	vor.u32 v27, v53;
	[tilespmem:v11+s19+$0x0] =	vst.idx.msk $0xffff, v21;
	v54 =	vor.u32 v23, v2;
	v2 =	vshll.u32 v17, $0x7  }
0x2c9: {  	s26 =	simm.s32 $0x40;
	p0 =	por $0x0, $0x0;
	v57 =	vor.u32 v23, v63;
	[tilespmem:v1+s19+$0x0] =	vst.idx.msk $0xffff, v26;
	v55 =	vor.u32 v23, v6;
	v11 =	vand.u32 $0x1C00, v2  }
0x2ca: {  	s0 =	sand.u32 $0x40, s26;
	v1 =	vor.u32 v24, v11;
	v2 =	vand.u32 $0x78, v46;
	s28 =	simm.s32 $0x8  }
0x2cb: {  	s1 =	sand.u32 $0x30, s28;
	v6 =	vor.u32 s0, v0;
	s3 =	sor.u32 $0x30, s0;
	v56 =	vor.u32 v48, v1;
	v2 =	vor.u32 v2, v1  }
0x2cc: {  	s31 =	sor.u32 $0x10, s0;
	v7 =	vor.u32 s1, v20;
	v11 =	vshll.u32 v6, $0x6;
	v59 =	vor.u32 s3, v0  }
0x2cd: {  	[tilespmem:$0x1FEB0] =	vst v50;
	s0 =	sor.u32 $0x20, s0;
	v17 =	vor.u32 s31, v0;
	v16 =	vand.u32 $0x38, v7;
	v21 =	vshll.u32 v59, $0x6  }
0x2ce: {  	p3 =	por $0x1, $0x1;
	v12 =	vld.idx.msk [tilespmem:v58+s12+$0x0], $0xffff;
	v26 =	vor.u32 s0, v0;
	v6 =	vand.u32 $0x48, v6;
	v21 =	vor.u32 v16, v21  }
.Ltmp45:
0x2cf: {  	v63 =	vld.idx.msk [tilespmem:v54+s12+$0x0], $0xffff;
	v22 =	vshll.u32 v17, $0x6;
	v27 =	vshll.u32 v26, $0x6;
	v58 =	vor.u32 v23, v21;
	(pc) =	sbr.rel @!p3 .LBB2_77-.Ltmp45, $4  }
0x2d0: {  	v60 =	vand.u32 $0x58, v17;
	v22 =	vor.u32 v16, v22;
	v11 =	vor.u32 v16, v11  }
0x2d1: {  	v61 =	vld.idx.msk [tilespmem:v57+s12+$0x0], $0xffff;
	v16 =	vor.u32 v16, v27;
	v54 =	vor.u32 v23, v11;
	v57 =	vor.u32 v23, v22  }
0x2d2: {  	v62 =	vld.idx.msk [tilespmem:v55+s12+$0x0], $0xffff;
	v55 =	vor.u32 v23, v16;
	v11 =	vshll.u32 v7, $0x7;
	v7 =	vand.u32 $0x68, v26  }
0x2d3: {  	s29 =	simm.s32 $0x4;
	s30 =	simm.s32 $0x80;
	p2 =	por $0x1, $0x1;
	[tilespmem:v2+s19+$0x0] =	vst.idx.msk $0xffff, v12;
	v11 =	vand.u32 $0x1C00, v11;
	v2 =	vor.u32 v47, v1;
	v1 =	vor.u32 v49, v1  }
.LBB2_78:
0x2d4: {  	s0 =	sand.u32 $0x40, s30;
	s29 =	sadd.s32 $0x4, s29;
	v12 =	vor.u32 v24, v11;
	v11 =	vld.idx.msk [tilespmem:v58+s12+$0x0], $0xffff;
	v16 =	vand.u32 $0x78, v59;
	s28 =	sadd.s32 $0x8, s28;
	[tilespmem:v56+s19+$0x0] =	vst.idx.msk $0xffff, v63;
	v17 =	vmov v7  }
0x2d5: {  	s1 =	sand.u32 $0x30, s28;
	v7 =	vor.u32 s0, v0;
	s3 =	sor.u32 $0x30, s0;
	p3 =	slt.u32 s29, $0x1C;
	v56 =	vor.u32 v6, v12;
	v6 =	vor.u32 v16, v12  }
0x2d6: {  	v16 =	vor.u32 s1, v20;
	v21 =	vshll.u32 v7, $0x6;
	s1 =	sor.u32 $0x10, s0;
	s0 =	sor.u32 $0x20, s0;
	v59 =	vor.u32 s3, v0;
	v22 =	vld.idx.msk [tilespmem:v57+s12+$0x0], $0xffff  }
0x2d7: {  	v26 =	vand.u32 $0x38, v16;
	v27 =	vor.u32 s1, v0;
	v33 =	vshll.u32 v59, $0x6;
	v34 =	vld.idx.msk [tilespmem:v55+s12+$0x0], $0xffff  }
0x2d8: {  	v50 =	vor.u32 s0, v0;
	v55 =	vshll.u32 v27, $0x6;
	v33 =	vor.u32 v26, v33;
	v63 =	vld.idx.msk [tilespmem:v54+s12+$0x0], $0xffff;
	[tilespmem:v2+s19+$0x0] =	vst.idx.msk $0xffff, v61  }
.Ltmp46:
0x2d9: {  	v54 =	vshll.u32 v50, $0x6;
	v2 =	vor.u32 v26, v55;
	v58 =	vor.u32 v23, v33;
	[tilespmem:v1+s19+$0x0] =	vst.idx.msk $0xffff, v62;
	(pc) =	sbr.rel @p3 .LBB2_78-.Ltmp46, $4  }
0x2da: {  	v1 =	vor.u32 v26, v21;
	v21 =	vand.u32 $0x58, v27;
	v26 =	vor.u32 v26, v54;
	[tilespmem:v6+s19+$0x0] =	vst.idx.msk $0xffff, v11  }
0x2db: {  	v54 =	vor.u32 v23, v1;
	v57 =	vor.u32 v23, v2;
	v55 =	vor.u32 v23, v26  }
0x2dc: {  	v6 =	vand.u32 $0x48, v7;
	v1 =	vshll.u32 v16, $0x7;
	v7 =	vand.u32 $0x68, v50;
	v61 =	vmovc v22  }
0x2dd: {  	s30 =	sadd.s32 $0x40, s30;
	v2 =	vor.u32 v60, v12;
	v60 =	vmovc v21;
	v11 =	vand.u32 $0x1C00, v1;
	v1 =	vor.u32 v17, v12;
	v62 =	vmovc v34  }
0x2de: {  	v50 =	vld [tilespmem:$0x1FEB0]  }
.LBB2_80:
0x2df: {  	_ =	sdelay $0x2  }
0x2e0: {  	v11 =	vor.u32 v24, v11;
	v12 =	vand.u32 $0x78, v59  }
0x2e1: {  	v16 =	vld.idx.msk [tilespmem:v58+s12+$0x0], $0xffff;
	v12 =	vor.u32 v12, v11  }
0x2e2: {  	v17 =	vld.idx.msk [tilespmem:v54+s12+$0x0], $0xffff;
	v6 =	vor.u32 v6, v11  }
0x2e3: {  	[tilespmem:v56+s19+$0x0] =	vst.idx.msk @p2 $0xffff, v63  }
0x2e4: {  	v21 =	vld.idx.msk [tilespmem:v57+s12+$0x0], $0xffff;
	[tilespmem:v2+s19+$0x0] =	vst.idx.msk @p2 $0xffff, v61;
	v2 =	vor.u32 v60, v11  }
0x2e5: {  	v22 =	vld.idx.msk [tilespmem:v55+s12+$0x0], $0xffff;
	[tilespmem:v1+s19+$0x0] =	vst.idx.msk @p2 $0xffff, v62;
	v1 =	vor.u32 v7, v11;
	v7 =	vor.u32 s25, v25  }
.Ltmp47:
0x2e6: {  	v11 =	vand.u32 $0x38, v7;
	[tilespmem:v12+s19+$0x0] =	vst.idx.msk $0xffff, v16;
	(pc) =	sbr.rel @!p1 .LBB2_81-.Ltmp47, $4  }
0x2e7: {  	[tilespmem:v6+s19+$0x0] =	vst.idx.msk $0xffff, v17;
	v6 =	vor.u32 v11, v51  }
0x2e8: {  	v12 =	vor.u32 v11, v52;
	v56 =	vor.u32 v28, v6;
	v6 =	vor.u32 v11, v50  }
0x2e9: {  	[tilespmem:v2+s19+$0x0] =	vst.idx.msk $0xffff, v21;
	v2 =	vor.u32 v11, v53;
	v50 =	vor.u32 v28, v6;
	v6 =	vshll.u32 v7, $0x7  }
0x2ea: {  	[tilespmem:v1+s19+$0x0] =	vst.idx.msk $0xffff, v22;
	v53 =	vor.u32 v28, v12;
	v52 =	vor.u32 v28, v2;
	v1 =	vand.u32 $0x1C00, v6  }
0x2eb: {  	s0 =	sand.u32 $0x40, s26;
	v6 =	vor.u32 v29, v1;
	v1 =	vand.u32 $0x78, v46;
	s25 =	simm.s32 $0x8  }
0x2ec: {  	s1 =	sand.u32 $0x30, s25;
	v2 =	vor.u32 s0, v0;
	s3 =	sor.u32 $0x30, s0;
	v51 =	vor.u32 v48, v6;
	v1 =	vor.u32 v1, v6  }
0x2ed: {  	v60 =	vor.u32 v47, v6;
	v7 =	vor.u32 s1, v25;
	v46 =	vor.u32 s3, v0  }
0x2ee: {  	s31 =	sor.u32 $0x10, s0;
	v58 =	vor.u32 v49, v6;
	v16 =	vand.u32 $0x38, v7;
	v21 =	vshll.u32 v46, $0x6  }
0x2ef: {  	v12 =	vld.idx.msk [tilespmem:v56+s12+$0x0], $0xffff;
	p1 =	por $0x1, $0x1;
	s0 =	sor.u32 $0x20, s0;
	v11 =	vshll.u32 v2, $0x6;
	v17 =	vor.u32 s31, v0;
	v21 =	vor.u32 v16, v21  }
.Ltmp48:
0x2f0: {  	v57 =	vld.idx.msk [tilespmem:v50+s12+$0x0], $0xffff;
	v26 =	vor.u32 s0, v0;
	v22 =	vshll.u32 v17, $0x6;
	v56 =	vor.u32 v28, v21;
	(pc) =	sbr.rel @!p1 .LBB2_83-.Ltmp48, $4  }
0x2f1: {  	v48 =	vand.u32 $0x48, v2;
	v27 =	vshll.u32 v26, $0x6;
	v22 =	vor.u32 v16, v22  }
0x2f2: {  	v54 =	vld.idx.msk [tilespmem:v53+s12+$0x0], $0xffff;
	v11 =	vor.u32 v16, v11;
	v16 =	vor.u32 v16, v27;
	v53 =	vor.u32 v28, v22  }
0x2f3: {  	v55 =	vld.idx.msk [tilespmem:v52+s12+$0x0], $0xffff;
	v59 =	vand.u32 $0x58, v17;
	v7 =	vshll.u32 v7, $0x7;
	v52 =	vor.u32 v28, v16  }
0x2f4: {  	s26 =	simm.s32 $0x4;
	s28 =	simm.s32 $0x80;
	p0 =	por $0x1, $0x1;
	v2 =	vand.u32 $0x68, v26;
	v50 =	vor.u32 v28, v11;
	[tilespmem:v1+s19+$0x0] =	vst.idx.msk $0xffff, v12;
	v1 =	vand.u32 $0x1C00, v7  }
.LBB2_84:
0x2f5: {  	s0 =	sand.u32 $0x40, s28;
	s26 =	sadd.s32 $0x4, s26;
	v6 =	vor.u32 v29, v1;
	v1 =	vld.idx.msk [tilespmem:v56+s12+$0x0], $0xffff;
	v7 =	vand.u32 $0x78, v46;
	s25 =	sadd.s32 $0x8, s25;
	[tilespmem:v51+s19+$0x0] =	vst.idx.msk $0xffff, v57;
	v11 =	vmov v2  }
0x2f6: {  	s1 =	sand.u32 $0x30, s25;
	v2 =	vor.u32 s0, v0;
	s3 =	sor.u32 $0x30, s0;
	p1 =	slt.u32 s26, $0x1C;
	v51 =	vor.u32 v48, v6;
	v7 =	vor.u32 v7, v6  }
0x2f7: {  	v12 =	vor.u32 s1, v25;
	v16 =	vshll.u32 v2, $0x6;
	s1 =	sor.u32 $0x10, s0;
	s0 =	sor.u32 $0x20, s0;
	v46 =	vor.u32 s3, v0;
	v17 =	vld.idx.msk [tilespmem:v53+s12+$0x0], $0xffff  }
0x2f8: {  	v21 =	vand.u32 $0x38, v12;
	v22 =	vor.u32 s1, v0;
	v26 =	vshll.u32 v46, $0x6;
	v27 =	vld.idx.msk [tilespmem:v52+s12+$0x0], $0xffff  }
0x2f9: {  	v34 =	vor.u32 s0, v0;
	v33 =	vshll.u32 v22, $0x6;
	v26 =	vor.u32 v21, v26;
	v57 =	vld.idx.msk [tilespmem:v50+s12+$0x0], $0xffff;
	[tilespmem:v60+s19+$0x0] =	vst.idx.msk $0xffff, v54  }
.Ltmp49:
0x2fa: {  	v47 =	vshll.u32 v34, $0x6;
	v33 =	vor.u32 v21, v33;
	v56 =	vor.u32 v28, v26;
	[tilespmem:v58+s19+$0x0] =	vst.idx.msk $0xffff, v55;
	(pc) =	sbr.rel @p1 .LBB2_84-.Ltmp49, $4  }
0x2fb: {  	v16 =	vor.u32 v21, v16;
	v22 =	vand.u32 $0x58, v22;
	v21 =	vor.u32 v21, v47;
	[tilespmem:v7+s19+$0x0] =	vst.idx.msk $0xffff, v1  }
0x2fc: {  	v50 =	vor.u32 v28, v16;
	v53 =	vor.u32 v28, v33;
	v52 =	vor.u32 v28, v21  }
0x2fd: {  	v48 =	vand.u32 $0x48, v2;
	v2 =	vand.u32 $0x68, v34;
	v1 =	vshll.u32 v12, $0x7;
	v54 =	vmovc v17  }
0x2fe: {  	s28 =	sadd.s32 $0x40, s28;
	v60 =	vor.u32 v59, v6;
	v58 =	vor.u32 v11, v6;
	v59 =	vmovc v22;
	v1 =	vand.u32 $0x1C00, v1;
	v55 =	vmovc v27  }
0x2ff: {  	v49 =	vmov v2;
	v47 =	vmov v59  }
.LBB2_86:
0x300: {  	_ =	sdelay $0x2  }
0x301: {  	v1 =	vor.u32 v29, v1;
	v2 =	vand.u32 $0x78, v46;
	s0 =	simm.s32 $0x0  }
0x302: {  	v6 =	vld.idx.msk [tilespmem:v56+s12+$0x0], $0xffff;
	v7 =	vor.u32 v48, v1;
	v2 =	vor.u32 v2, v1;
	v11 =	vor.u32 v47, v1;
	s1 =	sand.u32 $0x40, s0;
	s25 =	sand.u32 $0x30, s0  }
0x303: {  	v12 =	vld.idx.msk [tilespmem:v50+s12+$0x0], $0xffff;
	v1 =	vor.u32 v49, v1;
	v16 =	vor.u32 s1, v0;
	s30 =	sor.u32 $0x30, s1;
	v17 =	vor.u32 s25, v30;
	s3 =	sor.u32 $0x10, s1  }
0x304: {  	[tilespmem:v51+s19+$0x0] =	vst.idx.msk @p0 $0xffff, v57;
	v21 =	vld.idx.msk [tilespmem:v53+s12+$0x0], $0xffff;
	s31 =	sor.u32 $0x20, s1;
	v50 =	vshll.u32 v16, $0x6;
	v46 =	vor.u32 s30, v0;
	v22 =	vor.u32 s3, v0  }
0x305: {  	v26 =	vld.idx.msk [tilespmem:v52+s12+$0x0], $0xffff;
	[tilespmem:v60+s19+$0x0] =	vst.idx.msk @p0 $0xffff, v54;
	p1 =	por $0x1, $0x1;
	v27 =	vand.u32 $0x38, v17;
	v33 =	vor.u32 s31, v0;
	v48 =	vand.u32 $0x48, v16  }
.Ltmp50:
0x306: {  	[tilespmem:v58+s19+$0x0] =	vst.idx.msk @p0 $0xffff, v55;
	v51 =	vshll.u32 v46, $0x6;
	v52 =	vshll.u32 v22, $0x6;
	v53 =	vshll.u32 v33, $0x6;
	(pc) =	sbr.rel @!p1 .LBB2_87-.Ltmp50, $4  }
0x307: {  	v47 =	vand.u32 $0x58, v22;
	v34 =	vor.u32 v27, v51;
	v63 =	vor.u32 v27, v52;
	[tilespmem:v2+s19+$0x0] =	vst.idx.msk $0xffff, v6  }
0x308: {  	v49 =	vand.u32 $0x68, v33;
	v58 =	vor.u32 v31, v34;
	v2 =	vor.u32 v27, v50;
	[tilespmem:v7+s19+$0x0] =	vst.idx.msk $0xffff, v12  }
0x309: {  	v6 =	vor.u32 v27, v53;
	[tilespmem:v11+s19+$0x0] =	vst.idx.msk $0xffff, v21;
	v54 =	vor.u32 v31, v2;
	v2 =	vshll.u32 v17, $0x7  }
0x30a: {  	s26 =	simm.s32 $0x40;
	p0 =	por $0x0, $0x0;
	v57 =	vor.u32 v31, v63;
	[tilespmem:v1+s19+$0x0] =	vst.idx.msk $0xffff, v26;
	v55 =	vor.u32 v31, v6;
	v11 =	vand.u32 $0x1C00, v2  }
0x30b: {  	s0 =	sand.u32 $0x40, s26;
	v1 =	vor.u32 v32, v11;
	v2 =	vand.u32 $0x78, v46;
	s28 =	simm.s32 $0x8  }
0x30c: {  	s1 =	sand.u32 $0x30, s28;
	v6 =	vor.u32 s0, v0;
	s3 =	sor.u32 $0x30, s0;
	v56 =	vor.u32 v48, v1;
	v2 =	vor.u32 v2, v1  }
0x30d: {  	s31 =	sor.u32 $0x10, s0;
	v7 =	vor.u32 s1, v30;
	v11 =	vshll.u32 v6, $0x6;
	v59 =	vor.u32 s3, v0  }
0x30e: {  	[tilespmem:$0x1FEA0] =	vst v50;
	s0 =	sor.u32 $0x20, s0;
	v17 =	vor.u32 s31, v0;
	v16 =	vand.u32 $0x38, v7;
	v21 =	vshll.u32 v59, $0x6  }
0x30f: {  	p3 =	por $0x1, $0x1;
	v12 =	vld.idx.msk [tilespmem:v58+s12+$0x0], $0xffff;
	v26 =	vor.u32 s0, v0;
	v6 =	vand.u32 $0x48, v6;
	v21 =	vor.u32 v16, v21  }
.Ltmp51:
0x310: {  	v63 =	vld.idx.msk [tilespmem:v54+s12+$0x0], $0xffff;
	v22 =	vshll.u32 v17, $0x6;
	v27 =	vshll.u32 v26, $0x6;
	v58 =	vor.u32 v31, v21;
	(pc) =	sbr.rel @!p3 .LBB2_89-.Ltmp51, $4  }
0x311: {  	v60 =	vand.u32 $0x58, v17;
	v22 =	vor.u32 v16, v22;
	v11 =	vor.u32 v16, v11  }
0x312: {  	v61 =	vld.idx.msk [tilespmem:v57+s12+$0x0], $0xffff;
	v16 =	vor.u32 v16, v27;
	v54 =	vor.u32 v31, v11;
	v57 =	vor.u32 v31, v22  }
0x313: {  	v62 =	vld.idx.msk [tilespmem:v55+s12+$0x0], $0xffff;
	v55 =	vor.u32 v31, v16;
	v11 =	vshll.u32 v7, $0x7;
	v7 =	vand.u32 $0x68, v26  }
0x314: {  	s29 =	simm.s32 $0x4;
	s30 =	simm.s32 $0x80;
	p2 =	por $0x1, $0x1;
	[tilespmem:v2+s19+$0x0] =	vst.idx.msk $0xffff, v12;
	v11 =	vand.u32 $0x1C00, v11;
	v2 =	vor.u32 v47, v1;
	v1 =	vor.u32 v49, v1  }
.LBB2_90:
0x315: {  	s0 =	sand.u32 $0x40, s30;
	s29 =	sadd.s32 $0x4, s29;
	v12 =	vor.u32 v32, v11;
	v11 =	vld.idx.msk [tilespmem:v58+s12+$0x0], $0xffff;
	v16 =	vand.u32 $0x78, v59;
	s28 =	sadd.s32 $0x8, s28;
	[tilespmem:v56+s19+$0x0] =	vst.idx.msk $0xffff, v63;
	v17 =	vmov v7  }
0x316: {  	s1 =	sand.u32 $0x30, s28;
	v7 =	vor.u32 s0, v0;
	s3 =	sor.u32 $0x30, s0;
	p3 =	slt.u32 s29, $0x1C;
	v56 =	vor.u32 v6, v12;
	v6 =	vor.u32 v16, v12  }
0x317: {  	v16 =	vor.u32 s1, v30;
	v21 =	vshll.u32 v7, $0x6;
	s1 =	sor.u32 $0x10, s0;
	s0 =	sor.u32 $0x20, s0;
	v59 =	vor.u32 s3, v0;
	v22 =	vld.idx.msk [tilespmem:v57+s12+$0x0], $0xffff  }
0x318: {  	v26 =	vand.u32 $0x38, v16;
	v27 =	vor.u32 s1, v0;
	v33 =	vshll.u32 v59, $0x6;
	v34 =	vld.idx.msk [tilespmem:v55+s12+$0x0], $0xffff  }
0x319: {  	v50 =	vor.u32 s0, v0;
	v55 =	vshll.u32 v27, $0x6;
	v33 =	vor.u32 v26, v33;
	v63 =	vld.idx.msk [tilespmem:v54+s12+$0x0], $0xffff;
	[tilespmem:v2+s19+$0x0] =	vst.idx.msk $0xffff, v61  }
.Ltmp52:
0x31a: {  	v54 =	vshll.u32 v50, $0x6;
	v2 =	vor.u32 v26, v55;
	v58 =	vor.u32 v31, v33;
	[tilespmem:v1+s19+$0x0] =	vst.idx.msk $0xffff, v62;
	(pc) =	sbr.rel @p3 .LBB2_90-.Ltmp52, $4  }
0x31b: {  	v1 =	vor.u32 v26, v21;
	v21 =	vand.u32 $0x58, v27;
	v26 =	vor.u32 v26, v54;
	[tilespmem:v6+s19+$0x0] =	vst.idx.msk $0xffff, v11  }
0x31c: {  	v54 =	vor.u32 v31, v1;
	v57 =	vor.u32 v31, v2;
	v55 =	vor.u32 v31, v26  }
0x31d: {  	v6 =	vand.u32 $0x48, v7;
	v1 =	vshll.u32 v16, $0x7;
	v7 =	vand.u32 $0x68, v50;
	v61 =	vmovc v22  }
0x31e: {  	s30 =	sadd.s32 $0x40, s30;
	v2 =	vor.u32 v60, v12;
	v60 =	vmovc v21;
	v11 =	vand.u32 $0x1C00, v1;
	v1 =	vor.u32 v17, v12;
	v62 =	vmovc v34  }
0x31f: {  	v50 =	vld [tilespmem:$0x1FEA0]  }
.LBB2_92:
0x320: {  	_ =	sdelay $0x2  }
0x321: {  	v11 =	vor.u32 v32, v11;
	v12 =	vand.u32 $0x78, v59  }
0x322: {  	v16 =	vld.idx.msk [tilespmem:v58+s12+$0x0], $0xffff;
	v12 =	vor.u32 v12, v11  }
0x323: {  	v17 =	vld.idx.msk [tilespmem:v54+s12+$0x0], $0xffff;
	v6 =	vor.u32 v6, v11  }
0x324: {  	[tilespmem:v56+s19+$0x0] =	vst.idx.msk @p2 $0xffff, v63  }
0x325: {  	v21 =	vld.idx.msk [tilespmem:v57+s12+$0x0], $0xffff;
	[tilespmem:v2+s19+$0x0] =	vst.idx.msk @p2 $0xffff, v61;
	v2 =	vor.u32 v60, v11  }
0x326: {  	v22 =	vld.idx.msk [tilespmem:v55+s12+$0x0], $0xffff;
	[tilespmem:v1+s19+$0x0] =	vst.idx.msk @p2 $0xffff, v62;
	v1 =	vor.u32 v7, v11;
	v7 =	vor.u32 s25, v35  }
.Ltmp53:
0x327: {  	v11 =	vand.u32 $0x38, v7;
	[tilespmem:v12+s19+$0x0] =	vst.idx.msk $0xffff, v16;
	(pc) =	sbr.rel @!p1 .LBB2_93-.Ltmp53, $4  }
0x328: {  	[tilespmem:v6+s19+$0x0] =	vst.idx.msk $0xffff, v17;
	v6 =	vor.u32 v11, v51  }
0x329: {  	v12 =	vor.u32 v11, v52;
	v56 =	vor.u32 v36, v6;
	v6 =	vor.u32 v11, v50  }
0x32a: {  	[tilespmem:v2+s19+$0x0] =	vst.idx.msk $0xffff, v21;
	v2 =	vor.u32 v11, v53;
	v50 =	vor.u32 v36, v6;
	v6 =	vshll.u32 v7, $0x7  }
0x32b: {  	[tilespmem:v1+s19+$0x0] =	vst.idx.msk $0xffff, v22;
	v53 =	vor.u32 v36, v12;
	v52 =	vor.u32 v36, v2;
	v1 =	vand.u32 $0x1C00, v6  }
0x32c: {  	s0 =	sand.u32 $0x40, s26;
	v6 =	vor.u32 v37, v1;
	v1 =	vand.u32 $0x78, v46;
	s25 =	simm.s32 $0x8  }
0x32d: {  	s1 =	sand.u32 $0x30, s25;
	v2 =	vor.u32 s0, v0;
	s3 =	sor.u32 $0x30, s0;
	v51 =	vor.u32 v48, v6;
	v1 =	vor.u32 v1, v6  }
0x32e: {  	v60 =	vor.u32 v47, v6;
	v7 =	vor.u32 s1, v35;
	v46 =	vor.u32 s3, v0  }
0x32f: {  	s31 =	sor.u32 $0x10, s0;
	v58 =	vor.u32 v49, v6;
	v16 =	vand.u32 $0x38, v7;
	v21 =	vshll.u32 v46, $0x6  }
0x330: {  	v12 =	vld.idx.msk [tilespmem:v56+s12+$0x0], $0xffff;
	p1 =	por $0x1, $0x1;
	s0 =	sor.u32 $0x20, s0;
	v11 =	vshll.u32 v2, $0x6;
	v17 =	vor.u32 s31, v0;
	v21 =	vor.u32 v16, v21  }
.Ltmp54:
0x331: {  	v57 =	vld.idx.msk [tilespmem:v50+s12+$0x0], $0xffff;
	v26 =	vor.u32 s0, v0;
	v22 =	vshll.u32 v17, $0x6;
	v56 =	vor.u32 v36, v21;
	(pc) =	sbr.rel @!p1 .LBB2_95-.Ltmp54, $4  }
0x332: {  	v48 =	vand.u32 $0x48, v2;
	v27 =	vshll.u32 v26, $0x6;
	v22 =	vor.u32 v16, v22  }
0x333: {  	v54 =	vld.idx.msk [tilespmem:v53+s12+$0x0], $0xffff;
	v11 =	vor.u32 v16, v11;
	v16 =	vor.u32 v16, v27;
	v53 =	vor.u32 v36, v22  }
0x334: {  	v55 =	vld.idx.msk [tilespmem:v52+s12+$0x0], $0xffff;
	v59 =	vand.u32 $0x58, v17;
	v7 =	vshll.u32 v7, $0x7;
	v52 =	vor.u32 v36, v16  }
0x335: {  	s26 =	simm.s32 $0x4;
	s28 =	simm.s32 $0x80;
	p0 =	por $0x1, $0x1;
	v2 =	vand.u32 $0x68, v26;
	v50 =	vor.u32 v36, v11;
	[tilespmem:v1+s19+$0x0] =	vst.idx.msk $0xffff, v12;
	v1 =	vand.u32 $0x1C00, v7  }
.LBB2_96:
0x336: {  	s0 =	sand.u32 $0x40, s28;
	s26 =	sadd.s32 $0x4, s26;
	v6 =	vor.u32 v37, v1;
	v1 =	vld.idx.msk [tilespmem:v56+s12+$0x0], $0xffff;
	v7 =	vand.u32 $0x78, v46;
	s25 =	sadd.s32 $0x8, s25;
	[tilespmem:v51+s19+$0x0] =	vst.idx.msk $0xffff, v57;
	v11 =	vmov v2  }
0x337: {  	s1 =	sand.u32 $0x30, s25;
	v2 =	vor.u32 s0, v0;
	s3 =	sor.u32 $0x30, s0;
	p1 =	slt.u32 s26, $0x1C;
	v51 =	vor.u32 v48, v6;
	v7 =	vor.u32 v7, v6  }
0x338: {  	v12 =	vor.u32 s1, v35;
	v16 =	vshll.u32 v2, $0x6;
	s1 =	sor.u32 $0x10, s0;
	s0 =	sor.u32 $0x20, s0;
	v46 =	vor.u32 s3, v0;
	v17 =	vld.idx.msk [tilespmem:v53+s12+$0x0], $0xffff  }
0x339: {  	v21 =	vand.u32 $0x38, v12;
	v22 =	vor.u32 s1, v0;
	v26 =	vshll.u32 v46, $0x6;
	v27 =	vld.idx.msk [tilespmem:v52+s12+$0x0], $0xffff  }
0x33a: {  	v34 =	vor.u32 s0, v0;
	v33 =	vshll.u32 v22, $0x6;
	v26 =	vor.u32 v21, v26;
	v57 =	vld.idx.msk [tilespmem:v50+s12+$0x0], $0xffff;
	[tilespmem:v60+s19+$0x0] =	vst.idx.msk $0xffff, v54  }
.Ltmp55:
0x33b: {  	v47 =	vshll.u32 v34, $0x6;
	v33 =	vor.u32 v21, v33;
	v56 =	vor.u32 v36, v26;
	[tilespmem:v58+s19+$0x0] =	vst.idx.msk $0xffff, v55;
	(pc) =	sbr.rel @p1 .LBB2_96-.Ltmp55, $4  }
0x33c: {  	v16 =	vor.u32 v21, v16;
	v22 =	vand.u32 $0x58, v22;
	v21 =	vor.u32 v21, v47;
	[tilespmem:v7+s19+$0x0] =	vst.idx.msk $0xffff, v1  }
0x33d: {  	v50 =	vor.u32 v36, v16;
	v53 =	vor.u32 v36, v33;
	v52 =	vor.u32 v36, v21  }
0x33e: {  	v48 =	vand.u32 $0x48, v2;
	v2 =	vand.u32 $0x68, v34;
	v1 =	vshll.u32 v12, $0x7;
	v54 =	vmovc v17  }
0x33f: {  	s28 =	sadd.s32 $0x40, s28;
	v60 =	vor.u32 v59, v6;
	v58 =	vor.u32 v11, v6;
	v59 =	vmovc v22;
	v1 =	vand.u32 $0x1C00, v1;
	v55 =	vmovc v27  }
0x340: {  	v49 =	vmov v2;
	v47 =	vmov v59  }
.LBB2_98:
0x341: {  	_ =	sdelay $0x2  }
0x342: {  	v1 =	vor.u32 v37, v1;
	v2 =	vand.u32 $0x78, v46;
	s0 =	simm.s32 $0x0  }
0x343: {  	v6 =	vld.idx.msk [tilespmem:v56+s12+$0x0], $0xffff;
	v7 =	vor.u32 v48, v1;
	v2 =	vor.u32 v2, v1;
	v11 =	vor.u32 v47, v1;
	s1 =	sand.u32 $0x40, s0;
	s25 =	sand.u32 $0x30, s0  }
0x344: {  	v12 =	vld.idx.msk [tilespmem:v50+s12+$0x0], $0xffff;
	v1 =	vor.u32 v49, v1;
	v16 =	vor.u32 s1, v0;
	s30 =	sor.u32 $0x30, s1;
	v17 =	vor.u32 s25, v38;
	s3 =	sor.u32 $0x10, s1  }
0x345: {  	[tilespmem:v51+s19+$0x0] =	vst.idx.msk @p0 $0xffff, v57;
	v21 =	vld.idx.msk [tilespmem:v53+s12+$0x0], $0xffff;
	s31 =	sor.u32 $0x20, s1;
	v50 =	vshll.u32 v16, $0x6;
	v46 =	vor.u32 s30, v0;
	v22 =	vor.u32 s3, v0  }
0x346: {  	v26 =	vld.idx.msk [tilespmem:v52+s12+$0x0], $0xffff;
	[tilespmem:v60+s19+$0x0] =	vst.idx.msk @p0 $0xffff, v54;
	p1 =	por $0x1, $0x1;
	v27 =	vand.u32 $0x38, v17;
	v33 =	vor.u32 s31, v0;
	v48 =	vand.u32 $0x48, v16  }
.Ltmp56:
0x347: {  	[tilespmem:v58+s19+$0x0] =	vst.idx.msk @p0 $0xffff, v55;
	v51 =	vshll.u32 v46, $0x6;
	v52 =	vshll.u32 v22, $0x6;
	v53 =	vshll.u32 v33, $0x6;
	(pc) =	sbr.rel @!p1 .LBB2_99-.Ltmp56, $4  }
0x348: {  	v47 =	vand.u32 $0x58, v22;
	v34 =	vor.u32 v27, v51;
	v63 =	vor.u32 v27, v52;
	[tilespmem:v2+s19+$0x0] =	vst.idx.msk $0xffff, v6  }
0x349: {  	v49 =	vand.u32 $0x68, v33;
	v58 =	vor.u32 v3, v34;
	v2 =	vor.u32 v27, v50;
	[tilespmem:v7+s19+$0x0] =	vst.idx.msk $0xffff, v12  }
0x34a: {  	v6 =	vor.u32 v27, v53;
	[tilespmem:v11+s19+$0x0] =	vst.idx.msk $0xffff, v21;
	v54 =	vor.u32 v3, v2;
	v2 =	vshll.u32 v17, $0x7  }
0x34b: {  	s26 =	simm.s32 $0x40;
	p0 =	por $0x0, $0x0;
	v57 =	vor.u32 v3, v63;
	[tilespmem:v1+s19+$0x0] =	vst.idx.msk $0xffff, v26;
	v55 =	vor.u32 v3, v6;
	v11 =	vand.u32 $0x1C00, v2  }
0x34c: {  	s0 =	sand.u32 $0x40, s26;
	v1 =	vor.u32 v4, v11;
	v2 =	vand.u32 $0x78, v46;
	s28 =	simm.s32 $0x8  }
0x34d: {  	s1 =	sand.u32 $0x30, s28;
	v6 =	vor.u32 s0, v0;
	s3 =	sor.u32 $0x30, s0;
	v56 =	vor.u32 v48, v1;
	v2 =	vor.u32 v2, v1  }
0x34e: {  	s31 =	sor.u32 $0x10, s0;
	v7 =	vor.u32 s1, v38;
	v11 =	vshll.u32 v6, $0x6;
	v59 =	vor.u32 s3, v0  }
0x34f: {  	[tilespmem:$0x1FE90] =	vst v50;
	s0 =	sor.u32 $0x20, s0;
	v17 =	vor.u32 s31, v0;
	v16 =	vand.u32 $0x38, v7;
	v21 =	vshll.u32 v59, $0x6  }
0x350: {  	p3 =	por $0x1, $0x1;
	v12 =	vld.idx.msk [tilespmem:v58+s12+$0x0], $0xffff;
	v26 =	vor.u32 s0, v0;
	v6 =	vand.u32 $0x48, v6;
	v21 =	vor.u32 v16, v21  }
.Ltmp57:
0x351: {  	v63 =	vld.idx.msk [tilespmem:v54+s12+$0x0], $0xffff;
	v22 =	vshll.u32 v17, $0x6;
	v27 =	vshll.u32 v26, $0x6;
	v58 =	vor.u32 v3, v21;
	(pc) =	sbr.rel @!p3 .LBB2_101-.Ltmp57, $4  }
0x352: {  	v60 =	vand.u32 $0x58, v17;
	v22 =	vor.u32 v16, v22;
	v11 =	vor.u32 v16, v11  }
0x353: {  	v61 =	vld.idx.msk [tilespmem:v57+s12+$0x0], $0xffff;
	v16 =	vor.u32 v16, v27;
	v54 =	vor.u32 v3, v11;
	v57 =	vor.u32 v3, v22  }
0x354: {  	v62 =	vld.idx.msk [tilespmem:v55+s12+$0x0], $0xffff;
	v55 =	vor.u32 v3, v16;
	v11 =	vshll.u32 v7, $0x7;
	v7 =	vand.u32 $0x68, v26  }
0x355: {  	s29 =	simm.s32 $0x4;
	s30 =	simm.s32 $0x80;
	p2 =	por $0x1, $0x1;
	[tilespmem:v2+s19+$0x0] =	vst.idx.msk $0xffff, v12;
	v11 =	vand.u32 $0x1C00, v11;
	v2 =	vor.u32 v47, v1;
	v1 =	vor.u32 v49, v1  }
.LBB2_102:
0x356: {  	s0 =	sand.u32 $0x40, s30;
	s29 =	sadd.s32 $0x4, s29;
	v12 =	vor.u32 v4, v11;
	v11 =	vld.idx.msk [tilespmem:v58+s12+$0x0], $0xffff;
	v16 =	vand.u32 $0x78, v59;
	s28 =	sadd.s32 $0x8, s28;
	[tilespmem:v56+s19+$0x0] =	vst.idx.msk $0xffff, v63;
	v17 =	vmov v7  }
0x357: {  	s1 =	sand.u32 $0x30, s28;
	v7 =	vor.u32 s0, v0;
	s3 =	sor.u32 $0x30, s0;
	p3 =	slt.u32 s29, $0x1C;
	v56 =	vor.u32 v6, v12;
	v6 =	vor.u32 v16, v12  }
0x358: {  	v16 =	vor.u32 s1, v38;
	v21 =	vshll.u32 v7, $0x6;
	s1 =	sor.u32 $0x10, s0;
	s0 =	sor.u32 $0x20, s0;
	v59 =	vor.u32 s3, v0;
	v22 =	vld.idx.msk [tilespmem:v57+s12+$0x0], $0xffff  }
0x359: {  	v26 =	vand.u32 $0x38, v16;
	v27 =	vor.u32 s1, v0;
	v33 =	vshll.u32 v59, $0x6;
	v34 =	vld.idx.msk [tilespmem:v55+s12+$0x0], $0xffff  }
0x35a: {  	v50 =	vor.u32 s0, v0;
	v55 =	vshll.u32 v27, $0x6;
	v33 =	vor.u32 v26, v33;
	v63 =	vld.idx.msk [tilespmem:v54+s12+$0x0], $0xffff;
	[tilespmem:v2+s19+$0x0] =	vst.idx.msk $0xffff, v61  }
.Ltmp58:
0x35b: {  	v54 =	vshll.u32 v50, $0x6;
	v2 =	vor.u32 v26, v55;
	v58 =	vor.u32 v3, v33;
	[tilespmem:v1+s19+$0x0] =	vst.idx.msk $0xffff, v62;
	(pc) =	sbr.rel @p3 .LBB2_102-.Ltmp58, $4  }
0x35c: {  	v1 =	vor.u32 v26, v21;
	v21 =	vand.u32 $0x58, v27;
	v26 =	vor.u32 v26, v54;
	[tilespmem:v6+s19+$0x0] =	vst.idx.msk $0xffff, v11  }
0x35d: {  	v54 =	vor.u32 v3, v1;
	v57 =	vor.u32 v3, v2;
	v55 =	vor.u32 v3, v26  }
0x35e: {  	v6 =	vand.u32 $0x48, v7;
	v1 =	vshll.u32 v16, $0x7;
	v7 =	vand.u32 $0x68, v50;
	v61 =	vmovc v22  }
0x35f: {  	s30 =	sadd.s32 $0x40, s30;
	v2 =	vor.u32 v60, v12;
	v60 =	vmovc v21;
	v11 =	vand.u32 $0x1C00, v1;
	v1 =	vor.u32 v17, v12;
	v62 =	vmovc v34  }
0x360: {  	v50 =	vld [tilespmem:$0x1FE90]  }
.LBB2_104:
0x361: {  	_ =	sdelay $0x2  }
0x362: {  	v11 =	vor.u32 v4, v11;
	v12 =	vand.u32 $0x78, v59  }
0x363: {  	v16 =	vld.idx.msk [tilespmem:v58+s12+$0x0], $0xffff;
	v12 =	vor.u32 v12, v11  }
0x364: {  	v17 =	vld.idx.msk [tilespmem:v54+s12+$0x0], $0xffff;
	v6 =	vor.u32 v6, v11  }
0x365: {  	[tilespmem:v56+s19+$0x0] =	vst.idx.msk @p2 $0xffff, v63  }
0x366: {  	v21 =	vld.idx.msk [tilespmem:v57+s12+$0x0], $0xffff;
	[tilespmem:v2+s19+$0x0] =	vst.idx.msk @p2 $0xffff, v61;
	v2 =	vor.u32 v60, v11  }
0x367: {  	v22 =	vld.idx.msk [tilespmem:v55+s12+$0x0], $0xffff;
	[tilespmem:v1+s19+$0x0] =	vst.idx.msk @p2 $0xffff, v62;
	v1 =	vor.u32 v7, v11;
	v7 =	vor.u32 s25, v45  }
.Ltmp59:
0x368: {  	v11 =	vand.u32 $0x38, v7;
	[tilespmem:v12+s19+$0x0] =	vst.idx.msk $0xffff, v16;
	(pc) =	sbr.rel @!p1 .LBB2_105-.Ltmp59, $4  }
0x369: {  	[tilespmem:v6+s19+$0x0] =	vst.idx.msk $0xffff, v17;
	v6 =	vor.u32 v11, v51  }
0x36a: {  	v12 =	vor.u32 v11, v52;
	v56 =	vor.u32 v8, v6;
	v6 =	vor.u32 v11, v50  }
0x36b: {  	[tilespmem:v2+s19+$0x0] =	vst.idx.msk $0xffff, v21;
	v2 =	vor.u32 v11, v53;
	v50 =	vor.u32 v8, v6;
	v6 =	vshll.u32 v7, $0x7  }
0x36c: {  	[tilespmem:v1+s19+$0x0] =	vst.idx.msk $0xffff, v22;
	v53 =	vor.u32 v8, v12;
	v52 =	vor.u32 v8, v2;
	v1 =	vand.u32 $0x1C00, v6  }
0x36d: {  	s0 =	sand.u32 $0x40, s26;
	v6 =	vor.u32 v9, v1;
	v1 =	vand.u32 $0x78, v46;
	s25 =	simm.s32 $0x8  }
0x36e: {  	s1 =	sand.u32 $0x30, s25;
	v2 =	vor.u32 s0, v0;
	s3 =	sor.u32 $0x30, s0;
	v51 =	vor.u32 v48, v6;
	v1 =	vor.u32 v1, v6  }
0x36f: {  	v60 =	vor.u32 v47, v6;
	v7 =	vor.u32 s1, v45;
	v46 =	vor.u32 s3, v0  }
0x370: {  	s31 =	sor.u32 $0x10, s0;
	v58 =	vor.u32 v49, v6;
	v16 =	vand.u32 $0x38, v7;
	v21 =	vshll.u32 v46, $0x6  }
0x371: {  	v12 =	vld.idx.msk [tilespmem:v56+s12+$0x0], $0xffff;
	p1 =	por $0x1, $0x1;
	s0 =	sor.u32 $0x20, s0;
	v11 =	vshll.u32 v2, $0x6;
	v17 =	vor.u32 s31, v0;
	v21 =	vor.u32 v16, v21  }
.Ltmp60:
0x372: {  	v57 =	vld.idx.msk [tilespmem:v50+s12+$0x0], $0xffff;
	v26 =	vor.u32 s0, v0;
	v22 =	vshll.u32 v17, $0x6;
	v56 =	vor.u32 v8, v21;
	(pc) =	sbr.rel @!p1 .LBB2_107-.Ltmp60, $4  }
0x373: {  	v48 =	vand.u32 $0x48, v2;
	v27 =	vshll.u32 v26, $0x6;
	v22 =	vor.u32 v16, v22  }
0x374: {  	v54 =	vld.idx.msk [tilespmem:v53+s12+$0x0], $0xffff;
	v11 =	vor.u32 v16, v11;
	v16 =	vor.u32 v16, v27;
	v53 =	vor.u32 v8, v22  }
0x375: {  	v55 =	vld.idx.msk [tilespmem:v52+s12+$0x0], $0xffff;
	v59 =	vand.u32 $0x58, v17;
	v7 =	vshll.u32 v7, $0x7;
	v52 =	vor.u32 v8, v16  }
0x376: {  	s26 =	simm.s32 $0x4;
	s28 =	simm.s32 $0x80;
	p0 =	por $0x1, $0x1;
	v2 =	vand.u32 $0x68, v26;
	v50 =	vor.u32 v8, v11;
	[tilespmem:v1+s19+$0x0] =	vst.idx.msk $0xffff, v12;
	v1 =	vand.u32 $0x1C00, v7  }
.LBB2_108:
0x377: {  	s0 =	sand.u32 $0x40, s28;
	s26 =	sadd.s32 $0x4, s26;
	v6 =	vor.u32 v9, v1;
	v1 =	vld.idx.msk [tilespmem:v56+s12+$0x0], $0xffff;
	v7 =	vand.u32 $0x78, v46;
	s25 =	sadd.s32 $0x8, s25;
	[tilespmem:v51+s19+$0x0] =	vst.idx.msk $0xffff, v57;
	v11 =	vmov v2  }
0x378: {  	s1 =	sand.u32 $0x30, s25;
	v2 =	vor.u32 s0, v0;
	s3 =	sor.u32 $0x30, s0;
	p1 =	slt.u32 s26, $0x1C;
	v51 =	vor.u32 v48, v6;
	v7 =	vor.u32 v7, v6  }
0x379: {  	v12 =	vor.u32 s1, v45;
	v16 =	vshll.u32 v2, $0x6;
	s1 =	sor.u32 $0x10, s0;
	s0 =	sor.u32 $0x20, s0;
	v46 =	vor.u32 s3, v0;
	v17 =	vld.idx.msk [tilespmem:v53+s12+$0x0], $0xffff  }
0x37a: {  	v21 =	vand.u32 $0x38, v12;
	v22 =	vor.u32 s1, v0;
	v26 =	vshll.u32 v46, $0x6;
	v27 =	vld.idx.msk [tilespmem:v52+s12+$0x0], $0xffff  }
0x37b: {  	v34 =	vor.u32 s0, v0;
	v33 =	vshll.u32 v22, $0x6;
	v26 =	vor.u32 v21, v26;
	v57 =	vld.idx.msk [tilespmem:v50+s12+$0x0], $0xffff;
	[tilespmem:v60+s19+$0x0] =	vst.idx.msk $0xffff, v54  }
.Ltmp61:
0x37c: {  	v47 =	vshll.u32 v34, $0x6;
	v33 =	vor.u32 v21, v33;
	v56 =	vor.u32 v8, v26;
	[tilespmem:v58+s19+$0x0] =	vst.idx.msk $0xffff, v55;
	(pc) =	sbr.rel @p1 .LBB2_108-.Ltmp61, $4  }
0x37d: {  	v16 =	vor.u32 v21, v16;
	v22 =	vand.u32 $0x58, v22;
	v21 =	vor.u32 v21, v47;
	[tilespmem:v7+s19+$0x0] =	vst.idx.msk $0xffff, v1  }
0x37e: {  	v50 =	vor.u32 v8, v16;
	v53 =	vor.u32 v8, v33;
	v52 =	vor.u32 v8, v21  }
0x37f: {  	v48 =	vand.u32 $0x48, v2;
	v2 =	vand.u32 $0x68, v34;
	v1 =	vshll.u32 v12, $0x7;
	v54 =	vmovc v17  }
0x380: {  	s28 =	sadd.s32 $0x40, s28;
	v60 =	vor.u32 v59, v6;
	v58 =	vor.u32 v11, v6;
	v59 =	vmovc v22;
	v1 =	vand.u32 $0x1C00, v1;
	v55 =	vmovc v27  }
0x381: {  	v49 =	vmov v2;
	v47 =	vmov v59  }
.LBB2_110:
0x382: {  	_ =	sdelay $0x2  }
0x383: {  	v1 =	vor.u32 v9, v1;
	v2 =	vand.u32 $0x78, v46;
	s0 =	simm.s32 $0x0  }
0x384: {  	v6 =	vld.idx.msk [tilespmem:v56+s12+$0x0], $0xffff;
	v7 =	vor.u32 v48, v1;
	v2 =	vor.u32 v2, v1;
	v11 =	vor.u32 v47, v1;
	s1 =	sand.u32 $0x40, s0;
	s25 =	sand.u32 $0x30, s0  }
0x385: {  	v12 =	vld.idx.msk [tilespmem:v50+s12+$0x0], $0xffff;
	v1 =	vor.u32 v49, v1;
	v16 =	vor.u32 s1, v0;
	s30 =	sor.u32 $0x30, s1;
	v17 =	vor.u32 s25, v44;
	s3 =	sor.u32 $0x10, s1  }
0x386: {  	[tilespmem:v51+s19+$0x0] =	vst.idx.msk @p0 $0xffff, v57;
	v21 =	vld.idx.msk [tilespmem:v53+s12+$0x0], $0xffff;
	s31 =	sor.u32 $0x20, s1;
	v49 =	vshll.u32 v16, $0x6;
	v45 =	vor.u32 s30, v0;
	v22 =	vor.u32 s3, v0  }
0x387: {  	v26 =	vld.idx.msk [tilespmem:v52+s12+$0x0], $0xffff;
	[tilespmem:v60+s19+$0x0] =	vst.idx.msk @p0 $0xffff, v54;
	p1 =	por $0x1, $0x1;
	v27 =	vand.u32 $0x38, v17;
	v33 =	vor.u32 s31, v0;
	v47 =	vand.u32 $0x48, v16  }
.Ltmp62:
0x388: {  	[tilespmem:v58+s19+$0x0] =	vst.idx.msk @p0 $0xffff, v55;
	v50 =	vshll.u32 v45, $0x6;
	v51 =	vshll.u32 v22, $0x6;
	v52 =	vshll.u32 v33, $0x6;
	(pc) =	sbr.rel @!p1 .LBB2_111-.Ltmp62, $4  }
0x389: {  	v46 =	vand.u32 $0x58, v22;
	v34 =	vor.u32 v27, v50;
	v63 =	vor.u32 v27, v51;
	[tilespmem:v2+s19+$0x0] =	vst.idx.msk $0xffff, v6  }
0x38a: {  	v48 =	vand.u32 $0x68, v33;
	v57 =	vor.u32 v13, v34;
	v2 =	vor.u32 v27, v49;
	[tilespmem:v7+s19+$0x0] =	vst.idx.msk $0xffff, v12  }
0x38b: {  	v6 =	vor.u32 v27, v52;
	[tilespmem:v11+s19+$0x0] =	vst.idx.msk $0xffff, v21;
	v53 =	vor.u32 v13, v2;
	v2 =	vshll.u32 v17, $0x7  }
0x38c: {  	s26 =	simm.s32 $0x40;
	p0 =	por $0x0, $0x0;
	v56 =	vor.u32 v13, v63;
	[tilespmem:v1+s19+$0x0] =	vst.idx.msk $0xffff, v26;
	v54 =	vor.u32 v13, v6;
	v11 =	vand.u32 $0x1C00, v2  }
0x38d: {  	s0 =	sand.u32 $0x40, s26;
	v1 =	vor.u32 v14, v11;
	v2 =	vand.u32 $0x78, v45;
	s28 =	simm.s32 $0x8  }
0x38e: {  	s1 =	sand.u32 $0x30, s28;
	v6 =	vor.u32 s0, v0;
	s3 =	sor.u32 $0x30, s0;
	v55 =	vor.u32 v47, v1;
	v2 =	vor.u32 v2, v1  }
0x38f: {  	s31 =	sor.u32 $0x10, s0;
	v7 =	vor.u32 s1, v44;
	v11 =	vshll.u32 v6, $0x6;
	v58 =	vor.u32 s3, v0  }
0x390: {  	s0 =	sor.u32 $0x20, s0;
	v17 =	vor.u32 s31, v0;
	v16 =	vand.u32 $0x38, v7;
	v21 =	vshll.u32 v58, $0x6  }
0x391: {  	v12 =	vld.idx.msk [tilespmem:v57+s12+$0x0], $0xffff;
	p3 =	por $0x1, $0x1;
	v26 =	vor.u32 s0, v0;
	v6 =	vand.u32 $0x48, v6;
	v21 =	vor.u32 v16, v21  }
.Ltmp63:
0x392: {  	v62 =	vld.idx.msk [tilespmem:v53+s12+$0x0], $0xffff;
	v22 =	vshll.u32 v17, $0x6;
	v27 =	vshll.u32 v26, $0x6;
	v57 =	vor.u32 v13, v21;
	(pc) =	sbr.rel @!p3 .LBB2_114-.Ltmp63, $4  }
0x393: {  	v59 =	vand.u32 $0x58, v17;
	v22 =	vor.u32 v16, v22;
	v11 =	vor.u32 v16, v11  }
0x394: {  	v60 =	vld.idx.msk [tilespmem:v56+s12+$0x0], $0xffff;
	v16 =	vor.u32 v16, v27;
	v53 =	vor.u32 v13, v11;
	v56 =	vor.u32 v13, v22  }
0x395: {  	v61 =	vld.idx.msk [tilespmem:v54+s12+$0x0], $0xffff;
	v54 =	vor.u32 v13, v16;
	v11 =	vshll.u32 v7, $0x7;
	v7 =	vand.u32 $0x68, v26  }
0x396: {  	s29 =	simm.s32 $0x4;
	s30 =	simm.s32 $0x80;
	p2 =	por $0x1, $0x1;
	[tilespmem:v2+s19+$0x0] =	vst.idx.msk $0xffff, v12;
	v11 =	vand.u32 $0x1C00, v11;
	v2 =	vor.u32 v46, v1;
	v1 =	vor.u32 v48, v1  }
.LBB2_113:
0x397: {  	s0 =	sand.u32 $0x40, s30;
	s29 =	sadd.s32 $0x4, s29;
	v12 =	vor.u32 v14, v11;
	v11 =	vld.idx.msk [tilespmem:v57+s12+$0x0], $0xffff;
	v16 =	vand.u32 $0x78, v58;
	s28 =	sadd.s32 $0x8, s28;
	[tilespmem:v55+s19+$0x0] =	vst.idx.msk $0xffff, v62;
	v17 =	vmov v7  }
0x398: {  	s1 =	sand.u32 $0x30, s28;
	v7 =	vor.u32 s0, v0;
	s3 =	sor.u32 $0x30, s0;
	p3 =	slt.u32 s29, $0x1C;
	v55 =	vor.u32 v6, v12;
	v6 =	vor.u32 v16, v12  }
0x399: {  	v16 =	vor.u32 s1, v44;
	v21 =	vshll.u32 v7, $0x6;
	s1 =	sor.u32 $0x10, s0;
	s0 =	sor.u32 $0x20, s0;
	v58 =	vor.u32 s3, v0;
	v22 =	vld.idx.msk [tilespmem:v56+s12+$0x0], $0xffff  }
0x39a: {  	v26 =	vand.u32 $0x38, v16;
	v27 =	vor.u32 s1, v0;
	v33 =	vshll.u32 v58, $0x6;
	v34 =	vld.idx.msk [tilespmem:v54+s12+$0x0], $0xffff  }
0x39b: {  	v63 =	vor.u32 s0, v0;
	v54 =	vshll.u32 v27, $0x6;
	v33 =	vor.u32 v26, v33;
	v62 =	vld.idx.msk [tilespmem:v53+s12+$0x0], $0xffff;
	[tilespmem:v2+s19+$0x0] =	vst.idx.msk $0xffff, v60  }
.Ltmp64:
0x39c: {  	v53 =	vshll.u32 v63, $0x6;
	v2 =	vor.u32 v26, v54;
	v57 =	vor.u32 v13, v33;
	[tilespmem:v1+s19+$0x0] =	vst.idx.msk $0xffff, v61;
	(pc) =	sbr.rel @p3 .LBB2_113-.Ltmp64, $4  }
0x39d: {  	v1 =	vor.u32 v26, v21;
	v21 =	vand.u32 $0x58, v27;
	v26 =	vor.u32 v26, v53;
	[tilespmem:v6+s19+$0x0] =	vst.idx.msk $0xffff, v11  }
0x39e: {  	v53 =	vor.u32 v13, v1;
	v56 =	vor.u32 v13, v2;
	v54 =	vor.u32 v13, v26  }
0x39f: {  	v6 =	vand.u32 $0x48, v7;
	v1 =	vshll.u32 v16, $0x7;
	v7 =	vand.u32 $0x68, v63;
	v60 =	vmovc v22  }
0x3a0: {  	s30 =	sadd.s32 $0x40, s30;
	v2 =	vor.u32 v59, v12;
	v59 =	vmovc v21;
	v11 =	vand.u32 $0x1C00, v1;
	v1 =	vor.u32 v17, v12;
	v61 =	vmovc v34  }
.LBB2_114:
0x3a1: {  	_ =	sdelay $0x2  }
0x3a2: {  	v11 =	vor.u32 v14, v11;
	v12 =	vand.u32 $0x78, v58  }
0x3a3: {  	v16 =	vld.idx.msk [tilespmem:v57+s12+$0x0], $0xffff;
	v12 =	vor.u32 v12, v11  }
0x3a4: {  	v17 =	vld.idx.msk [tilespmem:v53+s12+$0x0], $0xffff;
	v6 =	vor.u32 v6, v11  }
0x3a5: {  	[tilespmem:v55+s19+$0x0] =	vst.idx.msk @p2 $0xffff, v62  }
0x3a6: {  	v21 =	vld.idx.msk [tilespmem:v56+s12+$0x0], $0xffff;
	[tilespmem:v2+s19+$0x0] =	vst.idx.msk @p2 $0xffff, v60;
	v2 =	vor.u32 v59, v11  }
0x3a7: {  	v22 =	vld.idx.msk [tilespmem:v54+s12+$0x0], $0xffff;
	[tilespmem:v1+s19+$0x0] =	vst.idx.msk @p2 $0xffff, v61;
	v1 =	vor.u32 v7, v11;
	v7 =	vor.u32 s25, v43  }
.Ltmp65:
0x3a8: {  	v11 =	vand.u32 $0x38, v7;
	[tilespmem:v12+s19+$0x0] =	vst.idx.msk $0xffff, v16;
	(pc) =	sbr.rel @!p1 .LBB2_115-.Ltmp65, $4  }
0x3a9: {  	[tilespmem:v6+s19+$0x0] =	vst.idx.msk $0xffff, v17;
	v6 =	vor.u32 v11, v50  }
0x3aa: {  	v12 =	vor.u32 v11, v51;
	v54 =	vor.u32 v18, v6;
	v6 =	vor.u32 v11, v49  }
0x3ab: {  	[tilespmem:v2+s19+$0x0] =	vst.idx.msk $0xffff, v21;
	v2 =	vor.u32 v11, v52;
	v44 =	vor.u32 v18, v6;
	v6 =	vshll.u32 v7, $0x7  }
0x3ac: {  	v51 =	vor.u32 v18, v12;
	[tilespmem:v1+s19+$0x0] =	vst.idx.msk $0xffff, v22;
	v50 =	vor.u32 v18, v2;
	v1 =	vand.u32 $0x1C00, v6  }
0x3ad: {  	s0 =	sand.u32 $0x40, s26;
	v6 =	vor.u32 v19, v1;
	v1 =	vand.u32 $0x78, v45;
	s25 =	simm.s32 $0x8  }
0x3ae: {  	s1 =	sand.u32 $0x30, s25;
	v2 =	vor.u32 s0, v0;
	s3 =	sor.u32 $0x30, s0;
	v49 =	vor.u32 v47, v6;
	v1 =	vor.u32 v1, v6  }
0x3af: {  	v58 =	vor.u32 v46, v6;
	v7 =	vor.u32 s1, v43;
	v45 =	vor.u32 s3, v0  }
0x3b0: {  	s31 =	sor.u32 $0x10, s0;
	v56 =	vor.u32 v48, v6;
	v16 =	vand.u32 $0x38, v7;
	v21 =	vshll.u32 v45, $0x6  }
0x3b1: {  	v12 =	vld.idx.msk [tilespmem:v54+s12+$0x0], $0xffff;
	p1 =	por $0x1, $0x1;
	s0 =	sor.u32 $0x20, s0;
	v11 =	vshll.u32 v2, $0x6;
	v17 =	vor.u32 s31, v0;
	v21 =	vor.u32 v16, v21  }
.Ltmp66:
0x3b2: {  	v55 =	vld.idx.msk [tilespmem:v44+s12+$0x0], $0xffff;
	v26 =	vor.u32 s0, v0;
	v22 =	vshll.u32 v17, $0x6;
	v54 =	vor.u32 v18, v21;
	(pc) =	sbr.rel @!p1 .LBB2_117-.Ltmp66, $4  }
0x3b3: {  	v47 =	vand.u32 $0x48, v2;
	v27 =	vshll.u32 v26, $0x6;
	v22 =	vor.u32 v16, v22  }
0x3b4: {  	v52 =	vld.idx.msk [tilespmem:v51+s12+$0x0], $0xffff;
	v11 =	vor.u32 v16, v11;
	v16 =	vor.u32 v16, v27;
	v51 =	vor.u32 v18, v22  }
0x3b5: {  	v53 =	vld.idx.msk [tilespmem:v50+s12+$0x0], $0xffff;
	v57 =	vand.u32 $0x58, v17;
	v7 =	vshll.u32 v7, $0x7;
	v50 =	vor.u32 v18, v16  }
0x3b6: {  	s26 =	simm.s32 $0x4;
	s28 =	simm.s32 $0x80;
	p0 =	por $0x1, $0x1;
	v2 =	vand.u32 $0x68, v26;
	v44 =	vor.u32 v18, v11;
	[tilespmem:v1+s19+$0x0] =	vst.idx.msk $0xffff, v12;
	v1 =	vand.u32 $0x1C00, v7  }
.LBB2_118:
0x3b7: {  	s0 =	sand.u32 $0x40, s28;
	s26 =	sadd.s32 $0x4, s26;
	v6 =	vor.u32 v19, v1;
	v1 =	vld.idx.msk [tilespmem:v54+s12+$0x0], $0xffff;
	v7 =	vand.u32 $0x78, v45;
	s25 =	sadd.s32 $0x8, s25;
	[tilespmem:v49+s19+$0x0] =	vst.idx.msk $0xffff, v55;
	v11 =	vmov v2  }
0x3b8: {  	s1 =	sand.u32 $0x30, s25;
	v2 =	vor.u32 s0, v0;
	s3 =	sor.u32 $0x30, s0;
	p1 =	slt.u32 s26, $0x1C;
	v49 =	vor.u32 v47, v6;
	v7 =	vor.u32 v7, v6  }
0x3b9: {  	v12 =	vor.u32 s1, v43;
	v16 =	vshll.u32 v2, $0x6;
	s1 =	sor.u32 $0x10, s0;
	s0 =	sor.u32 $0x20, s0;
	v45 =	vor.u32 s3, v0;
	v17 =	vld.idx.msk [tilespmem:v51+s12+$0x0], $0xffff  }
0x3ba: {  	v21 =	vand.u32 $0x38, v12;
	v22 =	vor.u32 s1, v0;
	v26 =	vshll.u32 v45, $0x6;
	v27 =	vld.idx.msk [tilespmem:v50+s12+$0x0], $0xffff  }
0x3bb: {  	v34 =	vor.u32 s0, v0;
	v33 =	vshll.u32 v22, $0x6;
	v26 =	vor.u32 v21, v26;
	v55 =	vld.idx.msk [tilespmem:v44+s12+$0x0], $0xffff;
	[tilespmem:v58+s19+$0x0] =	vst.idx.msk $0xffff, v52  }
.Ltmp67:
0x3bc: {  	v44 =	vshll.u32 v34, $0x6;
	v33 =	vor.u32 v21, v33;
	v54 =	vor.u32 v18, v26;
	[tilespmem:v56+s19+$0x0] =	vst.idx.msk $0xffff, v53;
	(pc) =	sbr.rel @p1 .LBB2_118-.Ltmp67, $4  }
0x3bd: {  	v16 =	vor.u32 v21, v16;
	v22 =	vand.u32 $0x58, v22;
	v21 =	vor.u32 v21, v44;
	[tilespmem:v7+s19+$0x0] =	vst.idx.msk $0xffff, v1  }
0x3be: {  	v44 =	vor.u32 v18, v16;
	v51 =	vor.u32 v18, v33;
	v50 =	vor.u32 v18, v21  }
0x3bf: {  	v47 =	vand.u32 $0x48, v2;
	v2 =	vand.u32 $0x68, v34;
	v1 =	vshll.u32 v12, $0x7;
	v52 =	vmovc v17  }
0x3c0: {  	s28 =	sadd.s32 $0x40, s28;
	v58 =	vor.u32 v57, v6;
	v56 =	vor.u32 v11, v6;
	v57 =	vmovc v22;
	v1 =	vand.u32 $0x1C00, v1;
	v53 =	vmovc v27  }
0x3c1: {  	v48 =	vmov v2;
	v46 =	vmov v57  }
.LBB2_120:
0x3c2: {  	_ =	sdelay $0x2  }
0x3c3: {  	v1 =	vor.u32 v19, v1;
	v2 =	vand.u32 $0x78, v45;
	s0 =	simm.s32 $0x0  }
0x3c4: {  	v6 =	vld.idx.msk [tilespmem:v54+s12+$0x0], $0xffff;
	v7 =	vor.u32 v47, v1;
	v2 =	vor.u32 v2, v1;
	v11 =	vor.u32 v46, v1;
	s1 =	sand.u32 $0x40, s0;
	s25 =	sand.u32 $0x30, s0  }
0x3c5: {  	v12 =	vld.idx.msk [tilespmem:v44+s12+$0x0], $0xffff;
	v1 =	vor.u32 v48, v1;
	v16 =	vor.u32 s1, v0;
	s30 =	sor.u32 $0x30, s1;
	v17 =	vor.u32 s25, v42;
	s3 =	sor.u32 $0x10, s1  }
0x3c6: {  	[tilespmem:v49+s19+$0x0] =	vst.idx.msk @p0 $0xffff, v55;
	v21 =	vld.idx.msk [tilespmem:v51+s12+$0x0], $0xffff;
	s31 =	sor.u32 $0x20, s1;
	v47 =	vshll.u32 v16, $0x6;
	v43 =	vor.u32 s30, v0;
	v22 =	vor.u32 s3, v0  }
0x3c7: {  	v26 =	vld.idx.msk [tilespmem:v50+s12+$0x0], $0xffff;
	[tilespmem:v58+s19+$0x0] =	vst.idx.msk @p0 $0xffff, v52;
	p1 =	por $0x1, $0x1;
	v27 =	vand.u32 $0x38, v17;
	v33 =	vor.u32 s31, v0;
	v45 =	vand.u32 $0x48, v16  }
.Ltmp68:
0x3c8: {  	[tilespmem:v56+s19+$0x0] =	vst.idx.msk @p0 $0xffff, v53;
	v48 =	vshll.u32 v43, $0x6;
	v49 =	vshll.u32 v22, $0x6;
	v50 =	vshll.u32 v33, $0x6;
	(pc) =	sbr.rel @!p1 .LBB2_121-.Ltmp68, $4  }
0x3c9: {  	v44 =	vand.u32 $0x58, v22;
	v34 =	vor.u32 v27, v48;
	v63 =	vor.u32 v27, v49;
	[tilespmem:v2+s19+$0x0] =	vst.idx.msk $0xffff, v6  }
0x3ca: {  	v46 =	vand.u32 $0x68, v33;
	v55 =	vor.u32 v23, v34;
	v2 =	vor.u32 v27, v47;
	[tilespmem:v7+s19+$0x0] =	vst.idx.msk $0xffff, v12  }
0x3cb: {  	v6 =	vor.u32 v27, v50;
	[tilespmem:v11+s19+$0x0] =	vst.idx.msk $0xffff, v21;
	v51 =	vor.u32 v23, v2;
	v2 =	vshll.u32 v17, $0x7  }
0x3cc: {  	s26 =	simm.s32 $0x40;
	p0 =	por $0x0, $0x0;
	v54 =	vor.u32 v23, v63;
	[tilespmem:v1+s19+$0x0] =	vst.idx.msk $0xffff, v26;
	v52 =	vor.u32 v23, v6;
	v11 =	vand.u32 $0x1C00, v2  }
0x3cd: {  	s0 =	sand.u32 $0x40, s26;
	v1 =	vor.u32 v24, v11;
	v2 =	vand.u32 $0x78, v43;
	s28 =	simm.s32 $0x8  }
0x3ce: {  	s1 =	sand.u32 $0x30, s28;
	v6 =	vor.u32 s0, v0;
	s3 =	sor.u32 $0x30, s0;
	v53 =	vor.u32 v45, v1;
	v2 =	vor.u32 v2, v1  }
0x3cf: {  	s31 =	sor.u32 $0x10, s0;
	v7 =	vor.u32 s1, v42;
	v11 =	vshll.u32 v6, $0x6;
	v56 =	vor.u32 s3, v0  }
0x3d0: {  	s0 =	sor.u32 $0x20, s0;
	v17 =	vor.u32 s31, v0;
	v16 =	vand.u32 $0x38, v7;
	v21 =	vshll.u32 v56, $0x6  }
0x3d1: {  	v12 =	vld.idx.msk [tilespmem:v55+s12+$0x0], $0xffff;
	p3 =	por $0x1, $0x1;
	v26 =	vor.u32 s0, v0;
	v6 =	vand.u32 $0x48, v6;
	v21 =	vor.u32 v16, v21  }
.Ltmp69:
0x3d2: {  	v60 =	vld.idx.msk [tilespmem:v51+s12+$0x0], $0xffff;
	v22 =	vshll.u32 v17, $0x6;
	v27 =	vshll.u32 v26, $0x6;
	v55 =	vor.u32 v23, v21;
	(pc) =	sbr.rel @!p3 .LBB2_124-.Ltmp69, $4  }
0x3d3: {  	v57 =	vand.u32 $0x58, v17;
	v22 =	vor.u32 v16, v22;
	v11 =	vor.u32 v16, v11  }
0x3d4: {  	v58 =	vld.idx.msk [tilespmem:v54+s12+$0x0], $0xffff;
	v16 =	vor.u32 v16, v27;
	v51 =	vor.u32 v23, v11;
	v54 =	vor.u32 v23, v22  }
0x3d5: {  	v59 =	vld.idx.msk [tilespmem:v52+s12+$0x0], $0xffff;
	v52 =	vor.u32 v23, v16;
	v11 =	vshll.u32 v7, $0x7;
	v7 =	vand.u32 $0x68, v26  }
0x3d6: {  	s29 =	simm.s32 $0x4;
	s30 =	simm.s32 $0x80;
	p2 =	por $0x1, $0x1;
	[tilespmem:v2+s19+$0x0] =	vst.idx.msk $0xffff, v12;
	v11 =	vand.u32 $0x1C00, v11;
	v2 =	vor.u32 v44, v1;
	v1 =	vor.u32 v46, v1  }
.LBB2_123:
0x3d7: {  	s0 =	sand.u32 $0x40, s30;
	s29 =	sadd.s32 $0x4, s29;
	v12 =	vor.u32 v24, v11;
	v11 =	vld.idx.msk [tilespmem:v55+s12+$0x0], $0xffff;
	v16 =	vand.u32 $0x78, v56;
	s28 =	sadd.s32 $0x8, s28;
	[tilespmem:v53+s19+$0x0] =	vst.idx.msk $0xffff, v60;
	v17 =	vmov v7  }
0x3d8: {  	s1 =	sand.u32 $0x30, s28;
	v7 =	vor.u32 s0, v0;
	s3 =	sor.u32 $0x30, s0;
	p3 =	slt.u32 s29, $0x1C;
	v53 =	vor.u32 v6, v12;
	v6 =	vor.u32 v16, v12  }
0x3d9: {  	v16 =	vor.u32 s1, v42;
	v21 =	vshll.u32 v7, $0x6;
	s1 =	sor.u32 $0x10, s0;
	s0 =	sor.u32 $0x20, s0;
	v56 =	vor.u32 s3, v0;
	v22 =	vld.idx.msk [tilespmem:v54+s12+$0x0], $0xffff  }
0x3da: {  	v26 =	vand.u32 $0x38, v16;
	v27 =	vor.u32 s1, v0;
	v33 =	vshll.u32 v56, $0x6;
	v34 =	vld.idx.msk [tilespmem:v52+s12+$0x0], $0xffff  }
0x3db: {  	v61 =	vor.u32 s0, v0;
	v52 =	vshll.u32 v27, $0x6;
	v33 =	vor.u32 v26, v33;
	v60 =	vld.idx.msk [tilespmem:v51+s12+$0x0], $0xffff;
	[tilespmem:v2+s19+$0x0] =	vst.idx.msk $0xffff, v58  }
.Ltmp70:
0x3dc: {  	v51 =	vshll.u32 v61, $0x6;
	v2 =	vor.u32 v26, v52;
	v55 =	vor.u32 v23, v33;
	[tilespmem:v1+s19+$0x0] =	vst.idx.msk $0xffff, v59;
	(pc) =	sbr.rel @p3 .LBB2_123-.Ltmp70, $4  }
0x3dd: {  	v1 =	vor.u32 v26, v21;
	v21 =	vand.u32 $0x58, v27;
	v26 =	vor.u32 v26, v51;
	[tilespmem:v6+s19+$0x0] =	vst.idx.msk $0xffff, v11  }
0x3de: {  	v51 =	vor.u32 v23, v1;
	v54 =	vor.u32 v23, v2;
	v52 =	vor.u32 v23, v26  }
0x3df: {  	v6 =	vand.u32 $0x48, v7;
	v1 =	vshll.u32 v16, $0x7;
	v7 =	vand.u32 $0x68, v61;
	v58 =	vmovc v22  }
0x3e0: {  	s30 =	sadd.s32 $0x40, s30;
	v2 =	vor.u32 v57, v12;
	v57 =	vmovc v21;
	v11 =	vand.u32 $0x1C00, v1;
	v1 =	vor.u32 v17, v12;
	v59 =	vmovc v34  }
.LBB2_124:
0x3e1: {  	_ =	sdelay $0x2  }
0x3e2: {  	v11 =	vor.u32 v24, v11;
	v12 =	vand.u32 $0x78, v56  }
0x3e3: {  	v16 =	vld.idx.msk [tilespmem:v55+s12+$0x0], $0xffff;
	v12 =	vor.u32 v12, v11  }
0x3e4: {  	v17 =	vld.idx.msk [tilespmem:v51+s12+$0x0], $0xffff;
	v6 =	vor.u32 v6, v11  }
0x3e5: {  	[tilespmem:v53+s19+$0x0] =	vst.idx.msk @p2 $0xffff, v60  }
0x3e6: {  	v21 =	vld.idx.msk [tilespmem:v54+s12+$0x0], $0xffff;
	[tilespmem:v2+s19+$0x0] =	vst.idx.msk @p2 $0xffff, v58;
	v2 =	vor.u32 v57, v11  }
0x3e7: {  	v22 =	vld.idx.msk [tilespmem:v52+s12+$0x0], $0xffff;
	[tilespmem:v1+s19+$0x0] =	vst.idx.msk @p2 $0xffff, v59;
	v1 =	vor.u32 v7, v11;
	v7 =	vor.u32 s25, v41  }
.Ltmp71:
0x3e8: {  	v11 =	vand.u32 $0x38, v7;
	[tilespmem:v12+s19+$0x0] =	vst.idx.msk $0xffff, v16;
	(pc) =	sbr.rel @!p1 .LBB2_125-.Ltmp71, $4  }
0x3e9: {  	[tilespmem:v6+s19+$0x0] =	vst.idx.msk $0xffff, v17;
	v6 =	vor.u32 v11, v48  }
0x3ea: {  	v12 =	vor.u32 v11, v49;
	v52 =	vor.u32 v28, v6;
	v6 =	vor.u32 v11, v47  }
0x3eb: {  	[tilespmem:v2+s19+$0x0] =	vst.idx.msk $0xffff, v21;
	v2 =	vor.u32 v11, v50;
	v42 =	vor.u32 v28, v6;
	v6 =	vshll.u32 v7, $0x7  }
0x3ec: {  	v49 =	vor.u32 v28, v12;
	[tilespmem:v1+s19+$0x0] =	vst.idx.msk $0xffff, v22;
	v48 =	vor.u32 v28, v2;
	v1 =	vand.u32 $0x1C00, v6  }
0x3ed: {  	s0 =	sand.u32 $0x40, s26;
	v6 =	vor.u32 v29, v1;
	v1 =	vand.u32 $0x78, v43;
	s25 =	simm.s32 $0x8  }
0x3ee: {  	s1 =	sand.u32 $0x30, s25;
	v2 =	vor.u32 s0, v0;
	s3 =	sor.u32 $0x30, s0;
	v47 =	vor.u32 v45, v6;
	v1 =	vor.u32 v1, v6  }
0x3ef: {  	v56 =	vor.u32 v44, v6;
	v7 =	vor.u32 s1, v41;
	v43 =	vor.u32 s3, v0  }
0x3f0: {  	s31 =	sor.u32 $0x10, s0;
	v54 =	vor.u32 v46, v6;
	v16 =	vand.u32 $0x38, v7;
	v21 =	vshll.u32 v43, $0x6  }
0x3f1: {  	v12 =	vld.idx.msk [tilespmem:v52+s12+$0x0], $0xffff;
	p1 =	por $0x1, $0x1;
	s0 =	sor.u32 $0x20, s0;
	v11 =	vshll.u32 v2, $0x6;
	v17 =	vor.u32 s31, v0;
	v21 =	vor.u32 v16, v21  }
.Ltmp72:
0x3f2: {  	v53 =	vld.idx.msk [tilespmem:v42+s12+$0x0], $0xffff;
	v26 =	vor.u32 s0, v0;
	v22 =	vshll.u32 v17, $0x6;
	v52 =	vor.u32 v28, v21;
	(pc) =	sbr.rel @!p1 .LBB2_127-.Ltmp72, $4  }
0x3f3: {  	v45 =	vand.u32 $0x48, v2;
	v27 =	vshll.u32 v26, $0x6;
	v22 =	vor.u32 v16, v22  }
0x3f4: {  	v50 =	vld.idx.msk [tilespmem:v49+s12+$0x0], $0xffff;
	v11 =	vor.u32 v16, v11;
	v16 =	vor.u32 v16, v27;
	v49 =	vor.u32 v28, v22  }
0x3f5: {  	v51 =	vld.idx.msk [tilespmem:v48+s12+$0x0], $0xffff;
	v55 =	vand.u32 $0x58, v17;
	v7 =	vshll.u32 v7, $0x7;
	v48 =	vor.u32 v28, v16  }
0x3f6: {  	s26 =	simm.s32 $0x4;
	s28 =	simm.s32 $0x80;
	p0 =	por $0x1, $0x1;
	v2 =	vand.u32 $0x68, v26;
	v42 =	vor.u32 v28, v11;
	[tilespmem:v1+s19+$0x0] =	vst.idx.msk $0xffff, v12;
	v1 =	vand.u32 $0x1C00, v7  }
.LBB2_128:
0x3f7: {  	s0 =	sand.u32 $0x40, s28;
	s26 =	sadd.s32 $0x4, s26;
	v6 =	vor.u32 v29, v1;
	v1 =	vld.idx.msk [tilespmem:v52+s12+$0x0], $0xffff;
	v7 =	vand.u32 $0x78, v43;
	s25 =	sadd.s32 $0x8, s25;
	[tilespmem:v47+s19+$0x0] =	vst.idx.msk $0xffff, v53;
	v11 =	vmov v2  }
0x3f8: {  	s1 =	sand.u32 $0x30, s25;
	v2 =	vor.u32 s0, v0;
	s3 =	sor.u32 $0x30, s0;
	p1 =	slt.u32 s26, $0x1C;
	v47 =	vor.u32 v45, v6;
	v7 =	vor.u32 v7, v6  }
0x3f9: {  	v12 =	vor.u32 s1, v41;
	v16 =	vshll.u32 v2, $0x6;
	s1 =	sor.u32 $0x10, s0;
	s0 =	sor.u32 $0x20, s0;
	v43 =	vor.u32 s3, v0;
	v17 =	vld.idx.msk [tilespmem:v49+s12+$0x0], $0xffff  }
0x3fa: {  	v21 =	vand.u32 $0x38, v12;
	v22 =	vor.u32 s1, v0;
	v26 =	vshll.u32 v43, $0x6;
	v27 =	vld.idx.msk [tilespmem:v48+s12+$0x0], $0xffff  }
0x3fb: {  	v34 =	vor.u32 s0, v0;
	v33 =	vshll.u32 v22, $0x6;
	v26 =	vor.u32 v21, v26;
	v53 =	vld.idx.msk [tilespmem:v42+s12+$0x0], $0xffff;
	[tilespmem:v56+s19+$0x0] =	vst.idx.msk $0xffff, v50  }
.Ltmp73:
0x3fc: {  	v42 =	vshll.u32 v34, $0x6;
	v33 =	vor.u32 v21, v33;
	v52 =	vor.u32 v28, v26;
	[tilespmem:v54+s19+$0x0] =	vst.idx.msk $0xffff, v51;
	(pc) =	sbr.rel @p1 .LBB2_128-.Ltmp73, $4  }
0x3fd: {  	v16 =	vor.u32 v21, v16;
	v22 =	vand.u32 $0x58, v22;
	v21 =	vor.u32 v21, v42;
	[tilespmem:v7+s19+$0x0] =	vst.idx.msk $0xffff, v1  }
0x3fe: {  	v42 =	vor.u32 v28, v16;
	v49 =	vor.u32 v28, v33;
	v48 =	vor.u32 v28, v21  }
0x3ff: {  	v45 =	vand.u32 $0x48, v2;
	v2 =	vand.u32 $0x68, v34;
	v1 =	vshll.u32 v12, $0x7;
	v50 =	vmovc v17  }
0x400: {  	s28 =	sadd.s32 $0x40, s28;
	v56 =	vor.u32 v55, v6;
	v54 =	vor.u32 v11, v6;
	v55 =	vmovc v22;
	v1 =	vand.u32 $0x1C00, v1;
	v51 =	vmovc v27  }
0x401: {  	v46 =	vmov v2;
	v44 =	vmov v55  }
.LBB2_130:
0x402: {  	_ =	sdelay $0x2  }
0x403: {  	v1 =	vor.u32 v29, v1;
	v2 =	vand.u32 $0x78, v43;
	s0 =	simm.s32 $0x0  }
0x404: {  	v6 =	vld.idx.msk [tilespmem:v52+s12+$0x0], $0xffff;
	v7 =	vor.u32 v45, v1;
	v2 =	vor.u32 v2, v1;
	v11 =	vor.u32 v44, v1;
	s1 =	sand.u32 $0x40, s0;
	s25 =	sand.u32 $0x30, s0  }
0x405: {  	v12 =	vld.idx.msk [tilespmem:v42+s12+$0x0], $0xffff;
	v1 =	vor.u32 v46, v1;
	v16 =	vor.u32 s1, v0;
	s30 =	sor.u32 $0x30, s1;
	v17 =	vor.u32 s25, v40;
	s3 =	sor.u32 $0x10, s1  }
0x406: {  	[tilespmem:v47+s19+$0x0] =	vst.idx.msk @p0 $0xffff, v53;
	v21 =	vld.idx.msk [tilespmem:v49+s12+$0x0], $0xffff;
	s31 =	sor.u32 $0x20, s1;
	v45 =	vshll.u32 v16, $0x6;
	v41 =	vor.u32 s30, v0;
	v22 =	vor.u32 s3, v0  }
0x407: {  	v26 =	vld.idx.msk [tilespmem:v48+s12+$0x0], $0xffff;
	[tilespmem:v56+s19+$0x0] =	vst.idx.msk @p0 $0xffff, v50;
	p1 =	por $0x1, $0x1;
	v27 =	vand.u32 $0x38, v17;
	v33 =	vor.u32 s31, v0;
	v44 =	vand.u32 $0x48, v16  }
.Ltmp74:
0x408: {  	[tilespmem:v54+s19+$0x0] =	vst.idx.msk @p0 $0xffff, v51;
	v46 =	vshll.u32 v41, $0x6;
	v47 =	vshll.u32 v22, $0x6;
	v48 =	vshll.u32 v33, $0x6;
	(pc) =	sbr.rel @!p1 .LBB2_131-.Ltmp74, $4  }
0x409: {  	v42 =	vand.u32 $0x58, v22;
	v34 =	vor.u32 v27, v46;
	v63 =	vor.u32 v27, v47;
	[tilespmem:v2+s19+$0x0] =	vst.idx.msk $0xffff, v6  }
0x40a: {  	v43 =	vand.u32 $0x68, v33;
	v53 =	vor.u32 v31, v34;
	v2 =	vor.u32 v27, v45;
	[tilespmem:v7+s19+$0x0] =	vst.idx.msk $0xffff, v12  }
0x40b: {  	v6 =	vor.u32 v27, v48;
	[tilespmem:v11+s19+$0x0] =	vst.idx.msk $0xffff, v21;
	v49 =	vor.u32 v31, v2;
	v2 =	vshll.u32 v17, $0x7  }
0x40c: {  	s26 =	simm.s32 $0x40;
	p0 =	por $0x0, $0x0;
	v52 =	vor.u32 v31, v63;
	[tilespmem:v1+s19+$0x0] =	vst.idx.msk $0xffff, v26;
	v50 =	vor.u32 v31, v6;
	v11 =	vand.u32 $0x1C00, v2  }
0x40d: {  	s0 =	sand.u32 $0x40, s26;
	v1 =	vor.u32 v32, v11;
	v2 =	vand.u32 $0x78, v41;
	s28 =	simm.s32 $0x8  }
0x40e: {  	s1 =	sand.u32 $0x30, s28;
	v6 =	vor.u32 s0, v0;
	s3 =	sor.u32 $0x30, s0;
	v51 =	vor.u32 v44, v1;
	v2 =	vor.u32 v2, v1  }
0x40f: {  	s31 =	sor.u32 $0x10, s0;
	v7 =	vor.u32 s1, v40;
	v11 =	vshll.u32 v6, $0x6;
	v54 =	vor.u32 s3, v0  }
0x410: {  	s0 =	sor.u32 $0x20, s0;
	v17 =	vor.u32 s31, v0;
	v16 =	vand.u32 $0x38, v7;
	v21 =	vshll.u32 v54, $0x6  }
0x411: {  	v12 =	vld.idx.msk [tilespmem:v53+s12+$0x0], $0xffff;
	p3 =	por $0x1, $0x1;
	v26 =	vor.u32 s0, v0;
	v6 =	vand.u32 $0x48, v6;
	v21 =	vor.u32 v16, v21  }
.Ltmp75:
0x412: {  	v58 =	vld.idx.msk [tilespmem:v49+s12+$0x0], $0xffff;
	v22 =	vshll.u32 v17, $0x6;
	v27 =	vshll.u32 v26, $0x6;
	v53 =	vor.u32 v31, v21;
	(pc) =	sbr.rel @!p3 .LBB2_134-.Ltmp75, $4  }
0x413: {  	v55 =	vand.u32 $0x58, v17;
	v22 =	vor.u32 v16, v22;
	v11 =	vor.u32 v16, v11  }
0x414: {  	v56 =	vld.idx.msk [tilespmem:v52+s12+$0x0], $0xffff;
	v16 =	vor.u32 v16, v27;
	v49 =	vor.u32 v31, v11;
	v52 =	vor.u32 v31, v22  }
0x415: {  	v57 =	vld.idx.msk [tilespmem:v50+s12+$0x0], $0xffff;
	v50 =	vor.u32 v31, v16;
	v11 =	vshll.u32 v7, $0x7;
	v7 =	vand.u32 $0x68, v26  }
0x416: {  	s29 =	simm.s32 $0x4;
	s30 =	simm.s32 $0x80;
	p2 =	por $0x1, $0x1;
	[tilespmem:v2+s19+$0x0] =	vst.idx.msk $0xffff, v12;
	v11 =	vand.u32 $0x1C00, v11;
	v2 =	vor.u32 v42, v1;
	v1 =	vor.u32 v43, v1  }
.LBB2_133:
0x417: {  	s0 =	sand.u32 $0x40, s30;
	s29 =	sadd.s32 $0x4, s29;
	v12 =	vor.u32 v32, v11;
	v11 =	vld.idx.msk [tilespmem:v53+s12+$0x0], $0xffff;
	v16 =	vand.u32 $0x78, v54;
	s28 =	sadd.s32 $0x8, s28;
	[tilespmem:v51+s19+$0x0] =	vst.idx.msk $0xffff, v58;
	v17 =	vmov v7  }
0x418: {  	s1 =	sand.u32 $0x30, s28;
	v7 =	vor.u32 s0, v0;
	s3 =	sor.u32 $0x30, s0;
	p3 =	slt.u32 s29, $0x1C;
	v51 =	vor.u32 v6, v12;
	v6 =	vor.u32 v16, v12  }
0x419: {  	v16 =	vor.u32 s1, v40;
	v21 =	vshll.u32 v7, $0x6;
	s1 =	sor.u32 $0x10, s0;
	s0 =	sor.u32 $0x20, s0;
	v54 =	vor.u32 s3, v0;
	v22 =	vld.idx.msk [tilespmem:v52+s12+$0x0], $0xffff  }
0x41a: {  	v26 =	vand.u32 $0x38, v16;
	v27 =	vor.u32 s1, v0;
	v33 =	vshll.u32 v54, $0x6;
	v34 =	vld.idx.msk [tilespmem:v50+s12+$0x0], $0xffff  }
0x41b: {  	v59 =	vor.u32 s0, v0;
	v50 =	vshll.u32 v27, $0x6;
	v33 =	vor.u32 v26, v33;
	v58 =	vld.idx.msk [tilespmem:v49+s12+$0x0], $0xffff;
	[tilespmem:v2+s19+$0x0] =	vst.idx.msk $0xffff, v56  }
.Ltmp76:
0x41c: {  	v49 =	vshll.u32 v59, $0x6;
	v2 =	vor.u32 v26, v50;
	v53 =	vor.u32 v31, v33;
	[tilespmem:v1+s19+$0x0] =	vst.idx.msk $0xffff, v57;
	(pc) =	sbr.rel @p3 .LBB2_133-.Ltmp76, $4  }
0x41d: {  	v1 =	vor.u32 v26, v21;
	v21 =	vand.u32 $0x58, v27;
	v26 =	vor.u32 v26, v49;
	[tilespmem:v6+s19+$0x0] =	vst.idx.msk $0xffff, v11  }
0x41e: {  	v49 =	vor.u32 v31, v1;
	v52 =	vor.u32 v31, v2;
	v50 =	vor.u32 v31, v26  }
0x41f: {  	v6 =	vand.u32 $0x48, v7;
	v1 =	vshll.u32 v16, $0x7;
	v7 =	vand.u32 $0x68, v59;
	v56 =	vmovc v22  }
0x420: {  	s30 =	sadd.s32 $0x40, s30;
	v2 =	vor.u32 v55, v12;
	v55 =	vmovc v21;
	v11 =	vand.u32 $0x1C00, v1;
	v1 =	vor.u32 v17, v12;
	v57 =	vmovc v34  }
.LBB2_134:
0x421: {  	_ =	sdelay $0x2  }
0x422: {  	v11 =	vor.u32 v32, v11;
	v12 =	vand.u32 $0x78, v54  }
0x423: {  	v16 =	vld.idx.msk [tilespmem:v53+s12+$0x0], $0xffff;
	v12 =	vor.u32 v12, v11  }
0x424: {  	v17 =	vld.idx.msk [tilespmem:v49+s12+$0x0], $0xffff;
	v6 =	vor.u32 v6, v11  }
0x425: {  	[tilespmem:v51+s19+$0x0] =	vst.idx.msk @p2 $0xffff, v58  }
0x426: {  	v21 =	vld.idx.msk [tilespmem:v52+s12+$0x0], $0xffff;
	[tilespmem:v2+s19+$0x0] =	vst.idx.msk @p2 $0xffff, v56;
	v2 =	vor.u32 v55, v11  }
0x427: {  	v22 =	vld.idx.msk [tilespmem:v50+s12+$0x0], $0xffff;
	[tilespmem:v1+s19+$0x0] =	vst.idx.msk @p2 $0xffff, v57;
	v1 =	vor.u32 v7, v11;
	v7 =	vor.u32 s25, v39  }
.Ltmp77:
0x428: {  	v11 =	vand.u32 $0x38, v7;
	[tilespmem:v12+s19+$0x0] =	vst.idx.msk $0xffff, v16;
	(pc) =	sbr.rel @!p1 .LBB2_135-.Ltmp77, $4  }
0x429: {  	[tilespmem:v6+s19+$0x0] =	vst.idx.msk $0xffff, v17;
	v6 =	vor.u32 v11, v46  }
0x42a: {  	v12 =	vor.u32 v11, v47;
	v49 =	vor.u32 v36, v6;
	v6 =	vor.u32 v11, v45  }
0x42b: {  	[tilespmem:v2+s19+$0x0] =	vst.idx.msk $0xffff, v21;
	v2 =	vor.u32 v11, v48;
	v40 =	vor.u32 v36, v6;
	v6 =	vshll.u32 v7, $0x7  }
0x42c: {  	v47 =	vor.u32 v36, v12;
	[tilespmem:v1+s19+$0x0] =	vst.idx.msk $0xffff, v22;
	v46 =	vor.u32 v36, v2;
	v6 =	vand.u32 $0x1C00, v6  }
0x42d: {  	s0 =	sand.u32 $0x40, s26;
	v1 =	vor.u32 v37, v6;
	v2 =	vand.u32 $0x78, v41;
	s25 =	simm.s32 $0x8  }
0x42e: {  	s1 =	sand.u32 $0x30, s25;
	v6 =	vor.u32 s0, v0;
	s3 =	sor.u32 $0x30, s0;
	v45 =	vor.u32 v44, v1;
	v2 =	vor.u32 v2, v1  }
0x42f: {  	s31 =	sor.u32 $0x10, s0;
	v7 =	vor.u32 s1, v39;
	v11 =	vshll.u32 v6, $0x6;
	v41 =	vor.u32 s3, v0  }
0x430: {  	s0 =	sor.u32 $0x20, s0;
	v17 =	vor.u32 s31, v0;
	v16 =	vand.u32 $0x38, v7;
	v21 =	vshll.u32 v41, $0x6  }
0x431: {  	v12 =	vld.idx.msk [tilespmem:v49+s12+$0x0], $0xffff;
	p1 =	por $0x1, $0x1;
	v26 =	vor.u32 s0, v0;
	v44 =	vand.u32 $0x48, v6;
	v21 =	vor.u32 v16, v21  }
.Ltmp78:
0x432: {  	v52 =	vld.idx.msk [tilespmem:v40+s12+$0x0], $0xffff;
	v22 =	vshll.u32 v17, $0x6;
	v27 =	vshll.u32 v26, $0x6;
	v49 =	vor.u32 v36, v21;
	(pc) =	sbr.rel @!p1 .LBB2_137-.Ltmp78, $4  }
0x433: {  	v51 =	vand.u32 $0x58, v17;
	v6 =	vshll.u32 v7, $0x7;
	v22 =	vor.u32 v16, v22  }
0x434: {  	v48 =	vld.idx.msk [tilespmem:v47+s12+$0x0], $0xffff;
	v11 =	vor.u32 v16, v11;
	v16 =	vor.u32 v16, v27;
	v47 =	vor.u32 v36, v22  }
0x435: {  	v50 =	vld.idx.msk [tilespmem:v46+s12+$0x0], $0xffff;
	v7 =	vand.u32 $0x68, v26;
	v40 =	vor.u32 v36, v11;
	v46 =	vor.u32 v36, v16  }
0x436: {  	s26 =	simm.s32 $0x4;
	s28 =	simm.s32 $0x80;
	p0 =	por $0x1, $0x1;
	v6 =	vand.u32 $0x1C00, v6;
	[tilespmem:v2+s19+$0x0] =	vst.idx.msk $0xffff, v12;
	v2 =	vor.u32 v42, v1;
	v1 =	vor.u32 v43, v1  }
.LBB2_138:
0x437: {  	s0 =	sand.u32 $0x40, s28;
	s26 =	sadd.s32 $0x4, s26;
	v11 =	vor.u32 v37, v6;
	v6 =	vld.idx.msk [tilespmem:v49+s12+$0x0], $0xffff;
	v12 =	vand.u32 $0x78, v41;
	s25 =	sadd.s32 $0x8, s25;
	[tilespmem:v45+s19+$0x0] =	vst.idx.msk $0xffff, v52;
	v16 =	vmov v7  }
0x438: {  	s1 =	sand.u32 $0x30, s25;
	v7 =	vor.u32 s0, v0;
	s3 =	sor.u32 $0x30, s0;
	p1 =	slt.u32 s26, $0x1C;
	v45 =	vor.u32 v44, v11;
	v12 =	vor.u32 v12, v11  }
0x439: {  	v17 =	vor.u32 s1, v39;
	v21 =	vshll.u32 v7, $0x6;
	s1 =	sor.u32 $0x10, s0;
	s0 =	sor.u32 $0x20, s0;
	v41 =	vor.u32 s3, v0;
	v22 =	vld.idx.msk [tilespmem:v47+s12+$0x0], $0xffff  }
0x43a: {  	v26 =	vand.u32 $0x38, v17;
	v27 =	vor.u32 s1, v0;
	v33 =	vshll.u32 v41, $0x6;
	v34 =	vld.idx.msk [tilespmem:v46+s12+$0x0], $0xffff  }
0x43b: {  	v43 =	vor.u32 s0, v0;
	v42 =	vshll.u32 v27, $0x6;
	v33 =	vor.u32 v26, v33;
	v52 =	vld.idx.msk [tilespmem:v40+s12+$0x0], $0xffff;
	[tilespmem:v2+s19+$0x0] =	vst.idx.msk $0xffff, v48  }
.Ltmp79:
0x43c: {  	v40 =	vshll.u32 v43, $0x6;
	v2 =	vor.u32 v26, v42;
	v49 =	vor.u32 v36, v33;
	[tilespmem:v1+s19+$0x0] =	vst.idx.msk $0xffff, v50;
	(pc) =	sbr.rel @p1 .LBB2_138-.Ltmp79, $4  }
0x43d: {  	v1 =	vor.u32 v26, v21;
	v21 =	vand.u32 $0x58, v27;
	v26 =	vor.u32 v26, v40;
	[tilespmem:v12+s19+$0x0] =	vst.idx.msk $0xffff, v6  }
0x43e: {  	v40 =	vor.u32 v36, v1;
	v47 =	vor.u32 v36, v2;
	v46 =	vor.u32 v36, v26  }
0x43f: {  	v44 =	vand.u32 $0x48, v7;
	v7 =	vand.u32 $0x68, v43;
	v1 =	vshll.u32 v17, $0x7;
	v48 =	vmovc v22  }
0x440: {  	s28 =	sadd.s32 $0x40, s28;
	v2 =	vor.u32 v51, v11;
	v51 =	vmovc v21;
	v6 =	vand.u32 $0x1C00, v1;
	v1 =	vor.u32 v16, v11;
	v50 =	vmovc v34  }
0x441: {  	v43 =	vmov v7;
	v42 =	vmov v51  }
.LBB2_140:
0x442: {  	_ =	sdelay $0x2  }
0x443: {  	v6 =	vor.u32 v37, v6;
	v7 =	vand.u32 $0x78, v41  }
0x444: {  	v11 =	vld.idx.msk [tilespmem:v49+s12+$0x0], $0xffff;
	v7 =	vor.u32 v7, v6  }
0x445: {  	v16 =	vld.idx.msk [tilespmem:v40+s12+$0x0], $0xffff;
	v12 =	vor.u32 v44, v6  }
0x446: {  	[tilespmem:v45+s19+$0x0] =	vst.idx.msk @p0 $0xffff, v52;
	v17 =	vld.idx.msk [tilespmem:v47+s12+$0x0], $0xffff;
	v21 =	vor.u32 v42, v6  }
0x447: {  	v22 =	vld.idx.msk [tilespmem:v46+s12+$0x0], $0xffff;
	[tilespmem:v2+s19+$0x0] =	vst.idx.msk @p0 $0xffff, v48;
	v2 =	vor.u32 v43, v6  }
0x448: {  	[tilespmem:v1+s19+$0x0] =	vst.idx.msk @p0 $0xffff, v50;
	p0 =	seq.s32 s22, $0x18  }
.Ltmp80:
0x449: {  	[tilespmem:v7+s19+$0x0] =	vst.idx.msk $0xffff, v11;
	(pc) =	sbr.rel @p0 .LBB2_142-.Ltmp80, $4  }
0x44a: {  	[tilespmem:v12+s19+$0x0] =	vst.idx.msk $0xffff, v16  }
0x44b: {  	[tilespmem:v21+s19+$0x0] =	vst.idx.msk $0xffff, v17  }
0x44c: {  	s0 =	sadd.s32 s24, s7;
	[tilespmem:v2+s19+$0x0] =	vst.idx.msk $0xffff, v22  }
0x44d: {  	[hbm4b:s0+s15] =	stream.strided.scatter [tilespmem:s19], [sflag:$0x4], $0x2000, s16, s15, $0x38;
	[tilespmem:$0x9900] =	vst v63  }
.Ltmp81:
0x44e: {  	(pc) =	sbr.rel .LBB2_2-.Ltmp81, $4  }
0x44f: {  	_ = 	snop  }
0x450: {  	s0 =	sshrl.u32 s23, $0x2  }
0x451: {  	s22 =	sadd.s32 $0x1, s22;
	s0 =	sadd.s32 $0x180, s0  }
0x452: {  	[tilespmem:s12], [sflag:$0x2] =	stream.indirect.gather [hbm4b:s4+s10], $0x40, s0, s10, $0xb8;
	[tilespmem:$0x9900] =	vst v63  }
.LBB2_7:
.Ltmp82:
0x453: {  	(pc) =	sbr.rel .LBB2_10-.Ltmp82, $2  }
0x454: {  	_ =	sdelay $0x2  }
0x455: {  	v52 =	vmovc v39;
	v7 =	vmov v42;
	v6 =	vmov v41;
	v53 =	vmov v40;
	p3 =	por $0x0, $0x0  }
.LBB2_11:
.Ltmp83:
0x456: {  	(pc) =	sbr.rel .LBB2_16-.Ltmp83, $2  }
0x457: {  	_ =	sdelay $0x2  }
0x458: {  	_ = 	snop  }
.LBB2_17:
.Ltmp84:
0x459: {  	(pc) =	sbr.rel .LBB2_20-.Ltmp84, $2  }
0x45a: {  	_ =	sdelay $0x2  }
0x45b: {  	v52 =	vmovc v39;
	v7 =	vmov v42;
	v6 =	vmov v41;
	v53 =	vmov v40;
	p3 =	por $0x0, $0x0  }
.LBB2_21:
.Ltmp85:
0x45c: {  	(pc) =	sbr.rel .LBB2_26-.Ltmp85, $2  }
0x45d: {  	_ =	sdelay $0x2  }
0x45e: {  	_ = 	snop  }
.LBB2_27:
.Ltmp86:
0x45f: {  	(pc) =	sbr.rel .LBB2_30-.Ltmp86, $2  }
0x460: {  	_ =	sdelay $0x2  }
0x461: {  	v52 =	vmovc v39;
	v7 =	vmov v42;
	v6 =	vmov v41;
	v53 =	vmov v40;
	p3 =	por $0x0, $0x0  }
.LBB2_31:
.Ltmp87:
0x462: {  	(pc) =	sbr.rel .LBB2_36-.Ltmp87, $2  }
0x463: {  	_ =	sdelay $0x2  }
0x464: {  	_ = 	snop  }
.LBB2_37:
.Ltmp88:
0x465: {  	(pc) =	sbr.rel .LBB2_40-.Ltmp88, $2  }
0x466: {  	_ =	sdelay $0x2  }
0x467: {  	v52 =	vmovc v39;
	v6 =	vmov v41;
	v7 =	vmov v42;
	v53 =	vmov v40  }
.LBB2_63:
.Ltmp89:
0x468: {  	(pc) =	sbr.rel .LBB2_68-.Ltmp89, $2  }
0x469: {  	_ =	sdelay $0x2  }
0x46a: {  	v59 =	vmovc v46;
	v7 =	vmov v49;
	v6 =	vmov v48;
	v60 =	vmov v47;
	p2 =	por $0x0, $0x0  }
.LBB2_69:
.Ltmp90:
0x46b: {  	(pc) =	sbr.rel .LBB2_74-.Ltmp90, $2  }
0x46c: {  	_ =	sdelay $0x2  }
0x46d: {  	_ = 	snop  }
.LBB2_75:
.Ltmp91:
0x46e: {  	(pc) =	sbr.rel .LBB2_80-.Ltmp91, $2  }
0x46f: {  	_ =	sdelay $0x2  }
0x470: {  	v59 =	vmovc v46;
	v7 =	vmov v49;
	v6 =	vmov v48;
	v60 =	vmov v47;
	p2 =	por $0x0, $0x0  }
.LBB2_81:
.Ltmp92:
0x471: {  	(pc) =	sbr.rel .LBB2_86-.Ltmp92, $2  }
0x472: {  	_ =	sdelay $0x2  }
0x473: {  	_ = 	snop  }
.LBB2_87:
.Ltmp93:
0x474: {  	(pc) =	sbr.rel .LBB2_92-.Ltmp93, $2  }
0x475: {  	_ =	sdelay $0x2  }
0x476: {  	v59 =	vmovc v46;
	v7 =	vmov v49;
	v6 =	vmov v48;
	v60 =	vmov v47;
	p2 =	por $0x0, $0x0  }
.LBB2_93:
.Ltmp94:
0x477: {  	(pc) =	sbr.rel .LBB2_98-.Ltmp94, $2  }
0x478: {  	_ =	sdelay $0x2  }
0x479: {  	_ = 	snop  }
.LBB2_99:
.Ltmp95:
0x47a: {  	(pc) =	sbr.rel .LBB2_104-.Ltmp95, $2  }
0x47b: {  	_ =	sdelay $0x2  }
0x47c: {  	v59 =	vmovc v46;
	v7 =	vmov v49;
	v6 =	vmov v48;
	v60 =	vmov v47;
	p2 =	por $0x0, $0x0  }
.LBB2_105:
.Ltmp96:
0x47d: {  	(pc) =	sbr.rel .LBB2_110-.Ltmp96, $2  }
0x47e: {  	_ =	sdelay $0x2  }
0x47f: {  	_ = 	snop  }
.LBB2_111:
.Ltmp97:
0x480: {  	(pc) =	sbr.rel .LBB2_114-.Ltmp97, $2  }
0x481: {  	_ =	sdelay $0x2  }
0x482: {  	v58 =	vmovc v45;
	v7 =	vmov v48;
	v6 =	vmov v47;
	v59 =	vmov v46;
	p2 =	por $0x0, $0x0  }
.LBB2_115:
.Ltmp98:
0x483: {  	(pc) =	sbr.rel .LBB2_120-.Ltmp98, $2  }
0x484: {  	_ =	sdelay $0x2  }
0x485: {  	_ = 	snop  }
.LBB2_121:
.Ltmp99:
0x486: {  	(pc) =	sbr.rel .LBB2_124-.Ltmp99, $2  }
0x487: {  	_ =	sdelay $0x2  }
0x488: {  	v56 =	vmovc v43;
	v7 =	vmov v46;
	v6 =	vmov v45;
	v57 =	vmov v44;
	p2 =	por $0x0, $0x0  }
.LBB2_125:
.Ltmp100:
0x489: {  	(pc) =	sbr.rel .LBB2_130-.Ltmp100, $2  }
0x48a: {  	_ =	sdelay $0x2  }
0x48b: {  	_ = 	snop  }
.LBB2_131:
.Ltmp101:
0x48c: {  	(pc) =	sbr.rel .LBB2_134-.Ltmp101, $2  }
0x48d: {  	_ =	sdelay $0x2  }
0x48e: {  	v54 =	vmovc v41;
	v7 =	vmov v43;
	v6 =	vmov v44;
	v55 =	vmov v42;
	p2 =	por $0x0, $0x0  }
.LBB2_135:
.Ltmp102:
0x48f: {  	(pc) =	sbr.rel .LBB2_140-.Ltmp102, $2  }
0x490: {  	_ =	sdelay $0x2  }
0x491: {  	_ = 	snop  }
.LBB2_13:
.Ltmp103:
0x492: {  	(pc) =	sbr.rel .LBB2_16-.Ltmp103, $2  }
0x493: {  	_ =	sdelay $0x2  }
0x494: {  	v42 =	vmov v2;
	v40 =	vmov v52  }
.LBB2_23:
.Ltmp104:
0x495: {  	(pc) =	sbr.rel .LBB2_26-.Ltmp104, $2  }
0x496: {  	_ =	sdelay $0x2  }
0x497: {  	v42 =	vmov v2;
	v40 =	vmov v52  }
.LBB2_33:
.Ltmp105:
0x498: {  	(pc) =	sbr.rel .LBB2_36-.Ltmp105, $2  }
0x499: {  	_ =	sdelay $0x2  }
0x49a: {  	v42 =	vmov v2;
	v40 =	vmov v52  }
.LBB2_65:
.Ltmp106:
0x49b: {  	(pc) =	sbr.rel .LBB2_68-.Ltmp106, $2  }
0x49c: {  	_ =	sdelay $0x2  }
0x49d: {  	v50 =	vld [tilespmem:$0x1FEC0]  }
.LBB2_71:
.Ltmp107:
0x49e: {  	(pc) =	sbr.rel .LBB2_74-.Ltmp107, $2  }
0x49f: {  	_ =	sdelay $0x2  }
0x4a0: {  	v49 =	vmov v2;
	v47 =	vmov v59  }
.LBB2_77:
.Ltmp108:
0x4a1: {  	(pc) =	sbr.rel .LBB2_80-.Ltmp108, $2  }
0x4a2: {  	_ =	sdelay $0x2  }
0x4a3: {  	v50 =	vld [tilespmem:$0x1FEB0]  }
.LBB2_83:
.Ltmp109:
0x4a4: {  	(pc) =	sbr.rel .LBB2_86-.Ltmp109, $2  }
0x4a5: {  	_ =	sdelay $0x2  }
0x4a6: {  	v49 =	vmov v2;
	v47 =	vmov v59  }
.LBB2_89:
.Ltmp110:
0x4a7: {  	(pc) =	sbr.rel .LBB2_92-.Ltmp110, $2  }
0x4a8: {  	_ =	sdelay $0x2  }
0x4a9: {  	v50 =	vld [tilespmem:$0x1FEA0]  }
.LBB2_95:
.Ltmp111:
0x4aa: {  	(pc) =	sbr.rel .LBB2_98-.Ltmp111, $2  }
0x4ab: {  	_ =	sdelay $0x2  }
0x4ac: {  	v49 =	vmov v2;
	v47 =	vmov v59  }
.LBB2_101:
.Ltmp112:
0x4ad: {  	(pc) =	sbr.rel .LBB2_104-.Ltmp112, $2  }
0x4ae: {  	_ =	sdelay $0x2  }
0x4af: {  	v50 =	vld [tilespmem:$0x1FE90]  }
.LBB2_107:
.Ltmp113:
0x4b0: {  	(pc) =	sbr.rel .LBB2_110-.Ltmp113, $2  }
0x4b1: {  	_ =	sdelay $0x2  }
0x4b2: {  	v49 =	vmov v2;
	v47 =	vmov v59  }
.LBB2_117:
.Ltmp114:
0x4b3: {  	(pc) =	sbr.rel .LBB2_120-.Ltmp114, $2  }
0x4b4: {  	_ =	sdelay $0x2  }
0x4b5: {  	v48 =	vmov v2;
	v46 =	vmov v57  }
.LBB2_127:
.Ltmp115:
0x4b6: {  	(pc) =	sbr.rel .LBB2_130-.Ltmp115, $2  }
0x4b7: {  	_ =	sdelay $0x2  }
0x4b8: {  	v46 =	vmov v2;
	v44 =	vmov v55  }
.LBB2_137:
.Ltmp116:
0x4b9: {  	(pc) =	sbr.rel .LBB2_140-.Ltmp116, $2  }
0x4ba: {  	_ =	sdelay $0x2  }
0x4bb: {  	v43 =	vmov v7;
	v42 =	vmov v51  }
.LBB2_143:
0x4bc: {  	_ =	sfence.sel $0x180000  }
0x4bd: {  	[bflag:$0x0] =	sbarrier.arrive $0xFFFF  }
0x4be: {  	_ =	strace $0x90000047  }
0x4bf: {  	s0 =	stileid.u32;
	[bflag:$0x2] =	sbarrier.arrive $0xFFFF  }
0x4c0: {  	p0 =	sne.s32 s0, $0x0;
	s0 =	rddreg [dreg:$0x2]  }
0x4c1: {  	s0 =	sadd.s32 @!p0 $0x100000, s0  }
0x4c2: {  	[sflag:s0] =	ssyncadd.tile.s32 @!p0 $0x1;
	_ =	shalt  }
.Lfunc_end2:
_tile_overlayer_lowered:
.L_overlay_start_2:
0x4c3: {  	(tag) =	ssettag $0x2  }
0x4c4: {  	s0 =	rddreg [dreg:$0x0];
	s2 =	stileid.u32  }
0x4c5: {  	s1 =	rddreg [dreg:$0x1];
	p0 =	sne.s32 s2, $0x0  }
0x4c6: {  	s3 =	rddreg [dreg:$0x2];
	[bflag:$0x3] =	sbarrier.arrive $0xFFFF;
	s2 =	simm.s32 @!p0 $0x1C05  }
0x4c7: {  	[timem:s3], [sflag:s2] =	dma.local @!p0 [hbm:s0], s1  }
0x4c8: {  	s0 =	simm.s32 @!p0 $0x5  }
0x4c9: {  	_ =	swait.ge @!p0 [sflag:s0], s1  }
0x4ca: {  	s1 =	ssub.s32 @!p0 $0x0, s1;
	[sflag:s0] =	ssyncset.done @!p0 $0x0  }
0x4cb: {  	[sflag:s0] =	ssyncadd.s32 @!p0 s1  }
0x4cc: {  	[bflag:$0x3] =	sbarrier.arrive $0xFFFF  }
0x4cd: {  	_ =	shalt  }

</sc_bundles>
